<compile_context>
chip_gen: v7x
topology: tpu7x:2x2x1
jax: 0.10.2.dev20260603
libtpu: 0.0.44.dev20260713+nightly
codegen_flags: <defaults>
</compile_context>

<pallas_src>
import math

import jax
import jax.numpy as jnp
from jax import lax
from jax.experimental import pallas as pl
from jax.experimental.pallas import tpu as pltpu
from jax.experimental.pallas import tpu_sc as plsc

D_MODEL = 64
SCALE = math.sqrt(D_MODEL)

NC = 2
NS = 16
NW = NC * NS

BATCH = 1024
SEQ = 200
ROWS_PER_W = BATCH // NW
NPAIR = ROWS_PER_W // 2


def _emb_kernel(table_hbm, x_hbm, out_hbm, idx_v, gb0, gb1, gs0, gs1, ps0, ps1):
    wid = lax.axis_index("s") * NC + lax.axis_index("c")
    row0 = wid * ROWS_PER_W

    pltpu.sync_copy(x_hbm.at[pl.ds(row0, ROWS_PER_W)], idx_v)

    def issue_gathers(r, gb, gs):
        def window(w):
            t0 = w * 16
            v = idx_v[r, pl.ds(t0, 16)]
            for j in range(16):
                pltpu.async_copy(
                    table_hbm.at[pl.ds(v[j], 1)], gb.at[pl.ds(t0 + j, 1)], gs)

        pl.loop(0, SEQ // 16)(window)
        vt = idx_v[r, pl.ds(SEQ - 16, 16)]
        for j in range(8):
            pltpu.async_copy(
                table_hbm.at[pl.ds(vt[8 + j], 1)],
                gb.at[pl.ds(SEQ - 8 + j, 1)], gs)

    def wait_gathers(gb, gs):
        pltpu.make_async_copy(table_hbm.at[pl.ds(0, SEQ)], gb, gs).wait()

    def mul_row(gb):
        def body(t):
            for d in range(4):
                sl = pl.ds(d * 16, 16)
                gb[t, sl] = gb[t, sl] * SCALE

        pl.loop(0, SEQ, unroll=4)(body)

    def start_put(r, gb, ps):
        pltpu.async_copy(gb, out_hbm.at[row0 + r], ps)

    def wait_put(gb, ps):
        pltpu.make_async_copy(gb, out_hbm.at[row0], ps).wait()

    issue_gathers(0, gb0, gs0)
    issue_gathers(1, gb1, gs1)
    wait_gathers(gb0, gs0)
    mul_row(gb0)
    start_put(0, gb0, ps0)
    wait_gathers(gb1, gs1)
    mul_row(gb1)
    start_put(1, gb1, ps1)

    def pair_body(g):
        r = 2 * g
        wait_put(gb0, ps0)
        issue_gathers(r, gb0, gs0)
        wait_gathers(gb0, gs0)
        mul_row(gb0)
        start_put(r, gb0, ps0)
        wait_put(gb1, ps1)
        issue_gathers(r + 1, gb1, gs1)
        wait_gathers(gb1, gs1)
        mul_row(gb1)
        start_put(r + 1, gb1, ps1)

    pl.loop(1, NPAIR)(pair_body)

    wait_put(gb0, ps0)
    wait_put(gb1, ps1)


@jax.jit
def kernel(x, table):
    mesh = plsc.VectorSubcoreMesh(core_axis_name="c", subcore_axis_name="s")
    run = pl.kernel(
        _emb_kernel,
        out_type=jax.ShapeDtypeStruct((BATCH, SEQ, D_MODEL), jnp.float32),
        mesh=mesh,
        scratch_types=(
            [pltpu.VMEM((ROWS_PER_W, SEQ), jnp.int32),
             pltpu.VMEM((SEQ, D_MODEL), jnp.float32),
             pltpu.VMEM((SEQ, D_MODEL), jnp.float32),
             pltpu.SemaphoreType.DMA,
             pltpu.SemaphoreType.DMA,
             pltpu.SemaphoreType.DMA,
             pltpu.SemaphoreType.DMA]
        ),
        compiler_params=pltpu.CompilerParams(use_tc_tiling_on_sc=True),
    )
    return run(table, x.astype(jnp.int32))

# --- scband reference (transcript-rebuilt; emitter-appended) ---
"""Pipeline reference for scband-transformer-embedding-21285857919304 (READ-ONLY COPY).

The authoritative reference and input builder live on the scoring server;
editing this copy changes nothing except your own understanding.
"""

import jax, jax.numpy as jnp
import numpy as np
import math

VOCAB = 1000000
D_MODEL = 64
PAD_IDX = 0

def setup_inputs(seed: int = 0) -> dict:
    key = jax.random.key(seed)
    k1, k2 = jax.random.split(key)
    x = jax.random.randint(k1, (1024, 200), 0, VOCAB, dtype=jnp.int64 if jax.config.jax_enable_x64 else jnp.int32)
    table = jax.random.normal(k2, (VOCAB, D_MODEL), dtype=jnp.float32)
    # nn.Embedding zeroes the padding_idx row at init
    table = table.at[PAD_IDX].set(0.0)
    return {"x": x, "table": table}

def reference(x, table):
    # emb = embedding(x) * sqrt(d_model)
    emb = jnp.take(table, x, axis=0)
    return emb * math.sqrt(D_MODEL)

if __name__ == "__main__":
    import jax
    _d = setup_inputs()
    print(jax.jit(kernel)(*tuple(_d.values())))

</pallas_src>

<mosaic_0001>
#map = affine_map<(d0, d1) -> (0, 0)>
#map1 = affine_map<(d0, d1) -> (0, 0, 0)>
module attributes {stable_mosaic.version = 14 : i64} {
  func.func @_emb_kernel(%arg0: i32, %arg1: i32, %arg2: memref<1000000x64xf32, #tpu.memory_space<hbm>>, %arg3: memref<1024x200xi32, #tpu.memory_space<hbm>>, %arg4: memref<1024x200x64xf32, #tpu.memory_space<hbm>>, %arg5: memref<32x200xi32, #tpu.memory_space<vmem>>, %arg6: memref<200x64xf32, #tpu.memory_space<vmem>>, %arg7: memref<200x64xf32, #tpu.memory_space<vmem>>, %arg8: memref<!tpu.dma_semaphore, #tpu.memory_space<semaphore_mem>>, %arg9: memref<!tpu.dma_semaphore, #tpu.memory_space<semaphore_mem>>, %arg10: memref<!tpu.dma_semaphore, #tpu.memory_space<semaphore_mem>>, %arg11: memref<!tpu.dma_semaphore, #tpu.memory_space<semaphore_mem>>) attributes {dimension_semantics = [#tpu.dimension_semantics<core_parallel>, #tpu.dimension_semantics<subcore_parallel>], iteration_bounds = array<i64: 2, 16>, scalar_prefetch = 0 : i64, scratch_operands = 7 : i64, tpu.core_type = #tpu.core_type<sc_vector_subcore>, window_params = [{transform_indices = #map}, {transform_indices = #map}, {transform_indices = #map1}]} {
    %mul3A = arith.constant 2 : i32
    %mul3A_0 = arith.muli %arg1, %mul3A : i32
    %add3A = arith.addi %mul3A_0, %arg0 : i32
    %mul3A_1 = arith.constant 32 : i32
    %mul3A_2 = arith.muli %add3A, %mul3A_1 : i32
    "tpu.region"() ({
      %run_scoped3A = tpu.sem_alloc : memref<!tpu.dma_semaphore, #tpu.memory_space<semaphore_mem>>
      %dma_start3A_272 = arith.constant 0 : i32
      %dma_start3A_273 = tpu.memref_slice %arg3[%mul3A_2, %dma_start3A_272] : memref<1024x200xi32, #tpu.memory_space<hbm>> -> memref<32x200xi32, #tpu.memory_space<hbm>>
      %dma_start3A_274 = arith.constant 0 : i32
      %dma_start3A_275 = tpu.memref_slice %arg3[%mul3A_2, %dma_start3A_274] : memref<1024x200xi32, #tpu.memory_space<hbm>> -> memref<32x200xi32, #tpu.memory_space<hbm>>
      tpu.enqueue_dma source(%dma_start3A_275 : memref<32x200xi32, #tpu.memory_space<hbm>>) target(%arg5 : memref<32x200xi32, #tpu.memory_space<vmem>>) target_semaphore(%run_scoped3A : memref<!tpu.dma_semaphore, #tpu.memory_space<semaphore_mem>>)
      %dma_wait3A_276 = arith.constant 0 : i32
      %dma_wait3A_277 = tpu.memref_slice %arg3[%mul3A_2, %dma_wait3A_276] : memref<1024x200xi32, #tpu.memory_space<hbm>> -> memref<32x200xi32, #tpu.memory_space<hbm>>
      %dma_wait3A_278 = arith.constant 0 : i32
      %dma_wait3A_279 = tpu.memref_slice %arg3[%mul3A_2, %dma_wait3A_278] : memref<1024x200xi32, #tpu.memory_space<hbm>> -> memref<32x200xi32, #tpu.memory_space<hbm>>
      tpu.wait_dma2 semaphore(%run_scoped3A : memref<!tpu.dma_semaphore, #tpu.memory_space<semaphore_mem>>) src(%dma_wait3A_279 : memref<32x200xi32, #tpu.memory_space<hbm>>) dst(%arg5 : memref<32x200xi32, #tpu.memory_space<vmem>>)
      tpu.yield
    }) : () -> ()
    %scan3A = arith.constant 0 : i32
    %scan3A_3 = arith.constant 12 : i32
    %scan3A_4 = arith.addi %scan3A, %scan3A_3 : i32
    %scan3A_5 = arith.constant 1 : i32
    scf.for %scan3A_272 = %scan3A to %scan3A_4 step %scan3A_5  : i32 {
      %mul3A_273 = arith.constant 1 : i32
      %mul3A_274 = arith.muli %scan3A_272, %mul3A_273 : i32
      %add3A_275 = arith.constant 0 : i32
      %add3A_276 = arith.addi %add3A_275, %mul3A_274 : i32
      %mul3A_277 = arith.constant 16 : i32
      %mul3A_278 = arith.muli %add3A_276, %mul3A_277 : i32
      %get3A_279 = arith.constant 0 : i32
      %get3A_280 = arith.index_cast %get3A_279 : i32 to index
      %get3A_281 = arith.index_cast %mul3A_278 : i32 to index
      %get3A_282 = tpu.vector_load %arg5[%get3A_280, %get3A_281] {strides = array<i32>} : memref<32x200xi32, #tpu.memory_space<vmem>>, vector<1x16xi32>,
      %get3A_283 = vector.shape_cast %get3A_282 : vector<1x16xi32> to vector<16xi32>
      %slice3A_284 = vector.extract_strided_slice %get3A_283 {offsets = [0], sizes = [1], strides = [1]} : vector<16xi32> to vector<1xi32>
      %squeeze3A_285 = vector.extract %slice3A_284[0] : i32 from vector<1xi32>
      %add3A_286 = arith.constant 0 : i32
      %add3A_287 = arith.addi %mul3A_278, %add3A_286 : i32
      %dma_start3A_288 = arith.constant 0 : i32
      %dma_start3A_289 = tpu.memref_slice %arg6[%add3A_287, %dma_start3A_288] : memref<200x64xf32, #tpu.memory_space<vmem>> -> memref<1x64xf32, #tpu.memory_space<vmem>>
      %dma_start3A_290 = arith.constant 0 : i32
      %dma_start3A_291 = tpu.memref_slice %arg2[%squeeze3A_285, %dma_start3A_290] : memref<1000000x64xf32, #tpu.memory_space<hbm>> -> memref<1x64xf32, #tpu.memory_space<hbm>>
      %dma_start3A_292 = arith.constant 0 : i32
      %dma_start3A_293 = tpu.memref_slice %arg6[%add3A_287, %dma_start3A_292] : memref<200x64xf32, #tpu.memory_space<vmem>> -> memref<1x64xf32, #tpu.memory_space<vmem>>
      %dma_start3A_294 = arith.constant 0 : i32
      %dma_start3A_295 = tpu.memref_slice %arg2[%squeeze3A_285, %dma_start3A_294] : memref<1000000x64xf32, #tpu.memory_space<hbm>> -> memref<1x64xf32, #tpu.memory_space<hbm>>
      tpu.enqueue_dma source(%dma_start3A_295 : memref<1x64xf32, #tpu.memory_space<hbm>>) target(%dma_start3A_293 : memref<1x64xf32, #tpu.memory_space<vmem>>) target_semaphore(%arg8 : memref<!tpu.dma_semaphore, #tpu.memory_space<semaphore_mem>>)
      %slice3A_296 = vector.extract_strided_slice %get3A_283 {offsets = [1], sizes = [1], strides = [1]} : vector<16xi32> to vector<1xi32>
      %squeeze3A_297 = vector.extract %slice3A_296[0] : i32 from vector<1xi32>
      %add3A_298 = arith.constant 1 : i32
      %add3A_299 = arith.addi %mul3A_278, %add3A_298 : i32
      %dma_start3A_300 = arith.constant 0 : i32
      %dma_start3A_301 = tpu.memref_slice %arg6[%add3A_299, %dma_start3A_300] : memref<200x64xf32, #tpu.memory_space<vmem>> -> memref<1x64xf32, #tpu.memory_space<vmem>>
      %dma_start3A_302 = arith.constant 0 : i32
      %dma_start3A_303 = tpu.memref_slice %arg2[%squeeze3A_297, %dma_start3A_302] : memref<1000000x64xf32, #tpu.memory_space<hbm>> -> memref<1x64xf32, #tpu.memory_space<hbm>>
      %dma_start3A_304 = arith.constant 0 : i32
      %dma_start3A_305 = tpu.memref_slice %arg6[%add3A_299, %dma_start3A_304] : memref<200x64xf32, #tpu.memory_space<vmem>> -> memref<1x64xf32, #tpu.memory_space<vmem>>
      %dma_start3A_306 = arith.constant 0 : i32
      %dma_start3A_307 = tpu.memref_slice %arg2[%squeeze3A_297, %dma_start3A_306] : memref<1000000x64xf32, #tpu.memory_space<hbm>> -> memref<1x64xf32, #tpu.memory_space<hbm>>
      tpu.enqueue_dma source(%dma_start3A_307 : memref<1x64xf32, #tpu.memory_space<hbm>>) target(%dma_start3A_305 : memref<1x64xf32, #tpu.memory_space<vmem>>) target_semaphore(%arg8 : memref<!tpu.dma_semaphore, #tpu.memory_space<semaphore_mem>>)
      %slice3A_308 = vector.extract_strided_slice %get3A_283 {offsets = [2], sizes = [1], strides = [1]} : vector<16xi32> to vector<1xi32>
      %squeeze3A_309 = vector.extract %slice3A_308[0] : i32 from vector<1xi32>
      %add3A_310 = arith.constant 2 : i32
      %add3A_311 = arith.addi %mul3A_278, %add3A_310 : i32
      %dma_start3A_312 = arith.constant 0 : i32
      %dma_start3A_313 = tpu.memref_slice %arg6[%add3A_311, %dma_start3A_312] : memref<200x64xf32, #tpu.memory_space<vmem>> -> memref<1x64xf32, #tpu.memory_space<vmem>>
      %dma_start3A_314 = arith.constant 0 : i32
      %dma_start3A_315 = tpu.memref_slice %arg2[%squeeze3A_309, %dma_start3A_314] : memref<1000000x64xf32, #tpu.memory_space<hbm>> -> memref<1x64xf32, #tpu.memory_space<hbm>>
      %dma_start3A_316 = arith.constant 0 : i32
      %dma_start3A_317 = tpu.memref_slice %arg6[%add3A_311, %dma_start3A_316] : memref<200x64xf32, #tpu.memory_space<vmem>> -> memref<1x64xf32, #tpu.memory_space<vmem>>
      %dma_start3A_318 = arith.constant 0 : i32
      %dma_start3A_319 = tpu.memref_slice %arg2[%squeeze3A_309, %dma_start3A_318] : memref<1000000x64xf32, #tpu.memory_space<hbm>> -> memref<1x64xf32, #tpu.memory_space<hbm>>
      tpu.enqueue_dma source(%dma_start3A_319 : memref<1x64xf32, #tpu.memory_space<hbm>>) target(%dma_start3A_317 : memref<1x64xf32, #tpu.memory_space<vmem>>) target_semaphore(%arg8 : memref<!tpu.dma_semaphore, #tpu.memory_space<semaphore_mem>>)
      %slice3A_320 = vector.extract_strided_slice %get3A_283 {offsets = [3], sizes = [1], strides = [1]} : vector<16xi32> to vector<1xi32>
      %squeeze3A_321 = vector.extract %slice3A_320[0] : i32 from vector<1xi32>
      %add3A_322 = arith.constant 3 : i32
      %add3A_323 = arith.addi %mul3A_278, %add3A_322 : i32
      %dma_start3A_324 = arith.constant 0 : i32
      %dma_start3A_325 = tpu.memref_slice %arg6[%add3A_323, %dma_start3A_324] : memref<200x64xf32, #tpu.memory_space<vmem>> -> memref<1x64xf32, #tpu.memory_space<vmem>>
      %dma_start3A_326 = arith.constant 0 : i32
      %dma_start3A_327 = tpu.memref_slice %arg2[%squeeze3A_321, %dma_start3A_326] : memref<1000000x64xf32, #tpu.memory_space<hbm>> -> memref<1x64xf32, #tpu.memory_space<hbm>>
      %dma_start3A_328 = arith.constant 0 : i32
      %dma_start3A_329 = tpu.memref_slice %arg6[%add3A_323, %dma_start3A_328] : memref<200x64xf32, #tpu.memory_space<vmem>> -> memref<1x64xf32, #tpu.memory_space<vmem>>
      %dma_start3A_330 = arith.constant 0 : i32
      %dma_start3A_331 = tpu.memref_slice %arg2[%squeeze3A_321, %dma_start3A_330] : memref<1000000x64xf32, #tpu.memory_space<hbm>> -> memref<1x64xf32, #tpu.memory_space<hbm>>
      tpu.enqueue_dma source(%dma_start3A_331 : memref<1x64xf32, #tpu.memory_space<hbm>>) target(%dma_start3A_329 : memref<1x64xf32, #tpu.memory_space<vmem>>) target_semaphore(%arg8 : memref<!tpu.dma_semaphore, #tpu.memory_space<semaphore_mem>>)
      %slice3A_332 = vector.extract_strided_slice %get3A_283 {offsets = [4], sizes = [1], strides = [1]} : vector<16xi32> to vector<1xi32>
      %squeeze3A_333 = vector.extract %slice3A_332[0] : i32 from vector<1xi32>
      %add3A_334 = arith.constant 4 : i32
      %add3A_335 = arith.addi %mul3A_278, %add3A_334 : i32
      %dma_start3A_336 = arith.constant 0 : i32
      %dma_start3A_337 = tpu.memref_slice %arg6[%add3A_335, %dma_start3A_336] : memref<200x64xf32, #tpu.memory_space<vmem>> -> memref<1x64xf32, #tpu.memory_space<vmem>>
      %dma_start3A_338 = arith.constant 0 : i32
      %dma_start3A_339 = tpu.memref_slice %arg2[%squeeze3A_333, %dma_start3A_338] : memref<1000000x64xf32, #tpu.memory_space<hbm>> -> memref<1x64xf32, #tpu.memory_space<hbm>>
      %dma_start3A_340 = arith.constant 0 : i32
      %dma_start3A_341 = tpu.memref_slice %arg6[%add3A_335, %dma_start3A_340] : memref<200x64xf32, #tpu.memory_space<vmem>> -> memref<1x64xf32, #tpu.memory_space<vmem>>
      %dma_start3A_342 = arith.constant 0 : i32
      %dma_start3A_343 = tpu.memref_slice %arg2[%squeeze3A_333, %dma_start3A_342] : memref<1000000x64xf32, #tpu.memory_space<hbm>> -> memref<1x64xf32, #tpu.memory_space<hbm>>
      tpu.enqueue_dma source(%dma_start3A_343 : memref<1x64xf32, #tpu.memory_space<hbm>>) target(%dma_start3A_341 : memref<1x64xf32, #tpu.memory_space<vmem>>) target_semaphore(%arg8 : memref<!tpu.dma_semaphore, #tpu.memory_space<semaphore_mem>>)
      %slice3A_344 = vector.extract_strided_slice %get3A_283 {offsets = [5], sizes = [1], strides = [1]} : vector<16xi32> to vector<1xi32>
      %squeeze3A_345 = vector.extract %slice3A_344[0] : i32 from vector<1xi32>
      %add3A_346 = arith.constant 5 : i32
      %add3A_347 = arith.addi %mul3A_278, %add3A_346 : i32
      %dma_start3A_348 = arith.constant 0 : i32
      %dma_start3A_349 = tpu.memref_slice %arg6[%add3A_347, %dma_start3A_348] : memref<200x64xf32, #tpu.memory_space<vmem>> -> memref<1x64xf32, #tpu.memory_space<vmem>>
      %dma_start3A_350 = arith.constant 0 : i32
      %dma_start3A_351 = tpu.memref_slice %arg2[%squeeze3A_345, %dma_start3A_350] : memref<1000000x64xf32, #tpu.memory_space<hbm>> -> memref<1x64xf32, #tpu.memory_space<hbm>>
      %dma_start3A_352 = arith.constant 0 : i32
      %dma_start3A_353 = tpu.memref_slice %arg6[%add3A_347, %dma_start3A_352] : memref<200x64xf32, #tpu.memory_space<vmem>> -> memref<1x64xf32, #tpu.memory_space<vmem>>
      %dma_start3A_354 = arith.constant 0 : i32
      %dma_start3A_355 = tpu.memref_slice %arg2[%squeeze3A_345, %dma_start3A_354] : memref<1000000x64xf32, #tpu.memory_space<hbm>> -> memref<1x64xf32, #tpu.memory_space<hbm>>
      tpu.enqueue_dma source(%dma_start3A_355 : memref<1x64xf32, #tpu.memory_space<hbm>>) target(%dma_start3A_353 : memref<1x64xf32, #tpu.memory_space<vmem>>) target_semaphore(%arg8 : memref<!tpu.dma_semaphore, #tpu.memory_space<semaphore_mem>>)
      %slice3A_356 = vector.extract_strided_slice %get3A_283 {offsets = [6], sizes = [1], strides = [1]} : vector<16xi32> to vector<1xi32>
      %squeeze3A_357 = vector.extract %slice3A_356[0] : i32 from vector<1xi32>
      %add3A_358 = arith.constant 6 : i32
      %add3A_359 = arith.addi %mul3A_278, %add3A_358 : i32
      %dma_start3A_360 = arith.constant 0 : i32
      %dma_start3A_361 = tpu.memref_slice %arg6[%add3A_359, %dma_start3A_360] : memref<200x64xf32, #tpu.memory_space<vmem>> -> memref<1x64xf32, #tpu.memory_space<vmem>>
      %dma_start3A_362 = arith.constant 0 : i32
      %dma_start3A_363 = tpu.memref_slice %arg2[%squeeze3A_357, %dma_start3A_362] : memref<1000000x64xf32, #tpu.memory_space<hbm>> -> memref<1x64xf32, #tpu.memory_space<hbm>>
      %dma_start3A_364 = arith.constant 0 : i32
      %dma_start3A_365 = tpu.memref_slice %arg6[%add3A_359, %dma_start3A_364] : memref<200x64xf32, #tpu.memory_space<vmem>> -> memref<1x64xf32, #tpu.memory_space<vmem>>
      %dma_start3A_366 = arith.constant 0 : i32
      %dma_start3A_367 = tpu.memref_slice %arg2[%squeeze3A_357, %dma_start3A_366] : memref<1000000x64xf32, #tpu.memory_space<hbm>> -> memref<1x64xf32, #tpu.memory_space<hbm>>
      tpu.enqueue_dma source(%dma_start3A_367 : memref<1x64xf32, #tpu.memory_space<hbm>>) target(%dma_start3A_365 : memref<1x64xf32, #tpu.memory_space<vmem>>) target_semaphore(%arg8 : memref<!tpu.dma_semaphore, #tpu.memory_space<semaphore_mem>>)
      %slice3A_368 = vector.extract_strided_slice %get3A_283 {offsets = [7], sizes = [1], strides = [1]} : vector<16xi32> to vector<1xi32>
      %squeeze3A_369 = vector.extract %slice3A_368[0] : i32 from vector<1xi32>
      %add3A_370 = arith.constant 7 : i32
      %add3A_371 = arith.addi %mul3A_278, %add3A_370 : i32
      %dma_start3A_372 = arith.constant 0 : i32
      %dma_start3A_373 = tpu.memref_slice %arg6[%add3A_371, %dma_start3A_372] : memref<200x64xf32, #tpu.memory_space<vmem>> -> memref<1x64xf32, #tpu.memory_space<vmem>>
      %dma_start3A_374 = arith.constant 0 : i32
      %dma_start3A_375 = tpu.memref_slice %arg2[%squeeze3A_369, %dma_start3A_374] : memref<1000000x64xf32, #tpu.memory_space<hbm>> -> memref<1x64xf32, #tpu.memory_space<hbm>>
      %dma_start3A_376 = arith.constant 0 : i32
      %dma_start3A_377 = tpu.memref_slice %arg6[%add3A_371, %dma_start3A_376] : memref<200x64xf32, #tpu.memory_space<vmem>> -> memref<1x64xf32, #tpu.memory_space<vmem>>
      %dma_start3A_378 = arith.constant 0 : i32
      %dma_start3A_379 = tpu.memref_slice %arg2[%squeeze3A_369, %dma_start3A_378] : memref<1000000x64xf32, #tpu.memory_space<hbm>> -> memref<1x64xf32, #tpu.memory_space<hbm>>
      tpu.enqueue_dma source(%dma_start3A_379 : memref<1x64xf32, #tpu.memory_space<hbm>>) target(%dma_start3A_377 : memref<1x64xf32, #tpu.memory_space<vmem>>) target_semaphore(%arg8 : memref<!tpu.dma_semaphore, #tpu.memory_space<semaphore_mem>>)
      %slice3A_380 = vector.extract_strided_slice %get3A_283 {offsets = [8], sizes = [1], strides = [1]} : vector<16xi32> to vector<1xi32>
      %squeeze3A_381 = vector.extract %slice3A_380[0] : i32 from vector<1xi32>
      %add3A_382 = arith.constant 8 : i32
      %add3A_383 = arith.addi %mul3A_278, %add3A_382 : i32
      %dma_start3A_384 = arith.constant 0 : i32
      %dma_start3A_385 = tpu.memref_slice %arg6[%add3A_383, %dma_start3A_384] : memref<200x64xf32, #tpu.memory_space<vmem>> -> memref<1x64xf32, #tpu.memory_space<vmem>>
      %dma_start3A_386 = arith.constant 0 : i32
      %dma_start3A_387 = tpu.memref_slice %arg2[%squeeze3A_381, %dma_start3A_386] : memref<1000000x64xf32, #tpu.memory_space<hbm>> -> memref<1x64xf32, #tpu.memory_space<hbm>>
      %dma_start3A_388 = arith.constant 0 : i32
      %dma_start3A_389 = tpu.memref_slice %arg6[%add3A_383, %dma_start3A_388] : memref<200x64xf32, #tpu.memory_space<vmem>> -> memref<1x64xf32, #tpu.memory_space<vmem>>
      %dma_start3A_390 = arith.constant 0 : i32
      %dma_start3A_391 = tpu.memref_slice %arg2[%squeeze3A_381, %dma_start3A_390] : memref<1000000x64xf32, #tpu.memory_space<hbm>> -> memref<1x64xf32, #tpu.memory_space<hbm>>
      tpu.enqueue_dma source(%dma_start3A_391 : memref<1x64xf32, #tpu.memory_space<hbm>>) target(%dma_start3A_389 : memref<1x64xf32, #tpu.memory_space<vmem>>) target_semaphore(%arg8 : memref<!tpu.dma_semaphore, #tpu.memory_space<semaphore_mem>>)
      %slice3A_392 = vector.extract_strided_slice %get3A_283 {offsets = [9], sizes = [1], strides = [1]} : vector<16xi32> to vector<1xi32>
      %squeeze3A_393 = vector.extract %slice3A_392[0] : i32 from vector<1xi32>
      %add3A_394 = arith.constant 9 : i32
      %add3A_395 = arith.addi %mul3A_278, %add3A_394 : i32
      %dma_start3A_396 = arith.constant 0 : i32
      %dma_start3A_397 = tpu.memref_slice %arg6[%add3A_395, %dma_start3A_396] : memref<200x64xf32, #tpu.memory_space<vmem>> -> memref<1x64xf32, #tpu.memory_space<vmem>>
      %dma_start3A_398 = arith.constant 0 : i32
      %dma_start3A_399 = tpu.memref_slice %arg2[%squeeze3A_393, %dma_start3A_398] : memref<1000000x64xf32, #tpu.memory_space<hbm>> -> memref<1x64xf32, #tpu.memory_space<hbm>>
      %dma_start3A_400 = arith.constant 0 : i32
      %dma_start3A_401 = tpu.memref_slice %arg6[%add3A_395, %dma_start3A_400] : memref<200x64xf32, #tpu.memory_space<vmem>> -> memref<1x64xf32, #tpu.memory_space<vmem>>
      %dma_start3A_402 = arith.constant 0 : i32
      %dma_start3A_403 = tpu.memref_slice %arg2[%squeeze3A_393, %dma_start3A_402] : memref<1000000x64xf32, #tpu.memory_space<hbm>> -> memref<1x64xf32, #tpu.memory_space<hbm>>
      tpu.enqueue_dma source(%dma_start3A_403 : memref<1x64xf32, #tpu.memory_space<hbm>>) target(%dma_start3A_401 : memref<1x64xf32, #tpu.memory_space<vmem>>) target_semaphore(%arg8 : memref<!tpu.dma_semaphore, #tpu.memory_space<semaphore_mem>>)
      %slice3A_404 = vector.extract_strided_slice %get3A_283 {offsets = [10], sizes = [1], strides = [1]} : vector<16xi32> to vector<1xi32>
      %squeeze3A_405 = vector.extract %slice3A_404[0] : i32 from vector<1xi32>
      %add3A_406 = arith.constant 10 : i32
      %add3A_407 = arith.addi %mul3A_278, %add3A_406 : i32
      %dma_start3A_408 = arith.constant 0 : i32
      %dma_start3A_409 = tpu.memref_slice %arg6[%add3A_407, %dma_start3A_408] : memref<200x64xf32, #tpu.memory_space<vmem>> -> memref<1x64xf32, #tpu.memory_space<vmem>>
      %dma_start3A_410 = arith.constant 0 : i32
      %dma_start3A_411 = tpu.memref_slice %arg2[%squeeze3A_405, %dma_start3A_410] : memref<1000000x64xf32, #tpu.memory_space<hbm>> -> memref<1x64xf32, #tpu.memory_space<hbm>>
      %dma_start3A_412 = arith.constant 0 : i32
      %dma_start3A_413 = tpu.memref_slice %arg6[%add3A_407, %dma_start3A_412] : memref<200x64xf32, #tpu.memory_space<vmem>> -> memref<1x64xf32, #tpu.memory_space<vmem>>
      %dma_start3A_414 = arith.constant 0 : i32
      %dma_start3A_415 = tpu.memref_slice %arg2[%squeeze3A_405, %dma_start3A_414] : memref<1000000x64xf32, #tpu.memory_space<hbm>> -> memref<1x64xf32, #tpu.memory_space<hbm>>
      tpu.enqueue_dma source(%dma_start3A_415 : memref<1x64xf32, #tpu.memory_space<hbm>>) target(%dma_start3A_413 : memref<1x64xf32, #tpu.memory_space<vmem>>) target_semaphore(%arg8 : memref<!tpu.dma_semaphore, #tpu.memory_space<semaphore_mem>>)
      %slice3A_416 = vector.extract_strided_slice %get3A_283 {offsets = [11], sizes = [1], strides = [1]} : vector<16xi32> to vector<1xi32>
      %squeeze3A_417 = vector.extract %slice3A_416[0] : i32 from vector<1xi32>
      %add3A_418 = arith.constant 11 : i32
      %add3A_419 = arith.addi %mul3A_278, %add3A_418 : i32
      %dma_start3A_420 = arith.constant 0 : i32
      %dma_start3A_421 = tpu.memref_slice %arg6[%add3A_419, %dma_start3A_420] : memref<200x64xf32, #tpu.memory_space<vmem>> -> memref<1x64xf32, #tpu.memory_space<vmem>>
      %dma_start3A_422 = arith.constant 0 : i32
      %dma_start3A_423 = tpu.memref_slice %arg2[%squeeze3A_417, %dma_start3A_422] : memref<1000000x64xf32, #tpu.memory_space<hbm>> -> memref<1x64xf32, #tpu.memory_space<hbm>>
      %dma_start3A_424 = arith.constant 0 : i32
      %dma_start3A_425 = tpu.memref_slice %arg6[%add3A_419, %dma_start3A_424] : memref<200x64xf32, #tpu.memory_space<vmem>> -> memref<1x64xf32, #tpu.memory_space<vmem>>
      %dma_start3A_426 = arith.constant 0 : i32
      %dma_start3A_427 = tpu.memref_slice %arg2[%squeeze3A_417, %dma_start3A_426] : memref<1000000x64xf32, #tpu.memory_space<hbm>> -> memref<1x64xf32, #tpu.memory_space<hbm>>
      tpu.enqueue_dma source(%dma_start3A_427 : memref<1x64xf32, #tpu.memory_space<hbm>>) target(%dma_start3A_425 : memref<1x64xf32, #tpu.memory_space<vmem>>) target_semaphore(%arg8 : memref<!tpu.dma_semaphore, #tpu.memory_space<semaphore_mem>>)
      %slice3A_428 = vector.extract_strided_slice %get3A_283 {offsets = [12], sizes = [1], strides = [1]} : vector<16xi32> to vector<1xi32>
      %squeeze3A_429 = vector.extract %slice3A_428[0] : i32 from vector<1xi32>
      %add3A_430 = arith.constant 12 : i32
      %add3A_431 = arith.addi %mul3A_278, %add3A_430 : i32
      %dma_start3A_432 = arith.constant 0 : i32
      %dma_start3A_433 = tpu.memref_slice %arg6[%add3A_431, %dma_start3A_432] : memref<200x64xf32, #tpu.memory_space<vmem>> -> memref<1x64xf32, #tpu.memory_space<vmem>>
      %dma_start3A_434 = arith.constant 0 : i32
      %dma_start3A_435 = tpu.memref_slice %arg2[%squeeze3A_429, %dma_start3A_434] : memref<1000000x64xf32, #tpu.memory_space<hbm>> -> memref<1x64xf32, #tpu.memory_space<hbm>>
      %dma_start3A_436 = arith.constant 0 : i32
      %dma_start3A_437 = tpu.memref_slice %arg6[%add3A_431, %dma_start3A_436] : memref<200x64xf32, #tpu.memory_space<vmem>> -> memref<1x64xf32, #tpu.memory_space<vmem>>
      %dma_start3A_438 = arith.constant 0 : i32
      %dma_start3A_439 = tpu.memref_slice %arg2[%squeeze3A_429, %dma_start3A_438] : memref<1000000x64xf32, #tpu.memory_space<hbm>> -> memref<1x64xf32, #tpu.memory_space<hbm>>
      tpu.enqueue_dma source(%dma_start3A_439 : memref<1x64xf32, #tpu.memory_space<hbm>>) target(%dma_start3A_437 : memref<1x64xf32, #tpu.memory_space<vmem>>) target_semaphore(%arg8 : memref<!tpu.dma_semaphore, #tpu.memory_space<semaphore_mem>>)
      %slice3A_440 = vector.extract_strided_slice %get3A_283 {offsets = [13], sizes = [1], strides = [1]} : vector<16xi32> to vector<1xi32>
      %squeeze3A_441 = vector.extract %slice3A_440[0] : i32 from vector<1xi32>
      %add3A_442 = arith.constant 13 : i32
      %add3A_443 = arith.addi %mul3A_278, %add3A_442 : i32
      %dma_start3A_444 = arith.constant 0 : i32
      %dma_start3A_445 = tpu.memref_slice %arg6[%add3A_443, %dma_start3A_444] : memref<200x64xf32, #tpu.memory_space<vmem>> -> memref<1x64xf32, #tpu.memory_space<vmem>>
      %dma_start3A_446 = arith.constant 0 : i32
      %dma_start3A_447 = tpu.memref_slice %arg2[%squeeze3A_441, %dma_start3A_446] : memref<1000000x64xf32, #tpu.memory_space<hbm>> -> memref<1x64xf32, #tpu.memory_space<hbm>>
      %dma_start3A_448 = arith.constant 0 : i32
      %dma_start3A_449 = tpu.memref_slice %arg6[%add3A_443, %dma_start3A_448] : memref<200x64xf32, #tpu.memory_space<vmem>> -> memref<1x64xf32, #tpu.memory_space<vmem>>
      %dma_start3A_450 = arith.constant 0 : i32
      %dma_start3A_451 = tpu.memref_slice %arg2[%squeeze3A_441, %dma_start3A_450] : memref<1000000x64xf32, #tpu.memory_space<hbm>> -> memref<1x64xf32, #tpu.memory_space<hbm>>
      tpu.enqueue_dma source(%dma_start3A_451 : memref<1x64xf32, #tpu.memory_space<hbm>>) target(%dma_start3A_449 : memref<1x64xf32, #tpu.memory_space<vmem>>) target_semaphore(%arg8 : memref<!tpu.dma_semaphore, #tpu.memory_space<semaphore_mem>>)
      %slice3A_452 = vector.extract_strided_slice %get3A_283 {offsets = [14], sizes = [1], strides = [1]} : vector<16xi32> to vector<1xi32>
      %squeeze3A_453 = vector.extract %slice3A_452[0] : i32 from vector<1xi32>
      %add3A_454 = arith.constant 14 : i32
      %add3A_455 = arith.addi %mul3A_278, %add3A_454 : i32
      %dma_start3A_456 = arith.constant 0 : i32
      %dma_start3A_457 = tpu.memref_slice %arg6[%add3A_455, %dma_start3A_456] : memref<200x64xf32, #tpu.memory_space<vmem>> -> memref<1x64xf32, #tpu.memory_space<vmem>>
      %dma_start3A_458 = arith.constant 0 : i32
      %dma_start3A_459 = tpu.memref_slice %arg2[%squeeze3A_453, %dma_start3A_458] : memref<1000000x64xf32, #tpu.memory_space<hbm>> -> memref<1x64xf32, #tpu.memory_space<hbm>>
      %dma_start3A_460 = arith.constant 0 : i32
      %dma_start3A_461 = tpu.memref_slice %arg6[%add3A_455, %dma_start3A_460] : memref<200x64xf32, #tpu.memory_space<vmem>> -> memref<1x64xf32, #tpu.memory_space<vmem>>
      %dma_start3A_462 = arith.constant 0 : i32
      %dma_start3A_463 = tpu.memref_slice %arg2[%squeeze3A_453, %dma_start3A_462] : memref<1000000x64xf32, #tpu.memory_space<hbm>> -> memref<1x64xf32, #tpu.memory_space<hbm>>
      tpu.enqueue_dma source(%dma_start3A_463 : memref<1x64xf32, #tpu.memory_space<hbm>>) target(%dma_start3A_461 : memref<1x64xf32, #tpu.memory_space<vmem>>) target_semaphore(%arg8 : memref<!tpu.dma_semaphore, #tpu.memory_space<semaphore_mem>>)
      %slice3A_464 = vector.extract_strided_slice %get3A_283 {offsets = [15], sizes = [1], strides = [1]} : vector<16xi32> to vector<1xi32>
      %squeeze3A_465 = vector.extract %slice3A_464[0] : i32 from vector<1xi32>
      %add3A_466 = arith.constant 15 : i32
      %add3A_467 = arith.addi %mul3A_278, %add3A_466 : i32
      %dma_start3A_468 = arith.constant 0 : i32
      %dma_start3A_469 = tpu.memref_slice %arg6[%add3A_467, %dma_start3A_468] : memref<200x64xf32, #tpu.memory_space<vmem>> -> memref<1x64xf32, #tpu.memory_space<vmem>>
      %dma_start3A_470 = arith.constant 0 : i32
      %dma_start3A_471 = tpu.memref_slice %arg2[%squeeze3A_465, %dma_start3A_470] : memref<1000000x64xf32, #tpu.memory_space<hbm>> -> memref<1x64xf32, #tpu.memory_space<hbm>>
      %dma_start3A_472 = arith.constant 0 : i32
      %dma_start3A_473 = tpu.memref_slice %arg6[%add3A_467, %dma_start3A_472] : memref<200x64xf32, #tpu.memory_space<vmem>> -> memref<1x64xf32, #tpu.memory_space<vmem>>
      %dma_start3A_474 = arith.constant 0 : i32
      %dma_start3A_475 = tpu.memref_slice %arg2[%squeeze3A_465, %dma_start3A_474] : memref<1000000x64xf32, #tpu.memory_space<hbm>> -> memref<1x64xf32, #tpu.memory_space<hbm>>
      tpu.enqueue_dma source(%dma_start3A_475 : memref<1x64xf32, #tpu.memory_space<hbm>>) target(%dma_start3A_473 : memref<1x64xf32, #tpu.memory_space<vmem>>) target_semaphore(%arg8 : memref<!tpu.dma_semaphore, #tpu.memory_space<semaphore_mem>>)
    }
    %scan3A_6 = arith.constant 12 : i32
    %get3A = arith.constant 0 : i32
    %get3A_7 = arith.index_cast %get3A : i32 to index
    %get3A_8 = arith.constant 184 : index
    %get3A_9 = tpu.vector_load %arg5[%get3A_7, %get3A_8] {strides = array<i32>} : memref<32x200xi32, #tpu.memory_space<vmem>>, vector<1x16xi32>,
    %get3A_10 = vector.shape_cast %get3A_9 : vector<1x16xi32> to vector<16xi32>
    %slice3A = vector.extract_strided_slice %get3A_10 {offsets = [8], sizes = [1], strides = [1]} : vector<16xi32> to vector<1xi32>
    %squeeze3A = vector.extract %slice3A[0] : i32 from vector<1xi32>
    %dma_start3A = arith.constant 192 : i32
    %dma_start3A_11 = arith.constant 0 : i32
    %dma_start3A_12 = tpu.memref_slice %arg6[%dma_start3A, %dma_start3A_11] : memref<200x64xf32, #tpu.memory_space<vmem>> -> memref<1x64xf32, #tpu.memory_space<vmem>>
    %dma_start3A_13 = arith.constant 0 : i32
    %dma_start3A_14 = tpu.memref_slice %arg2[%squeeze3A, %dma_start3A_13] : memref<1000000x64xf32, #tpu.memory_space<hbm>> -> memref<1x64xf32, #tpu.memory_space<hbm>>
    %dma_start3A_15 = arith.constant 192 : i32
    %dma_start3A_16 = arith.constant 0 : i32
    %dma_start3A_17 = tpu.memref_slice %arg6[%dma_start3A_15, %dma_start3A_16] : memref<200x64xf32, #tpu.memory_space<vmem>> -> memref<1x64xf32, #tpu.memory_space<vmem>>
    %dma_start3A_18 = arith.constant 0 : i32
    %dma_start3A_19 = tpu.memref_slice %arg2[%squeeze3A, %dma_start3A_18] : memref<1000000x64xf32, #tpu.memory_space<hbm>> -> memref<1x64xf32, #tpu.memory_space<hbm>>
    tpu.enqueue_dma source(%dma_start3A_19 : memref<1x64xf32, #tpu.memory_space<hbm>>) target(%dma_start3A_17 : memref<1x64xf32, #tpu.memory_space<vmem>>) target_semaphore(%arg8 : memref<!tpu.dma_semaphore, #tpu.memory_space<semaphore_mem>>)
    %slice3A_20 = vector.extract_strided_slice %get3A_10 {offsets = [9], sizes = [1], strides = [1]} : vector<16xi32> to vector<1xi32>
    %squeeze3A_21 = vector.extract %slice3A_20[0] : i32 from vector<1xi32>
    %dma_start3A_22 = arith.constant 193 : i32
    %dma_start3A_23 = arith.constant 0 : i32
    %dma_start3A_24 = tpu.memref_slice %arg6[%dma_start3A_22, %dma_start3A_23] : memref<200x64xf32, #tpu.memory_space<vmem>> -> memref<1x64xf32, #tpu.memory_space<vmem>>
    %dma_start3A_25 = arith.constant 0 : i32
    %dma_start3A_26 = tpu.memref_slice %arg2[%squeeze3A_21, %dma_start3A_25] : memref<1000000x64xf32, #tpu.memory_space<hbm>> -> memref<1x64xf32, #tpu.memory_space<hbm>>
    %dma_start3A_27 = arith.constant 193 : i32
    %dma_start3A_28 = arith.constant 0 : i32
    %dma_start3A_29 = tpu.memref_slice %arg6[%dma_start3A_27, %dma_start3A_28] : memref<200x64xf32, #tpu.memory_space<vmem>> -> memref<1x64xf32, #tpu.memory_space<vmem>>
    %dma_start3A_30 = arith.constant 0 : i32
    %dma_start3A_31 = tpu.memref_slice %arg2[%squeeze3A_21, %dma_start3A_30] : memref<1000000x64xf32, #tpu.memory_space<hbm>> -> memref<1x64xf32, #tpu.memory_space<hbm>>
    tpu.enqueue_dma source(%dma_start3A_31 : memref<1x64xf32, #tpu.memory_space<hbm>>) target(%dma_start3A_29 : memref<1x64xf32, #tpu.memory_space<vmem>>) target_semaphore(%arg8 : memref<!tpu.dma_semaphore, #tpu.memory_space<semaphore_mem>>)
    %slice3A_32 = vector.extract_strided_slice %get3A_10 {offsets = [10], sizes = [1], strides = [1]} : vector<16xi32> to vector<1xi32>
    %squeeze3A_33 = vector.extract %slice3A_32[0] : i32 from vector<1xi32>
    %dma_start3A_34 = arith.constant 194 : i32
    %dma_start3A_35 = arith.constant 0 : i32
    %dma_start3A_36 = tpu.memref_slice %arg6[%dma_start3A_34, %dma_start3A_35] : memref<200x64xf32, #tpu.memory_space<vmem>> -> memref<1x64xf32, #tpu.memory_space<vmem>>
    %dma_start3A_37 = arith.constant 0 : i32
    %dma_start3A_38 = tpu.memref_slice %arg2[%squeeze3A_33, %dma_start3A_37] : memref<1000000x64xf32, #tpu.memory_space<hbm>> -> memref<1x64xf32, #tpu.memory_space<hbm>>
    %dma_start3A_39 = arith.constant 194 : i32
    %dma_start3A_40 = arith.constant 0 : i32
    %dma_start3A_41 = tpu.memref_slice %arg6[%dma_start3A_39, %dma_start3A_40] : memref<200x64xf32, #tpu.memory_space<vmem>> -> memref<1x64xf32, #tpu.memory_space<vmem>>
    %dma_start3A_42 = arith.constant 0 : i32
    %dma_start3A_43 = tpu.memref_slice %arg2[%squeeze3A_33, %dma_start3A_42] : memref<1000000x64xf32, #tpu.memory_space<hbm>> -> memref<1x64xf32, #tpu.memory_space<hbm>>
    tpu.enqueue_dma source(%dma_start3A_43 : memref<1x64xf32, #tpu.memory_space<hbm>>) target(%dma_start3A_41 : memref<1x64xf32, #tpu.memory_space<vmem>>) target_semaphore(%arg8 : memref<!tpu.dma_semaphore, #tpu.memory_space<semaphore_mem>>)
    %slice3A_44 = vector.extract_strided_slice %get3A_10 {offsets = [11], sizes = [1], strides = [1]} : vector<16xi32> to vector<1xi32>
    %squeeze3A_45 = vector.extract %slice3A_44[0] : i32 from vector<1xi32>
    %dma_start3A_46 = arith.constant 195 : i32
    %dma_start3A_47 = arith.constant 0 : i32
    %dma_start3A_48 = tpu.memref_slice %arg6[%dma_start3A_46, %dma_start3A_47] : memref<200x64xf32, #tpu.memory_space<vmem>> -> memref<1x64xf32, #tpu.memory_space<vmem>>
    %dma_start3A_49 = arith.constant 0 : i32
    %dma_start3A_50 = tpu.memref_slice %arg2[%squeeze3A_45, %dma_start3A_49] : memref<1000000x64xf32, #tpu.memory_space<hbm>> -> memref<1x64xf32, #tpu.memory_space<hbm>>
    %dma_start3A_51 = arith.constant 195 : i32
    %dma_start3A_52 = arith.constant 0 : i32
    %dma_start3A_53 = tpu.memref_slice %arg6[%dma_start3A_51, %dma_start3A_52] : memref<200x64xf32, #tpu.memory_space<vmem>> -> memref<1x64xf32, #tpu.memory_space<vmem>>
    %dma_start3A_54 = arith.constant 0 : i32
    %dma_start3A_55 = tpu.memref_slice %arg2[%squeeze3A_45, %dma_start3A_54] : memref<1000000x64xf32, #tpu.memory_space<hbm>> -> memref<1x64xf32, #tpu.memory_space<hbm>>
    tpu.enqueue_dma source(%dma_start3A_55 : memref<1x64xf32, #tpu.memory_space<hbm>>) target(%dma_start3A_53 : memref<1x64xf32, #tpu.memory_space<vmem>>) target_semaphore(%arg8 : memref<!tpu.dma_semaphore, #tpu.memory_space<semaphore_mem>>)
    %slice3A_56 = vector.extract_strided_slice %get3A_10 {offsets = [12], sizes = [1], strides = [1]} : vector<16xi32> to vector<1xi32>
    %squeeze3A_57 = vector.extract %slice3A_56[0] : i32 from vector<1xi32>
    %dma_start3A_58 = arith.constant 196 : i32
    %dma_start3A_59 = arith.constant 0 : i32
    %dma_start3A_60 = tpu.memref_slice %arg6[%dma_start3A_58, %dma_start3A_59] : memref<200x64xf32, #tpu.memory_space<vmem>> -> memref<1x64xf32, #tpu.memory_space<vmem>>
    %dma_start3A_61 = arith.constant 0 : i32
    %dma_start3A_62 = tpu.memref_slice %arg2[%squeeze3A_57, %dma_start3A_61] : memref<1000000x64xf32, #tpu.memory_space<hbm>> -> memref<1x64xf32, #tpu.memory_space<hbm>>
    %dma_start3A_63 = arith.constant 196 : i32
    %dma_start3A_64 = arith.constant 0 : i32
    %dma_start3A_65 = tpu.memref_slice %arg6[%dma_start3A_63, %dma_start3A_64] : memref<200x64xf32, #tpu.memory_space<vmem>> -> memref<1x64xf32, #tpu.memory_space<vmem>>
    %dma_start3A_66 = arith.constant 0 : i32
    %dma_start3A_67 = tpu.memref_slice %arg2[%squeeze3A_57, %dma_start3A_66] : memref<1000000x64xf32, #tpu.memory_space<hbm>> -> memref<1x64xf32, #tpu.memory_space<hbm>>
    tpu.enqueue_dma source(%dma_start3A_67 : memref<1x64xf32, #tpu.memory_space<hbm>>) target(%dma_start3A_65 : memref<1x64xf32, #tpu.memory_space<vmem>>) target_semaphore(%arg8 : memref<!tpu.dma_semaphore, #tpu.memory_space<semaphore_mem>>)
    %slice3A_68 = vector.extract_strided_slice %get3A_10 {offsets = [13], sizes = [1], strides = [1]} : vector<16xi32> to vector<1xi32>
    %squeeze3A_69 = vector.extract %slice3A_68[0] : i32 from vector<1xi32>
    %dma_start3A_70 = arith.constant 197 : i32
    %dma_start3A_71 = arith.constant 0 : i32
    %dma_start3A_72 = tpu.memref_slice %arg6[%dma_start3A_70, %dma_start3A_71] : memref<200x64xf32, #tpu.memory_space<vmem>> -> memref<1x64xf32, #tpu.memory_space<vmem>>
    %dma_start3A_73 = arith.constant 0 : i32
    %dma_start3A_74 = tpu.memref_slice %arg2[%squeeze3A_69, %dma_start3A_73] : memref<1000000x64xf32, #tpu.memory_space<hbm>> -> memref<1x64xf32, #tpu.memory_space<hbm>>
    %dma_start3A_75 = arith.constant 197 : i32
    %dma_start3A_76 = arith.constant 0 : i32
    %dma_start3A_77 = tpu.memref_slice %arg6[%dma_start3A_75, %dma_start3A_76] : memref<200x64xf32, #tpu.memory_space<vmem>> -> memref<1x64xf32, #tpu.memory_space<vmem>>
    %dma_start3A_78 = arith.constant 0 : i32
    %dma_start3A_79 = tpu.memref_slice %arg2[%squeeze3A_69, %dma_start3A_78] : memref<1000000x64xf32, #tpu.memory_space<hbm>> -> memref<1x64xf32, #tpu.memory_space<hbm>>
    tpu.enqueue_dma source(%dma_start3A_79 : memref<1x64xf32, #tpu.memory_space<hbm>>) target(%dma_start3A_77 : memref<1x64xf32, #tpu.memory_space<vmem>>) target_semaphore(%arg8 : memref<!tpu.dma_semaphore, #tpu.memory_space<semaphore_mem>>)
    %slice3A_80 = vector.extract_strided_slice %get3A_10 {offsets = [14], sizes = [1], strides = [1]} : vector<16xi32> to vector<1xi32>
    %squeeze3A_81 = vector.extract %slice3A_80[0] : i32 from vector<1xi32>
    %dma_start3A_82 = arith.constant 198 : i32
    %dma_start3A_83 = arith.constant 0 : i32
    %dma_start3A_84 = tpu.memref_slice %arg6[%dma_start3A_82, %dma_start3A_83] : memref<200x64xf32, #tpu.memory_space<vmem>> -> memref<1x64xf32, #tpu.memory_space<vmem>>
    %dma_start3A_85 = arith.constant 0 : i32
    %dma_start3A_86 = tpu.memref_slice %arg2[%squeeze3A_81, %dma_start3A_85] : memref<1000000x64xf32, #tpu.memory_space<hbm>> -> memref<1x64xf32, #tpu.memory_space<hbm>>
    %dma_start3A_87 = arith.constant 198 : i32
    %dma_start3A_88 = arith.constant 0 : i32
    %dma_start3A_89 = tpu.memref_slice %arg6[%dma_start3A_87, %dma_start3A_88] : memref<200x64xf32, #tpu.memory_space<vmem>> -> memref<1x64xf32, #tpu.memory_space<vmem>>
    %dma_start3A_90 = arith.constant 0 : i32
    %dma_start3A_91 = tpu.memref_slice %arg2[%squeeze3A_81, %dma_start3A_90] : memref<1000000x64xf32, #tpu.memory_space<hbm>> -> memref<1x64xf32, #tpu.memory_space<hbm>>
    tpu.enqueue_dma source(%dma_start3A_91 : memref<1x64xf32, #tpu.memory_space<hbm>>) target(%dma_start3A_89 : memref<1x64xf32, #tpu.memory_space<vmem>>) target_semaphore(%arg8 : memref<!tpu.dma_semaphore, #tpu.memory_space<semaphore_mem>>)
    %slice3A_92 = vector.extract_strided_slice %get3A_10 {offsets = [15], sizes = [1], strides = [1]} : vector<16xi32> to vector<1xi32>
    %squeeze3A_93 = vector.extract %slice3A_92[0] : i32 from vector<1xi32>
    %dma_start3A_94 = arith.constant 199 : i32
    %dma_start3A_95 = arith.constant 0 : i32
    %dma_start3A_96 = tpu.memref_slice %arg6[%dma_start3A_94, %dma_start3A_95] : memref<200x64xf32, #tpu.memory_space<vmem>> -> memref<1x64xf32, #tpu.memory_space<vmem>>
    %dma_start3A_97 = arith.constant 0 : i32
    %dma_start3A_98 = tpu.memref_slice %arg2[%squeeze3A_93, %dma_start3A_97] : memref<1000000x64xf32, #tpu.memory_space<hbm>> -> memref<1x64xf32, #tpu.memory_space<hbm>>
    %dma_start3A_99 = arith.constant 199 : i32
    %dma_start3A_100 = arith.constant 0 : i32
    %dma_start3A_101 = tpu.memref_slice %arg6[%dma_start3A_99, %dma_start3A_100] : memref<200x64xf32, #tpu.memory_space<vmem>> -> memref<1x64xf32, #tpu.memory_space<vmem>>
    %dma_start3A_102 = arith.constant 0 : i32
    %dma_start3A_103 = tpu.memref_slice %arg2[%squeeze3A_93, %dma_start3A_102] : memref<1000000x64xf32, #tpu.memory_space<hbm>> -> memref<1x64xf32, #tpu.memory_space<hbm>>
    tpu.enqueue_dma source(%dma_start3A_103 : memref<1x64xf32, #tpu.memory_space<hbm>>) target(%dma_start3A_101 : memref<1x64xf32, #tpu.memory_space<vmem>>) target_semaphore(%arg8 : memref<!tpu.dma_semaphore, #tpu.memory_space<semaphore_mem>>)
    %scan3A_104 = arith.constant 0 : i32
    %scan3A_105 = arith.constant 12 : i32
    %scan3A_106 = arith.addi %scan3A_104, %scan3A_105 : i32
    %scan3A_107 = arith.constant 1 : i32
    scf.for %scan3A_272 = %scan3A_104 to %scan3A_106 step %scan3A_107  : i32 {
      %mul3A_273 = arith.constant 1 : i32
      %mul3A_274 = arith.muli %scan3A_272, %mul3A_273 : i32
      %add3A_275 = arith.constant 0 : i32
      %add3A_276 = arith.addi %add3A_275, %mul3A_274 : i32
      %mul3A_277 = arith.constant 16 : i32
      %mul3A_278 = arith.muli %add3A_276, %mul3A_277 : i32
      %get3A_279 = arith.constant 1 : i32
      %get3A_280 = arith.index_cast %get3A_279 : i32 to index
      %get3A_281 = arith.index_cast %mul3A_278 : i32 to index
      %get3A_282 = tpu.vector_load %arg5[%get3A_280, %get3A_281] {strides = array<i32>} : memref<32x200xi32, #tpu.memory_space<vmem>>, vector<1x16xi32>,
      %get3A_283 = vector.shape_cast %get3A_282 : vector<1x16xi32> to vector<16xi32>
      %slice3A_284 = vector.extract_strided_slice %get3A_283 {offsets = [0], sizes = [1], strides = [1]} : vector<16xi32> to vector<1xi32>
      %squeeze3A_285 = vector.extract %slice3A_284[0] : i32 from vector<1xi32>
      %add3A_286 = arith.constant 0 : i32
      %add3A_287 = arith.addi %mul3A_278, %add3A_286 : i32
      %dma_start3A_288 = arith.constant 0 : i32
      %dma_start3A_289 = tpu.memref_slice %arg7[%add3A_287, %dma_start3A_288] : memref<200x64xf32, #tpu.memory_space<vmem>> -> memref<1x64xf32, #tpu.memory_space<vmem>>
      %dma_start3A_290 = arith.constant 0 : i32
      %dma_start3A_291 = tpu.memref_slice %arg2[%squeeze3A_285, %dma_start3A_290] : memref<1000000x64xf32, #tpu.memory_space<hbm>> -> memref<1x64xf32, #tpu.memory_space<hbm>>
      %dma_start3A_292 = arith.constant 0 : i32
      %dma_start3A_293 = tpu.memref_slice %arg7[%add3A_287, %dma_start3A_292] : memref<200x64xf32, #tpu.memory_space<vmem>> -> memref<1x64xf32, #tpu.memory_space<vmem>>
      %dma_start3A_294 = arith.constant 0 : i32
      %dma_start3A_295 = tpu.memref_slice %arg2[%squeeze3A_285, %dma_start3A_294] : memref<1000000x64xf32, #tpu.memory_space<hbm>> -> memref<1x64xf32, #tpu.memory_space<hbm>>
      tpu.enqueue_dma source(%dma_start3A_295 : memref<1x64xf32, #tpu.memory_space<hbm>>) target(%dma_start3A_293 : memref<1x64xf32, #tpu.memory_space<vmem>>) target_semaphore(%arg9 : memref<!tpu.dma_semaphore, #tpu.memory_space<semaphore_mem>>)
      %slice3A_296 = vector.extract_strided_slice %get3A_283 {offsets = [1], sizes = [1], strides = [1]} : vector<16xi32> to vector<1xi32>
      %squeeze3A_297 = vector.extract %slice3A_296[0] : i32 from vector<1xi32>
      %add3A_298 = arith.constant 1 : i32
      %add3A_299 = arith.addi %mul3A_278, %add3A_298 : i32
      %dma_start3A_300 = arith.constant 0 : i32
      %dma_start3A_301 = tpu.memref_slice %arg7[%add3A_299, %dma_start3A_300] : memref<200x64xf32, #tpu.memory_space<vmem>> -> memref<1x64xf32, #tpu.memory_space<vmem>>
      %dma_start3A_302 = arith.constant 0 : i32
      %dma_start3A_303 = tpu.memref_slice %arg2[%squeeze3A_297, %dma_start3A_302] : memref<1000000x64xf32, #tpu.memory_space<hbm>> -> memref<1x64xf32, #tpu.memory_space<hbm>>
      %dma_start3A_304 = arith.constant 0 : i32
      %dma_start3A_305 = tpu.memref_slice %arg7[%add3A_299, %dma_start3A_304] : memref<200x64xf32, #tpu.memory_space<vmem>> -> memref<1x64xf32, #tpu.memory_space<vmem>>
      %dma_start3A_306 = arith.constant 0 : i32
      %dma_start3A_307 = tpu.memref_slice %arg2[%squeeze3A_297, %dma_start3A_306] : memref<1000000x64xf32, #tpu.memory_space<hbm>> -> memref<1x64xf32, #tpu.memory_space<hbm>>
      tpu.enqueue_dma source(%dma_start3A_307 : memref<1x64xf32, #tpu.memory_space<hbm>>) target(%dma_start3A_305 : memref<1x64xf32, #tpu.memory_space<vmem>>) target_semaphore(%arg9 : memref<!tpu.dma_semaphore, #tpu.memory_space<semaphore_mem>>)
      %slice3A_308 = vector.extract_strided_slice %get3A_283 {offsets = [2], sizes = [1], strides = [1]} : vector<16xi32> to vector<1xi32>
      %squeeze3A_309 = vector.extract %slice3A_308[0] : i32 from vector<1xi32>
      %add3A_310 = arith.constant 2 : i32
      %add3A_311 = arith.addi %mul3A_278, %add3A_310 : i32
      %dma_start3A_312 = arith.constant 0 : i32
      %dma_start3A_313 = tpu.memref_slice %arg7[%add3A_311, %dma_start3A_312] : memref<200x64xf32, #tpu.memory_space<vmem>> -> memref<1x64xf32, #tpu.memory_space<vmem>>
      %dma_start3A_314 = arith.constant 0 : i32
      %dma_start3A_315 = tpu.memref_slice %arg2[%squeeze3A_309, %dma_start3A_314] : memref<1000000x64xf32, #tpu.memory_space<hbm>> -> memref<1x64xf32, #tpu.memory_space<hbm>>
      %dma_start3A_316 = arith.constant 0 : i32
      %dma_start3A_317 = tpu.memref_slice %arg7[%add3A_311, %dma_start3A_316] : memref<200x64xf32, #tpu.memory_space<vmem>> -> memref<1x64xf32, #tpu.memory_space<vmem>>
      %dma_start3A_318 = arith.constant 0 : i32
      %dma_start3A_319 = tpu.memref_slice %arg2[%squeeze3A_309, %dma_start3A_318] : memref<1000000x64xf32, #tpu.memory_space<hbm>> -> memref<1x64xf32, #tpu.memory_space<hbm>>
      tpu.enqueue_dma source(%dma_start3A_319 : memref<1x64xf32, #tpu.memory_space<hbm>>) target(%dma_start3A_317 : memref<1x64xf32, #tpu.memory_space<vmem>>) target_semaphore(%arg9 : memref<!tpu.dma_semaphore, #tpu.memory_space<semaphore_mem>>)
      %slice3A_320 = vector.extract_strided_slice %get3A_283 {offsets = [3], sizes = [1], strides = [1]} : vector<16xi32> to vector<1xi32>
      %squeeze3A_321 = vector.extract %slice3A_320[0] : i32 from vector<1xi32>
      %add3A_322 = arith.constant 3 : i32
      %add3A_323 = arith.addi %mul3A_278, %add3A_322 : i32
      %dma_start3A_324 = arith.constant 0 : i32
      %dma_start3A_325 = tpu.memref_slice %arg7[%add3A_323, %dma_start3A_324] : memref<200x64xf32, #tpu.memory_space<vmem>> -> memref<1x64xf32, #tpu.memory_space<vmem>>
      %dma_start3A_326 = arith.constant 0 : i32
      %dma_start3A_327 = tpu.memref_slice %arg2[%squeeze3A_321, %dma_start3A_326] : memref<1000000x64xf32, #tpu.memory_space<hbm>> -> memref<1x64xf32, #tpu.memory_space<hbm>>
      %dma_start3A_328 = arith.constant 0 : i32
      %dma_start3A_329 = tpu.memref_slice %arg7[%add3A_323, %dma_start3A_328] : memref<200x64xf32, #tpu.memory_space<vmem>> -> memref<1x64xf32, #tpu.memory_space<vmem>>
      %dma_start3A_330 = arith.constant 0 : i32
      %dma_start3A_331 = tpu.memref_slice %arg2[%squeeze3A_321, %dma_start3A_330] : memref<1000000x64xf32, #tpu.memory_space<hbm>> -> memref<1x64xf32, #tpu.memory_space<hbm>>
      tpu.enqueue_dma source(%dma_start3A_331 : memref<1x64xf32, #tpu.memory_space<hbm>>) target(%dma_start3A_329 : memref<1x64xf32, #tpu.memory_space<vmem>>) target_semaphore(%arg9 : memref<!tpu.dma_semaphore, #tpu.memory_space<semaphore_mem>>)
      %slice3A_332 = vector.extract_strided_slice %get3A_283 {offsets = [4], sizes = [1], strides = [1]} : vector<16xi32> to vector<1xi32>
      %squeeze3A_333 = vector.extract %slice3A_332[0] : i32 from vector<1xi32>
      %add3A_334 = arith.constant 4 : i32
      %add3A_335 = arith.addi %mul3A_278, %add3A_334 : i32
      %dma_start3A_336 = arith.constant 0 : i32
      %dma_start3A_337 = tpu.memref_slice %arg7[%add3A_335, %dma_start3A_336] : memref<200x64xf32, #tpu.memory_space<vmem>> -> memref<1x64xf32, #tpu.memory_space<vmem>>
      %dma_start3A_338 = arith.constant 0 : i32
      %dma_start3A_339 = tpu.memref_slice %arg2[%squeeze3A_333, %dma_start3A_338] : memref<1000000x64xf32, #tpu.memory_space<hbm>> -> memref<1x64xf32, #tpu.memory_space<hbm>>
      %dma_start3A_340 = arith.constant 0 : i32
      %dma_start3A_341 = tpu.memref_slice %arg7[%add3A_335, %dma_start3A_340] : memref<200x64xf32, #tpu.memory_space<vmem>> -> memref<1x64xf32, #tpu.memory_space<vmem>>
      %dma_start3A_342 = arith.constant 0 : i32
      %dma_start3A_343 = tpu.memref_slice %arg2[%squeeze3A_333, %dma_start3A_342] : memref<1000000x64xf32, #tpu.memory_space<hbm>> -> memref<1x64xf32, #tpu.memory_space<hbm>>
      tpu.enqueue_dma source(%dma_start3A_343 : memref<1x64xf32, #tpu.memory_space<hbm>>) target(%dma_start3A_341 : memref<1x64xf32, #tpu.memory_space<vmem>>) target_semaphore(%arg9 : memref<!tpu.dma_semaphore, #tpu.memory_space<semaphore_mem>>)
      %slice3A_344 = vector.extract_strided_slice %get3A_283 {offsets = [5], sizes = [1], strides = [1]} : vector<16xi32> to vector<1xi32>
      %squeeze3A_345 = vector.extract %slice3A_344[0] : i32 from vector<1xi32>
      %add3A_346 = arith.constant 5 : i32
      %add3A_347 = arith.addi %mul3A_278, %add3A_346 : i32
      %dma_start3A_348 = arith.constant 0 : i32
      %dma_start3A_349 = tpu.memref_slice %arg7[%add3A_347, %dma_start3A_348] : memref<200x64xf32, #tpu.memory_space<vmem>> -> memref<1x64xf32, #tpu.memory_space<vmem>>
      %dma_start3A_350 = arith.constant 0 : i32
      %dma_start3A_351 = tpu.memref_slice %arg2[%squeeze3A_345, %dma_start3A_350] : memref<1000000x64xf32, #tpu.memory_space<hbm>> -> memref<1x64xf32, #tpu.memory_space<hbm>>
      %dma_start3A_352 = arith.constant 0 : i32
      %dma_start3A_353 = tpu.memref_slice %arg7[%add3A_347, %dma_start3A_352] : memref<200x64xf32, #tpu.memory_space<vmem>> -> memref<1x64xf32, #tpu.memory_space<vmem>>
      %dma_start3A_354 = arith.constant 0 : i32
      %dma_start3A_355 = tpu.memref_slice %arg2[%squeeze3A_345, %dma_start3A_354] : memref<1000000x64xf32, #tpu.memory_space<hbm>> -> memref<1x64xf32, #tpu.memory_space<hbm>>
      tpu.enqueue_dma source(%dma_start3A_355 : memref<1x64xf32, #tpu.memory_space<hbm>>) target(%dma_start3A_353 : memref<1x64xf32, #tpu.memory_space<vmem>>) target_semaphore(%arg9 : memref<!tpu.dma_semaphore, #tpu.memory_space<semaphore_mem>>)
      %slice3A_356 = vector.extract_strided_slice %get3A_283 {offsets = [6], sizes = [1], strides = [1]} : vector<16xi32> to vector<1xi32>
      %squeeze3A_357 = vector.extract %slice3A_356[0] : i32 from vector<1xi32>
      %add3A_358 = arith.constant 6 : i32
      %add3A_359 = arith.addi %mul3A_278, %add3A_358 : i32
      %dma_start3A_360 = arith.constant 0 : i32
      %dma_start3A_361 = tpu.memref_slice %arg7[%add3A_359, %dma_start3A_360] : memref<200x64xf32, #tpu.memory_space<vmem>> -> memref<1x64xf32, #tpu.memory_space<vmem>>
      %dma_start3A_362 = arith.constant 0 : i32
      %dma_start3A_363 = tpu.memref_slice %arg2[%squeeze3A_357, %dma_start3A_362] : memref<1000000x64xf32, #tpu.memory_space<hbm>> -> memref<1x64xf32, #tpu.memory_space<hbm>>
      %dma_start3A_364 = arith.constant 0 : i32
      %dma_start3A_365 = tpu.memref_slice %arg7[%add3A_359, %dma_start3A_364] : memref<200x64xf32, #tpu.memory_space<vmem>> -> memref<1x64xf32, #tpu.memory_space<vmem>>
      %dma_start3A_366 = arith.constant 0 : i32
      %dma_start3A_367 = tpu.memref_slice %arg2[%squeeze3A_357, %dma_start3A_366] : memref<1000000x64xf32, #tpu.memory_space<hbm>> -> memref<1x64xf32, #tpu.memory_space<hbm>>
      tpu.enqueue_dma source(%dma_start3A_367 : memref<1x64xf32, #tpu.memory_space<hbm>>) target(%dma_start3A_365 : memref<1x64xf32, #tpu.memory_space<vmem>>) target_semaphore(%arg9 : memref<!tpu.dma_semaphore, #tpu.memory_space<semaphore_mem>>)
      %slice3A_368 = vector.extract_strided_slice %get3A_283 {offsets = [7], sizes = [1], strides = [1]} : vector<16xi32> to vector<1xi32>
      %squeeze3A_369 = vector.extract %slice3A_368[0] : i32 from vector<1xi32>
      %add3A_370 = arith.constant 7 : i32
      %add3A_371 = arith.addi %mul3A_278, %add3A_370 : i32
      %dma_start3A_372 = arith.constant 0 : i32
      %dma_start3A_373 = tpu.memref_slice %arg7[%add3A_371, %dma_start3A_372] : memref<200x64xf32, #tpu.memory_space<vmem>> -> memref<1x64xf32, #tpu.memory_space<vmem>>
      %dma_start3A_374 = arith.constant 0 : i32
      %dma_start3A_375 = tpu.memref_slice %arg2[%squeeze3A_369, %dma_start3A_374] : memref<1000000x64xf32, #tpu.memory_space<hbm>> -> memref<1x64xf32, #tpu.memory_space<hbm>>
      %dma_start3A_376 = arith.constant 0 : i32
      %dma_start3A_377 = tpu.memref_slice %arg7[%add3A_371, %dma_start3A_376] : memref<200x64xf32, #tpu.memory_space<vmem>> -> memref<1x64xf32, #tpu.memory_space<vmem>>
      %dma_start3A_378 = arith.constant 0 : i32
      %dma_start3A_379 = tpu.memref_slice %arg2[%squeeze3A_369, %dma_start3A_378] : memref<1000000x64xf32, #tpu.memory_space<hbm>> -> memref<1x64xf32, #tpu.memory_space<hbm>>
      tpu.enqueue_dma source(%dma_start3A_379 : memref<1x64xf32, #tpu.memory_space<hbm>>) target(%dma_start3A_377 : memref<1x64xf32, #tpu.memory_space<vmem>>) target_semaphore(%arg9 : memref<!tpu.dma_semaphore, #tpu.memory_space<semaphore_mem>>)
      %slice3A_380 = vector.extract_strided_slice %get3A_283 {offsets = [8], sizes = [1], strides = [1]} : vector<16xi32> to vector<1xi32>
      %squeeze3A_381 = vector.extract %slice3A_380[0] : i32 from vector<1xi32>
      %add3A_382 = arith.constant 8 : i32
      %add3A_383 = arith.addi %mul3A_278, %add3A_382 : i32
      %dma_start3A_384 = arith.constant 0 : i32
      %dma_start3A_385 = tpu.memref_slice %arg7[%add3A_383, %dma_start3A_384] : memref<200x64xf32, #tpu.memory_space<vmem>> -> memref<1x64xf32, #tpu.memory_space<vmem>>
      %dma_start3A_386 = arith.constant 0 : i32
      %dma_start3A_387 = tpu.memref_slice %arg2[%squeeze3A_381, %dma_start3A_386] : memref<1000000x64xf32, #tpu.memory_space<hbm>> -> memref<1x64xf32, #tpu.memory_space<hbm>>
      %dma_start3A_388 = arith.constant 0 : i32
      %dma_start3A_389 = tpu.memref_slice %arg7[%add3A_383, %dma_start3A_388] : memref<200x64xf32, #tpu.memory_space<vmem>> -> memref<1x64xf32, #tpu.memory_space<vmem>>
      %dma_start3A_390 = arith.constant 0 : i32
      %dma_start3A_391 = tpu.memref_slice %arg2[%squeeze3A_381, %dma_start3A_390] : memref<1000000x64xf32, #tpu.memory_space<hbm>> -> memref<1x64xf32, #tpu.memory_space<hbm>>
      tpu.enqueue_dma source(%dma_start3A_391 : memref<1x64xf32, #tpu.memory_space<hbm>>) target(%dma_start3A_389 : memref<1x64xf32, #tpu.memory_space<vmem>>) target_semaphore(%arg9 : memref<!tpu.dma_semaphore, #tpu.memory_space<semaphore_mem>>)
      %slice3A_392 = vector.extract_strided_slice %get3A_283 {offsets = [9], sizes = [1], strides = [1]} : vector<16xi32> to vector<1xi32>
      %squeeze3A_393 = vector.extract %slice3A_392[0] : i32 from vector<1xi32>
      %add3A_394 = arith.constant 9 : i32
      %add3A_395 = arith.addi %mul3A_278, %add3A_394 : i32
      %dma_start3A_396 = arith.constant 0 : i32
      %dma_start3A_397 = tpu.memref_slice %arg7[%add3A_395, %dma_start3A_396] : memref<200x64xf32, #tpu.memory_space<vmem>> -> memref<1x64xf32, #tpu.memory_space<vmem>>
      %dma_start3A_398 = arith.constant 0 : i32
      %dma_start3A_399 = tpu.memref_slice %arg2[%squeeze3A_393, %dma_start3A_398] : memref<1000000x64xf32, #tpu.memory_space<hbm>> -> memref<1x64xf32, #tpu.memory_space<hbm>>
      %dma_start3A_400 = arith.constant 0 : i32
      %dma_start3A_401 = tpu.memref_slice %arg7[%add3A_395, %dma_start3A_400] : memref<200x64xf32, #tpu.memory_space<vmem>> -> memref<1x64xf32, #tpu.memory_space<vmem>>
      %dma_start3A_402 = arith.constant 0 : i32
      %dma_start3A_403 = tpu.memref_slice %arg2[%squeeze3A_393, %dma_start3A_402] : memref<1000000x64xf32, #tpu.memory_space<hbm>> -> memref<1x64xf32, #tpu.memory_space<hbm>>
      tpu.enqueue_dma source(%dma_start3A_403 : memref<1x64xf32, #tpu.memory_space<hbm>>) target(%dma_start3A_401 : memref<1x64xf32, #tpu.memory_space<vmem>>) target_semaphore(%arg9 : memref<!tpu.dma_semaphore, #tpu.memory_space<semaphore_mem>>)
      %slice3A_404 = vector.extract_strided_slice %get3A_283 {offsets = [10], sizes = [1], strides = [1]} : vector<16xi32> to vector<1xi32>
      %squeeze3A_405 = vector.extract %slice3A_404[0] : i32 from vector<1xi32>
      %add3A_406 = arith.constant 10 : i32
      %add3A_407 = arith.addi %mul3A_278, %add3A_406 : i32
      %dma_start3A_408 = arith.constant 0 : i32
      %dma_start3A_409 = tpu.memref_slice %arg7[%add3A_407, %dma_start3A_408] : memref<200x64xf32, #tpu.memory_space<vmem>> -> memref<1x64xf32, #tpu.memory_space<vmem>>
      %dma_start3A_410 = arith.constant 0 : i32
      %dma_start3A_411 = tpu.memref_slice %arg2[%squeeze3A_405, %dma_start3A_410] : memref<1000000x64xf32, #tpu.memory_space<hbm>> -> memref<1x64xf32, #tpu.memory_space<hbm>>
      %dma_start3A_412 = arith.constant 0 : i32
      %dma_start3A_413 = tpu.memref_slice %arg7[%add3A_407, %dma_start3A_412] : memref<200x64xf32, #tpu.memory_space<vmem>> -> memref<1x64xf32, #tpu.memory_space<vmem>>
      %dma_start3A_414 = arith.constant 0 : i32
      %dma_start3A_415 = tpu.memref_slice %arg2[%squeeze3A_405, %dma_start3A_414] : memref<1000000x64xf32, #tpu.memory_space<hbm>> -> memref<1x64xf32, #tpu.memory_space<hbm>>
      tpu.enqueue_dma source(%dma_start3A_415 : memref<1x64xf32, #tpu.memory_space<hbm>>) target(%dma_start3A_413 : memref<1x64xf32, #tpu.memory_space<vmem>>) target_semaphore(%arg9 : memref<!tpu.dma_semaphore, #tpu.memory_space<semaphore_mem>>)
      %slice3A_416 = vector.extract_strided_slice %get3A_283 {offsets = [11], sizes = [1], strides = [1]} : vector<16xi32> to vector<1xi32>
      %squeeze3A_417 = vector.extract %slice3A_416[0] : i32 from vector<1xi32>
      %add3A_418 = arith.constant 11 : i32
      %add3A_419 = arith.addi %mul3A_278, %add3A_418 : i32
      %dma_start3A_420 = arith.constant 0 : i32
      %dma_start3A_421 = tpu.memref_slice %arg7[%add3A_419, %dma_start3A_420] : memref<200x64xf32, #tpu.memory_space<vmem>> -> memref<1x64xf32, #tpu.memory_space<vmem>>
      %dma_start3A_422 = arith.constant 0 : i32
      %dma_start3A_423 = tpu.memref_slice %arg2[%squeeze3A_417, %dma_start3A_422] : memref<1000000x64xf32, #tpu.memory_space<hbm>> -> memref<1x64xf32, #tpu.memory_space<hbm>>
      %dma_start3A_424 = arith.constant 0 : i32
      %dma_start3A_425 = tpu.memref_slice %arg7[%add3A_419, %dma_start3A_424] : memref<200x64xf32, #tpu.memory_space<vmem>> -> memref<1x64xf32, #tpu.memory_space<vmem>>
      %dma_start3A_426 = arith.constant 0 : i32
      %dma_start3A_427 = tpu.memref_slice %arg2[%squeeze3A_417, %dma_start3A_426] : memref<1000000x64xf32, #tpu.memory_space<hbm>> -> memref<1x64xf32, #tpu.memory_space<hbm>>
      tpu.enqueue_dma source(%dma_start3A_427 : memref<1x64xf32, #tpu.memory_space<hbm>>) target(%dma_start3A_425 : memref<1x64xf32, #tpu.memory_space<vmem>>) target_semaphore(%arg9 : memref<!tpu.dma_semaphore, #tpu.memory_space<semaphore_mem>>)
      %slice3A_428 = vector.extract_strided_slice %get3A_283 {offsets = [12], sizes = [1], strides = [1]} : vector<16xi32> to vector<1xi32>
      %squeeze3A_429 = vector.extract %slice3A_428[0] : i32 from vector<1xi32>
      %add3A_430 = arith.constant 12 : i32
      %add3A_431 = arith.addi %mul3A_278, %add3A_430 : i32
      %dma_start3A_432 = arith.constant 0 : i32
      %dma_start3A_433 = tpu.memref_slice %arg7[%add3A_431, %dma_start3A_432] : memref<200x64xf32, #tpu.memory_space<vmem>> -> memref<1x64xf32, #tpu.memory_space<vmem>>
      %dma_start3A_434 = arith.constant 0 : i32
      %dma_start3A_435 = tpu.memref_slice %arg2[%squeeze3A_429, %dma_start3A_434] : memref<1000000x64xf32, #tpu.memory_space<hbm>> -> memref<1x64xf32, #tpu.memory_space<hbm>>
      %dma_start3A_436 = arith.constant 0 : i32
      %dma_start3A_437 = tpu.memref_slice %arg7[%add3A_431, %dma_start3A_436] : memref<200x64xf32, #tpu.memory_space<vmem>> -> memref<1x64xf32, #tpu.memory_space<vmem>>
      %dma_start3A_438 = arith.constant 0 : i32
      %dma_start3A_439 = tpu.memref_slice %arg2[%squeeze3A_429, %dma_start3A_438] : memref<1000000x64xf32, #tpu.memory_space<hbm>> -> memref<1x64xf32, #tpu.memory_space<hbm>>
      tpu.enqueue_dma source(%dma_start3A_439 : memref<1x64xf32, #tpu.memory_space<hbm>>) target(%dma_start3A_437 : memref<1x64xf32, #tpu.memory_space<vmem>>) target_semaphore(%arg9 : memref<!tpu.dma_semaphore, #tpu.memory_space<semaphore_mem>>)
      %slice3A_440 = vector.extract_strided_slice %get3A_283 {offsets = [13], sizes = [1], strides = [1]} : vector<16xi32> to vector<1xi32>
      %squeeze3A_441 = vector.extract %slice3A_440[0] : i32 from vector<1xi32>
      %add3A_442 = arith.constant 13 : i32
      %add3A_443 = arith.addi %mul3A_278, %add3A_442 : i32
      %dma_start3A_444 = arith.constant 0 : i32
      %dma_start3A_445 = tpu.memref_slice %arg7[%add3A_443, %dma_start3A_444] : memref<200x64xf32, #tpu.memory_space<vmem>> -> memref<1x64xf32, #tpu.memory_space<vmem>>
      %dma_start3A_446 = arith.constant 0 : i32
      %dma_start3A_447 = tpu.memref_slice %arg2[%squeeze3A_441, %dma_start3A_446] : memref<1000000x64xf32, #tpu.memory_space<hbm>> -> memref<1x64xf32, #tpu.memory_space<hbm>>
      %dma_start3A_448 = arith.constant 0 : i32
      %dma_start3A_449 = tpu.memref_slice %arg7[%add3A_443, %dma_start3A_448] : memref<200x64xf32, #tpu.memory_space<vmem>> -> memref<1x64xf32, #tpu.memory_space<vmem>>
      %dma_start3A_450 = arith.constant 0 : i32
      %dma_start3A_451 = tpu.memref_slice %arg2[%squeeze3A_441, %dma_start3A_450] : memref<1000000x64xf32, #tpu.memory_space<hbm>> -> memref<1x64xf32, #tpu.memory_space<hbm>>
      tpu.enqueue_dma source(%dma_start3A_451 : memref<1x64xf32, #tpu.memory_space<hbm>>) target(%dma_start3A_449 : memref<1x64xf32, #tpu.memory_space<vmem>>) target_semaphore(%arg9 : memref<!tpu.dma_semaphore, #tpu.memory_space<semaphore_mem>>)
      %slice3A_452 = vector.extract_strided_slice %get3A_283 {offsets = [14], sizes = [1], strides = [1]} : vector<16xi32> to vector<1xi32>
      %squeeze3A_453 = vector.extract %slice3A_452[0] : i32 from vector<1xi32>
      %add3A_454 = arith.constant 14 : i32
      %add3A_455 = arith.addi %mul3A_278, %add3A_454 : i32
      %dma_start3A_456 = arith.constant 0 : i32
      %dma_start3A_457 = tpu.memref_slice %arg7[%add3A_455, %dma_start3A_456] : memref<200x64xf32, #tpu.memory_space<vmem>> -> memref<1x64xf32, #tpu.memory_space<vmem>>
      %dma_start3A_458 = arith.constant 0 : i32
      %dma_start3A_459 = tpu.memref_slice %arg2[%squeeze3A_453, %dma_start3A_458] : memref<1000000x64xf32, #tpu.memory_space<hbm>> -> memref<1x64xf32, #tpu.memory_space<hbm>>
      %dma_start3A_460 = arith.constant 0 : i32
      %dma_start3A_461 = tpu.memref_slice %arg7[%add3A_455, %dma_start3A_460] : memref<200x64xf32, #tpu.memory_space<vmem>> -> memref<1x64xf32, #tpu.memory_space<vmem>>
      %dma_start3A_462 = arith.constant 0 : i32
      %dma_start3A_463 = tpu.memref_slice %arg2[%squeeze3A_453, %dma_start3A_462] : memref<1000000x64xf32, #tpu.memory_space<hbm>> -> memref<1x64xf32, #tpu.memory_space<hbm>>
      tpu.enqueue_dma source(%dma_start3A_463 : memref<1x64xf32, #tpu.memory_space<hbm>>) target(%dma_start3A_461 : memref<1x64xf32, #tpu.memory_space<vmem>>) target_semaphore(%arg9 : memref<!tpu.dma_semaphore, #tpu.memory_space<semaphore_mem>>)
      %slice3A_464 = vector.extract_strided_slice %get3A_283 {offsets = [15], sizes = [1], strides = [1]} : vector<16xi32> to vector<1xi32>
      %squeeze3A_465 = vector.extract %slice3A_464[0] : i32 from vector<1xi32>
      %add3A_466 = arith.constant 15 : i32
      %add3A_467 = arith.addi %mul3A_278, %add3A_466 : i32
      %dma_start3A_468 = arith.constant 0 : i32
      %dma_start3A_469 = tpu.memref_slice %arg7[%add3A_467, %dma_start3A_468] : memref<200x64xf32, #tpu.memory_space<vmem>> -> memref<1x64xf32, #tpu.memory_space<vmem>>
      %dma_start3A_470 = arith.constant 0 : i32
      %dma_start3A_471 = tpu.memref_slice %arg2[%squeeze3A_465, %dma_start3A_470] : memref<1000000x64xf32, #tpu.memory_space<hbm>> -> memref<1x64xf32, #tpu.memory_space<hbm>>
      %dma_start3A_472 = arith.constant 0 : i32
      %dma_start3A_473 = tpu.memref_slice %arg7[%add3A_467, %dma_start3A_472] : memref<200x64xf32, #tpu.memory_space<vmem>> -> memref<1x64xf32, #tpu.memory_space<vmem>>
      %dma_start3A_474 = arith.constant 0 : i32
      %dma_start3A_475 = tpu.memref_slice %arg2[%squeeze3A_465, %dma_start3A_474] : memref<1000000x64xf32, #tpu.memory_space<hbm>> -> memref<1x64xf32, #tpu.memory_space<hbm>>
      tpu.enqueue_dma source(%dma_start3A_475 : memref<1x64xf32, #tpu.memory_space<hbm>>) target(%dma_start3A_473 : memref<1x64xf32, #tpu.memory_space<vmem>>) target_semaphore(%arg9 : memref<!tpu.dma_semaphore, #tpu.memory_space<semaphore_mem>>)
    }
    %scan3A_108 = arith.constant 12 : i32
    %get3A_109 = arith.constant 1 : i32
    %get3A_110 = arith.index_cast %get3A_109 : i32 to index
    %get3A_111 = arith.constant 184 : index
    %get3A_112 = tpu.vector_load %arg5[%get3A_110, %get3A_111] {strides = array<i32>} : memref<32x200xi32, #tpu.memory_space<vmem>>, vector<1x16xi32>,
    %get3A_113 = vector.shape_cast %get3A_112 : vector<1x16xi32> to vector<16xi32>
    %slice3A_114 = vector.extract_strided_slice %get3A_113 {offsets = [8], sizes = [1], strides = [1]} : vector<16xi32> to vector<1xi32>
    %squeeze3A_115 = vector.extract %slice3A_114[0] : i32 from vector<1xi32>
    %dma_start3A_116 = arith.constant 192 : i32
    %dma_start3A_117 = arith.constant 0 : i32
    %dma_start3A_118 = tpu.memref_slice %arg7[%dma_start3A_116, %dma_start3A_117] : memref<200x64xf32, #tpu.memory_space<vmem>> -> memref<1x64xf32, #tpu.memory_space<vmem>>
    %dma_start3A_119 = arith.constant 0 : i32
    %dma_start3A_120 = tpu.memref_slice %arg2[%squeeze3A_115, %dma_start3A_119] : memref<1000000x64xf32, #tpu.memory_space<hbm>> -> memref<1x64xf32, #tpu.memory_space<hbm>>
    %dma_start3A_121 = arith.constant 192 : i32
    %dma_start3A_122 = arith.constant 0 : i32
    %dma_start3A_123 = tpu.memref_slice %arg7[%dma_start3A_121, %dma_start3A_122] : memref<200x64xf32, #tpu.memory_space<vmem>> -> memref<1x64xf32, #tpu.memory_space<vmem>>
    %dma_start3A_124 = arith.constant 0 : i32
    %dma_start3A_125 = tpu.memref_slice %arg2[%squeeze3A_115, %dma_start3A_124] : memref<1000000x64xf32, #tpu.memory_space<hbm>> -> memref<1x64xf32, #tpu.memory_space<hbm>>
    tpu.enqueue_dma source(%dma_start3A_125 : memref<1x64xf32, #tpu.memory_space<hbm>>) target(%dma_start3A_123 : memref<1x64xf32, #tpu.memory_space<vmem>>) target_semaphore(%arg9 : memref<!tpu.dma_semaphore, #tpu.memory_space<semaphore_mem>>)
    %slice3A_126 = vector.extract_strided_slice %get3A_113 {offsets = [9], sizes = [1], strides = [1]} : vector<16xi32> to vector<1xi32>
    %squeeze3A_127 = vector.extract %slice3A_126[0] : i32 from vector<1xi32>
    %dma_start3A_128 = arith.constant 193 : i32
    %dma_start3A_129 = arith.constant 0 : i32
    %dma_start3A_130 = tpu.memref_slice %arg7[%dma_start3A_128, %dma_start3A_129] : memref<200x64xf32, #tpu.memory_space<vmem>> -> memref<1x64xf32, #tpu.memory_space<vmem>>
    %dma_start3A_131 = arith.constant 0 : i32
    %dma_start3A_132 = tpu.memref_slice %arg2[%squeeze3A_127, %dma_start3A_131] : memref<1000000x64xf32, #tpu.memory_space<hbm>> -> memref<1x64xf32, #tpu.memory_space<hbm>>
    %dma_start3A_133 = arith.constant 193 : i32
    %dma_start3A_134 = arith.constant 0 : i32
    %dma_start3A_135 = tpu.memref_slice %arg7[%dma_start3A_133, %dma_start3A_134] : memref<200x64xf32, #tpu.memory_space<vmem>> -> memref<1x64xf32, #tpu.memory_space<vmem>>
    %dma_start3A_136 = arith.constant 0 : i32
    %dma_start3A_137 = tpu.memref_slice %arg2[%squeeze3A_127, %dma_start3A_136] : memref<1000000x64xf32, #tpu.memory_space<hbm>> -> memref<1x64xf32, #tpu.memory_space<hbm>>
    tpu.enqueue_dma source(%dma_start3A_137 : memref<1x64xf32, #tpu.memory_space<hbm>>) target(%dma_start3A_135 : memref<1x64xf32, #tpu.memory_space<vmem>>) target_semaphore(%arg9 : memref<!tpu.dma_semaphore, #tpu.memory_space<semaphore_mem>>)
    %slice3A_138 = vector.extract_strided_slice %get3A_113 {offsets = [10], sizes = [1], strides = [1]} : vector<16xi32> to vector<1xi32>
    %squeeze3A_139 = vector.extract %slice3A_138[0] : i32 from vector<1xi32>
    %dma_start3A_140 = arith.constant 194 : i32
    %dma_start3A_141 = arith.constant 0 : i32
    %dma_start3A_142 = tpu.memref_slice %arg7[%dma_start3A_140, %dma_start3A_141] : memref<200x64xf32, #tpu.memory_space<vmem>> -> memref<1x64xf32, #tpu.memory_space<vmem>>
    %dma_start3A_143 = arith.constant 0 : i32
    %dma_start3A_144 = tpu.memref_slice %arg2[%squeeze3A_139, %dma_start3A_143] : memref<1000000x64xf32, #tpu.memory_space<hbm>> -> memref<1x64xf32, #tpu.memory_space<hbm>>
    %dma_start3A_145 = arith.constant 194 : i32
    %dma_start3A_146 = arith.constant 0 : i32
    %dma_start3A_147 = tpu.memref_slice %arg7[%dma_start3A_145, %dma_start3A_146] : memref<200x64xf32, #tpu.memory_space<vmem>> -> memref<1x64xf32, #tpu.memory_space<vmem>>
    %dma_start3A_148 = arith.constant 0 : i32
    %dma_start3A_149 = tpu.memref_slice %arg2[%squeeze3A_139, %dma_start3A_148] : memref<1000000x64xf32, #tpu.memory_space<hbm>> -> memref<1x64xf32, #tpu.memory_space<hbm>>
    tpu.enqueue_dma source(%dma_start3A_149 : memref<1x64xf32, #tpu.memory_space<hbm>>) target(%dma_start3A_147 : memref<1x64xf32, #tpu.memory_space<vmem>>) target_semaphore(%arg9 : memref<!tpu.dma_semaphore, #tpu.memory_space<semaphore_mem>>)
    %slice3A_150 = vector.extract_strided_slice %get3A_113 {offsets = [11], sizes = [1], strides = [1]} : vector<16xi32> to vector<1xi32>
    %squeeze3A_151 = vector.extract %slice3A_150[0] : i32 from vector<1xi32>
    %dma_start3A_152 = arith.constant 195 : i32
    %dma_start3A_153 = arith.constant 0 : i32
    %dma_start3A_154 = tpu.memref_slice %arg7[%dma_start3A_152, %dma_start3A_153] : memref<200x64xf32, #tpu.memory_space<vmem>> -> memref<1x64xf32, #tpu.memory_space<vmem>>
    %dma_start3A_155 = arith.constant 0 : i32
    %dma_start3A_156 = tpu.memref_slice %arg2[%squeeze3A_151, %dma_start3A_155] : memref<1000000x64xf32, #tpu.memory_space<hbm>> -> memref<1x64xf32, #tpu.memory_space<hbm>>
    %dma_start3A_157 = arith.constant 195 : i32
    %dma_start3A_158 = arith.constant 0 : i32
    %dma_start3A_159 = tpu.memref_slice %arg7[%dma_start3A_157, %dma_start3A_158] : memref<200x64xf32, #tpu.memory_space<vmem>> -> memref<1x64xf32, #tpu.memory_space<vmem>>
    %dma_start3A_160 = arith.constant 0 : i32
    %dma_start3A_161 = tpu.memref_slice %arg2[%squeeze3A_151, %dma_start3A_160] : memref<1000000x64xf32, #tpu.memory_space<hbm>> -> memref<1x64xf32, #tpu.memory_space<hbm>>
    tpu.enqueue_dma source(%dma_start3A_161 : memref<1x64xf32, #tpu.memory_space<hbm>>) target(%dma_start3A_159 : memref<1x64xf32, #tpu.memory_space<vmem>>) target_semaphore(%arg9 : memref<!tpu.dma_semaphore, #tpu.memory_space<semaphore_mem>>)
    %slice3A_162 = vector.extract_strided_slice %get3A_113 {offsets = [12], sizes = [1], strides = [1]} : vector<16xi32> to vector<1xi32>
    %squeeze3A_163 = vector.extract %slice3A_162[0] : i32 from vector<1xi32>
    %dma_start3A_164 = arith.constant 196 : i32
    %dma_start3A_165 = arith.constant 0 : i32
    %dma_start3A_166 = tpu.memref_slice %arg7[%dma_start3A_164, %dma_start3A_165] : memref<200x64xf32, #tpu.memory_space<vmem>> -> memref<1x64xf32, #tpu.memory_space<vmem>>
    %dma_start3A_167 = arith.constant 0 : i32
    %dma_start3A_168 = tpu.memref_slice %arg2[%squeeze3A_163, %dma_start3A_167] : memref<1000000x64xf32, #tpu.memory_space<hbm>> -> memref<1x64xf32, #tpu.memory_space<hbm>>
    %dma_start3A_169 = arith.constant 196 : i32
    %dma_start3A_170 = arith.constant 0 : i32
    %dma_start3A_171 = tpu.memref_slice %arg7[%dma_start3A_169, %dma_start3A_170] : memref<200x64xf32, #tpu.memory_space<vmem>> -> memref<1x64xf32, #tpu.memory_space<vmem>>
    %dma_start3A_172 = arith.constant 0 : i32
    %dma_start3A_173 = tpu.memref_slice %arg2[%squeeze3A_163, %dma_start3A_172] : memref<1000000x64xf32, #tpu.memory_space<hbm>> -> memref<1x64xf32, #tpu.memory_space<hbm>>
    tpu.enqueue_dma source(%dma_start3A_173 : memref<1x64xf32, #tpu.memory_space<hbm>>) target(%dma_start3A_171 : memref<1x64xf32, #tpu.memory_space<vmem>>) target_semaphore(%arg9 : memref<!tpu.dma_semaphore, #tpu.memory_space<semaphore_mem>>)
    %slice3A_174 = vector.extract_strided_slice %get3A_113 {offsets = [13], sizes = [1], strides = [1]} : vector<16xi32> to vector<1xi32>
    %squeeze3A_175 = vector.extract %slice3A_174[0] : i32 from vector<1xi32>
    %dma_start3A_176 = arith.constant 197 : i32
    %dma_start3A_177 = arith.constant 0 : i32
    %dma_start3A_178 = tpu.memref_slice %arg7[%dma_start3A_176, %dma_start3A_177] : memref<200x64xf32, #tpu.memory_space<vmem>> -> memref<1x64xf32, #tpu.memory_space<vmem>>
    %dma_start3A_179 = arith.constant 0 : i32
    %dma_start3A_180 = tpu.memref_slice %arg2[%squeeze3A_175, %dma_start3A_179] : memref<1000000x64xf32, #tpu.memory_space<hbm>> -> memref<1x64xf32, #tpu.memory_space<hbm>>
    %dma_start3A_181 = arith.constant 197 : i32
    %dma_start3A_182 = arith.constant 0 : i32
    %dma_start3A_183 = tpu.memref_slice %arg7[%dma_start3A_181, %dma_start3A_182] : memref<200x64xf32, #tpu.memory_space<vmem>> -> memref<1x64xf32, #tpu.memory_space<vmem>>
    %dma_start3A_184 = arith.constant 0 : i32
    %dma_start3A_185 = tpu.memref_slice %arg2[%squeeze3A_175, %dma_start3A_184] : memref<1000000x64xf32, #tpu.memory_space<hbm>> -> memref<1x64xf32, #tpu.memory_space<hbm>>
    tpu.enqueue_dma source(%dma_start3A_185 : memref<1x64xf32, #tpu.memory_space<hbm>>) target(%dma_start3A_183 : memref<1x64xf32, #tpu.memory_space<vmem>>) target_semaphore(%arg9 : memref<!tpu.dma_semaphore, #tpu.memory_space<semaphore_mem>>)
    %slice3A_186 = vector.extract_strided_slice %get3A_113 {offsets = [14], sizes = [1], strides = [1]} : vector<16xi32> to vector<1xi32>
    %squeeze3A_187 = vector.extract %slice3A_186[0] : i32 from vector<1xi32>
    %dma_start3A_188 = arith.constant 198 : i32
    %dma_start3A_189 = arith.constant 0 : i32
    %dma_start3A_190 = tpu.memref_slice %arg7[%dma_start3A_188, %dma_start3A_189] : memref<200x64xf32, #tpu.memory_space<vmem>> -> memref<1x64xf32, #tpu.memory_space<vmem>>
    %dma_start3A_191 = arith.constant 0 : i32
    %dma_start3A_192 = tpu.memref_slice %arg2[%squeeze3A_187, %dma_start3A_191] : memref<1000000x64xf32, #tpu.memory_space<hbm>> -> memref<1x64xf32, #tpu.memory_space<hbm>>
    %dma_start3A_193 = arith.constant 198 : i32
    %dma_start3A_194 = arith.constant 0 : i32
    %dma_start3A_195 = tpu.memref_slice %arg7[%dma_start3A_193, %dma_start3A_194] : memref<200x64xf32, #tpu.memory_space<vmem>> -> memref<1x64xf32, #tpu.memory_space<vmem>>
    %dma_start3A_196 = arith.constant 0 : i32
    %dma_start3A_197 = tpu.memref_slice %arg2[%squeeze3A_187, %dma_start3A_196] : memref<1000000x64xf32, #tpu.memory_space<hbm>> -> memref<1x64xf32, #tpu.memory_space<hbm>>
    tpu.enqueue_dma source(%dma_start3A_197 : memref<1x64xf32, #tpu.memory_space<hbm>>) target(%dma_start3A_195 : memref<1x64xf32, #tpu.memory_space<vmem>>) target_semaphore(%arg9 : memref<!tpu.dma_semaphore, #tpu.memory_space<semaphore_mem>>)
    %slice3A_198 = vector.extract_strided_slice %get3A_113 {offsets = [15], sizes = [1], strides = [1]} : vector<16xi32> to vector<1xi32>
    %squeeze3A_199 = vector.extract %slice3A_198[0] : i32 from vector<1xi32>
    %dma_start3A_200 = arith.constant 199 : i32
    %dma_start3A_201 = arith.constant 0 : i32
    %dma_start3A_202 = tpu.memref_slice %arg7[%dma_start3A_200, %dma_start3A_201] : memref<200x64xf32, #tpu.memory_space<vmem>> -> memref<1x64xf32, #tpu.memory_space<vmem>>
    %dma_start3A_203 = arith.constant 0 : i32
    %dma_start3A_204 = tpu.memref_slice %arg2[%squeeze3A_199, %dma_start3A_203] : memref<1000000x64xf32, #tpu.memory_space<hbm>> -> memref<1x64xf32, #tpu.memory_space<hbm>>
    %dma_start3A_205 = arith.constant 199 : i32
    %dma_start3A_206 = arith.constant 0 : i32
    %dma_start3A_207 = tpu.memref_slice %arg7[%dma_start3A_205, %dma_start3A_206] : memref<200x64xf32, #tpu.memory_space<vmem>> -> memref<1x64xf32, #tpu.memory_space<vmem>>
    %dma_start3A_208 = arith.constant 0 : i32
    %dma_start3A_209 = tpu.memref_slice %arg2[%squeeze3A_199, %dma_start3A_208] : memref<1000000x64xf32, #tpu.memory_space<hbm>> -> memref<1x64xf32, #tpu.memory_space<hbm>>
    tpu.enqueue_dma source(%dma_start3A_209 : memref<1x64xf32, #tpu.memory_space<hbm>>) target(%dma_start3A_207 : memref<1x64xf32, #tpu.memory_space<vmem>>) target_semaphore(%arg9 : memref<!tpu.dma_semaphore, #tpu.memory_space<semaphore_mem>>)
    %dma_wait3A = arith.constant 0 : i32
    %dma_wait3A_210 = arith.constant 0 : i32
    %dma_wait3A_211 = tpu.memref_slice %arg2[%dma_wait3A, %dma_wait3A_210] : memref<1000000x64xf32, #tpu.memory_space<hbm>> -> memref<200x64xf32, #tpu.memory_space<hbm>>
    %dma_wait3A_212 = arith.constant 0 : i32
    %dma_wait3A_213 = arith.constant 0 : i32
    %dma_wait3A_214 = tpu.memref_slice %arg2[%dma_wait3A_212, %dma_wait3A_213] : memref<1000000x64xf32, #tpu.memory_space<hbm>> -> memref<200x64xf32, #tpu.memory_space<hbm>>
    tpu.wait_dma2 semaphore(%arg8 : memref<!tpu.dma_semaphore, #tpu.memory_space<semaphore_mem>>) src(%dma_wait3A_214 : memref<200x64xf32, #tpu.memory_space<hbm>>) dst(%arg6 : memref<200x64xf32, #tpu.memory_space<vmem>>)
    %scan3A_215 = arith.constant 0 : i32
    %scan3A_216 = arith.constant 200 : i32
    %scan3A_217 = arith.addi %scan3A_215, %scan3A_216 : i32
    %scan3A_218 = arith.constant 4 : i32
    scf.for %scan3A_272 = %scan3A_215 to %scan3A_217 step %scan3A_218  : i32 {
      %mul3A_273 = arith.constant 1 : i32
      %mul3A_274 = arith.muli %scan3A_272, %mul3A_273 : i32
      %add3A_275 = arith.constant 0 : i32
      %add3A_276 = arith.addi %add3A_275, %mul3A_274 : i32
      %get3A_277 = arith.index_cast %add3A_276 : i32 to index
      %get3A_278 = arith.constant 0 : index
      %get3A_279 = tpu.vector_load %arg6[%get3A_277, %get3A_278] {strides = array<i32>} : memref<200x64xf32, #tpu.memory_space<vmem>>, vector<1x16xf32>,
      %get3A_280 = vector.shape_cast %get3A_279 : vector<1x16xf32> to vector<16xf32>
      %mul3A_281 = arith.constant 8.000000e+00 : f32
      %mul3A_282 = vector.broadcast %mul3A_281 : f32 to vector<16xf32>
      %mul3A_283 = arith.mulf %get3A_280, %mul3A_282 : vector<16xf32>
      %swap3A = arith.index_cast %add3A_276 : i32 to index
      %swap3A_284 = arith.constant 0 : index
      %swap3A_285 = tpu.vector_load %arg6[%swap3A, %swap3A_284] {strides = array<i32>} : memref<200x64xf32, #tpu.memory_space<vmem>>, vector<1x16xf32>,
      %swap3A_286 = vector.shape_cast %swap3A_285 : vector<1x16xf32> to vector<16xf32>
      %swap3A_287 = vector.shape_cast %mul3A_283 : vector<16xf32> to vector<1x16xf32>
      tpu.vector_store %arg6[%swap3A, %swap3A_284], %swap3A_287 {strides = array<i32>} : memref<200x64xf32, #tpu.memory_space<vmem>>, vector<1x16xf32>,
      %get3A_288 = arith.index_cast %add3A_276 : i32 to index
      %get3A_289 = arith.constant 16 : index
      %get3A_290 = tpu.vector_load %arg6[%get3A_288, %get3A_289] {strides = array<i32>} : memref<200x64xf32, #tpu.memory_space<vmem>>, vector<1x16xf32>,
      %get3A_291 = vector.shape_cast %get3A_290 : vector<1x16xf32> to vector<16xf32>
      %mul3A_292 = arith.constant 8.000000e+00 : f32
      %mul3A_293 = vector.broadcast %mul3A_292 : f32 to vector<16xf32>
      %mul3A_294 = arith.mulf %get3A_291, %mul3A_293 : vector<16xf32>
      %swap3A_295 = arith.index_cast %add3A_276 : i32 to index
      %swap3A_296 = arith.constant 16 : index
      %swap3A_297 = tpu.vector_load %arg6[%swap3A_295, %swap3A_296] {strides = array<i32>} : memref<200x64xf32, #tpu.memory_space<vmem>>, vector<1x16xf32>,
      %swap3A_298 = vector.shape_cast %swap3A_297 : vector<1x16xf32> to vector<16xf32>
      %swap3A_299 = vector.shape_cast %mul3A_294 : vector<16xf32> to vector<1x16xf32>
      tpu.vector_store %arg6[%swap3A_295, %swap3A_296], %swap3A_299 {strides = array<i32>} : memref<200x64xf32, #tpu.memory_space<vmem>>, vector<1x16xf32>,
      %get3A_300 = arith.index_cast %add3A_276 : i32 to index
      %get3A_301 = arith.constant 32 : index
      %get3A_302 = tpu.vector_load %arg6[%get3A_300, %get3A_301] {strides = array<i32>} : memref<200x64xf32, #tpu.memory_space<vmem>>, vector<1x16xf32>,
      %get3A_303 = vector.shape_cast %get3A_302 : vector<1x16xf32> to vector<16xf32>
      %mul3A_304 = arith.constant 8.000000e+00 : f32
      %mul3A_305 = vector.broadcast %mul3A_304 : f32 to vector<16xf32>
      %mul3A_306 = arith.mulf %get3A_303, %mul3A_305 : vector<16xf32>
      %swap3A_307 = arith.index_cast %add3A_276 : i32 to index
      %swap3A_308 = arith.constant 32 : index
      %swap3A_309 = tpu.vector_load %arg6[%swap3A_307, %swap3A_308] {strides = array<i32>} : memref<200x64xf32, #tpu.memory_space<vmem>>, vector<1x16xf32>,
      %swap3A_310 = vector.shape_cast %swap3A_309 : vector<1x16xf32> to vector<16xf32>
      %swap3A_311 = vector.shape_cast %mul3A_306 : vector<16xf32> to vector<1x16xf32>
      tpu.vector_store %arg6[%swap3A_307, %swap3A_308], %swap3A_311 {strides = array<i32>} : memref<200x64xf32, #tpu.memory_space<vmem>>, vector<1x16xf32>,
      %get3A_312 = arith.index_cast %add3A_276 : i32 to index
      %get3A_313 = arith.constant 48 : index
      %get3A_314 = tpu.vector_load %arg6[%get3A_312, %get3A_313] {strides = array<i32>} : memref<200x64xf32, #tpu.memory_space<vmem>>, vector<1x16xf32>,
      %get3A_315 = vector.shape_cast %get3A_314 : vector<1x16xf32> to vector<16xf32>
      %mul3A_316 = arith.constant 8.000000e+00 : f32
      %mul3A_317 = vector.broadcast %mul3A_316 : f32 to vector<16xf32>
      %mul3A_318 = arith.mulf %get3A_315, %mul3A_317 : vector<16xf32>
      %swap3A_319 = arith.index_cast %add3A_276 : i32 to index
      %swap3A_320 = arith.constant 48 : index
      %swap3A_321 = tpu.vector_load %arg6[%swap3A_319, %swap3A_320] {strides = array<i32>} : memref<200x64xf32, #tpu.memory_space<vmem>>, vector<1x16xf32>,
      %swap3A_322 = vector.shape_cast %swap3A_321 : vector<1x16xf32> to vector<16xf32>
      %swap3A_323 = vector.shape_cast %mul3A_318 : vector<16xf32> to vector<1x16xf32>
      tpu.vector_store %arg6[%swap3A_319, %swap3A_320], %swap3A_323 {strides = array<i32>} : memref<200x64xf32, #tpu.memory_space<vmem>>, vector<1x16xf32>,
      %scan3A_324 = arith.constant 1 : i32
      %scan3A_325 = arith.addi %scan3A_272, %scan3A_324 : i32
      %mul3A_326 = arith.constant 1 : i32
      %mul3A_327 = arith.muli %scan3A_325, %mul3A_326 : i32
      %add3A_328 = arith.constant 0 : i32
      %add3A_329 = arith.addi %add3A_328, %mul3A_327 : i32
      %get3A_330 = arith.index_cast %add3A_329 : i32 to index
      %get3A_331 = arith.constant 0 : index
      %get3A_332 = tpu.vector_load %arg6[%get3A_330, %get3A_331] {strides = array<i32>} : memref<200x64xf32, #tpu.memory_space<vmem>>, vector<1x16xf32>,
      %get3A_333 = vector.shape_cast %get3A_332 : vector<1x16xf32> to vector<16xf32>
      %mul3A_334 = arith.constant 8.000000e+00 : f32
      %mul3A_335 = vector.broadcast %mul3A_334 : f32 to vector<16xf32>
      %mul3A_336 = arith.mulf %get3A_333, %mul3A_335 : vector<16xf32>
      %swap3A_337 = arith.index_cast %add3A_329 : i32 to index
      %swap3A_338 = arith.constant 0 : index
      %swap3A_339 = tpu.vector_load %arg6[%swap3A_337, %swap3A_338] {strides = array<i32>} : memref<200x64xf32, #tpu.memory_space<vmem>>, vector<1x16xf32>,
      %swap3A_340 = vector.shape_cast %swap3A_339 : vector<1x16xf32> to vector<16xf32>
      %swap3A_341 = vector.shape_cast %mul3A_336 : vector<16xf32> to vector<1x16xf32>
      tpu.vector_store %arg6[%swap3A_337, %swap3A_338], %swap3A_341 {strides = array<i32>} : memref<200x64xf32, #tpu.memory_space<vmem>>, vector<1x16xf32>,
      %get3A_342 = arith.index_cast %add3A_329 : i32 to index
      %get3A_343 = arith.constant 16 : index
      %get3A_344 = tpu.vector_load %arg6[%get3A_342, %get3A_343] {strides = array<i32>} : memref<200x64xf32, #tpu.memory_space<vmem>>, vector<1x16xf32>,
      %get3A_345 = vector.shape_cast %get3A_344 : vector<1x16xf32> to vector<16xf32>
      %mul3A_346 = arith.constant 8.000000e+00 : f32
      %mul3A_347 = vector.broadcast %mul3A_346 : f32 to vector<16xf32>
      %mul3A_348 = arith.mulf %get3A_345, %mul3A_347 : vector<16xf32>
      %swap3A_349 = arith.index_cast %add3A_329 : i32 to index
      %swap3A_350 = arith.constant 16 : index
      %swap3A_351 = tpu.vector_load %arg6[%swap3A_349, %swap3A_350] {strides = array<i32>} : memref<200x64xf32, #tpu.memory_space<vmem>>, vector<1x16xf32>,
      %swap3A_352 = vector.shape_cast %swap3A_351 : vector<1x16xf32> to vector<16xf32>
      %swap3A_353 = vector.shape_cast %mul3A_348 : vector<16xf32> to vector<1x16xf32>
      tpu.vector_store %arg6[%swap3A_349, %swap3A_350], %swap3A_353 {strides = array<i32>} : memref<200x64xf32, #tpu.memory_space<vmem>>, vector<1x16xf32>,
      %get3A_354 = arith.index_cast %add3A_329 : i32 to index
      %get3A_355 = arith.constant 32 : index
      %get3A_356 = tpu.vector_load %arg6[%get3A_354, %get3A_355] {strides = array<i32>} : memref<200x64xf32, #tpu.memory_space<vmem>>, vector<1x16xf32>,
      %get3A_357 = vector.shape_cast %get3A_356 : vector<1x16xf32> to vector<16xf32>
      %mul3A_358 = arith.constant 8.000000e+00 : f32
      %mul3A_359 = vector.broadcast %mul3A_358 : f32 to vector<16xf32>
      %mul3A_360 = arith.mulf %get3A_357, %mul3A_359 : vector<16xf32>
      %swap3A_361 = arith.index_cast %add3A_329 : i32 to index
      %swap3A_362 = arith.constant 32 : index
      %swap3A_363 = tpu.vector_load %arg6[%swap3A_361, %swap3A_362] {strides = array<i32>} : memref<200x64xf32, #tpu.memory_space<vmem>>, vector<1x16xf32>,
      %swap3A_364 = vector.shape_cast %swap3A_363 : vector<1x16xf32> to vector<16xf32>
      %swap3A_365 = vector.shape_cast %mul3A_360 : vector<16xf32> to vector<1x16xf32>
      tpu.vector_store %arg6[%swap3A_361, %swap3A_362], %swap3A_365 {strides = array<i32>} : memref<200x64xf32, #tpu.memory_space<vmem>>, vector<1x16xf32>,
      %get3A_366 = arith.index_cast %add3A_329 : i32 to index
      %get3A_367 = arith.constant 48 : index
      %get3A_368 = tpu.vector_load %arg6[%get3A_366, %get3A_367] {strides = array<i32>} : memref<200x64xf32, #tpu.memory_space<vmem>>, vector<1x16xf32>,
      %get3A_369 = vector.shape_cast %get3A_368 : vector<1x16xf32> to vector<16xf32>
      %mul3A_370 = arith.constant 8.000000e+00 : f32
      %mul3A_371 = vector.broadcast %mul3A_370 : f32 to vector<16xf32>
      %mul3A_372 = arith.mulf %get3A_369, %mul3A_371 : vector<16xf32>
      %swap3A_373 = arith.index_cast %add3A_329 : i32 to index
      %swap3A_374 = arith.constant 48 : index
      %swap3A_375 = tpu.vector_load %arg6[%swap3A_373, %swap3A_374] {strides = array<i32>} : memref<200x64xf32, #tpu.memory_space<vmem>>, vector<1x16xf32>,
      %swap3A_376 = vector.shape_cast %swap3A_375 : vector<1x16xf32> to vector<16xf32>
      %swap3A_377 = vector.shape_cast %mul3A_372 : vector<16xf32> to vector<1x16xf32>
      tpu.vector_store %arg6[%swap3A_373, %swap3A_374], %swap3A_377 {strides = array<i32>} : memref<200x64xf32, #tpu.memory_space<vmem>>, vector<1x16xf32>,
      %scan3A_378 = arith.constant 2 : i32
      %scan3A_379 = arith.addi %scan3A_272, %scan3A_378 : i32
      %mul3A_380 = arith.constant 1 : i32
      %mul3A_381 = arith.muli %scan3A_379, %mul3A_380 : i32
      %add3A_382 = arith.constant 0 : i32
      %add3A_383 = arith.addi %add3A_382, %mul3A_381 : i32
      %get3A_384 = arith.index_cast %add3A_383 : i32 to index
      %get3A_385 = arith.constant 0 : index
      %get3A_386 = tpu.vector_load %arg6[%get3A_384, %get3A_385] {strides = array<i32>} : memref<200x64xf32, #tpu.memory_space<vmem>>, vector<1x16xf32>,
      %get3A_387 = vector.shape_cast %get3A_386 : vector<1x16xf32> to vector<16xf32>
      %mul3A_388 = arith.constant 8.000000e+00 : f32
      %mul3A_389 = vector.broadcast %mul3A_388 : f32 to vector<16xf32>
      %mul3A_390 = arith.mulf %get3A_387, %mul3A_389 : vector<16xf32>
      %swap3A_391 = arith.index_cast %add3A_383 : i32 to index
      %swap3A_392 = arith.constant 0 : index
      %swap3A_393 = tpu.vector_load %arg6[%swap3A_391, %swap3A_392] {strides = array<i32>} : memref<200x64xf32, #tpu.memory_space<vmem>>, vector<1x16xf32>,
      %swap3A_394 = vector.shape_cast %swap3A_393 : vector<1x16xf32> to vector<16xf32>
      %swap3A_395 = vector.shape_cast %mul3A_390 : vector<16xf32> to vector<1x16xf32>
      tpu.vector_store %arg6[%swap3A_391, %swap3A_392], %swap3A_395 {strides = array<i32>} : memref<200x64xf32, #tpu.memory_space<vmem>>, vector<1x16xf32>,
      %get3A_396 = arith.index_cast %add3A_383 : i32 to index
      %get3A_397 = arith.constant 16 : index
      %get3A_398 = tpu.vector_load %arg6[%get3A_396, %get3A_397] {strides = array<i32>} : memref<200x64xf32, #tpu.memory_space<vmem>>, vector<1x16xf32>,
      %get3A_399 = vector.shape_cast %get3A_398 : vector<1x16xf32> to vector<16xf32>
      %mul3A_400 = arith.constant 8.000000e+00 : f32
      %mul3A_401 = vector.broadcast %mul3A_400 : f32 to vector<16xf32>
      %mul3A_402 = arith.mulf %get3A_399, %mul3A_401 : vector<16xf32>
      %swap3A_403 = arith.index_cast %add3A_383 : i32 to index
      %swap3A_404 = arith.constant 16 : index
      %swap3A_405 = tpu.vector_load %arg6[%swap3A_403, %swap3A_404] {strides = array<i32>} : memref<200x64xf32, #tpu.memory_space<vmem>>, vector<1x16xf32>,
      %swap3A_406 = vector.shape_cast %swap3A_405 : vector<1x16xf32> to vector<16xf32>
      %swap3A_407 = vector.shape_cast %mul3A_402 : vector<16xf32> to vector<1x16xf32>
      tpu.vector_store %arg6[%swap3A_403, %swap3A_404], %swap3A_407 {strides = array<i32>} : memref<200x64xf32, #tpu.memory_space<vmem>>, vector<1x16xf32>,
      %get3A_408 = arith.index_cast %add3A_383 : i32 to index
      %get3A_409 = arith.constant 32 : index
      %get3A_410 = tpu.vector_load %arg6[%get3A_408, %get3A_409] {strides = array<i32>} : memref<200x64xf32, #tpu.memory_space<vmem>>, vector<1x16xf32>,
      %get3A_411 = vector.shape_cast %get3A_410 : vector<1x16xf32> to vector<16xf32>
      %mul3A_412 = arith.constant 8.000000e+00 : f32
      %mul3A_413 = vector.broadcast %mul3A_412 : f32 to vector<16xf32>
      %mul3A_414 = arith.mulf %get3A_411, %mul3A_413 : vector<16xf32>
      %swap3A_415 = arith.index_cast %add3A_383 : i32 to index
      %swap3A_416 = arith.constant 32 : index
      %swap3A_417 = tpu.vector_load %arg6[%swap3A_415, %swap3A_416] {strides = array<i32>} : memref<200x64xf32, #tpu.memory_space<vmem>>, vector<1x16xf32>,
      %swap3A_418 = vector.shape_cast %swap3A_417 : vector<1x16xf32> to vector<16xf32>
      %swap3A_419 = vector.shape_cast %mul3A_414 : vector<16xf32> to vector<1x16xf32>
      tpu.vector_store %arg6[%swap3A_415, %swap3A_416], %swap3A_419 {strides = array<i32>} : memref<200x64xf32, #tpu.memory_space<vmem>>, vector<1x16xf32>,
      %get3A_420 = arith.index_cast %add3A_383 : i32 to index
      %get3A_421 = arith.constant 48 : index
      %get3A_422 = tpu.vector_load %arg6[%get3A_420, %get3A_421] {strides = array<i32>} : memref<200x64xf32, #tpu.memory_space<vmem>>, vector<1x16xf32>,
      %get3A_423 = vector.shape_cast %get3A_422 : vector<1x16xf32> to vector<16xf32>
      %mul3A_424 = arith.constant 8.000000e+00 : f32
      %mul3A_425 = vector.broadcast %mul3A_424 : f32 to vector<16xf32>
      %mul3A_426 = arith.mulf %get3A_423, %mul3A_425 : vector<16xf32>
      %swap3A_427 = arith.index_cast %add3A_383 : i32 to index
      %swap3A_428 = arith.constant 48 : index
      %swap3A_429 = tpu.vector_load %arg6[%swap3A_427, %swap3A_428] {strides = array<i32>} : memref<200x64xf32, #tpu.memory_space<vmem>>, vector<1x16xf32>,
      %swap3A_430 = vector.shape_cast %swap3A_429 : vector<1x16xf32> to vector<16xf32>
      %swap3A_431 = vector.shape_cast %mul3A_426 : vector<16xf32> to vector<1x16xf32>
      tpu.vector_store %arg6[%swap3A_427, %swap3A_428], %swap3A_431 {strides = array<i32>} : memref<200x64xf32, #tpu.memory_space<vmem>>, vector<1x16xf32>,
      %scan3A_432 = arith.constant 3 : i32
      %scan3A_433 = arith.addi %scan3A_272, %scan3A_432 : i32
      %mul3A_434 = arith.constant 1 : i32
      %mul3A_435 = arith.muli %scan3A_433, %mul3A_434 : i32
      %add3A_436 = arith.constant 0 : i32
      %add3A_437 = arith.addi %add3A_436, %mul3A_435 : i32
      %get3A_438 = arith.index_cast %add3A_437 : i32 to index
      %get3A_439 = arith.constant 0 : index
      %get3A_440 = tpu.vector_load %arg6[%get3A_438, %get3A_439] {strides = array<i32>} : memref<200x64xf32, #tpu.memory_space<vmem>>, vector<1x16xf32>,
      %get3A_441 = vector.shape_cast %get3A_440 : vector<1x16xf32> to vector<16xf32>
      %mul3A_442 = arith.constant 8.000000e+00 : f32
      %mul3A_443 = vector.broadcast %mul3A_442 : f32 to vector<16xf32>
      %mul3A_444 = arith.mulf %get3A_441, %mul3A_443 : vector<16xf32>
      %swap3A_445 = arith.index_cast %add3A_437 : i32 to index
      %swap3A_446 = arith.constant 0 : index
      %swap3A_447 = tpu.vector_load %arg6[%swap3A_445, %swap3A_446] {strides = array<i32>} : memref<200x64xf32, #tpu.memory_space<vmem>>, vector<1x16xf32>,
      %swap3A_448 = vector.shape_cast %swap3A_447 : vector<1x16xf32> to vector<16xf32>
      %swap3A_449 = vector.shape_cast %mul3A_444 : vector<16xf32> to vector<1x16xf32>
      tpu.vector_store %arg6[%swap3A_445, %swap3A_446], %swap3A_449 {strides = array<i32>} : memref<200x64xf32, #tpu.memory_space<vmem>>, vector<1x16xf32>,
      %get3A_450 = arith.index_cast %add3A_437 : i32 to index
      %get3A_451 = arith.constant 16 : index
      %get3A_452 = tpu.vector_load %arg6[%get3A_450, %get3A_451] {strides = array<i32>} : memref<200x64xf32, #tpu.memory_space<vmem>>, vector<1x16xf32>,
      %get3A_453 = vector.shape_cast %get3A_452 : vector<1x16xf32> to vector<16xf32>
      %mul3A_454 = arith.constant 8.000000e+00 : f32
      %mul3A_455 = vector.broadcast %mul3A_454 : f32 to vector<16xf32>
      %mul3A_456 = arith.mulf %get3A_453, %mul3A_455 : vector<16xf32>
      %swap3A_457 = arith.index_cast %add3A_437 : i32 to index
      %swap3A_458 = arith.constant 16 : index
      %swap3A_459 = tpu.vector_load %arg6[%swap3A_457, %swap3A_458] {strides = array<i32>} : memref<200x64xf32, #tpu.memory_space<vmem>>, vector<1x16xf32>,
      %swap3A_460 = vector.shape_cast %swap3A_459 : vector<1x16xf32> to vector<16xf32>
      %swap3A_461 = vector.shape_cast %mul3A_456 : vector<16xf32> to vector<1x16xf32>
      tpu.vector_store %arg6[%swap3A_457, %swap3A_458], %swap3A_461 {strides = array<i32>} : memref<200x64xf32, #tpu.memory_space<vmem>>, vector<1x16xf32>,
      %get3A_462 = arith.index_cast %add3A_437 : i32 to index
      %get3A_463 = arith.constant 32 : index
      %get3A_464 = tpu.vector_load %arg6[%get3A_462, %get3A_463] {strides = array<i32>} : memref<200x64xf32, #tpu.memory_space<vmem>>, vector<1x16xf32>,
      %get3A_465 = vector.shape_cast %get3A_464 : vector<1x16xf32> to vector<16xf32>
      %mul3A_466 = arith.constant 8.000000e+00 : f32
      %mul3A_467 = vector.broadcast %mul3A_466 : f32 to vector<16xf32>
      %mul3A_468 = arith.mulf %get3A_465, %mul3A_467 : vector<16xf32>
      %swap3A_469 = arith.index_cast %add3A_437 : i32 to index
      %swap3A_470 = arith.constant 32 : index
      %swap3A_471 = tpu.vector_load %arg6[%swap3A_469, %swap3A_470] {strides = array<i32>} : memref<200x64xf32, #tpu.memory_space<vmem>>, vector<1x16xf32>,
      %swap3A_472 = vector.shape_cast %swap3A_471 : vector<1x16xf32> to vector<16xf32>
      %swap3A_473 = vector.shape_cast %mul3A_468 : vector<16xf32> to vector<1x16xf32>
      tpu.vector_store %arg6[%swap3A_469, %swap3A_470], %swap3A_473 {strides = array<i32>} : memref<200x64xf32, #tpu.memory_space<vmem>>, vector<1x16xf32>,
      %get3A_474 = arith.index_cast %add3A_437 : i32 to index
      %get3A_475 = arith.constant 48 : index
      %get3A_476 = tpu.vector_load %arg6[%get3A_474, %get3A_475] {strides = array<i32>} : memref<200x64xf32, #tpu.memory_space<vmem>>, vector<1x16xf32>,
      %get3A_477 = vector.shape_cast %get3A_476 : vector<1x16xf32> to vector<16xf32>
      %mul3A_478 = arith.constant 8.000000e+00 : f32
      %mul3A_479 = vector.broadcast %mul3A_478 : f32 to vector<16xf32>
      %mul3A_480 = arith.mulf %get3A_477, %mul3A_479 : vector<16xf32>
      %swap3A_481 = arith.index_cast %add3A_437 : i32 to index
      %swap3A_482 = arith.constant 48 : index
      %swap3A_483 = tpu.vector_load %arg6[%swap3A_481, %swap3A_482] {strides = array<i32>} : memref<200x64xf32, #tpu.memory_space<vmem>>, vector<1x16xf32>,
      %swap3A_484 = vector.shape_cast %swap3A_483 : vector<1x16xf32> to vector<16xf32>
      %swap3A_485 = vector.shape_cast %mul3A_480 : vector<16xf32> to vector<1x16xf32>
      tpu.vector_store %arg6[%swap3A_481, %swap3A_482], %swap3A_485 {strides = array<i32>} : memref<200x64xf32, #tpu.memory_space<vmem>>, vector<1x16xf32>,
    }
    %scan3A_219 = arith.constant 200 : i32
    %add3A_220 = arith.constant 0 : i32
    %add3A_221 = arith.addi %mul3A_2, %add3A_220 : i32
    %dma_start3A_222 = arith.constant 0 : i32
    %dma_start3A_223 = arith.constant 0 : i32
    %dma_start3A_224 = tpu.memref_slice %arg4[%add3A_221, %dma_start3A_222, %dma_start3A_223] : memref<1024x200x64xf32, #tpu.memory_space<hbm>> -> memref<1x200x64xf32, #tpu.memory_space<hbm>>
    %dma_start3A_225 = tpu.memref_squeeze %dma_start3A_224 : memref<1x200x64xf32, #tpu.memory_space<hbm>> -> memref<200x64xf32, #tpu.memory_space<hbm>>
    %dma_start3A_226 = arith.constant 0 : i32
    %dma_start3A_227 = arith.constant 0 : i32
    %dma_start3A_228 = tpu.memref_slice %arg4[%add3A_221, %dma_start3A_226, %dma_start3A_227] : memref<1024x200x64xf32, #tpu.memory_space<hbm>> -> memref<1x200x64xf32, #tpu.memory_space<hbm>>
    %dma_start3A_229 = tpu.memref_squeeze %dma_start3A_228 : memref<1x200x64xf32, #tpu.memory_space<hbm>> -> memref<200x64xf32, #tpu.memory_space<hbm>>
    tpu.enqueue_dma source(%arg6 : memref<200x64xf32, #tpu.memory_space<vmem>>) target(%dma_start3A_229 : memref<200x64xf32, #tpu.memory_space<hbm>>) target_semaphore(%arg10 : memref<!tpu.dma_semaphore, #tpu.memory_space<semaphore_mem>>)
    %dma_wait3A_230 = arith.constant 0 : i32
    %dma_wait3A_231 = arith.constant 0 : i32
    %dma_wait3A_232 = tpu.memref_slice %arg2[%dma_wait3A_230, %dma_wait3A_231] : memref<1000000x64xf32, #tpu.memory_space<hbm>> -> memref<200x64xf32, #tpu.memory_space<hbm>>
    %dma_wait3A_233 = arith.constant 0 : i32
    %dma_wait3A_234 = arith.constant 0 : i32
    %dma_wait3A_235 = tpu.memref_slice %arg2[%dma_wait3A_233, %dma_wait3A_234] : memref<1000000x64xf32, #tpu.memory_space<hbm>> -> memref<200x64xf32, #tpu.memory_space<hbm>>
    tpu.wait_dma2 semaphore(%arg9 : memref<!tpu.dma_semaphore, #tpu.memory_space<semaphore_mem>>) src(%dma_wait3A_235 : memref<200x64xf32, #tpu.memory_space<hbm>>) dst(%arg7 : memref<200x64xf32, #tpu.memory_space<vmem>>)
    %scan3A_236 = arith.constant 0 : i32
    %scan3A_237 = arith.constant 200 : i32
    %scan3A_238 = arith.addi %scan3A_236, %scan3A_237 : i32
    %scan3A_239 = arith.constant 4 : i32
    scf.for %scan3A_272 = %scan3A_236 to %scan3A_238 step %scan3A_239  : i32 {
      %mul3A_273 = arith.constant 1 : i32
      %mul3A_274 = arith.muli %scan3A_272, %mul3A_273 : i32
      %add3A_275 = arith.constant 0 : i32
      %add3A_276 = arith.addi %add3A_275, %mul3A_274 : i32
      %get3A_277 = arith.index_cast %add3A_276 : i32 to index
      %get3A_278 = arith.constant 0 : index
      %get3A_279 = tpu.vector_load %arg7[%get3A_277, %get3A_278] {strides = array<i32>} : memref<200x64xf32, #tpu.memory_space<vmem>>, vector<1x16xf32>,
      %get3A_280 = vector.shape_cast %get3A_279 : vector<1x16xf32> to vector<16xf32>
      %mul3A_281 = arith.constant 8.000000e+00 : f32
      %mul3A_282 = vector.broadcast %mul3A_281 : f32 to vector<16xf32>
      %mul3A_283 = arith.mulf %get3A_280, %mul3A_282 : vector<16xf32>
      %swap3A = arith.index_cast %add3A_276 : i32 to index
      %swap3A_284 = arith.constant 0 : index
      %swap3A_285 = tpu.vector_load %arg7[%swap3A, %swap3A_284] {strides = array<i32>} : memref<200x64xf32, #tpu.memory_space<vmem>>, vector<1x16xf32>,
      %swap3A_286 = vector.shape_cast %swap3A_285 : vector<1x16xf32> to vector<16xf32>
      %swap3A_287 = vector.shape_cast %mul3A_283 : vector<16xf32> to vector<1x16xf32>
      tpu.vector_store %arg7[%swap3A, %swap3A_284], %swap3A_287 {strides = array<i32>} : memref<200x64xf32, #tpu.memory_space<vmem>>, vector<1x16xf32>,
      %get3A_288 = arith.index_cast %add3A_276 : i32 to index
      %get3A_289 = arith.constant 16 : index
      %get3A_290 = tpu.vector_load %arg7[%get3A_288, %get3A_289] {strides = array<i32>} : memref<200x64xf32, #tpu.memory_space<vmem>>, vector<1x16xf32>,
      %get3A_291 = vector.shape_cast %get3A_290 : vector<1x16xf32> to vector<16xf32>
      %mul3A_292 = arith.constant 8.000000e+00 : f32
      %mul3A_293 = vector.broadcast %mul3A_292 : f32 to vector<16xf32>
      %mul3A_294 = arith.mulf %get3A_291, %mul3A_293 : vector<16xf32>
      %swap3A_295 = arith.index_cast %add3A_276 : i32 to index
      %swap3A_296 = arith.constant 16 : index
      %swap3A_297 = tpu.vector_load %arg7[%swap3A_295, %swap3A_296] {strides = array<i32>} : memref<200x64xf32, #tpu.memory_space<vmem>>, vector<1x16xf32>,
      %swap3A_298 = vector.shape_cast %swap3A_297 : vector<1x16xf32> to vector<16xf32>
      %swap3A_299 = vector.shape_cast %mul3A_294 : vector<16xf32> to vector<1x16xf32>
      tpu.vector_store %arg7[%swap3A_295, %swap3A_296], %swap3A_299 {strides = array<i32>} : memref<200x64xf32, #tpu.memory_space<vmem>>, vector<1x16xf32>,
      %get3A_300 = arith.index_cast %add3A_276 : i32 to index
      %get3A_301 = arith.constant 32 : index
      %get3A_302 = tpu.vector_load %arg7[%get3A_300, %get3A_301] {strides = array<i32>} : memref<200x64xf32, #tpu.memory_space<vmem>>, vector<1x16xf32>,
      %get3A_303 = vector.shape_cast %get3A_302 : vector<1x16xf32> to vector<16xf32>
      %mul3A_304 = arith.constant 8.000000e+00 : f32
      %mul3A_305 = vector.broadcast %mul3A_304 : f32 to vector<16xf32>
      %mul3A_306 = arith.mulf %get3A_303, %mul3A_305 : vector<16xf32>
      %swap3A_307 = arith.index_cast %add3A_276 : i32 to index
      %swap3A_308 = arith.constant 32 : index
      %swap3A_309 = tpu.vector_load %arg7[%swap3A_307, %swap3A_308] {strides = array<i32>} : memref<200x64xf32, #tpu.memory_space<vmem>>, vector<1x16xf32>,
      %swap3A_310 = vector.shape_cast %swap3A_309 : vector<1x16xf32> to vector<16xf32>
      %swap3A_311 = vector.shape_cast %mul3A_306 : vector<16xf32> to vector<1x16xf32>
      tpu.vector_store %arg7[%swap3A_307, %swap3A_308], %swap3A_311 {strides = array<i32>} : memref<200x64xf32, #tpu.memory_space<vmem>>, vector<1x16xf32>,
      %get3A_312 = arith.index_cast %add3A_276 : i32 to index
      %get3A_313 = arith.constant 48 : index
      %get3A_314 = tpu.vector_load %arg7[%get3A_312, %get3A_313] {strides = array<i32>} : memref<200x64xf32, #tpu.memory_space<vmem>>, vector<1x16xf32>,
      %get3A_315 = vector.shape_cast %get3A_314 : vector<1x16xf32> to vector<16xf32>
      %mul3A_316 = arith.constant 8.000000e+00 : f32
      %mul3A_317 = vector.broadcast %mul3A_316 : f32 to vector<16xf32>
      %mul3A_318 = arith.mulf %get3A_315, %mul3A_317 : vector<16xf32>
      %swap3A_319 = arith.index_cast %add3A_276 : i32 to index
      %swap3A_320 = arith.constant 48 : index
      %swap3A_321 = tpu.vector_load %arg7[%swap3A_319, %swap3A_320] {strides = array<i32>} : memref<200x64xf32, #tpu.memory_space<vmem>>, vector<1x16xf32>,
      %swap3A_322 = vector.shape_cast %swap3A_321 : vector<1x16xf32> to vector<16xf32>
      %swap3A_323 = vector.shape_cast %mul3A_318 : vector<16xf32> to vector<1x16xf32>
      tpu.vector_store %arg7[%swap3A_319, %swap3A_320], %swap3A_323 {strides = array<i32>} : memref<200x64xf32, #tpu.memory_space<vmem>>, vector<1x16xf32>,
      %scan3A_324 = arith.constant 1 : i32
      %scan3A_325 = arith.addi %scan3A_272, %scan3A_324 : i32
      %mul3A_326 = arith.constant 1 : i32
      %mul3A_327 = arith.muli %scan3A_325, %mul3A_326 : i32
      %add3A_328 = arith.constant 0 : i32
      %add3A_329 = arith.addi %add3A_328, %mul3A_327 : i32
      %get3A_330 = arith.index_cast %add3A_329 : i32 to index
      %get3A_331 = arith.constant 0 : index
      %get3A_332 = tpu.vector_load %arg7[%get3A_330, %get3A_331] {strides = array<i32>} : memref<200x64xf32, #tpu.memory_space<vmem>>, vector<1x16xf32>,
      %get3A_333 = vector.shape_cast %get3A_332 : vector<1x16xf32> to vector<16xf32>
      %mul3A_334 = arith.constant 8.000000e+00 : f32
      %mul3A_335 = vector.broadcast %mul3A_334 : f32 to vector<16xf32>
      %mul3A_336 = arith.mulf %get3A_333, %mul3A_335 : vector<16xf32>
      %swap3A_337 = arith.index_cast %add3A_329 : i32 to index
      %swap3A_338 = arith.constant 0 : index
      %swap3A_339 = tpu.vector_load %arg7[%swap3A_337, %swap3A_338] {strides = array<i32>} : memref<200x64xf32, #tpu.memory_space<vmem>>, vector<1x16xf32>,
      %swap3A_340 = vector.shape_cast %swap3A_339 : vector<1x16xf32> to vector<16xf32>
      %swap3A_341 = vector.shape_cast %mul3A_336 : vector<16xf32> to vector<1x16xf32>
      tpu.vector_store %arg7[%swap3A_337, %swap3A_338], %swap3A_341 {strides = array<i32>} : memref<200x64xf32, #tpu.memory_space<vmem>>, vector<1x16xf32>,
      %get3A_342 = arith.index_cast %add3A_329 : i32 to index
      %get3A_343 = arith.constant 16 : index
      %get3A_344 = tpu.vector_load %arg7[%get3A_342, %get3A_343] {strides = array<i32>} : memref<200x64xf32, #tpu.memory_space<vmem>>, vector<1x16xf32>,
      %get3A_345 = vector.shape_cast %get3A_344 : vector<1x16xf32> to vector<16xf32>
      %mul3A_346 = arith.constant 8.000000e+00 : f32
      %mul3A_347 = vector.broadcast %mul3A_346 : f32 to vector<16xf32>
      %mul3A_348 = arith.mulf %get3A_345, %mul3A_347 : vector<16xf32>
      %swap3A_349 = arith.index_cast %add3A_329 : i32 to index
      %swap3A_350 = arith.constant 16 : index
      %swap3A_351 = tpu.vector_load %arg7[%swap3A_349, %swap3A_350] {strides = array<i32>} : memref<200x64xf32, #tpu.memory_space<vmem>>, vector<1x16xf32>,
      %swap3A_352 = vector.shape_cast %swap3A_351 : vector<1x16xf32> to vector<16xf32>
      %swap3A_353 = vector.shape_cast %mul3A_348 : vector<16xf32> to vector<1x16xf32>
      tpu.vector_store %arg7[%swap3A_349, %swap3A_350], %swap3A_353 {strides = array<i32>} : memref<200x64xf32, #tpu.memory_space<vmem>>, vector<1x16xf32>,
      %get3A_354 = arith.index_cast %add3A_329 : i32 to index
      %get3A_355 = arith.constant 32 : index
      %get3A_356 = tpu.vector_load %arg7[%get3A_354, %get3A_355] {strides = array<i32>} : memref<200x64xf32, #tpu.memory_space<vmem>>, vector<1x16xf32>,
      %get3A_357 = vector.shape_cast %get3A_356 : vector<1x16xf32> to vector<16xf32>
      %mul3A_358 = arith.constant 8.000000e+00 : f32
      %mul3A_359 = vector.broadcast %mul3A_358 : f32 to vector<16xf32>
      %mul3A_360 = arith.mulf %get3A_357, %mul3A_359 : vector<16xf32>
      %swap3A_361 = arith.index_cast %add3A_329 : i32 to index
      %swap3A_362 = arith.constant 32 : index
      %swap3A_363 = tpu.vector_load %arg7[%swap3A_361, %swap3A_362] {strides = array<i32>} : memref<200x64xf32, #tpu.memory_space<vmem>>, vector<1x16xf32>,
      %swap3A_364 = vector.shape_cast %swap3A_363 : vector<1x16xf32> to vector<16xf32>
      %swap3A_365 = vector.shape_cast %mul3A_360 : vector<16xf32> to vector<1x16xf32>
      tpu.vector_store %arg7[%swap3A_361, %swap3A_362], %swap3A_365 {strides = array<i32>} : memref<200x64xf32, #tpu.memory_space<vmem>>, vector<1x16xf32>,
      %get3A_366 = arith.index_cast %add3A_329 : i32 to index
      %get3A_367 = arith.constant 48 : index
      %get3A_368 = tpu.vector_load %arg7[%get3A_366, %get3A_367] {strides = array<i32>} : memref<200x64xf32, #tpu.memory_space<vmem>>, vector<1x16xf32>,
      %get3A_369 = vector.shape_cast %get3A_368 : vector<1x16xf32> to vector<16xf32>
      %mul3A_370 = arith.constant 8.000000e+00 : f32
      %mul3A_371 = vector.broadcast %mul3A_370 : f32 to vector<16xf32>
      %mul3A_372 = arith.mulf %get3A_369, %mul3A_371 : vector<16xf32>
      %swap3A_373 = arith.index_cast %add3A_329 : i32 to index
      %swap3A_374 = arith.constant 48 : index
      %swap3A_375 = tpu.vector_load %arg7[%swap3A_373, %swap3A_374] {strides = array<i32>} : memref<200x64xf32, #tpu.memory_space<vmem>>, vector<1x16xf32>,
      %swap3A_376 = vector.shape_cast %swap3A_375 : vector<1x16xf32> to vector<16xf32>
      %swap3A_377 = vector.shape_cast %mul3A_372 : vector<16xf32> to vector<1x16xf32>
      tpu.vector_store %arg7[%swap3A_373, %swap3A_374], %swap3A_377 {strides = array<i32>} : memref<200x64xf32, #tpu.memory_space<vmem>>, vector<1x16xf32>,
      %scan3A_378 = arith.constant 2 : i32
      %scan3A_379 = arith.addi %scan3A_272, %scan3A_378 : i32
      %mul3A_380 = arith.constant 1 : i32
      %mul3A_381 = arith.muli %scan3A_379, %mul3A_380 : i32
      %add3A_382 = arith.constant 0 : i32
      %add3A_383 = arith.addi %add3A_382, %mul3A_381 : i32
      %get3A_384 = arith.index_cast %add3A_383 : i32 to index
      %get3A_385 = arith.constant 0 : index
      %get3A_386 = tpu.vector_load %arg7[%get3A_384, %get3A_385] {strides = array<i32>} : memref<200x64xf32, #tpu.memory_space<vmem>>, vector<1x16xf32>,
      %get3A_387 = vector.shape_cast %get3A_386 : vector<1x16xf32> to vector<16xf32>
      %mul3A_388 = arith.constant 8.000000e+00 : f32
      %mul3A_389 = vector.broadcast %mul3A_388 : f32 to vector<16xf32>
      %mul3A_390 = arith.mulf %get3A_387, %mul3A_389 : vector<16xf32>
      %swap3A_391 = arith.index_cast %add3A_383 : i32 to index
      %swap3A_392 = arith.constant 0 : index
      %swap3A_393 = tpu.vector_load %arg7[%swap3A_391, %swap3A_392] {strides = array<i32>} : memref<200x64xf32, #tpu.memory_space<vmem>>, vector<1x16xf32>,
      %swap3A_394 = vector.shape_cast %swap3A_393 : vector<1x16xf32> to vector<16xf32>
      %swap3A_395 = vector.shape_cast %mul3A_390 : vector<16xf32> to vector<1x16xf32>
      tpu.vector_store %arg7[%swap3A_391, %swap3A_392], %swap3A_395 {strides = array<i32>} : memref<200x64xf32, #tpu.memory_space<vmem>>, vector<1x16xf32>,
      %get3A_396 = arith.index_cast %add3A_383 : i32 to index
      %get3A_397 = arith.constant 16 : index
      %get3A_398 = tpu.vector_load %arg7[%get3A_396, %get3A_397] {strides = array<i32>} : memref<200x64xf32, #tpu.memory_space<vmem>>, vector<1x16xf32>,
      %get3A_399 = vector.shape_cast %get3A_398 : vector<1x16xf32> to vector<16xf32>
      %mul3A_400 = arith.constant 8.000000e+00 : f32
      %mul3A_401 = vector.broadcast %mul3A_400 : f32 to vector<16xf32>
      %mul3A_402 = arith.mulf %get3A_399, %mul3A_401 : vector<16xf32>
      %swap3A_403 = arith.index_cast %add3A_383 : i32 to index
      %swap3A_404 = arith.constant 16 : index
      %swap3A_405 = tpu.vector_load %arg7[%swap3A_403, %swap3A_404] {strides = array<i32>} : memref<200x64xf32, #tpu.memory_space<vmem>>, vector<1x16xf32>,
      %swap3A_406 = vector.shape_cast %swap3A_405 : vector<1x16xf32> to vector<16xf32>
      %swap3A_407 = vector.shape_cast %mul3A_402 : vector<16xf32> to vector<1x16xf32>
      tpu.vector_store %arg7[%swap3A_403, %swap3A_404], %swap3A_407 {strides = array<i32>} : memref<200x64xf32, #tpu.memory_space<vmem>>, vector<1x16xf32>,
      %get3A_408 = arith.index_cast %add3A_383 : i32 to index
      %get3A_409 = arith.constant 32 : index
      %get3A_410 = tpu.vector_load %arg7[%get3A_408, %get3A_409] {strides = array<i32>} : memref<200x64xf32, #tpu.memory_space<vmem>>, vector<1x16xf32>,
      %get3A_411 = vector.shape_cast %get3A_410 : vector<1x16xf32> to vector<16xf32>
      %mul3A_412 = arith.constant 8.000000e+00 : f32
      %mul3A_413 = vector.broadcast %mul3A_412 : f32 to vector<16xf32>
      %mul3A_414 = arith.mulf %get3A_411, %mul3A_413 : vector<16xf32>
      %swap3A_415 = arith.index_cast %add3A_383 : i32 to index
      %swap3A_416 = arith.constant 32 : index
      %swap3A_417 = tpu.vector_load %arg7[%swap3A_415, %swap3A_416] {strides = array<i32>} : memref<200x64xf32, #tpu.memory_space<vmem>>, vector<1x16xf32>,
      %swap3A_418 = vector.shape_cast %swap3A_417 : vector<1x16xf32> to vector<16xf32>
      %swap3A_419 = vector.shape_cast %mul3A_414 : vector<16xf32> to vector<1x16xf32>
      tpu.vector_store %arg7[%swap3A_415, %swap3A_416], %swap3A_419 {strides = array<i32>} : memref<200x64xf32, #tpu.memory_space<vmem>>, vector<1x16xf32>,
      %get3A_420 = arith.index_cast %add3A_383 : i32 to index
      %get3A_421 = arith.constant 48 : index
      %get3A_422 = tpu.vector_load %arg7[%get3A_420, %get3A_421] {strides = array<i32>} : memref<200x64xf32, #tpu.memory_space<vmem>>, vector<1x16xf32>,
      %get3A_423 = vector.shape_cast %get3A_422 : vector<1x16xf32> to vector<16xf32>
      %mul3A_424 = arith.constant 8.000000e+00 : f32
      %mul3A_425 = vector.broadcast %mul3A_424 : f32 to vector<16xf32>
      %mul3A_426 = arith.mulf %get3A_423, %mul3A_425 : vector<16xf32>
      %swap3A_427 = arith.index_cast %add3A_383 : i32 to index
      %swap3A_428 = arith.constant 48 : index
      %swap3A_429 = tpu.vector_load %arg7[%swap3A_427, %swap3A_428] {strides = array<i32>} : memref<200x64xf32, #tpu.memory_space<vmem>>, vector<1x16xf32>,
      %swap3A_430 = vector.shape_cast %swap3A_429 : vector<1x16xf32> to vector<16xf32>
      %swap3A_431 = vector.shape_cast %mul3A_426 : vector<16xf32> to vector<1x16xf32>
      tpu.vector_store %arg7[%swap3A_427, %swap3A_428], %swap3A_431 {strides = array<i32>} : memref<200x64xf32, #tpu.memory_space<vmem>>, vector<1x16xf32>,
      %scan3A_432 = arith.constant 3 : i32
      %scan3A_433 = arith.addi %scan3A_272, %scan3A_432 : i32
      %mul3A_434 = arith.constant 1 : i32
      %mul3A_435 = arith.muli %scan3A_433, %mul3A_434 : i32
      %add3A_436 = arith.constant 0 : i32
      %add3A_437 = arith.addi %add3A_436, %mul3A_435 : i32
      %get3A_438 = arith.index_cast %add3A_437 : i32 to index
      %get3A_439 = arith.constant 0 : index
      %get3A_440 = tpu.vector_load %arg7[%get3A_438, %get3A_439] {strides = array<i32>} : memref<200x64xf32, #tpu.memory_space<vmem>>, vector<1x16xf32>,
      %get3A_441 = vector.shape_cast %get3A_440 : vector<1x16xf32> to vector<16xf32>
      %mul3A_442 = arith.constant 8.000000e+00 : f32
      %mul3A_443 = vector.broadcast %mul3A_442 : f32 to vector<16xf32>
      %mul3A_444 = arith.mulf %get3A_441, %mul3A_443 : vector<16xf32>
      %swap3A_445 = arith.index_cast %add3A_437 : i32 to index
      %swap3A_446 = arith.constant 0 : index
      %swap3A_447 = tpu.vector_load %arg7[%swap3A_445, %swap3A_446] {strides = array<i32>} : memref<200x64xf32, #tpu.memory_space<vmem>>, vector<1x16xf32>,
      %swap3A_448 = vector.shape_cast %swap3A_447 : vector<1x16xf32> to vector<16xf32>
      %swap3A_449 = vector.shape_cast %mul3A_444 : vector<16xf32> to vector<1x16xf32>
      tpu.vector_store %arg7[%swap3A_445, %swap3A_446], %swap3A_449 {strides = array<i32>} : memref<200x64xf32, #tpu.memory_space<vmem>>, vector<1x16xf32>,
      %get3A_450 = arith.index_cast %add3A_437 : i32 to index
      %get3A_451 = arith.constant 16 : index
      %get3A_452 = tpu.vector_load %arg7[%get3A_450, %get3A_451] {strides = array<i32>} : memref<200x64xf32, #tpu.memory_space<vmem>>, vector<1x16xf32>,
      %get3A_453 = vector.shape_cast %get3A_452 : vector<1x16xf32> to vector<16xf32>
      %mul3A_454 = arith.constant 8.000000e+00 : f32
      %mul3A_455 = vector.broadcast %mul3A_454 : f32 to vector<16xf32>
      %mul3A_456 = arith.mulf %get3A_453, %mul3A_455 : vector<16xf32>
      %swap3A_457 = arith.index_cast %add3A_437 : i32 to index
      %swap3A_458 = arith.constant 16 : index
      %swap3A_459 = tpu.vector_load %arg7[%swap3A_457, %swap3A_458] {strides = array<i32>} : memref<200x64xf32, #tpu.memory_space<vmem>>, vector<1x16xf32>,
      %swap3A_460 = vector.shape_cast %swap3A_459 : vector<1x16xf32> to vector<16xf32>
      %swap3A_461 = vector.shape_cast %mul3A_456 : vector<16xf32> to vector<1x16xf32>
      tpu.vector_store %arg7[%swap3A_457, %swap3A_458], %swap3A_461 {strides = array<i32>} : memref<200x64xf32, #tpu.memory_space<vmem>>, vector<1x16xf32>,
      %get3A_462 = arith.index_cast %add3A_437 : i32 to index
      %get3A_463 = arith.constant 32 : index
      %get3A_464 = tpu.vector_load %arg7[%get3A_462, %get3A_463] {strides = array<i32>} : memref<200x64xf32, #tpu.memory_space<vmem>>, vector<1x16xf32>,
      %get3A_465 = vector.shape_cast %get3A_464 : vector<1x16xf32> to vector<16xf32>
      %mul3A_466 = arith.constant 8.000000e+00 : f32
      %mul3A_467 = vector.broadcast %mul3A_466 : f32 to vector<16xf32>
      %mul3A_468 = arith.mulf %get3A_465, %mul3A_467 : vector<16xf32>
      %swap3A_469 = arith.index_cast %add3A_437 : i32 to index
      %swap3A_470 = arith.constant 32 : index
      %swap3A_471 = tpu.vector_load %arg7[%swap3A_469, %swap3A_470] {strides = array<i32>} : memref<200x64xf32, #tpu.memory_space<vmem>>, vector<1x16xf32>,
      %swap3A_472 = vector.shape_cast %swap3A_471 : vector<1x16xf32> to vector<16xf32>
      %swap3A_473 = vector.shape_cast %mul3A_468 : vector<16xf32> to vector<1x16xf32>
      tpu.vector_store %arg7[%swap3A_469, %swap3A_470], %swap3A_473 {strides = array<i32>} : memref<200x64xf32, #tpu.memory_space<vmem>>, vector<1x16xf32>,
      %get3A_474 = arith.index_cast %add3A_437 : i32 to index
      %get3A_475 = arith.constant 48 : index
      %get3A_476 = tpu.vector_load %arg7[%get3A_474, %get3A_475] {strides = array<i32>} : memref<200x64xf32, #tpu.memory_space<vmem>>, vector<1x16xf32>,
      %get3A_477 = vector.shape_cast %get3A_476 : vector<1x16xf32> to vector<16xf32>
      %mul3A_478 = arith.constant 8.000000e+00 : f32
      %mul3A_479 = vector.broadcast %mul3A_478 : f32 to vector<16xf32>
      %mul3A_480 = arith.mulf %get3A_477, %mul3A_479 : vector<16xf32>
      %swap3A_481 = arith.index_cast %add3A_437 : i32 to index
      %swap3A_482 = arith.constant 48 : index
      %swap3A_483 = tpu.vector_load %arg7[%swap3A_481, %swap3A_482] {strides = array<i32>} : memref<200x64xf32, #tpu.memory_space<vmem>>, vector<1x16xf32>,
      %swap3A_484 = vector.shape_cast %swap3A_483 : vector<1x16xf32> to vector<16xf32>
      %swap3A_485 = vector.shape_cast %mul3A_480 : vector<16xf32> to vector<1x16xf32>
      tpu.vector_store %arg7[%swap3A_481, %swap3A_482], %swap3A_485 {strides = array<i32>} : memref<200x64xf32, #tpu.memory_space<vmem>>, vector<1x16xf32>,
    }
    %scan3A_240 = arith.constant 200 : i32
    %add3A_241 = arith.constant 1 : i32
    %add3A_242 = arith.addi %mul3A_2, %add3A_241 : i32
    %dma_start3A_243 = arith.constant 0 : i32
    %dma_start3A_244 = arith.constant 0 : i32
    %dma_start3A_245 = tpu.memref_slice %arg4[%add3A_242, %dma_start3A_243, %dma_start3A_244] : memref<1024x200x64xf32, #tpu.memory_space<hbm>> -> memref<1x200x64xf32, #tpu.memory_space<hbm>>
    %dma_start3A_246 = tpu.memref_squeeze %dma_start3A_245 : memref<1x200x64xf32, #tpu.memory_space<hbm>> -> memref<200x64xf32, #tpu.memory_space<hbm>>
    %dma_start3A_247 = arith.constant 0 : i32
    %dma_start3A_248 = arith.constant 0 : i32
    %dma_start3A_249 = tpu.memref_slice %arg4[%add3A_242, %dma_start3A_247, %dma_start3A_248] : memref<1024x200x64xf32, #tpu.memory_space<hbm>> -> memref<1x200x64xf32, #tpu.memory_space<hbm>>
    %dma_start3A_250 = tpu.memref_squeeze %dma_start3A_249 : memref<1x200x64xf32, #tpu.memory_space<hbm>> -> memref<200x64xf32, #tpu.memory_space<hbm>>
    tpu.enqueue_dma source(%arg7 : memref<200x64xf32, #tpu.memory_space<vmem>>) target(%dma_start3A_250 : memref<200x64xf32, #tpu.memory_space<hbm>>) target_semaphore(%arg11 : memref<!tpu.dma_semaphore, #tpu.memory_space<semaphore_mem>>)
    %scan3A_251 = arith.constant 0 : i32
    %scan3A_252 = arith.constant 15 : i32
    %scan3A_253 = arith.addi %scan3A_251, %scan3A_252 : i32
    %scan3A_254 = arith.constant 1 : i32
    scf.for %scan3A_272 = %scan3A_251 to %scan3A_253 step %scan3A_254  : i32 {
      %mul3A_273 = arith.constant 1 : i32
      %mul3A_274 = arith.muli %scan3A_272, %mul3A_273 : i32
      %add3A_275 = arith.constant 1 : i32
      %add3A_276 = arith.addi %add3A_275, %mul3A_274 : i32
      %mul3A_277 = arith.constant 2 : i32
      %mul3A_278 = arith.muli %mul3A_277, %add3A_276 : i32
      %dma_wait3A_279 = arith.constant 0 : i32
      %dma_wait3A_280 = arith.constant 0 : i32
      %dma_wait3A_281 = tpu.memref_slice %arg4[%mul3A_2, %dma_wait3A_279, %dma_wait3A_280] : memref<1024x200x64xf32, #tpu.memory_space<hbm>> -> memref<1x200x64xf32, #tpu.memory_space<hbm>>
      %dma_wait3A_282 = tpu.memref_squeeze %dma_wait3A_281 : memref<1x200x64xf32, #tpu.memory_space<hbm>> -> memref<200x64xf32, #tpu.memory_space<hbm>>
      %dma_wait3A_283 = arith.constant 0 : i32
      %dma_wait3A_284 = arith.constant 0 : i32
      %dma_wait3A_285 = tpu.memref_slice %arg4[%mul3A_2, %dma_wait3A_283, %dma_wait3A_284] : memref<1024x200x64xf32, #tpu.memory_space<hbm>> -> memref<1x200x64xf32, #tpu.memory_space<hbm>>
      %dma_wait3A_286 = tpu.memref_squeeze %dma_wait3A_285 : memref<1x200x64xf32, #tpu.memory_space<hbm>> -> memref<200x64xf32, #tpu.memory_space<hbm>>
      tpu.wait_dma2 semaphore(%arg10 : memref<!tpu.dma_semaphore, #tpu.memory_space<semaphore_mem>>) src(%arg6 : memref<200x64xf32, #tpu.memory_space<vmem>>) dst(%dma_wait3A_286 : memref<200x64xf32, #tpu.memory_space<hbm>>)
      %scan3A_287 = arith.constant 0 : i32
      %scan3A_288 = arith.constant 12 : i32
      %scan3A_289 = arith.addi %scan3A_287, %scan3A_288 : i32
      %scan3A_290 = arith.constant 1 : i32
      scf.for %scan3A_549 = %scan3A_287 to %scan3A_289 step %scan3A_290  : i32 {
        %mul3A_550 = arith.constant 1 : i32
        %mul3A_551 = arith.muli %scan3A_549, %mul3A_550 : i32
        %add3A_552 = arith.constant 0 : i32
        %add3A_553 = arith.addi %add3A_552, %mul3A_551 : i32
        %mul3A_554 = arith.constant 16 : i32
        %mul3A_555 = arith.muli %add3A_553, %mul3A_554 : i32
        %get3A_556 = arith.index_cast %mul3A_278 : i32 to index
        %get3A_557 = arith.index_cast %mul3A_555 : i32 to index
        %get3A_558 = tpu.vector_load %arg5[%get3A_556, %get3A_557] {strides = array<i32>} : memref<32x200xi32, #tpu.memory_space<vmem>>, vector<1x16xi32>,
        %get3A_559 = vector.shape_cast %get3A_558 : vector<1x16xi32> to vector<16xi32>
        %slice3A_560 = vector.extract_strided_slice %get3A_559 {offsets = [0], sizes = [1], strides = [1]} : vector<16xi32> to vector<1xi32>
        %squeeze3A_561 = vector.extract %slice3A_560[0] : i32 from vector<1xi32>
        %add3A_562 = arith.constant 0 : i32
        %add3A_563 = arith.addi %mul3A_555, %add3A_562 : i32
        %dma_start3A_564 = arith.constant 0 : i32
        %dma_start3A_565 = tpu.memref_slice %arg6[%add3A_563, %dma_start3A_564] : memref<200x64xf32, #tpu.memory_space<vmem>> -> memref<1x64xf32, #tpu.memory_space<vmem>>
        %dma_start3A_566 = arith.constant 0 : i32
        %dma_start3A_567 = tpu.memref_slice %arg2[%squeeze3A_561, %dma_start3A_566] : memref<1000000x64xf32, #tpu.memory_space<hbm>> -> memref<1x64xf32, #tpu.memory_space<hbm>>
        %dma_start3A_568 = arith.constant 0 : i32
        %dma_start3A_569 = tpu.memref_slice %arg6[%add3A_563, %dma_start3A_568] : memref<200x64xf32, #tpu.memory_space<vmem>> -> memref<1x64xf32, #tpu.memory_space<vmem>>
        %dma_start3A_570 = arith.constant 0 : i32
        %dma_start3A_571 = tpu.memref_slice %arg2[%squeeze3A_561, %dma_start3A_570] : memref<1000000x64xf32, #tpu.memory_space<hbm>> -> memref<1x64xf32, #tpu.memory_space<hbm>>
        tpu.enqueue_dma source(%dma_start3A_571 : memref<1x64xf32, #tpu.memory_space<hbm>>) target(%dma_start3A_569 : memref<1x64xf32, #tpu.memory_space<vmem>>) target_semaphore(%arg8 : memref<!tpu.dma_semaphore, #tpu.memory_space<semaphore_mem>>)
        %slice3A_572 = vector.extract_strided_slice %get3A_559 {offsets = [1], sizes = [1], strides = [1]} : vector<16xi32> to vector<1xi32>
        %squeeze3A_573 = vector.extract %slice3A_572[0] : i32 from vector<1xi32>
        %add3A_574 = arith.constant 1 : i32
        %add3A_575 = arith.addi %mul3A_555, %add3A_574 : i32
        %dma_start3A_576 = arith.constant 0 : i32
        %dma_start3A_577 = tpu.memref_slice %arg6[%add3A_575, %dma_start3A_576] : memref<200x64xf32, #tpu.memory_space<vmem>> -> memref<1x64xf32, #tpu.memory_space<vmem>>
        %dma_start3A_578 = arith.constant 0 : i32
        %dma_start3A_579 = tpu.memref_slice %arg2[%squeeze3A_573, %dma_start3A_578] : memref<1000000x64xf32, #tpu.memory_space<hbm>> -> memref<1x64xf32, #tpu.memory_space<hbm>>
        %dma_start3A_580 = arith.constant 0 : i32
        %dma_start3A_581 = tpu.memref_slice %arg6[%add3A_575, %dma_start3A_580] : memref<200x64xf32, #tpu.memory_space<vmem>> -> memref<1x64xf32, #tpu.memory_space<vmem>>
        %dma_start3A_582 = arith.constant 0 : i32
        %dma_start3A_583 = tpu.memref_slice %arg2[%squeeze3A_573, %dma_start3A_582] : memref<1000000x64xf32, #tpu.memory_space<hbm>> -> memref<1x64xf32, #tpu.memory_space<hbm>>
        tpu.enqueue_dma source(%dma_start3A_583 : memref<1x64xf32, #tpu.memory_space<hbm>>) target(%dma_start3A_581 : memref<1x64xf32, #tpu.memory_space<vmem>>) target_semaphore(%arg8 : memref<!tpu.dma_semaphore, #tpu.memory_space<semaphore_mem>>)
        %slice3A_584 = vector.extract_strided_slice %get3A_559 {offsets = [2], sizes = [1], strides = [1]} : vector<16xi32> to vector<1xi32>
        %squeeze3A_585 = vector.extract %slice3A_584[0] : i32 from vector<1xi32>
        %add3A_586 = arith.constant 2 : i32
        %add3A_587 = arith.addi %mul3A_555, %add3A_586 : i32
        %dma_start3A_588 = arith.constant 0 : i32
        %dma_start3A_589 = tpu.memref_slice %arg6[%add3A_587, %dma_start3A_588] : memref<200x64xf32, #tpu.memory_space<vmem>> -> memref<1x64xf32, #tpu.memory_space<vmem>>
        %dma_start3A_590 = arith.constant 0 : i32
        %dma_start3A_591 = tpu.memref_slice %arg2[%squeeze3A_585, %dma_start3A_590] : memref<1000000x64xf32, #tpu.memory_space<hbm>> -> memref<1x64xf32, #tpu.memory_space<hbm>>
        %dma_start3A_592 = arith.constant 0 : i32
        %dma_start3A_593 = tpu.memref_slice %arg6[%add3A_587, %dma_start3A_592] : memref<200x64xf32, #tpu.memory_space<vmem>> -> memref<1x64xf32, #tpu.memory_space<vmem>>
        %dma_start3A_594 = arith.constant 0 : i32
        %dma_start3A_595 = tpu.memref_slice %arg2[%squeeze3A_585, %dma_start3A_594] : memref<1000000x64xf32, #tpu.memory_space<hbm>> -> memref<1x64xf32, #tpu.memory_space<hbm>>
        tpu.enqueue_dma source(%dma_start3A_595 : memref<1x64xf32, #tpu.memory_space<hbm>>) target(%dma_start3A_593 : memref<1x64xf32, #tpu.memory_space<vmem>>) target_semaphore(%arg8 : memref<!tpu.dma_semaphore, #tpu.memory_space<semaphore_mem>>)
        %slice3A_596 = vector.extract_strided_slice %get3A_559 {offsets = [3], sizes = [1], strides = [1]} : vector<16xi32> to vector<1xi32>
        %squeeze3A_597 = vector.extract %slice3A_596[0] : i32 from vector<1xi32>
        %add3A_598 = arith.constant 3 : i32
        %add3A_599 = arith.addi %mul3A_555, %add3A_598 : i32
        %dma_start3A_600 = arith.constant 0 : i32
        %dma_start3A_601 = tpu.memref_slice %arg6[%add3A_599, %dma_start3A_600] : memref<200x64xf32, #tpu.memory_space<vmem>> -> memref<1x64xf32, #tpu.memory_space<vmem>>
        %dma_start3A_602 = arith.constant 0 : i32
        %dma_start3A_603 = tpu.memref_slice %arg2[%squeeze3A_597, %dma_start3A_602] : memref<1000000x64xf32, #tpu.memory_space<hbm>> -> memref<1x64xf32, #tpu.memory_space<hbm>>
        %dma_start3A_604 = arith.constant 0 : i32
        %dma_start3A_605 = tpu.memref_slice %arg6[%add3A_599, %dma_start3A_604] : memref<200x64xf32, #tpu.memory_space<vmem>> -> memref<1x64xf32, #tpu.memory_space<vmem>>
        %dma_start3A_606 = arith.constant 0 : i32
        %dma_start3A_607 = tpu.memref_slice %arg2[%squeeze3A_597, %dma_start3A_606] : memref<1000000x64xf32, #tpu.memory_space<hbm>> -> memref<1x64xf32, #tpu.memory_space<hbm>>
        tpu.enqueue_dma source(%dma_start3A_607 : memref<1x64xf32, #tpu.memory_space<hbm>>) target(%dma_start3A_605 : memref<1x64xf32, #tpu.memory_space<vmem>>) target_semaphore(%arg8 : memref<!tpu.dma_semaphore, #tpu.memory_space<semaphore_mem>>)
        %slice3A_608 = vector.extract_strided_slice %get3A_559 {offsets = [4], sizes = [1], strides = [1]} : vector<16xi32> to vector<1xi32>
        %squeeze3A_609 = vector.extract %slice3A_608[0] : i32 from vector<1xi32>
        %add3A_610 = arith.constant 4 : i32
        %add3A_611 = arith.addi %mul3A_555, %add3A_610 : i32
        %dma_start3A_612 = arith.constant 0 : i32
        %dma_start3A_613 = tpu.memref_slice %arg6[%add3A_611, %dma_start3A_612] : memref<200x64xf32, #tpu.memory_space<vmem>> -> memref<1x64xf32, #tpu.memory_space<vmem>>
        %dma_start3A_614 = arith.constant 0 : i32
        %dma_start3A_615 = tpu.memref_slice %arg2[%squeeze3A_609, %dma_start3A_614] : memref<1000000x64xf32, #tpu.memory_space<hbm>> -> memref<1x64xf32, #tpu.memory_space<hbm>>
        %dma_start3A_616 = arith.constant 0 : i32
        %dma_start3A_617 = tpu.memref_slice %arg6[%add3A_611, %dma_start3A_616] : memref<200x64xf32, #tpu.memory_space<vmem>> -> memref<1x64xf32, #tpu.memory_space<vmem>>
        %dma_start3A_618 = arith.constant 0 : i32
        %dma_start3A_619 = tpu.memref_slice %arg2[%squeeze3A_609, %dma_start3A_618] : memref<1000000x64xf32, #tpu.memory_space<hbm>> -> memref<1x64xf32, #tpu.memory_space<hbm>>
        tpu.enqueue_dma source(%dma_start3A_619 : memref<1x64xf32, #tpu.memory_space<hbm>>) target(%dma_start3A_617 : memref<1x64xf32, #tpu.memory_space<vmem>>) target_semaphore(%arg8 : memref<!tpu.dma_semaphore, #tpu.memory_space<semaphore_mem>>)
        %slice3A_620 = vector.extract_strided_slice %get3A_559 {offsets = [5], sizes = [1], strides = [1]} : vector<16xi32> to vector<1xi32>
        %squeeze3A_621 = vector.extract %slice3A_620[0] : i32 from vector<1xi32>
        %add3A_622 = arith.constant 5 : i32
        %add3A_623 = arith.addi %mul3A_555, %add3A_622 : i32
        %dma_start3A_624 = arith.constant 0 : i32
        %dma_start3A_625 = tpu.memref_slice %arg6[%add3A_623, %dma_start3A_624] : memref<200x64xf32, #tpu.memory_space<vmem>> -> memref<1x64xf32, #tpu.memory_space<vmem>>
        %dma_start3A_626 = arith.constant 0 : i32
        %dma_start3A_627 = tpu.memref_slice %arg2[%squeeze3A_621, %dma_start3A_626] : memref<1000000x64xf32, #tpu.memory_space<hbm>> -> memref<1x64xf32, #tpu.memory_space<hbm>>
        %dma_start3A_628 = arith.constant 0 : i32
        %dma_start3A_629 = tpu.memref_slice %arg6[%add3A_623, %dma_start3A_628] : memref<200x64xf32, #tpu.memory_space<vmem>> -> memref<1x64xf32, #tpu.memory_space<vmem>>
        %dma_start3A_630 = arith.constant 0 : i32
        %dma_start3A_631 = tpu.memref_slice %arg2[%squeeze3A_621, %dma_start3A_630] : memref<1000000x64xf32, #tpu.memory_space<hbm>> -> memref<1x64xf32, #tpu.memory_space<hbm>>
        tpu.enqueue_dma source(%dma_start3A_631 : memref<1x64xf32, #tpu.memory_space<hbm>>) target(%dma_start3A_629 : memref<1x64xf32, #tpu.memory_space<vmem>>) target_semaphore(%arg8 : memref<!tpu.dma_semaphore, #tpu.memory_space<semaphore_mem>>)
        %slice3A_632 = vector.extract_strided_slice %get3A_559 {offsets = [6], sizes = [1], strides = [1]} : vector<16xi32> to vector<1xi32>
        %squeeze3A_633 = vector.extract %slice3A_632[0] : i32 from vector<1xi32>
        %add3A_634 = arith.constant 6 : i32
        %add3A_635 = arith.addi %mul3A_555, %add3A_634 : i32
        %dma_start3A_636 = arith.constant 0 : i32
        %dma_start3A_637 = tpu.memref_slice %arg6[%add3A_635, %dma_start3A_636] : memref<200x64xf32, #tpu.memory_space<vmem>> -> memref<1x64xf32, #tpu.memory_space<vmem>>
        %dma_start3A_638 = arith.constant 0 : i32
        %dma_start3A_639 = tpu.memref_slice %arg2[%squeeze3A_633, %dma_start3A_638] : memref<1000000x64xf32, #tpu.memory_space<hbm>> -> memref<1x64xf32, #tpu.memory_space<hbm>>
        %dma_start3A_640 = arith.constant 0 : i32
        %dma_start3A_641 = tpu.memref_slice %arg6[%add3A_635, %dma_start3A_640] : memref<200x64xf32, #tpu.memory_space<vmem>> -> memref<1x64xf32, #tpu.memory_space<vmem>>
        %dma_start3A_642 = arith.constant 0 : i32
        %dma_start3A_643 = tpu.memref_slice %arg2[%squeeze3A_633, %dma_start3A_642] : memref<1000000x64xf32, #tpu.memory_space<hbm>> -> memref<1x64xf32, #tpu.memory_space<hbm>>
        tpu.enqueue_dma source(%dma_start3A_643 : memref<1x64xf32, #tpu.memory_space<hbm>>) target(%dma_start3A_641 : memref<1x64xf32, #tpu.memory_space<vmem>>) target_semaphore(%arg8 : memref<!tpu.dma_semaphore, #tpu.memory_space<semaphore_mem>>)
        %slice3A_644 = vector.extract_strided_slice %get3A_559 {offsets = [7], sizes = [1], strides = [1]} : vector<16xi32> to vector<1xi32>
        %squeeze3A_645 = vector.extract %slice3A_644[0] : i32 from vector<1xi32>
        %add3A_646 = arith.constant 7 : i32
        %add3A_647 = arith.addi %mul3A_555, %add3A_646 : i32
        %dma_start3A_648 = arith.constant 0 : i32
        %dma_start3A_649 = tpu.memref_slice %arg6[%add3A_647, %dma_start3A_648] : memref<200x64xf32, #tpu.memory_space<vmem>> -> memref<1x64xf32, #tpu.memory_space<vmem>>
        %dma_start3A_650 = arith.constant 0 : i32
        %dma_start3A_651 = tpu.memref_slice %arg2[%squeeze3A_645, %dma_start3A_650] : memref<1000000x64xf32, #tpu.memory_space<hbm>> -> memref<1x64xf32, #tpu.memory_space<hbm>>
        %dma_start3A_652 = arith.constant 0 : i32
        %dma_start3A_653 = tpu.memref_slice %arg6[%add3A_647, %dma_start3A_652] : memref<200x64xf32, #tpu.memory_space<vmem>> -> memref<1x64xf32, #tpu.memory_space<vmem>>
        %dma_start3A_654 = arith.constant 0 : i32
        %dma_start3A_655 = tpu.memref_slice %arg2[%squeeze3A_645, %dma_start3A_654] : memref<1000000x64xf32, #tpu.memory_space<hbm>> -> memref<1x64xf32, #tpu.memory_space<hbm>>
        tpu.enqueue_dma source(%dma_start3A_655 : memref<1x64xf32, #tpu.memory_space<hbm>>) target(%dma_start3A_653 : memref<1x64xf32, #tpu.memory_space<vmem>>) target_semaphore(%arg8 : memref<!tpu.dma_semaphore, #tpu.memory_space<semaphore_mem>>)
        %slice3A_656 = vector.extract_strided_slice %get3A_559 {offsets = [8], sizes = [1], strides = [1]} : vector<16xi32> to vector<1xi32>
        %squeeze3A_657 = vector.extract %slice3A_656[0] : i32 from vector<1xi32>
        %add3A_658 = arith.constant 8 : i32
        %add3A_659 = arith.addi %mul3A_555, %add3A_658 : i32
        %dma_start3A_660 = arith.constant 0 : i32
        %dma_start3A_661 = tpu.memref_slice %arg6[%add3A_659, %dma_start3A_660] : memref<200x64xf32, #tpu.memory_space<vmem>> -> memref<1x64xf32, #tpu.memory_space<vmem>>
        %dma_start3A_662 = arith.constant 0 : i32
        %dma_start3A_663 = tpu.memref_slice %arg2[%squeeze3A_657, %dma_start3A_662] : memref<1000000x64xf32, #tpu.memory_space<hbm>> -> memref<1x64xf32, #tpu.memory_space<hbm>>
        %dma_start3A_664 = arith.constant 0 : i32
        %dma_start3A_665 = tpu.memref_slice %arg6[%add3A_659, %dma_start3A_664] : memref<200x64xf32, #tpu.memory_space<vmem>> -> memref<1x64xf32, #tpu.memory_space<vmem>>
        %dma_start3A_666 = arith.constant 0 : i32
        %dma_start3A_667 = tpu.memref_slice %arg2[%squeeze3A_657, %dma_start3A_666] : memref<1000000x64xf32, #tpu.memory_space<hbm>> -> memref<1x64xf32, #tpu.memory_space<hbm>>
        tpu.enqueue_dma source(%dma_start3A_667 : memref<1x64xf32, #tpu.memory_space<hbm>>) target(%dma_start3A_665 : memref<1x64xf32, #tpu.memory_space<vmem>>) target_semaphore(%arg8 : memref<!tpu.dma_semaphore, #tpu.memory_space<semaphore_mem>>)
        %slice3A_668 = vector.extract_strided_slice %get3A_559 {offsets = [9], sizes = [1], strides = [1]} : vector<16xi32> to vector<1xi32>
        %squeeze3A_669 = vector.extract %slice3A_668[0] : i32 from vector<1xi32>
        %add3A_670 = arith.constant 9 : i32
        %add3A_671 = arith.addi %mul3A_555, %add3A_670 : i32
        %dma_start3A_672 = arith.constant 0 : i32
        %dma_start3A_673 = tpu.memref_slice %arg6[%add3A_671, %dma_start3A_672] : memref<200x64xf32, #tpu.memory_space<vmem>> -> memref<1x64xf32, #tpu.memory_space<vmem>>
        %dma_start3A_674 = arith.constant 0 : i32
        %dma_start3A_675 = tpu.memref_slice %arg2[%squeeze3A_669, %dma_start3A_674] : memref<1000000x64xf32, #tpu.memory_space<hbm>> -> memref<1x64xf32, #tpu.memory_space<hbm>>
        %dma_start3A_676 = arith.constant 0 : i32
        %dma_start3A_677 = tpu.memref_slice %arg6[%add3A_671, %dma_start3A_676] : memref<200x64xf32, #tpu.memory_space<vmem>> -> memref<1x64xf32, #tpu.memory_space<vmem>>
        %dma_start3A_678 = arith.constant 0 : i32
        %dma_start3A_679 = tpu.memref_slice %arg2[%squeeze3A_669, %dma_start3A_678] : memref<1000000x64xf32, #tpu.memory_space<hbm>> -> memref<1x64xf32, #tpu.memory_space<hbm>>
        tpu.enqueue_dma source(%dma_start3A_679 : memref<1x64xf32, #tpu.memory_space<hbm>>) target(%dma_start3A_677 : memref<1x64xf32, #tpu.memory_space<vmem>>) target_semaphore(%arg8 : memref<!tpu.dma_semaphore, #tpu.memory_space<semaphore_mem>>)
        %slice3A_680 = vector.extract_strided_slice %get3A_559 {offsets = [10], sizes = [1], strides = [1]} : vector<16xi32> to vector<1xi32>
        %squeeze3A_681 = vector.extract %slice3A_680[0] : i32 from vector<1xi32>
        %add3A_682 = arith.constant 10 : i32
        %add3A_683 = arith.addi %mul3A_555, %add3A_682 : i32
        %dma_start3A_684 = arith.constant 0 : i32
        %dma_start3A_685 = tpu.memref_slice %arg6[%add3A_683, %dma_start3A_684] : memref<200x64xf32, #tpu.memory_space<vmem>> -> memref<1x64xf32, #tpu.memory_space<vmem>>
        %dma_start3A_686 = arith.constant 0 : i32
        %dma_start3A_687 = tpu.memref_slice %arg2[%squeeze3A_681, %dma_start3A_686] : memref<1000000x64xf32, #tpu.memory_space<hbm>> -> memref<1x64xf32, #tpu.memory_space<hbm>>
        %dma_start3A_688 = arith.constant 0 : i32
        %dma_start3A_689 = tpu.memref_slice %arg6[%add3A_683, %dma_start3A_688] : memref<200x64xf32, #tpu.memory_space<vmem>> -> memref<1x64xf32, #tpu.memory_space<vmem>>
        %dma_start3A_690 = arith.constant 0 : i32
        %dma_start3A_691 = tpu.memref_slice %arg2[%squeeze3A_681, %dma_start3A_690] : memref<1000000x64xf32, #tpu.memory_space<hbm>> -> memref<1x64xf32, #tpu.memory_space<hbm>>
        tpu.enqueue_dma source(%dma_start3A_691 : memref<1x64xf32, #tpu.memory_space<hbm>>) target(%dma_start3A_689 : memref<1x64xf32, #tpu.memory_space<vmem>>) target_semaphore(%arg8 : memref<!tpu.dma_semaphore, #tpu.memory_space<semaphore_mem>>)
        %slice3A_692 = vector.extract_strided_slice %get3A_559 {offsets = [11], sizes = [1], strides = [1]} : vector<16xi32> to vector<1xi32>
        %squeeze3A_693 = vector.extract %slice3A_692[0] : i32 from vector<1xi32>
        %add3A_694 = arith.constant 11 : i32
        %add3A_695 = arith.addi %mul3A_555, %add3A_694 : i32
        %dma_start3A_696 = arith.constant 0 : i32
        %dma_start3A_697 = tpu.memref_slice %arg6[%add3A_695, %dma_start3A_696] : memref<200x64xf32, #tpu.memory_space<vmem>> -> memref<1x64xf32, #tpu.memory_space<vmem>>
        %dma_start3A_698 = arith.constant 0 : i32
        %dma_start3A_699 = tpu.memref_slice %arg2[%squeeze3A_693, %dma_start3A_698] : memref<1000000x64xf32, #tpu.memory_space<hbm>> -> memref<1x64xf32, #tpu.memory_space<hbm>>
        %dma_start3A_700 = arith.constant 0 : i32
        %dma_start3A_701 = tpu.memref_slice %arg6[%add3A_695, %dma_start3A_700] : memref<200x64xf32, #tpu.memory_space<vmem>> -> memref<1x64xf32, #tpu.memory_space<vmem>>
        %dma_start3A_702 = arith.constant 0 : i32
        %dma_start3A_703 = tpu.memref_slice %arg2[%squeeze3A_693, %dma_start3A_702] : memref<1000000x64xf32, #tpu.memory_space<hbm>> -> memref<1x64xf32, #tpu.memory_space<hbm>>
        tpu.enqueue_dma source(%dma_start3A_703 : memref<1x64xf32, #tpu.memory_space<hbm>>) target(%dma_start3A_701 : memref<1x64xf32, #tpu.memory_space<vmem>>) target_semaphore(%arg8 : memref<!tpu.dma_semaphore, #tpu.memory_space<semaphore_mem>>)
        %slice3A_704 = vector.extract_strided_slice %get3A_559 {offsets = [12], sizes = [1], strides = [1]} : vector<16xi32> to vector<1xi32>
        %squeeze3A_705 = vector.extract %slice3A_704[0] : i32 from vector<1xi32>
        %add3A_706 = arith.constant 12 : i32
        %add3A_707 = arith.addi %mul3A_555, %add3A_706 : i32
        %dma_start3A_708 = arith.constant 0 : i32
        %dma_start3A_709 = tpu.memref_slice %arg6[%add3A_707, %dma_start3A_708] : memref<200x64xf32, #tpu.memory_space<vmem>> -> memref<1x64xf32, #tpu.memory_space<vmem>>
        %dma_start3A_710 = arith.constant 0 : i32
        %dma_start3A_711 = tpu.memref_slice %arg2[%squeeze3A_705, %dma_start3A_710] : memref<1000000x64xf32, #tpu.memory_space<hbm>> -> memref<1x64xf32, #tpu.memory_space<hbm>>
        %dma_start3A_712 = arith.constant 0 : i32
        %dma_start3A_713 = tpu.memref_slice %arg6[%add3A_707, %dma_start3A_712] : memref<200x64xf32, #tpu.memory_space<vmem>> -> memref<1x64xf32, #tpu.memory_space<vmem>>
        %dma_start3A_714 = arith.constant 0 : i32
        %dma_start3A_715 = tpu.memref_slice %arg2[%squeeze3A_705, %dma_start3A_714] : memref<1000000x64xf32, #tpu.memory_space<hbm>> -> memref<1x64xf32, #tpu.memory_space<hbm>>
        tpu.enqueue_dma source(%dma_start3A_715 : memref<1x64xf32, #tpu.memory_space<hbm>>) target(%dma_start3A_713 : memref<1x64xf32, #tpu.memory_space<vmem>>) target_semaphore(%arg8 : memref<!tpu.dma_semaphore, #tpu.memory_space<semaphore_mem>>)
        %slice3A_716 = vector.extract_strided_slice %get3A_559 {offsets = [13], sizes = [1], strides = [1]} : vector<16xi32> to vector<1xi32>
        %squeeze3A_717 = vector.extract %slice3A_716[0] : i32 from vector<1xi32>
        %add3A_718 = arith.constant 13 : i32
        %add3A_719 = arith.addi %mul3A_555, %add3A_718 : i32
        %dma_start3A_720 = arith.constant 0 : i32
        %dma_start3A_721 = tpu.memref_slice %arg6[%add3A_719, %dma_start3A_720] : memref<200x64xf32, #tpu.memory_space<vmem>> -> memref<1x64xf32, #tpu.memory_space<vmem>>
        %dma_start3A_722 = arith.constant 0 : i32
        %dma_start3A_723 = tpu.memref_slice %arg2[%squeeze3A_717, %dma_start3A_722] : memref<1000000x64xf32, #tpu.memory_space<hbm>> -> memref<1x64xf32, #tpu.memory_space<hbm>>
        %dma_start3A_724 = arith.constant 0 : i32
        %dma_start3A_725 = tpu.memref_slice %arg6[%add3A_719, %dma_start3A_724] : memref<200x64xf32, #tpu.memory_space<vmem>> -> memref<1x64xf32, #tpu.memory_space<vmem>>
        %dma_start3A_726 = arith.constant 0 : i32
        %dma_start3A_727 = tpu.memref_slice %arg2[%squeeze3A_717, %dma_start3A_726] : memref<1000000x64xf32, #tpu.memory_space<hbm>> -> memref<1x64xf32, #tpu.memory_space<hbm>>
        tpu.enqueue_dma source(%dma_start3A_727 : memref<1x64xf32, #tpu.memory_space<hbm>>) target(%dma_start3A_725 : memref<1x64xf32, #tpu.memory_space<vmem>>) target_semaphore(%arg8 : memref<!tpu.dma_semaphore, #tpu.memory_space<semaphore_mem>>)
        %slice3A_728 = vector.extract_strided_slice %get3A_559 {offsets = [14], sizes = [1], strides = [1]} : vector<16xi32> to vector<1xi32>
        %squeeze3A_729 = vector.extract %slice3A_728[0] : i32 from vector<1xi32>
        %add3A_730 = arith.constant 14 : i32
        %add3A_731 = arith.addi %mul3A_555, %add3A_730 : i32
        %dma_start3A_732 = arith.constant 0 : i32
        %dma_start3A_733 = tpu.memref_slice %arg6[%add3A_731, %dma_start3A_732] : memref<200x64xf32, #tpu.memory_space<vmem>> -> memref<1x64xf32, #tpu.memory_space<vmem>>
        %dma_start3A_734 = arith.constant 0 : i32
        %dma_start3A_735 = tpu.memref_slice %arg2[%squeeze3A_729, %dma_start3A_734] : memref<1000000x64xf32, #tpu.memory_space<hbm>> -> memref<1x64xf32, #tpu.memory_space<hbm>>
        %dma_start3A_736 = arith.constant 0 : i32
        %dma_start3A_737 = tpu.memref_slice %arg6[%add3A_731, %dma_start3A_736] : memref<200x64xf32, #tpu.memory_space<vmem>> -> memref<1x64xf32, #tpu.memory_space<vmem>>
        %dma_start3A_738 = arith.constant 0 : i32
        %dma_start3A_739 = tpu.memref_slice %arg2[%squeeze3A_729, %dma_start3A_738] : memref<1000000x64xf32, #tpu.memory_space<hbm>> -> memref<1x64xf32, #tpu.memory_space<hbm>>
        tpu.enqueue_dma source(%dma_start3A_739 : memref<1x64xf32, #tpu.memory_space<hbm>>) target(%dma_start3A_737 : memref<1x64xf32, #tpu.memory_space<vmem>>) target_semaphore(%arg8 : memref<!tpu.dma_semaphore, #tpu.memory_space<semaphore_mem>>)
        %slice3A_740 = vector.extract_strided_slice %get3A_559 {offsets = [15], sizes = [1], strides = [1]} : vector<16xi32> to vector<1xi32>
        %squeeze3A_741 = vector.extract %slice3A_740[0] : i32 from vector<1xi32>
        %add3A_742 = arith.constant 15 : i32
        %add3A_743 = arith.addi %mul3A_555, %add3A_742 : i32
        %dma_start3A_744 = arith.constant 0 : i32
        %dma_start3A_745 = tpu.memref_slice %arg6[%add3A_743, %dma_start3A_744] : memref<200x64xf32, #tpu.memory_space<vmem>> -> memref<1x64xf32, #tpu.memory_space<vmem>>
        %dma_start3A_746 = arith.constant 0 : i32
        %dma_start3A_747 = tpu.memref_slice %arg2[%squeeze3A_741, %dma_start3A_746] : memref<1000000x64xf32, #tpu.memory_space<hbm>> -> memref<1x64xf32, #tpu.memory_space<hbm>>
        %dma_start3A_748 = arith.constant 0 : i32
        %dma_start3A_749 = tpu.memref_slice %arg6[%add3A_743, %dma_start3A_748] : memref<200x64xf32, #tpu.memory_space<vmem>> -> memref<1x64xf32, #tpu.memory_space<vmem>>
        %dma_start3A_750 = arith.constant 0 : i32
        %dma_start3A_751 = tpu.memref_slice %arg2[%squeeze3A_741, %dma_start3A_750] : memref<1000000x64xf32, #tpu.memory_space<hbm>> -> memref<1x64xf32, #tpu.memory_space<hbm>>
        tpu.enqueue_dma source(%dma_start3A_751 : memref<1x64xf32, #tpu.memory_space<hbm>>) target(%dma_start3A_749 : memref<1x64xf32, #tpu.memory_space<vmem>>) target_semaphore(%arg8 : memref<!tpu.dma_semaphore, #tpu.memory_space<semaphore_mem>>)
      }
      %scan3A_291 = arith.constant 12 : i32
      %get3A_292 = arith.index_cast %mul3A_278 : i32 to index
      %get3A_293 = arith.constant 184 : index
      %get3A_294 = tpu.vector_load %arg5[%get3A_292, %get3A_293] {strides = array<i32>} : memref<32x200xi32, #tpu.memory_space<vmem>>, vector<1x16xi32>,
      %get3A_295 = vector.shape_cast %get3A_294 : vector<1x16xi32> to vector<16xi32>
      %slice3A_296 = vector.extract_strided_slice %get3A_295 {offsets = [8], sizes = [1], strides = [1]} : vector<16xi32> to vector<1xi32>
      %squeeze3A_297 = vector.extract %slice3A_296[0] : i32 from vector<1xi32>
      %dma_start3A_298 = arith.constant 192 : i32
      %dma_start3A_299 = arith.constant 0 : i32
      %dma_start3A_300 = tpu.memref_slice %arg6[%dma_start3A_298, %dma_start3A_299] : memref<200x64xf32, #tpu.memory_space<vmem>> -> memref<1x64xf32, #tpu.memory_space<vmem>>
      %dma_start3A_301 = arith.constant 0 : i32
      %dma_start3A_302 = tpu.memref_slice %arg2[%squeeze3A_297, %dma_start3A_301] : memref<1000000x64xf32, #tpu.memory_space<hbm>> -> memref<1x64xf32, #tpu.memory_space<hbm>>
      %dma_start3A_303 = arith.constant 192 : i32
      %dma_start3A_304 = arith.constant 0 : i32
      %dma_start3A_305 = tpu.memref_slice %arg6[%dma_start3A_303, %dma_start3A_304] : memref<200x64xf32, #tpu.memory_space<vmem>> -> memref<1x64xf32, #tpu.memory_space<vmem>>
      %dma_start3A_306 = arith.constant 0 : i32
      %dma_start3A_307 = tpu.memref_slice %arg2[%squeeze3A_297, %dma_start3A_306] : memref<1000000x64xf32, #tpu.memory_space<hbm>> -> memref<1x64xf32, #tpu.memory_space<hbm>>
      tpu.enqueue_dma source(%dma_start3A_307 : memref<1x64xf32, #tpu.memory_space<hbm>>) target(%dma_start3A_305 : memref<1x64xf32, #tpu.memory_space<vmem>>) target_semaphore(%arg8 : memref<!tpu.dma_semaphore, #tpu.memory_space<semaphore_mem>>)
      %slice3A_308 = vector.extract_strided_slice %get3A_295 {offsets = [9], sizes = [1], strides = [1]} : vector<16xi32> to vector<1xi32>
      %squeeze3A_309 = vector.extract %slice3A_308[0] : i32 from vector<1xi32>
      %dma_start3A_310 = arith.constant 193 : i32
      %dma_start3A_311 = arith.constant 0 : i32
      %dma_start3A_312 = tpu.memref_slice %arg6[%dma_start3A_310, %dma_start3A_311] : memref<200x64xf32, #tpu.memory_space<vmem>> -> memref<1x64xf32, #tpu.memory_space<vmem>>
      %dma_start3A_313 = arith.constant 0 : i32
      %dma_start3A_314 = tpu.memref_slice %arg2[%squeeze3A_309, %dma_start3A_313] : memref<1000000x64xf32, #tpu.memory_space<hbm>> -> memref<1x64xf32, #tpu.memory_space<hbm>>
      %dma_start3A_315 = arith.constant 193 : i32
      %dma_start3A_316 = arith.constant 0 : i32
      %dma_start3A_317 = tpu.memref_slice %arg6[%dma_start3A_315, %dma_start3A_316] : memref<200x64xf32, #tpu.memory_space<vmem>> -> memref<1x64xf32, #tpu.memory_space<vmem>>
      %dma_start3A_318 = arith.constant 0 : i32
      %dma_start3A_319 = tpu.memref_slice %arg2[%squeeze3A_309, %dma_start3A_318] : memref<1000000x64xf32, #tpu.memory_space<hbm>> -> memref<1x64xf32, #tpu.memory_space<hbm>>
      tpu.enqueue_dma source(%dma_start3A_319 : memref<1x64xf32, #tpu.memory_space<hbm>>) target(%dma_start3A_317 : memref<1x64xf32, #tpu.memory_space<vmem>>) target_semaphore(%arg8 : memref<!tpu.dma_semaphore, #tpu.memory_space<semaphore_mem>>)
      %slice3A_320 = vector.extract_strided_slice %get3A_295 {offsets = [10], sizes = [1], strides = [1]} : vector<16xi32> to vector<1xi32>
      %squeeze3A_321 = vector.extract %slice3A_320[0] : i32 from vector<1xi32>
      %dma_start3A_322 = arith.constant 194 : i32
      %dma_start3A_323 = arith.constant 0 : i32
      %dma_start3A_324 = tpu.memref_slice %arg6[%dma_start3A_322, %dma_start3A_323] : memref<200x64xf32, #tpu.memory_space<vmem>> -> memref<1x64xf32, #tpu.memory_space<vmem>>
      %dma_start3A_325 = arith.constant 0 : i32
      %dma_start3A_326 = tpu.memref_slice %arg2[%squeeze3A_321, %dma_start3A_325] : memref<1000000x64xf32, #tpu.memory_space<hbm>> -> memref<1x64xf32, #tpu.memory_space<hbm>>
      %dma_start3A_327 = arith.constant 194 : i32
      %dma_start3A_328 = arith.constant 0 : i32
      %dma_start3A_329 = tpu.memref_slice %arg6[%dma_start3A_327, %dma_start3A_328] : memref<200x64xf32, #tpu.memory_space<vmem>> -> memref<1x64xf32, #tpu.memory_space<vmem>>
      %dma_start3A_330 = arith.constant 0 : i32
      %dma_start3A_331 = tpu.memref_slice %arg2[%squeeze3A_321, %dma_start3A_330] : memref<1000000x64xf32, #tpu.memory_space<hbm>> -> memref<1x64xf32, #tpu.memory_space<hbm>>
      tpu.enqueue_dma source(%dma_start3A_331 : memref<1x64xf32, #tpu.memory_space<hbm>>) target(%dma_start3A_329 : memref<1x64xf32, #tpu.memory_space<vmem>>) target_semaphore(%arg8 : memref<!tpu.dma_semaphore, #tpu.memory_space<semaphore_mem>>)
      %slice3A_332 = vector.extract_strided_slice %get3A_295 {offsets = [11], sizes = [1], strides = [1]} : vector<16xi32> to vector<1xi32>
      %squeeze3A_333 = vector.extract %slice3A_332[0] : i32 from vector<1xi32>
      %dma_start3A_334 = arith.constant 195 : i32
      %dma_start3A_335 = arith.constant 0 : i32
      %dma_start3A_336 = tpu.memref_slice %arg6[%dma_start3A_334, %dma_start3A_335] : memref<200x64xf32, #tpu.memory_space<vmem>> -> memref<1x64xf32, #tpu.memory_space<vmem>>
      %dma_start3A_337 = arith.constant 0 : i32
      %dma_start3A_338 = tpu.memref_slice %arg2[%squeeze3A_333, %dma_start3A_337] : memref<1000000x64xf32, #tpu.memory_space<hbm>> -> memref<1x64xf32, #tpu.memory_space<hbm>>
      %dma_start3A_339 = arith.constant 195 : i32
      %dma_start3A_340 = arith.constant 0 : i32
      %dma_start3A_341 = tpu.memref_slice %arg6[%dma_start3A_339, %dma_start3A_340] : memref<200x64xf32, #tpu.memory_space<vmem>> -> memref<1x64xf32, #tpu.memory_space<vmem>>
      %dma_start3A_342 = arith.constant 0 : i32
      %dma_start3A_343 = tpu.memref_slice %arg2[%squeeze3A_333, %dma_start3A_342] : memref<1000000x64xf32, #tpu.memory_space<hbm>> -> memref<1x64xf32, #tpu.memory_space<hbm>>
      tpu.enqueue_dma source(%dma_start3A_343 : memref<1x64xf32, #tpu.memory_space<hbm>>) target(%dma_start3A_341 : memref<1x64xf32, #tpu.memory_space<vmem>>) target_semaphore(%arg8 : memref<!tpu.dma_semaphore, #tpu.memory_space<semaphore_mem>>)
      %slice3A_344 = vector.extract_strided_slice %get3A_295 {offsets = [12], sizes = [1], strides = [1]} : vector<16xi32> to vector<1xi32>
      %squeeze3A_345 = vector.extract %slice3A_344[0] : i32 from vector<1xi32>
      %dma_start3A_346 = arith.constant 196 : i32
      %dma_start3A_347 = arith.constant 0 : i32
      %dma_start3A_348 = tpu.memref_slice %arg6[%dma_start3A_346, %dma_start3A_347] : memref<200x64xf32, #tpu.memory_space<vmem>> -> memref<1x64xf32, #tpu.memory_space<vmem>>
      %dma_start3A_349 = arith.constant 0 : i32
      %dma_start3A_350 = tpu.memref_slice %arg2[%squeeze3A_345, %dma_start3A_349] : memref<1000000x64xf32, #tpu.memory_space<hbm>> -> memref<1x64xf32, #tpu.memory_space<hbm>>
      %dma_start3A_351 = arith.constant 196 : i32
      %dma_start3A_352 = arith.constant 0 : i32
      %dma_start3A_353 = tpu.memref_slice %arg6[%dma_start3A_351, %dma_start3A_352] : memref<200x64xf32, #tpu.memory_space<vmem>> -> memref<1x64xf32, #tpu.memory_space<vmem>>
      %dma_start3A_354 = arith.constant 0 : i32
      %dma_start3A_355 = tpu.memref_slice %arg2[%squeeze3A_345, %dma_start3A_354] : memref<1000000x64xf32, #tpu.memory_space<hbm>> -> memref<1x64xf32, #tpu.memory_space<hbm>>
      tpu.enqueue_dma source(%dma_start3A_355 : memref<1x64xf32, #tpu.memory_space<hbm>>) target(%dma_start3A_353 : memref<1x64xf32, #tpu.memory_space<vmem>>) target_semaphore(%arg8 : memref<!tpu.dma_semaphore, #tpu.memory_space<semaphore_mem>>)
      %slice3A_356 = vector.extract_strided_slice %get3A_295 {offsets = [13], sizes = [1], strides = [1]} : vector<16xi32> to vector<1xi32>
      %squeeze3A_357 = vector.extract %slice3A_356[0] : i32 from vector<1xi32>
      %dma_start3A_358 = arith.constant 197 : i32
      %dma_start3A_359 = arith.constant 0 : i32
      %dma_start3A_360 = tpu.memref_slice %arg6[%dma_start3A_358, %dma_start3A_359] : memref<200x64xf32, #tpu.memory_space<vmem>> -> memref<1x64xf32, #tpu.memory_space<vmem>>
      %dma_start3A_361 = arith.constant 0 : i32
      %dma_start3A_362 = tpu.memref_slice %arg2[%squeeze3A_357, %dma_start3A_361] : memref<1000000x64xf32, #tpu.memory_space<hbm>> -> memref<1x64xf32, #tpu.memory_space<hbm>>
      %dma_start3A_363 = arith.constant 197 : i32
      %dma_start3A_364 = arith.constant 0 : i32
      %dma_start3A_365 = tpu.memref_slice %arg6[%dma_start3A_363, %dma_start3A_364] : memref<200x64xf32, #tpu.memory_space<vmem>> -> memref<1x64xf32, #tpu.memory_space<vmem>>
      %dma_start3A_366 = arith.constant 0 : i32
      %dma_start3A_367 = tpu.memref_slice %arg2[%squeeze3A_357, %dma_start3A_366] : memref<1000000x64xf32, #tpu.memory_space<hbm>> -> memref<1x64xf32, #tpu.memory_space<hbm>>
      tpu.enqueue_dma source(%dma_start3A_367 : memref<1x64xf32, #tpu.memory_space<hbm>>) target(%dma_start3A_365 : memref<1x64xf32, #tpu.memory_space<vmem>>) target_semaphore(%arg8 : memref<!tpu.dma_semaphore, #tpu.memory_space<semaphore_mem>>)
      %slice3A_368 = vector.extract_strided_slice %get3A_295 {offsets = [14], sizes = [1], strides = [1]} : vector<16xi32> to vector<1xi32>
      %squeeze3A_369 = vector.extract %slice3A_368[0] : i32 from vector<1xi32>
      %dma_start3A_370 = arith.constant 198 : i32
      %dma_start3A_371 = arith.constant 0 : i32
      %dma_start3A_372 = tpu.memref_slice %arg6[%dma_start3A_370, %dma_start3A_371] : memref<200x64xf32, #tpu.memory_space<vmem>> -> memref<1x64xf32, #tpu.memory_space<vmem>>
      %dma_start3A_373 = arith.constant 0 : i32
      %dma_start3A_374 = tpu.memref_slice %arg2[%squeeze3A_369, %dma_start3A_373] : memref<1000000x64xf32, #tpu.memory_space<hbm>> -> memref<1x64xf32, #tpu.memory_space<hbm>>
      %dma_start3A_375 = arith.constant 198 : i32
      %dma_start3A_376 = arith.constant 0 : i32
      %dma_start3A_377 = tpu.memref_slice %arg6[%dma_start3A_375, %dma_start3A_376] : memref<200x64xf32, #tpu.memory_space<vmem>> -> memref<1x64xf32, #tpu.memory_space<vmem>>
      %dma_start3A_378 = arith.constant 0 : i32
      %dma_start3A_379 = tpu.memref_slice %arg2[%squeeze3A_369, %dma_start3A_378] : memref<1000000x64xf32, #tpu.memory_space<hbm>> -> memref<1x64xf32, #tpu.memory_space<hbm>>
      tpu.enqueue_dma source(%dma_start3A_379 : memref<1x64xf32, #tpu.memory_space<hbm>>) target(%dma_start3A_377 : memref<1x64xf32, #tpu.memory_space<vmem>>) target_semaphore(%arg8 : memref<!tpu.dma_semaphore, #tpu.memory_space<semaphore_mem>>)
      %slice3A_380 = vector.extract_strided_slice %get3A_295 {offsets = [15], sizes = [1], strides = [1]} : vector<16xi32> to vector<1xi32>
      %squeeze3A_381 = vector.extract %slice3A_380[0] : i32 from vector<1xi32>
      %dma_start3A_382 = arith.constant 199 : i32
      %dma_start3A_383 = arith.constant 0 : i32
      %dma_start3A_384 = tpu.memref_slice %arg6[%dma_start3A_382, %dma_start3A_383] : memref<200x64xf32, #tpu.memory_space<vmem>> -> memref<1x64xf32, #tpu.memory_space<vmem>>
      %dma_start3A_385 = arith.constant 0 : i32
      %dma_start3A_386 = tpu.memref_slice %arg2[%squeeze3A_381, %dma_start3A_385] : memref<1000000x64xf32, #tpu.memory_space<hbm>> -> memref<1x64xf32, #tpu.memory_space<hbm>>
      %dma_start3A_387 = arith.constant 199 : i32
      %dma_start3A_388 = arith.constant 0 : i32
      %dma_start3A_389 = tpu.memref_slice %arg6[%dma_start3A_387, %dma_start3A_388] : memref<200x64xf32, #tpu.memory_space<vmem>> -> memref<1x64xf32, #tpu.memory_space<vmem>>
      %dma_start3A_390 = arith.constant 0 : i32
      %dma_start3A_391 = tpu.memref_slice %arg2[%squeeze3A_381, %dma_start3A_390] : memref<1000000x64xf32, #tpu.memory_space<hbm>> -> memref<1x64xf32, #tpu.memory_space<hbm>>
      tpu.enqueue_dma source(%dma_start3A_391 : memref<1x64xf32, #tpu.memory_space<hbm>>) target(%dma_start3A_389 : memref<1x64xf32, #tpu.memory_space<vmem>>) target_semaphore(%arg8 : memref<!tpu.dma_semaphore, #tpu.memory_space<semaphore_mem>>)
      %dma_wait3A_392 = arith.constant 0 : i32
      %dma_wait3A_393 = arith.constant 0 : i32
      %dma_wait3A_394 = tpu.memref_slice %arg2[%dma_wait3A_392, %dma_wait3A_393] : memref<1000000x64xf32, #tpu.memory_space<hbm>> -> memref<200x64xf32, #tpu.memory_space<hbm>>
      %dma_wait3A_395 = arith.constant 0 : i32
      %dma_wait3A_396 = arith.constant 0 : i32
      %dma_wait3A_397 = tpu.memref_slice %arg2[%dma_wait3A_395, %dma_wait3A_396] : memref<1000000x64xf32, #tpu.memory_space<hbm>> -> memref<200x64xf32, #tpu.memory_space<hbm>>
      tpu.wait_dma2 semaphore(%arg8 : memref<!tpu.dma_semaphore, #tpu.memory_space<semaphore_mem>>) src(%dma_wait3A_397 : memref<200x64xf32, #tpu.memory_space<hbm>>) dst(%arg6 : memref<200x64xf32, #tpu.memory_space<vmem>>)
      %scan3A_398 = arith.constant 0 : i32
      %scan3A_399 = arith.constant 200 : i32
      %scan3A_400 = arith.addi %scan3A_398, %scan3A_399 : i32
      %scan3A_401 = arith.constant 4 : i32
      scf.for %scan3A_549 = %scan3A_398 to %scan3A_400 step %scan3A_401  : i32 {
        %mul3A_550 = arith.constant 1 : i32
        %mul3A_551 = arith.muli %scan3A_549, %mul3A_550 : i32
        %add3A_552 = arith.constant 0 : i32
        %add3A_553 = arith.addi %add3A_552, %mul3A_551 : i32
        %get3A_554 = arith.index_cast %add3A_553 : i32 to index
        %get3A_555 = arith.constant 0 : index
        %get3A_556 = tpu.vector_load %arg6[%get3A_554, %get3A_555] {strides = array<i32>} : memref<200x64xf32, #tpu.memory_space<vmem>>, vector<1x16xf32>,
        %get3A_557 = vector.shape_cast %get3A_556 : vector<1x16xf32> to vector<16xf32>
        %mul3A_558 = arith.constant 8.000000e+00 : f32
        %mul3A_559 = vector.broadcast %mul3A_558 : f32 to vector<16xf32>
        %mul3A_560 = arith.mulf %get3A_557, %mul3A_559 : vector<16xf32>
        %swap3A = arith.index_cast %add3A_553 : i32 to index
        %swap3A_561 = arith.constant 0 : index
        %swap3A_562 = tpu.vector_load %arg6[%swap3A, %swap3A_561] {strides = array<i32>} : memref<200x64xf32, #tpu.memory_space<vmem>>, vector<1x16xf32>,
        %swap3A_563 = vector.shape_cast %swap3A_562 : vector<1x16xf32> to vector<16xf32>
        %swap3A_564 = vector.shape_cast %mul3A_560 : vector<16xf32> to vector<1x16xf32>
        tpu.vector_store %arg6[%swap3A, %swap3A_561], %swap3A_564 {strides = array<i32>} : memref<200x64xf32, #tpu.memory_space<vmem>>, vector<1x16xf32>,
        %get3A_565 = arith.index_cast %add3A_553 : i32 to index
        %get3A_566 = arith.constant 16 : index
        %get3A_567 = tpu.vector_load %arg6[%get3A_565, %get3A_566] {strides = array<i32>} : memref<200x64xf32, #tpu.memory_space<vmem>>, vector<1x16xf32>,
        %get3A_568 = vector.shape_cast %get3A_567 : vector<1x16xf32> to vector<16xf32>
        %mul3A_569 = arith.constant 8.000000e+00 : f32
        %mul3A_570 = vector.broadcast %mul3A_569 : f32 to vector<16xf32>
        %mul3A_571 = arith.mulf %get3A_568, %mul3A_570 : vector<16xf32>
        %swap3A_572 = arith.index_cast %add3A_553 : i32 to index
        %swap3A_573 = arith.constant 16 : index
        %swap3A_574 = tpu.vector_load %arg6[%swap3A_572, %swap3A_573] {strides = array<i32>} : memref<200x64xf32, #tpu.memory_space<vmem>>, vector<1x16xf32>,
        %swap3A_575 = vector.shape_cast %swap3A_574 : vector<1x16xf32> to vector<16xf32>
        %swap3A_576 = vector.shape_cast %mul3A_571 : vector<16xf32> to vector<1x16xf32>
        tpu.vector_store %arg6[%swap3A_572, %swap3A_573], %swap3A_576 {strides = array<i32>} : memref<200x64xf32, #tpu.memory_space<vmem>>, vector<1x16xf32>,
        %get3A_577 = arith.index_cast %add3A_553 : i32 to index
        %get3A_578 = arith.constant 32 : index
        %get3A_579 = tpu.vector_load %arg6[%get3A_577, %get3A_578] {strides = array<i32>} : memref<200x64xf32, #tpu.memory_space<vmem>>, vector<1x16xf32>,
        %get3A_580 = vector.shape_cast %get3A_579 : vector<1x16xf32> to vector<16xf32>
        %mul3A_581 = arith.constant 8.000000e+00 : f32
        %mul3A_582 = vector.broadcast %mul3A_581 : f32 to vector<16xf32>
        %mul3A_583 = arith.mulf %get3A_580, %mul3A_582 : vector<16xf32>
        %swap3A_584 = arith.index_cast %add3A_553 : i32 to index
        %swap3A_585 = arith.constant 32 : index
        %swap3A_586 = tpu.vector_load %arg6[%swap3A_584, %swap3A_585] {strides = array<i32>} : memref<200x64xf32, #tpu.memory_space<vmem>>, vector<1x16xf32>,
        %swap3A_587 = vector.shape_cast %swap3A_586 : vector<1x16xf32> to vector<16xf32>
        %swap3A_588 = vector.shape_cast %mul3A_583 : vector<16xf32> to vector<1x16xf32>
        tpu.vector_store %arg6[%swap3A_584, %swap3A_585], %swap3A_588 {strides = array<i32>} : memref<200x64xf32, #tpu.memory_space<vmem>>, vector<1x16xf32>,
        %get3A_589 = arith.index_cast %add3A_553 : i32 to index
        %get3A_590 = arith.constant 48 : index
        %get3A_591 = tpu.vector_load %arg6[%get3A_589, %get3A_590] {strides = array<i32>} : memref<200x64xf32, #tpu.memory_space<vmem>>, vector<1x16xf32>,
        %get3A_592 = vector.shape_cast %get3A_591 : vector<1x16xf32> to vector<16xf32>
        %mul3A_593 = arith.constant 8.000000e+00 : f32
        %mul3A_594 = vector.broadcast %mul3A_593 : f32 to vector<16xf32>
        %mul3A_595 = arith.mulf %get3A_592, %mul3A_594 : vector<16xf32>
        %swap3A_596 = arith.index_cast %add3A_553 : i32 to index
        %swap3A_597 = arith.constant 48 : index
        %swap3A_598 = tpu.vector_load %arg6[%swap3A_596, %swap3A_597] {strides = array<i32>} : memref<200x64xf32, #tpu.memory_space<vmem>>, vector<1x16xf32>,
        %swap3A_599 = vector.shape_cast %swap3A_598 : vector<1x16xf32> to vector<16xf32>
        %swap3A_600 = vector.shape_cast %mul3A_595 : vector<16xf32> to vector<1x16xf32>
        tpu.vector_store %arg6[%swap3A_596, %swap3A_597], %swap3A_600 {strides = array<i32>} : memref<200x64xf32, #tpu.memory_space<vmem>>, vector<1x16xf32>,
        %scan3A_601 = arith.constant 1 : i32
        %scan3A_602 = arith.addi %scan3A_549, %scan3A_601 : i32
        %mul3A_603 = arith.constant 1 : i32
        %mul3A_604 = arith.muli %scan3A_602, %mul3A_603 : i32
        %add3A_605 = arith.constant 0 : i32
        %add3A_606 = arith.addi %add3A_605, %mul3A_604 : i32
        %get3A_607 = arith.index_cast %add3A_606 : i32 to index
        %get3A_608 = arith.constant 0 : index
        %get3A_609 = tpu.vector_load %arg6[%get3A_607, %get3A_608] {strides = array<i32>} : memref<200x64xf32, #tpu.memory_space<vmem>>, vector<1x16xf32>,
        %get3A_610 = vector.shape_cast %get3A_609 : vector<1x16xf32> to vector<16xf32>
        %mul3A_611 = arith.constant 8.000000e+00 : f32
        %mul3A_612 = vector.broadcast %mul3A_611 : f32 to vector<16xf32>
        %mul3A_613 = arith.mulf %get3A_610, %mul3A_612 : vector<16xf32>
        %swap3A_614 = arith.index_cast %add3A_606 : i32 to index
        %swap3A_615 = arith.constant 0 : index
        %swap3A_616 = tpu.vector_load %arg6[%swap3A_614, %swap3A_615] {strides = array<i32>} : memref<200x64xf32, #tpu.memory_space<vmem>>, vector<1x16xf32>,
        %swap3A_617 = vector.shape_cast %swap3A_616 : vector<1x16xf32> to vector<16xf32>
        %swap3A_618 = vector.shape_cast %mul3A_613 : vector<16xf32> to vector<1x16xf32>
        tpu.vector_store %arg6[%swap3A_614, %swap3A_615], %swap3A_618 {strides = array<i32>} : memref<200x64xf32, #tpu.memory_space<vmem>>, vector<1x16xf32>,
        %get3A_619 = arith.index_cast %add3A_606 : i32 to index
        %get3A_620 = arith.constant 16 : index
        %get3A_621 = tpu.vector_load %arg6[%get3A_619, %get3A_620] {strides = array<i32>} : memref<200x64xf32, #tpu.memory_space<vmem>>, vector<1x16xf32>,
        %get3A_622 = vector.shape_cast %get3A_621 : vector<1x16xf32> to vector<16xf32>
        %mul3A_623 = arith.constant 8.000000e+00 : f32
        %mul3A_624 = vector.broadcast %mul3A_623 : f32 to vector<16xf32>
        %mul3A_625 = arith.mulf %get3A_622, %mul3A_624 : vector<16xf32>
        %swap3A_626 = arith.index_cast %add3A_606 : i32 to index
        %swap3A_627 = arith.constant 16 : index
        %swap3A_628 = tpu.vector_load %arg6[%swap3A_626, %swap3A_627] {strides = array<i32>} : memref<200x64xf32, #tpu.memory_space<vmem>>, vector<1x16xf32>,
        %swap3A_629 = vector.shape_cast %swap3A_628 : vector<1x16xf32> to vector<16xf32>
        %swap3A_630 = vector.shape_cast %mul3A_625 : vector<16xf32> to vector<1x16xf32>
        tpu.vector_store %arg6[%swap3A_626, %swap3A_627], %swap3A_630 {strides = array<i32>} : memref<200x64xf32, #tpu.memory_space<vmem>>, vector<1x16xf32>,
        %get3A_631 = arith.index_cast %add3A_606 : i32 to index
        %get3A_632 = arith.constant 32 : index
        %get3A_633 = tpu.vector_load %arg6[%get3A_631, %get3A_632] {strides = array<i32>} : memref<200x64xf32, #tpu.memory_space<vmem>>, vector<1x16xf32>,
        %get3A_634 = vector.shape_cast %get3A_633 : vector<1x16xf32> to vector<16xf32>
        %mul3A_635 = arith.constant 8.000000e+00 : f32
        %mul3A_636 = vector.broadcast %mul3A_635 : f32 to vector<16xf32>
        %mul3A_637 = arith.mulf %get3A_634, %mul3A_636 : vector<16xf32>
        %swap3A_638 = arith.index_cast %add3A_606 : i32 to index
        %swap3A_639 = arith.constant 32 : index
        %swap3A_640 = tpu.vector_load %arg6[%swap3A_638, %swap3A_639] {strides = array<i32>} : memref<200x64xf32, #tpu.memory_space<vmem>>, vector<1x16xf32>,
        %swap3A_641 = vector.shape_cast %swap3A_640 : vector<1x16xf32> to vector<16xf32>
        %swap3A_642 = vector.shape_cast %mul3A_637 : vector<16xf32> to vector<1x16xf32>
        tpu.vector_store %arg6[%swap3A_638, %swap3A_639], %swap3A_642 {strides = array<i32>} : memref<200x64xf32, #tpu.memory_space<vmem>>, vector<1x16xf32>,
        %get3A_643 = arith.index_cast %add3A_606 : i32 to index
        %get3A_644 = arith.constant 48 : index
        %get3A_645 = tpu.vector_load %arg6[%get3A_643, %get3A_644] {strides = array<i32>} : memref<200x64xf32, #tpu.memory_space<vmem>>, vector<1x16xf32>,
        %get3A_646 = vector.shape_cast %get3A_645 : vector<1x16xf32> to vector<16xf32>
        %mul3A_647 = arith.constant 8.000000e+00 : f32
        %mul3A_648 = vector.broadcast %mul3A_647 : f32 to vector<16xf32>
        %mul3A_649 = arith.mulf %get3A_646, %mul3A_648 : vector<16xf32>
        %swap3A_650 = arith.index_cast %add3A_606 : i32 to index
        %swap3A_651 = arith.constant 48 : index
        %swap3A_652 = tpu.vector_load %arg6[%swap3A_650, %swap3A_651] {strides = array<i32>} : memref<200x64xf32, #tpu.memory_space<vmem>>, vector<1x16xf32>,
        %swap3A_653 = vector.shape_cast %swap3A_652 : vector<1x16xf32> to vector<16xf32>
        %swap3A_654 = vector.shape_cast %mul3A_649 : vector<16xf32> to vector<1x16xf32>
        tpu.vector_store %arg6[%swap3A_650, %swap3A_651], %swap3A_654 {strides = array<i32>} : memref<200x64xf32, #tpu.memory_space<vmem>>, vector<1x16xf32>,
        %scan3A_655 = arith.constant 2 : i32
        %scan3A_656 = arith.addi %scan3A_549, %scan3A_655 : i32
        %mul3A_657 = arith.constant 1 : i32
        %mul3A_658 = arith.muli %scan3A_656, %mul3A_657 : i32
        %add3A_659 = arith.constant 0 : i32
        %add3A_660 = arith.addi %add3A_659, %mul3A_658 : i32
        %get3A_661 = arith.index_cast %add3A_660 : i32 to index
        %get3A_662 = arith.constant 0 : index
        %get3A_663 = tpu.vector_load %arg6[%get3A_661, %get3A_662] {strides = array<i32>} : memref<200x64xf32, #tpu.memory_space<vmem>>, vector<1x16xf32>,
        %get3A_664 = vector.shape_cast %get3A_663 : vector<1x16xf32> to vector<16xf32>
        %mul3A_665 = arith.constant 8.000000e+00 : f32
        %mul3A_666 = vector.broadcast %mul3A_665 : f32 to vector<16xf32>
        %mul3A_667 = arith.mulf %get3A_664, %mul3A_666 : vector<16xf32>
        %swap3A_668 = arith.index_cast %add3A_660 : i32 to index
        %swap3A_669 = arith.constant 0 : index
        %swap3A_670 = tpu.vector_load %arg6[%swap3A_668, %swap3A_669] {strides = array<i32>} : memref<200x64xf32, #tpu.memory_space<vmem>>, vector<1x16xf32>,
        %swap3A_671 = vector.shape_cast %swap3A_670 : vector<1x16xf32> to vector<16xf32>
        %swap3A_672 = vector.shape_cast %mul3A_667 : vector<16xf32> to vector<1x16xf32>
        tpu.vector_store %arg6[%swap3A_668, %swap3A_669], %swap3A_672 {strides = array<i32>} : memref<200x64xf32, #tpu.memory_space<vmem>>, vector<1x16xf32>,
        %get3A_673 = arith.index_cast %add3A_660 : i32 to index
        %get3A_674 = arith.constant 16 : index
        %get3A_675 = tpu.vector_load %arg6[%get3A_673, %get3A_674] {strides = array<i32>} : memref<200x64xf32, #tpu.memory_space<vmem>>, vector<1x16xf32>,
        %get3A_676 = vector.shape_cast %get3A_675 : vector<1x16xf32> to vector<16xf32>
        %mul3A_677 = arith.constant 8.000000e+00 : f32
        %mul3A_678 = vector.broadcast %mul3A_677 : f32 to vector<16xf32>
        %mul3A_679 = arith.mulf %get3A_676, %mul3A_678 : vector<16xf32>
        %swap3A_680 = arith.index_cast %add3A_660 : i32 to index
        %swap3A_681 = arith.constant 16 : index
        %swap3A_682 = tpu.vector_load %arg6[%swap3A_680, %swap3A_681] {strides = array<i32>} : memref<200x64xf32, #tpu.memory_space<vmem>>, vector<1x16xf32>,
        %swap3A_683 = vector.shape_cast %swap3A_682 : vector<1x16xf32> to vector<16xf32>
        %swap3A_684 = vector.shape_cast %mul3A_679 : vector<16xf32> to vector<1x16xf32>
        tpu.vector_store %arg6[%swap3A_680, %swap3A_681], %swap3A_684 {strides = array<i32>} : memref<200x64xf32, #tpu.memory_space<vmem>>, vector<1x16xf32>,
        %get3A_685 = arith.index_cast %add3A_660 : i32 to index
        %get3A_686 = arith.constant 32 : index
        %get3A_687 = tpu.vector_load %arg6[%get3A_685, %get3A_686] {strides = array<i32>} : memref<200x64xf32, #tpu.memory_space<vmem>>, vector<1x16xf32>,
        %get3A_688 = vector.shape_cast %get3A_687 : vector<1x16xf32> to vector<16xf32>
        %mul3A_689 = arith.constant 8.000000e+00 : f32
        %mul3A_690 = vector.broadcast %mul3A_689 : f32 to vector<16xf32>
        %mul3A_691 = arith.mulf %get3A_688, %mul3A_690 : vector<16xf32>
        %swap3A_692 = arith.index_cast %add3A_660 : i32 to index
        %swap3A_693 = arith.constant 32 : index
        %swap3A_694 = tpu.vector_load %arg6[%swap3A_692, %swap3A_693] {strides = array<i32>} : memref<200x64xf32, #tpu.memory_space<vmem>>, vector<1x16xf32>,
        %swap3A_695 = vector.shape_cast %swap3A_694 : vector<1x16xf32> to vector<16xf32>
        %swap3A_696 = vector.shape_cast %mul3A_691 : vector<16xf32> to vector<1x16xf32>
        tpu.vector_store %arg6[%swap3A_692, %swap3A_693], %swap3A_696 {strides = array<i32>} : memref<200x64xf32, #tpu.memory_space<vmem>>, vector<1x16xf32>,
        %get3A_697 = arith.index_cast %add3A_660 : i32 to index
        %get3A_698 = arith.constant 48 : index
        %get3A_699 = tpu.vector_load %arg6[%get3A_697, %get3A_698] {strides = array<i32>} : memref<200x64xf32, #tpu.memory_space<vmem>>, vector<1x16xf32>,
        %get3A_700 = vector.shape_cast %get3A_699 : vector<1x16xf32> to vector<16xf32>
        %mul3A_701 = arith.constant 8.000000e+00 : f32
        %mul3A_702 = vector.broadcast %mul3A_701 : f32 to vector<16xf32>
        %mul3A_703 = arith.mulf %get3A_700, %mul3A_702 : vector<16xf32>
        %swap3A_704 = arith.index_cast %add3A_660 : i32 to index
        %swap3A_705 = arith.constant 48 : index
        %swap3A_706 = tpu.vector_load %arg6[%swap3A_704, %swap3A_705] {strides = array<i32>} : memref<200x64xf32, #tpu.memory_space<vmem>>, vector<1x16xf32>,
        %swap3A_707 = vector.shape_cast %swap3A_706 : vector<1x16xf32> to vector<16xf32>
        %swap3A_708 = vector.shape_cast %mul3A_703 : vector<16xf32> to vector<1x16xf32>
        tpu.vector_store %arg6[%swap3A_704, %swap3A_705], %swap3A_708 {strides = array<i32>} : memref<200x64xf32, #tpu.memory_space<vmem>>, vector<1x16xf32>,
        %scan3A_709 = arith.constant 3 : i32
        %scan3A_710 = arith.addi %scan3A_549, %scan3A_709 : i32
        %mul3A_711 = arith.constant 1 : i32
        %mul3A_712 = arith.muli %scan3A_710, %mul3A_711 : i32
        %add3A_713 = arith.constant 0 : i32
        %add3A_714 = arith.addi %add3A_713, %mul3A_712 : i32
        %get3A_715 = arith.index_cast %add3A_714 : i32 to index
        %get3A_716 = arith.constant 0 : index
        %get3A_717 = tpu.vector_load %arg6[%get3A_715, %get3A_716] {strides = array<i32>} : memref<200x64xf32, #tpu.memory_space<vmem>>, vector<1x16xf32>,
        %get3A_718 = vector.shape_cast %get3A_717 : vector<1x16xf32> to vector<16xf32>
        %mul3A_719 = arith.constant 8.000000e+00 : f32
        %mul3A_720 = vector.broadcast %mul3A_719 : f32 to vector<16xf32>
        %mul3A_721 = arith.mulf %get3A_718, %mul3A_720 : vector<16xf32>
        %swap3A_722 = arith.index_cast %add3A_714 : i32 to index
        %swap3A_723 = arith.constant 0 : index
        %swap3A_724 = tpu.vector_load %arg6[%swap3A_722, %swap3A_723] {strides = array<i32>} : memref<200x64xf32, #tpu.memory_space<vmem>>, vector<1x16xf32>,
        %swap3A_725 = vector.shape_cast %swap3A_724 : vector<1x16xf32> to vector<16xf32>
        %swap3A_726 = vector.shape_cast %mul3A_721 : vector<16xf32> to vector<1x16xf32>
        tpu.vector_store %arg6[%swap3A_722, %swap3A_723], %swap3A_726 {strides = array<i32>} : memref<200x64xf32, #tpu.memory_space<vmem>>, vector<1x16xf32>,
        %get3A_727 = arith.index_cast %add3A_714 : i32 to index
        %get3A_728 = arith.constant 16 : index
        %get3A_729 = tpu.vector_load %arg6[%get3A_727, %get3A_728] {strides = array<i32>} : memref<200x64xf32, #tpu.memory_space<vmem>>, vector<1x16xf32>,
        %get3A_730 = vector.shape_cast %get3A_729 : vector<1x16xf32> to vector<16xf32>
        %mul3A_731 = arith.constant 8.000000e+00 : f32
        %mul3A_732 = vector.broadcast %mul3A_731 : f32 to vector<16xf32>
        %mul3A_733 = arith.mulf %get3A_730, %mul3A_732 : vector<16xf32>
        %swap3A_734 = arith.index_cast %add3A_714 : i32 to index
        %swap3A_735 = arith.constant 16 : index
        %swap3A_736 = tpu.vector_load %arg6[%swap3A_734, %swap3A_735] {strides = array<i32>} : memref<200x64xf32, #tpu.memory_space<vmem>>, vector<1x16xf32>,
        %swap3A_737 = vector.shape_cast %swap3A_736 : vector<1x16xf32> to vector<16xf32>
        %swap3A_738 = vector.shape_cast %mul3A_733 : vector<16xf32> to vector<1x16xf32>
        tpu.vector_store %arg6[%swap3A_734, %swap3A_735], %swap3A_738 {strides = array<i32>} : memref<200x64xf32, #tpu.memory_space<vmem>>, vector<1x16xf32>,
        %get3A_739 = arith.index_cast %add3A_714 : i32 to index
        %get3A_740 = arith.constant 32 : index
        %get3A_741 = tpu.vector_load %arg6[%get3A_739, %get3A_740] {strides = array<i32>} : memref<200x64xf32, #tpu.memory_space<vmem>>, vector<1x16xf32>,
        %get3A_742 = vector.shape_cast %get3A_741 : vector<1x16xf32> to vector<16xf32>
        %mul3A_743 = arith.constant 8.000000e+00 : f32
        %mul3A_744 = vector.broadcast %mul3A_743 : f32 to vector<16xf32>
        %mul3A_745 = arith.mulf %get3A_742, %mul3A_744 : vector<16xf32>
        %swap3A_746 = arith.index_cast %add3A_714 : i32 to index
        %swap3A_747 = arith.constant 32 : index
        %swap3A_748 = tpu.vector_load %arg6[%swap3A_746, %swap3A_747] {strides = array<i32>} : memref<200x64xf32, #tpu.memory_space<vmem>>, vector<1x16xf32>,
        %swap3A_749 = vector.shape_cast %swap3A_748 : vector<1x16xf32> to vector<16xf32>
        %swap3A_750 = vector.shape_cast %mul3A_745 : vector<16xf32> to vector<1x16xf32>
        tpu.vector_store %arg6[%swap3A_746, %swap3A_747], %swap3A_750 {strides = array<i32>} : memref<200x64xf32, #tpu.memory_space<vmem>>, vector<1x16xf32>,
        %get3A_751 = arith.index_cast %add3A_714 : i32 to index
        %get3A_752 = arith.constant 48 : index
        %get3A_753 = tpu.vector_load %arg6[%get3A_751, %get3A_752] {strides = array<i32>} : memref<200x64xf32, #tpu.memory_space<vmem>>, vector<1x16xf32>,
        %get3A_754 = vector.shape_cast %get3A_753 : vector<1x16xf32> to vector<16xf32>
        %mul3A_755 = arith.constant 8.000000e+00 : f32
        %mul3A_756 = vector.broadcast %mul3A_755 : f32 to vector<16xf32>
        %mul3A_757 = arith.mulf %get3A_754, %mul3A_756 : vector<16xf32>
        %swap3A_758 = arith.index_cast %add3A_714 : i32 to index
        %swap3A_759 = arith.constant 48 : index
        %swap3A_760 = tpu.vector_load %arg6[%swap3A_758, %swap3A_759] {strides = array<i32>} : memref<200x64xf32, #tpu.memory_space<vmem>>, vector<1x16xf32>,
        %swap3A_761 = vector.shape_cast %swap3A_760 : vector<1x16xf32> to vector<16xf32>
        %swap3A_762 = vector.shape_cast %mul3A_757 : vector<16xf32> to vector<1x16xf32>
        tpu.vector_store %arg6[%swap3A_758, %swap3A_759], %swap3A_762 {strides = array<i32>} : memref<200x64xf32, #tpu.memory_space<vmem>>, vector<1x16xf32>,
      }
      %scan3A_402 = arith.constant 200 : i32
      %add3A_403 = arith.addi %mul3A_2, %mul3A_278 : i32
      %dma_start3A_404 = arith.constant 0 : i32
      %dma_start3A_405 = arith.constant 0 : i32
      %dma_start3A_406 = tpu.memref_slice %arg4[%add3A_403, %dma_start3A_404, %dma_start3A_405] : memref<1024x200x64xf32, #tpu.memory_space<hbm>> -> memref<1x200x64xf32, #tpu.memory_space<hbm>>
      %dma_start3A_407 = tpu.memref_squeeze %dma_start3A_406 : memref<1x200x64xf32, #tpu.memory_space<hbm>> -> memref<200x64xf32, #tpu.memory_space<hbm>>
      %dma_start3A_408 = arith.constant 0 : i32
      %dma_start3A_409 = arith.constant 0 : i32
      %dma_start3A_410 = tpu.memref_slice %arg4[%add3A_403, %dma_start3A_408, %dma_start3A_409] : memref<1024x200x64xf32, #tpu.memory_space<hbm>> -> memref<1x200x64xf32, #tpu.memory_space<hbm>>
      %dma_start3A_411 = tpu.memref_squeeze %dma_start3A_410 : memref<1x200x64xf32, #tpu.memory_space<hbm>> -> memref<200x64xf32, #tpu.memory_space<hbm>>
      tpu.enqueue_dma source(%arg6 : memref<200x64xf32, #tpu.memory_space<vmem>>) target(%dma_start3A_411 : memref<200x64xf32, #tpu.memory_space<hbm>>) target_semaphore(%arg10 : memref<!tpu.dma_semaphore, #tpu.memory_space<semaphore_mem>>)
      %dma_wait3A_412 = arith.constant 0 : i32
      %dma_wait3A_413 = arith.constant 0 : i32
      %dma_wait3A_414 = tpu.memref_slice %arg4[%mul3A_2, %dma_wait3A_412, %dma_wait3A_413] : memref<1024x200x64xf32, #tpu.memory_space<hbm>> -> memref<1x200x64xf32, #tpu.memory_space<hbm>>
      %dma_wait3A_415 = tpu.memref_squeeze %dma_wait3A_414 : memref<1x200x64xf32, #tpu.memory_space<hbm>> -> memref<200x64xf32, #tpu.memory_space<hbm>>
      %dma_wait3A_416 = arith.constant 0 : i32
      %dma_wait3A_417 = arith.constant 0 : i32
      %dma_wait3A_418 = tpu.memref_slice %arg4[%mul3A_2, %dma_wait3A_416, %dma_wait3A_417] : memref<1024x200x64xf32, #tpu.memory_space<hbm>> -> memref<1x200x64xf32, #tpu.memory_space<hbm>>
      %dma_wait3A_419 = tpu.memref_squeeze %dma_wait3A_418 : memref<1x200x64xf32, #tpu.memory_space<hbm>> -> memref<200x64xf32, #tpu.memory_space<hbm>>
      tpu.wait_dma2 semaphore(%arg11 : memref<!tpu.dma_semaphore, #tpu.memory_space<semaphore_mem>>) src(%arg7 : memref<200x64xf32, #tpu.memory_space<vmem>>) dst(%dma_wait3A_419 : memref<200x64xf32, #tpu.memory_space<hbm>>)
      %add3A_420 = arith.constant 1 : i32
      %add3A_421 = arith.addi %mul3A_278, %add3A_420 : i32
      %scan3A_422 = arith.constant 0 : i32
      %scan3A_423 = arith.constant 12 : i32
      %scan3A_424 = arith.addi %scan3A_422, %scan3A_423 : i32
      %scan3A_425 = arith.constant 1 : i32
      scf.for %scan3A_549 = %scan3A_422 to %scan3A_424 step %scan3A_425  : i32 {
        %mul3A_550 = arith.constant 1 : i32
        %mul3A_551 = arith.muli %scan3A_549, %mul3A_550 : i32
        %add3A_552 = arith.constant 0 : i32
        %add3A_553 = arith.addi %add3A_552, %mul3A_551 : i32
        %mul3A_554 = arith.constant 16 : i32
        %mul3A_555 = arith.muli %add3A_553, %mul3A_554 : i32
        %get3A_556 = arith.index_cast %add3A_421 : i32 to index
        %get3A_557 = arith.index_cast %mul3A_555 : i32 to index
        %get3A_558 = tpu.vector_load %arg5[%get3A_556, %get3A_557] {strides = array<i32>} : memref<32x200xi32, #tpu.memory_space<vmem>>, vector<1x16xi32>,
        %get3A_559 = vector.shape_cast %get3A_558 : vector<1x16xi32> to vector<16xi32>
        %slice3A_560 = vector.extract_strided_slice %get3A_559 {offsets = [0], sizes = [1], strides = [1]} : vector<16xi32> to vector<1xi32>
        %squeeze3A_561 = vector.extract %slice3A_560[0] : i32 from vector<1xi32>
        %add3A_562 = arith.constant 0 : i32
        %add3A_563 = arith.addi %mul3A_555, %add3A_562 : i32
        %dma_start3A_564 = arith.constant 0 : i32
        %dma_start3A_565 = tpu.memref_slice %arg7[%add3A_563, %dma_start3A_564] : memref<200x64xf32, #tpu.memory_space<vmem>> -> memref<1x64xf32, #tpu.memory_space<vmem>>
        %dma_start3A_566 = arith.constant 0 : i32
        %dma_start3A_567 = tpu.memref_slice %arg2[%squeeze3A_561, %dma_start3A_566] : memref<1000000x64xf32, #tpu.memory_space<hbm>> -> memref<1x64xf32, #tpu.memory_space<hbm>>
        %dma_start3A_568 = arith.constant 0 : i32
        %dma_start3A_569 = tpu.memref_slice %arg7[%add3A_563, %dma_start3A_568] : memref<200x64xf32, #tpu.memory_space<vmem>> -> memref<1x64xf32, #tpu.memory_space<vmem>>
        %dma_start3A_570 = arith.constant 0 : i32
        %dma_start3A_571 = tpu.memref_slice %arg2[%squeeze3A_561, %dma_start3A_570] : memref<1000000x64xf32, #tpu.memory_space<hbm>> -> memref<1x64xf32, #tpu.memory_space<hbm>>
        tpu.enqueue_dma source(%dma_start3A_571 : memref<1x64xf32, #tpu.memory_space<hbm>>) target(%dma_start3A_569 : memref<1x64xf32, #tpu.memory_space<vmem>>) target_semaphore(%arg9 : memref<!tpu.dma_semaphore, #tpu.memory_space<semaphore_mem>>)
        %slice3A_572 = vector.extract_strided_slice %get3A_559 {offsets = [1], sizes = [1], strides = [1]} : vector<16xi32> to vector<1xi32>
        %squeeze3A_573 = vector.extract %slice3A_572[0] : i32 from vector<1xi32>
        %add3A_574 = arith.constant 1 : i32
        %add3A_575 = arith.addi %mul3A_555, %add3A_574 : i32
        %dma_start3A_576 = arith.constant 0 : i32
        %dma_start3A_577 = tpu.memref_slice %arg7[%add3A_575, %dma_start3A_576] : memref<200x64xf32, #tpu.memory_space<vmem>> -> memref<1x64xf32, #tpu.memory_space<vmem>>
        %dma_start3A_578 = arith.constant 0 : i32
        %dma_start3A_579 = tpu.memref_slice %arg2[%squeeze3A_573, %dma_start3A_578] : memref<1000000x64xf32, #tpu.memory_space<hbm>> -> memref<1x64xf32, #tpu.memory_space<hbm>>
        %dma_start3A_580 = arith.constant 0 : i32
        %dma_start3A_581 = tpu.memref_slice %arg7[%add3A_575, %dma_start3A_580] : memref<200x64xf32, #tpu.memory_space<vmem>> -> memref<1x64xf32, #tpu.memory_space<vmem>>
        %dma_start3A_582 = arith.constant 0 : i32
        %dma_start3A_583 = tpu.memref_slice %arg2[%squeeze3A_573, %dma_start3A_582] : memref<1000000x64xf32, #tpu.memory_space<hbm>> -> memref<1x64xf32, #tpu.memory_space<hbm>>
        tpu.enqueue_dma source(%dma_start3A_583 : memref<1x64xf32, #tpu.memory_space<hbm>>) target(%dma_start3A_581 : memref<1x64xf32, #tpu.memory_space<vmem>>) target_semaphore(%arg9 : memref<!tpu.dma_semaphore, #tpu.memory_space<semaphore_mem>>)
        %slice3A_584 = vector.extract_strided_slice %get3A_559 {offsets = [2], sizes = [1], strides = [1]} : vector<16xi32> to vector<1xi32>
        %squeeze3A_585 = vector.extract %slice3A_584[0] : i32 from vector<1xi32>
        %add3A_586 = arith.constant 2 : i32
        %add3A_587 = arith.addi %mul3A_555, %add3A_586 : i32
        %dma_start3A_588 = arith.constant 0 : i32
        %dma_start3A_589 = tpu.memref_slice %arg7[%add3A_587, %dma_start3A_588] : memref<200x64xf32, #tpu.memory_space<vmem>> -> memref<1x64xf32, #tpu.memory_space<vmem>>
        %dma_start3A_590 = arith.constant 0 : i32
        %dma_start3A_591 = tpu.memref_slice %arg2[%squeeze3A_585, %dma_start3A_590] : memref<1000000x64xf32, #tpu.memory_space<hbm>> -> memref<1x64xf32, #tpu.memory_space<hbm>>
        %dma_start3A_592 = arith.constant 0 : i32
        %dma_start3A_593 = tpu.memref_slice %arg7[%add3A_587, %dma_start3A_592] : memref<200x64xf32, #tpu.memory_space<vmem>> -> memref<1x64xf32, #tpu.memory_space<vmem>>
        %dma_start3A_594 = arith.constant 0 : i32
        %dma_start3A_595 = tpu.memref_slice %arg2[%squeeze3A_585, %dma_start3A_594] : memref<1000000x64xf32, #tpu.memory_space<hbm>> -> memref<1x64xf32, #tpu.memory_space<hbm>>
        tpu.enqueue_dma source(%dma_start3A_595 : memref<1x64xf32, #tpu.memory_space<hbm>>) target(%dma_start3A_593 : memref<1x64xf32, #tpu.memory_space<vmem>>) target_semaphore(%arg9 : memref<!tpu.dma_semaphore, #tpu.memory_space<semaphore_mem>>)
        %slice3A_596 = vector.extract_strided_slice %get3A_559 {offsets = [3], sizes = [1], strides = [1]} : vector<16xi32> to vector<1xi32>
        %squeeze3A_597 = vector.extract %slice3A_596[0] : i32 from vector<1xi32>
        %add3A_598 = arith.constant 3 : i32
        %add3A_599 = arith.addi %mul3A_555, %add3A_598 : i32
        %dma_start3A_600 = arith.constant 0 : i32
        %dma_start3A_601 = tpu.memref_slice %arg7[%add3A_599, %dma_start3A_600] : memref<200x64xf32, #tpu.memory_space<vmem>> -> memref<1x64xf32, #tpu.memory_space<vmem>>
        %dma_start3A_602 = arith.constant 0 : i32
        %dma_start3A_603 = tpu.memref_slice %arg2[%squeeze3A_597, %dma_start3A_602] : memref<1000000x64xf32, #tpu.memory_space<hbm>> -> memref<1x64xf32, #tpu.memory_space<hbm>>
        %dma_start3A_604 = arith.constant 0 : i32
        %dma_start3A_605 = tpu.memref_slice %arg7[%add3A_599, %dma_start3A_604] : memref<200x64xf32, #tpu.memory_space<vmem>> -> memref<1x64xf32, #tpu.memory_space<vmem>>
        %dma_start3A_606 = arith.constant 0 : i32
        %dma_start3A_607 = tpu.memref_slice %arg2[%squeeze3A_597, %dma_start3A_606] : memref<1000000x64xf32, #tpu.memory_space<hbm>> -> memref<1x64xf32, #tpu.memory_space<hbm>>
        tpu.enqueue_dma source(%dma_start3A_607 : memref<1x64xf32, #tpu.memory_space<hbm>>) target(%dma_start3A_605 : memref<1x64xf32, #tpu.memory_space<vmem>>) target_semaphore(%arg9 : memref<!tpu.dma_semaphore, #tpu.memory_space<semaphore_mem>>)
        %slice3A_608 = vector.extract_strided_slice %get3A_559 {offsets = [4], sizes = [1], strides = [1]} : vector<16xi32> to vector<1xi32>
        %squeeze3A_609 = vector.extract %slice3A_608[0] : i32 from vector<1xi32>
        %add3A_610 = arith.constant 4 : i32
        %add3A_611 = arith.addi %mul3A_555, %add3A_610 : i32
        %dma_start3A_612 = arith.constant 0 : i32
        %dma_start3A_613 = tpu.memref_slice %arg7[%add3A_611, %dma_start3A_612] : memref<200x64xf32, #tpu.memory_space<vmem>> -> memref<1x64xf32, #tpu.memory_space<vmem>>
        %dma_start3A_614 = arith.constant 0 : i32
        %dma_start3A_615 = tpu.memref_slice %arg2[%squeeze3A_609, %dma_start3A_614] : memref<1000000x64xf32, #tpu.memory_space<hbm>> -> memref<1x64xf32, #tpu.memory_space<hbm>>
        %dma_start3A_616 = arith.constant 0 : i32
        %dma_start3A_617 = tpu.memref_slice %arg7[%add3A_611, %dma_start3A_616] : memref<200x64xf32, #tpu.memory_space<vmem>> -> memref<1x64xf32, #tpu.memory_space<vmem>>
        %dma_start3A_618 = arith.constant 0 : i32
        %dma_start3A_619 = tpu.memref_slice %arg2[%squeeze3A_609, %dma_start3A_618] : memref<1000000x64xf32, #tpu.memory_space<hbm>> -> memref<1x64xf32, #tpu.memory_space<hbm>>
        tpu.enqueue_dma source(%dma_start3A_619 : memref<1x64xf32, #tpu.memory_space<hbm>>) target(%dma_start3A_617 : memref<1x64xf32, #tpu.memory_space<vmem>>) target_semaphore(%arg9 : memref<!tpu.dma_semaphore, #tpu.memory_space<semaphore_mem>>)
        %slice3A_620 = vector.extract_strided_slice %get3A_559 {offsets = [5], sizes = [1], strides = [1]} : vector<16xi32> to vector<1xi32>
        %squeeze3A_621 = vector.extract %slice3A_620[0] : i32 from vector<1xi32>
        %add3A_622 = arith.constant 5 : i32
        %add3A_623 = arith.addi %mul3A_555, %add3A_622 : i32
        %dma_start3A_624 = arith.constant 0 : i32
        %dma_start3A_625 = tpu.memref_slice %arg7[%add3A_623, %dma_start3A_624] : memref<200x64xf32, #tpu.memory_space<vmem>> -> memref<1x64xf32, #tpu.memory_space<vmem>>
        %dma_start3A_626 = arith.constant 0 : i32
        %dma_start3A_627 = tpu.memref_slice %arg2[%squeeze3A_621, %dma_start3A_626] : memref<1000000x64xf32, #tpu.memory_space<hbm>> -> memref<1x64xf32, #tpu.memory_space<hbm>>
        %dma_start3A_628 = arith.constant 0 : i32
        %dma_start3A_629 = tpu.memref_slice %arg7[%add3A_623, %dma_start3A_628] : memref<200x64xf32, #tpu.memory_space<vmem>> -> memref<1x64xf32, #tpu.memory_space<vmem>>
        %dma_start3A_630 = arith.constant 0 : i32
        %dma_start3A_631 = tpu.memref_slice %arg2[%squeeze3A_621, %dma_start3A_630] : memref<1000000x64xf32, #tpu.memory_space<hbm>> -> memref<1x64xf32, #tpu.memory_space<hbm>>
        tpu.enqueue_dma source(%dma_start3A_631 : memref<1x64xf32, #tpu.memory_space<hbm>>) target(%dma_start3A_629 : memref<1x64xf32, #tpu.memory_space<vmem>>) target_semaphore(%arg9 : memref<!tpu.dma_semaphore, #tpu.memory_space<semaphore_mem>>)
        %slice3A_632 = vector.extract_strided_slice %get3A_559 {offsets = [6], sizes = [1], strides = [1]} : vector<16xi32> to vector<1xi32>
        %squeeze3A_633 = vector.extract %slice3A_632[0] : i32 from vector<1xi32>
        %add3A_634 = arith.constant 6 : i32
        %add3A_635 = arith.addi %mul3A_555, %add3A_634 : i32
        %dma_start3A_636 = arith.constant 0 : i32
        %dma_start3A_637 = tpu.memref_slice %arg7[%add3A_635, %dma_start3A_636] : memref<200x64xf32, #tpu.memory_space<vmem>> -> memref<1x64xf32, #tpu.memory_space<vmem>>
        %dma_start3A_638 = arith.constant 0 : i32
        %dma_start3A_639 = tpu.memref_slice %arg2[%squeeze3A_633, %dma_start3A_638] : memref<1000000x64xf32, #tpu.memory_space<hbm>> -> memref<1x64xf32, #tpu.memory_space<hbm>>
        %dma_start3A_640 = arith.constant 0 : i32
        %dma_start3A_641 = tpu.memref_slice %arg7[%add3A_635, %dma_start3A_640] : memref<200x64xf32, #tpu.memory_space<vmem>> -> memref<1x64xf32, #tpu.memory_space<vmem>>
        %dma_start3A_642 = arith.constant 0 : i32
        %dma_start3A_643 = tpu.memref_slice %arg2[%squeeze3A_633, %dma_start3A_642] : memref<1000000x64xf32, #tpu.memory_space<hbm>> -> memref<1x64xf32, #tpu.memory_space<hbm>>
        tpu.enqueue_dma source(%dma_start3A_643 : memref<1x64xf32, #tpu.memory_space<hbm>>) target(%dma_start3A_641 : memref<1x64xf32, #tpu.memory_space<vmem>>) target_semaphore(%arg9 : memref<!tpu.dma_semaphore, #tpu.memory_space<semaphore_mem>>)
        %slice3A_644 = vector.extract_strided_slice %get3A_559 {offsets = [7], sizes = [1], strides = [1]} : vector<16xi32> to vector<1xi32>
        %squeeze3A_645 = vector.extract %slice3A_644[0] : i32 from vector<1xi32>
        %add3A_646 = arith.constant 7 : i32
        %add3A_647 = arith.addi %mul3A_555, %add3A_646 : i32
        %dma_start3A_648 = arith.constant 0 : i32
        %dma_start3A_649 = tpu.memref_slice %arg7[%add3A_647, %dma_start3A_648] : memref<200x64xf32, #tpu.memory_space<vmem>> -> memref<1x64xf32, #tpu.memory_space<vmem>>
        %dma_start3A_650 = arith.constant 0 : i32
        %dma_start3A_651 = tpu.memref_slice %arg2[%squeeze3A_645, %dma_start3A_650] : memref<1000000x64xf32, #tpu.memory_space<hbm>> -> memref<1x64xf32, #tpu.memory_space<hbm>>
        %dma_start3A_652 = arith.constant 0 : i32
        %dma_start3A_653 = tpu.memref_slice %arg7[%add3A_647, %dma_start3A_652] : memref<200x64xf32, #tpu.memory_space<vmem>> -> memref<1x64xf32, #tpu.memory_space<vmem>>
        %dma_start3A_654 = arith.constant 0 : i32
        %dma_start3A_655 = tpu.memref_slice %arg2[%squeeze3A_645, %dma_start3A_654] : memref<1000000x64xf32, #tpu.memory_space<hbm>> -> memref<1x64xf32, #tpu.memory_space<hbm>>
        tpu.enqueue_dma source(%dma_start3A_655 : memref<1x64xf32, #tpu.memory_space<hbm>>) target(%dma_start3A_653 : memref<1x64xf32, #tpu.memory_space<vmem>>) target_semaphore(%arg9 : memref<!tpu.dma_semaphore, #tpu.memory_space<semaphore_mem>>)
        %slice3A_656 = vector.extract_strided_slice %get3A_559 {offsets = [8], sizes = [1], strides = [1]} : vector<16xi32> to vector<1xi32>
        %squeeze3A_657 = vector.extract %slice3A_656[0] : i32 from vector<1xi32>
        %add3A_658 = arith.constant 8 : i32
        %add3A_659 = arith.addi %mul3A_555, %add3A_658 : i32
        %dma_start3A_660 = arith.constant 0 : i32
        %dma_start3A_661 = tpu.memref_slice %arg7[%add3A_659, %dma_start3A_660] : memref<200x64xf32, #tpu.memory_space<vmem>> -> memref<1x64xf32, #tpu.memory_space<vmem>>
        %dma_start3A_662 = arith.constant 0 : i32
        %dma_start3A_663 = tpu.memref_slice %arg2[%squeeze3A_657, %dma_start3A_662] : memref<1000000x64xf32, #tpu.memory_space<hbm>> -> memref<1x64xf32, #tpu.memory_space<hbm>>
        %dma_start3A_664 = arith.constant 0 : i32
        %dma_start3A_665 = tpu.memref_slice %arg7[%add3A_659, %dma_start3A_664] : memref<200x64xf32, #tpu.memory_space<vmem>> -> memref<1x64xf32, #tpu.memory_space<vmem>>
        %dma_start3A_666 = arith.constant 0 : i32
        %dma_start3A_667 = tpu.memref_slice %arg2[%squeeze3A_657, %dma_start3A_666] : memref<1000000x64xf32, #tpu.memory_space<hbm>> -> memref<1x64xf32, #tpu.memory_space<hbm>>
        tpu.enqueue_dma source(%dma_start3A_667 : memref<1x64xf32, #tpu.memory_space<hbm>>) target(%dma_start3A_665 : memref<1x64xf32, #tpu.memory_space<vmem>>) target_semaphore(%arg9 : memref<!tpu.dma_semaphore, #tpu.memory_space<semaphore_mem>>)
        %slice3A_668 = vector.extract_strided_slice %get3A_559 {offsets = [9], sizes = [1], strides = [1]} : vector<16xi32> to vector<1xi32>
        %squeeze3A_669 = vector.extract %slice3A_668[0] : i32 from vector<1xi32>
        %add3A_670 = arith.constant 9 : i32
        %add3A_671 = arith.addi %mul3A_555, %add3A_670 : i32
        %dma_start3A_672 = arith.constant 0 : i32
        %dma_start3A_673 = tpu.memref_slice %arg7[%add3A_671, %dma_start3A_672] : memref<200x64xf32, #tpu.memory_space<vmem>> -> memref<1x64xf32, #tpu.memory_space<vmem>>
        %dma_start3A_674 = arith.constant 0 : i32
        %dma_start3A_675 = tpu.memref_slice %arg2[%squeeze3A_669, %dma_start3A_674] : memref<1000000x64xf32, #tpu.memory_space<hbm>> -> memref<1x64xf32, #tpu.memory_space<hbm>>
        %dma_start3A_676 = arith.constant 0 : i32
        %dma_start3A_677 = tpu.memref_slice %arg7[%add3A_671, %dma_start3A_676] : memref<200x64xf32, #tpu.memory_space<vmem>> -> memref<1x64xf32, #tpu.memory_space<vmem>>
        %dma_start3A_678 = arith.constant 0 : i32
        %dma_start3A_679 = tpu.memref_slice %arg2[%squeeze3A_669, %dma_start3A_678] : memref<1000000x64xf32, #tpu.memory_space<hbm>> -> memref<1x64xf32, #tpu.memory_space<hbm>>
        tpu.enqueue_dma source(%dma_start3A_679 : memref<1x64xf32, #tpu.memory_space<hbm>>) target(%dma_start3A_677 : memref<1x64xf32, #tpu.memory_space<vmem>>) target_semaphore(%arg9 : memref<!tpu.dma_semaphore, #tpu.memory_space<semaphore_mem>>)
        %slice3A_680 = vector.extract_strided_slice %get3A_559 {offsets = [10], sizes = [1], strides = [1]} : vector<16xi32> to vector<1xi32>
        %squeeze3A_681 = vector.extract %slice3A_680[0] : i32 from vector<1xi32>
        %add3A_682 = arith.constant 10 : i32
        %add3A_683 = arith.addi %mul3A_555, %add3A_682 : i32
        %dma_start3A_684 = arith.constant 0 : i32
        %dma_start3A_685 = tpu.memref_slice %arg7[%add3A_683, %dma_start3A_684] : memref<200x64xf32, #tpu.memory_space<vmem>> -> memref<1x64xf32, #tpu.memory_space<vmem>>
        %dma_start3A_686 = arith.constant 0 : i32
        %dma_start3A_687 = tpu.memref_slice %arg2[%squeeze3A_681, %dma_start3A_686] : memref<1000000x64xf32, #tpu.memory_space<hbm>> -> memref<1x64xf32, #tpu.memory_space<hbm>>
        %dma_start3A_688 = arith.constant 0 : i32
        %dma_start3A_689 = tpu.memref_slice %arg7[%add3A_683, %dma_start3A_688] : memref<200x64xf32, #tpu.memory_space<vmem>> -> memref<1x64xf32, #tpu.memory_space<vmem>>
        %dma_start3A_690 = arith.constant 0 : i32
        %dma_start3A_691 = tpu.memref_slice %arg2[%squeeze3A_681, %dma_start3A_690] : memref<1000000x64xf32, #tpu.memory_space<hbm>> -> memref<1x64xf32, #tpu.memory_space<hbm>>
        tpu.enqueue_dma source(%dma_start3A_691 : memref<1x64xf32, #tpu.memory_space<hbm>>) target(%dma_start3A_689 : memref<1x64xf32, #tpu.memory_space<vmem>>) target_semaphore(%arg9 : memref<!tpu.dma_semaphore, #tpu.memory_space<semaphore_mem>>)
        %slice3A_692 = vector.extract_strided_slice %get3A_559 {offsets = [11], sizes = [1], strides = [1]} : vector<16xi32> to vector<1xi32>
        %squeeze3A_693 = vector.extract %slice3A_692[0] : i32 from vector<1xi32>
        %add3A_694 = arith.constant 11 : i32
        %add3A_695 = arith.addi %mul3A_555, %add3A_694 : i32
        %dma_start3A_696 = arith.constant 0 : i32
        %dma_start3A_697 = tpu.memref_slice %arg7[%add3A_695, %dma_start3A_696] : memref<200x64xf32, #tpu.memory_space<vmem>> -> memref<1x64xf32, #tpu.memory_space<vmem>>
        %dma_start3A_698 = arith.constant 0 : i32
        %dma_start3A_699 = tpu.memref_slice %arg2[%squeeze3A_693, %dma_start3A_698] : memref<1000000x64xf32, #tpu.memory_space<hbm>> -> memref<1x64xf32, #tpu.memory_space<hbm>>
        %dma_start3A_700 = arith.constant 0 : i32
        %dma_start3A_701 = tpu.memref_slice %arg7[%add3A_695, %dma_start3A_700] : memref<200x64xf32, #tpu.memory_space<vmem>> -> memref<1x64xf32, #tpu.memory_space<vmem>>
        %dma_start3A_702 = arith.constant 0 : i32
        %dma_start3A_703 = tpu.memref_slice %arg2[%squeeze3A_693, %dma_start3A_702] : memref<1000000x64xf32, #tpu.memory_space<hbm>> -> memref<1x64xf32, #tpu.memory_space<hbm>>
        tpu.enqueue_dma source(%dma_start3A_703 : memref<1x64xf32, #tpu.memory_space<hbm>>) target(%dma_start3A_701 : memref<1x64xf32, #tpu.memory_space<vmem>>) target_semaphore(%arg9 : memref<!tpu.dma_semaphore, #tpu.memory_space<semaphore_mem>>)
        %slice3A_704 = vector.extract_strided_slice %get3A_559 {offsets = [12], sizes = [1], strides = [1]} : vector<16xi32> to vector<1xi32>
        %squeeze3A_705 = vector.extract %slice3A_704[0] : i32 from vector<1xi32>
        %add3A_706 = arith.constant 12 : i32
        %add3A_707 = arith.addi %mul3A_555, %add3A_706 : i32
        %dma_start3A_708 = arith.constant 0 : i32
        %dma_start3A_709 = tpu.memref_slice %arg7[%add3A_707, %dma_start3A_708] : memref<200x64xf32, #tpu.memory_space<vmem>> -> memref<1x64xf32, #tpu.memory_space<vmem>>
        %dma_start3A_710 = arith.constant 0 : i32
        %dma_start3A_711 = tpu.memref_slice %arg2[%squeeze3A_705, %dma_start3A_710] : memref<1000000x64xf32, #tpu.memory_space<hbm>> -> memref<1x64xf32, #tpu.memory_space<hbm>>
        %dma_start3A_712 = arith.constant 0 : i32
        %dma_start3A_713 = tpu.memref_slice %arg7[%add3A_707, %dma_start3A_712] : memref<200x64xf32, #tpu.memory_space<vmem>> -> memref<1x64xf32, #tpu.memory_space<vmem>>
        %dma_start3A_714 = arith.constant 0 : i32
        %dma_start3A_715 = tpu.memref_slice %arg2[%squeeze3A_705, %dma_start3A_714] : memref<1000000x64xf32, #tpu.memory_space<hbm>> -> memref<1x64xf32, #tpu.memory_space<hbm>>
        tpu.enqueue_dma source(%dma_start3A_715 : memref<1x64xf32, #tpu.memory_space<hbm>>) target(%dma_start3A_713 : memref<1x64xf32, #tpu.memory_space<vmem>>) target_semaphore(%arg9 : memref<!tpu.dma_semaphore, #tpu.memory_space<semaphore_mem>>)
        %slice3A_716 = vector.extract_strided_slice %get3A_559 {offsets = [13], sizes = [1], strides = [1]} : vector<16xi32> to vector<1xi32>
        %squeeze3A_717 = vector.extract %slice3A_716[0] : i32 from vector<1xi32>
        %add3A_718 = arith.constant 13 : i32
        %add3A_719 = arith.addi %mul3A_555, %add3A_718 : i32
        %dma_start3A_720 = arith.constant 0 : i32
        %dma_start3A_721 = tpu.memref_slice %arg7[%add3A_719, %dma_start3A_720] : memref<200x64xf32, #tpu.memory_space<vmem>> -> memref<1x64xf32, #tpu.memory_space<vmem>>
        %dma_start3A_722 = arith.constant 0 : i32
        %dma_start3A_723 = tpu.memref_slice %arg2[%squeeze3A_717, %dma_start3A_722] : memref<1000000x64xf32, #tpu.memory_space<hbm>> -> memref<1x64xf32, #tpu.memory_space<hbm>>
        %dma_start3A_724 = arith.constant 0 : i32
        %dma_start3A_725 = tpu.memref_slice %arg7[%add3A_719, %dma_start3A_724] : memref<200x64xf32, #tpu.memory_space<vmem>> -> memref<1x64xf32, #tpu.memory_space<vmem>>
        %dma_start3A_726 = arith.constant 0 : i32
        %dma_start3A_727 = tpu.memref_slice %arg2[%squeeze3A_717, %dma_start3A_726] : memref<1000000x64xf32, #tpu.memory_space<hbm>> -> memref<1x64xf32, #tpu.memory_space<hbm>>
        tpu.enqueue_dma source(%dma_start3A_727 : memref<1x64xf32, #tpu.memory_space<hbm>>) target(%dma_start3A_725 : memref<1x64xf32, #tpu.memory_space<vmem>>) target_semaphore(%arg9 : memref<!tpu.dma_semaphore, #tpu.memory_space<semaphore_mem>>)
        %slice3A_728 = vector.extract_strided_slice %get3A_559 {offsets = [14], sizes = [1], strides = [1]} : vector<16xi32> to vector<1xi32>
        %squeeze3A_729 = vector.extract %slice3A_728[0] : i32 from vector<1xi32>
        %add3A_730 = arith.constant 14 : i32
        %add3A_731 = arith.addi %mul3A_555, %add3A_730 : i32
        %dma_start3A_732 = arith.constant 0 : i32
        %dma_start3A_733 = tpu.memref_slice %arg7[%add3A_731, %dma_start3A_732] : memref<200x64xf32, #tpu.memory_space<vmem>> -> memref<1x64xf32, #tpu.memory_space<vmem>>
        %dma_start3A_734 = arith.constant 0 : i32
        %dma_start3A_735 = tpu.memref_slice %arg2[%squeeze3A_729, %dma_start3A_734] : memref<1000000x64xf32, #tpu.memory_space<hbm>> -> memref<1x64xf32, #tpu.memory_space<hbm>>
        %dma_start3A_736 = arith.constant 0 : i32
        %dma_start3A_737 = tpu.memref_slice %arg7[%add3A_731, %dma_start3A_736] : memref<200x64xf32, #tpu.memory_space<vmem>> -> memref<1x64xf32, #tpu.memory_space<vmem>>
        %dma_start3A_738 = arith.constant 0 : i32
        %dma_start3A_739 = tpu.memref_slice %arg2[%squeeze3A_729, %dma_start3A_738] : memref<1000000x64xf32, #tpu.memory_space<hbm>> -> memref<1x64xf32, #tpu.memory_space<hbm>>
        tpu.enqueue_dma source(%dma_start3A_739 : memref<1x64xf32, #tpu.memory_space<hbm>>) target(%dma_start3A_737 : memref<1x64xf32, #tpu.memory_space<vmem>>) target_semaphore(%arg9 : memref<!tpu.dma_semaphore, #tpu.memory_space<semaphore_mem>>)
        %slice3A_740 = vector.extract_strided_slice %get3A_559 {offsets = [15], sizes = [1], strides = [1]} : vector<16xi32> to vector<1xi32>
        %squeeze3A_741 = vector.extract %slice3A_740[0] : i32 from vector<1xi32>
        %add3A_742 = arith.constant 15 : i32
        %add3A_743 = arith.addi %mul3A_555, %add3A_742 : i32
        %dma_start3A_744 = arith.constant 0 : i32
        %dma_start3A_745 = tpu.memref_slice %arg7[%add3A_743, %dma_start3A_744] : memref<200x64xf32, #tpu.memory_space<vmem>> -> memref<1x64xf32, #tpu.memory_space<vmem>>
        %dma_start3A_746 = arith.constant 0 : i32
        %dma_start3A_747 = tpu.memref_slice %arg2[%squeeze3A_741, %dma_start3A_746] : memref<1000000x64xf32, #tpu.memory_space<hbm>> -> memref<1x64xf32, #tpu.memory_space<hbm>>
        %dma_start3A_748 = arith.constant 0 : i32
        %dma_start3A_749 = tpu.memref_slice %arg7[%add3A_743, %dma_start3A_748] : memref<200x64xf32, #tpu.memory_space<vmem>> -> memref<1x64xf32, #tpu.memory_space<vmem>>
        %dma_start3A_750 = arith.constant 0 : i32
        %dma_start3A_751 = tpu.memref_slice %arg2[%squeeze3A_741, %dma_start3A_750] : memref<1000000x64xf32, #tpu.memory_space<hbm>> -> memref<1x64xf32, #tpu.memory_space<hbm>>
        tpu.enqueue_dma source(%dma_start3A_751 : memref<1x64xf32, #tpu.memory_space<hbm>>) target(%dma_start3A_749 : memref<1x64xf32, #tpu.memory_space<vmem>>) target_semaphore(%arg9 : memref<!tpu.dma_semaphore, #tpu.memory_space<semaphore_mem>>)
      }
      %scan3A_426 = arith.constant 12 : i32
      %get3A_427 = arith.index_cast %add3A_421 : i32 to index
      %get3A_428 = arith.constant 184 : index
      %get3A_429 = tpu.vector_load %arg5[%get3A_427, %get3A_428] {strides = array<i32>} : memref<32x200xi32, #tpu.memory_space<vmem>>, vector<1x16xi32>,
      %get3A_430 = vector.shape_cast %get3A_429 : vector<1x16xi32> to vector<16xi32>
      %slice3A_431 = vector.extract_strided_slice %get3A_430 {offsets = [8], sizes = [1], strides = [1]} : vector<16xi32> to vector<1xi32>
      %squeeze3A_432 = vector.extract %slice3A_431[0] : i32 from vector<1xi32>
      %dma_start3A_433 = arith.constant 192 : i32
      %dma_start3A_434 = arith.constant 0 : i32
      %dma_start3A_435 = tpu.memref_slice %arg7[%dma_start3A_433, %dma_start3A_434] : memref<200x64xf32, #tpu.memory_space<vmem>> -> memref<1x64xf32, #tpu.memory_space<vmem>>
      %dma_start3A_436 = arith.constant 0 : i32
      %dma_start3A_437 = tpu.memref_slice %arg2[%squeeze3A_432, %dma_start3A_436] : memref<1000000x64xf32, #tpu.memory_space<hbm>> -> memref<1x64xf32, #tpu.memory_space<hbm>>
      %dma_start3A_438 = arith.constant 192 : i32
      %dma_start3A_439 = arith.constant 0 : i32
      %dma_start3A_440 = tpu.memref_slice %arg7[%dma_start3A_438, %dma_start3A_439] : memref<200x64xf32, #tpu.memory_space<vmem>> -> memref<1x64xf32, #tpu.memory_space<vmem>>
      %dma_start3A_441 = arith.constant 0 : i32
      %dma_start3A_442 = tpu.memref_slice %arg2[%squeeze3A_432, %dma_start3A_441] : memref<1000000x64xf32, #tpu.memory_space<hbm>> -> memref<1x64xf32, #tpu.memory_space<hbm>>
      tpu.enqueue_dma source(%dma_start3A_442 : memref<1x64xf32, #tpu.memory_space<hbm>>) target(%dma_start3A_440 : memref<1x64xf32, #tpu.memory_space<vmem>>) target_semaphore(%arg9 : memref<!tpu.dma_semaphore, #tpu.memory_space<semaphore_mem>>)
      %slice3A_443 = vector.extract_strided_slice %get3A_430 {offsets = [9], sizes = [1], strides = [1]} : vector<16xi32> to vector<1xi32>
      %squeeze3A_444 = vector.extract %slice3A_443[0] : i32 from vector<1xi32>
      %dma_start3A_445 = arith.constant 193 : i32
      %dma_start3A_446 = arith.constant 0 : i32
      %dma_start3A_447 = tpu.memref_slice %arg7[%dma_start3A_445, %dma_start3A_446] : memref<200x64xf32, #tpu.memory_space<vmem>> -> memref<1x64xf32, #tpu.memory_space<vmem>>
      %dma_start3A_448 = arith.constant 0 : i32
      %dma_start3A_449 = tpu.memref_slice %arg2[%squeeze3A_444, %dma_start3A_448] : memref<1000000x64xf32, #tpu.memory_space<hbm>> -> memref<1x64xf32, #tpu.memory_space<hbm>>
      %dma_start3A_450 = arith.constant 193 : i32
      %dma_start3A_451 = arith.constant 0 : i32
      %dma_start3A_452 = tpu.memref_slice %arg7[%dma_start3A_450, %dma_start3A_451] : memref<200x64xf32, #tpu.memory_space<vmem>> -> memref<1x64xf32, #tpu.memory_space<vmem>>
      %dma_start3A_453 = arith.constant 0 : i32
      %dma_start3A_454 = tpu.memref_slice %arg2[%squeeze3A_444, %dma_start3A_453] : memref<1000000x64xf32, #tpu.memory_space<hbm>> -> memref<1x64xf32, #tpu.memory_space<hbm>>
      tpu.enqueue_dma source(%dma_start3A_454 : memref<1x64xf32, #tpu.memory_space<hbm>>) target(%dma_start3A_452 : memref<1x64xf32, #tpu.memory_space<vmem>>) target_semaphore(%arg9 : memref<!tpu.dma_semaphore, #tpu.memory_space<semaphore_mem>>)
      %slice3A_455 = vector.extract_strided_slice %get3A_430 {offsets = [10], sizes = [1], strides = [1]} : vector<16xi32> to vector<1xi32>
      %squeeze3A_456 = vector.extract %slice3A_455[0] : i32 from vector<1xi32>
      %dma_start3A_457 = arith.constant 194 : i32
      %dma_start3A_458 = arith.constant 0 : i32
      %dma_start3A_459 = tpu.memref_slice %arg7[%dma_start3A_457, %dma_start3A_458] : memref<200x64xf32, #tpu.memory_space<vmem>> -> memref<1x64xf32, #tpu.memory_space<vmem>>
      %dma_start3A_460 = arith.constant 0 : i32
      %dma_start3A_461 = tpu.memref_slice %arg2[%squeeze3A_456, %dma_start3A_460] : memref<1000000x64xf32, #tpu.memory_space<hbm>> -> memref<1x64xf32, #tpu.memory_space<hbm>>
      %dma_start3A_462 = arith.constant 194 : i32
      %dma_start3A_463 = arith.constant 0 : i32
      %dma_start3A_464 = tpu.memref_slice %arg7[%dma_start3A_462, %dma_start3A_463] : memref<200x64xf32, #tpu.memory_space<vmem>> -> memref<1x64xf32, #tpu.memory_space<vmem>>
      %dma_start3A_465 = arith.constant 0 : i32
      %dma_start3A_466 = tpu.memref_slice %arg2[%squeeze3A_456, %dma_start3A_465] : memref<1000000x64xf32, #tpu.memory_space<hbm>> -> memref<1x64xf32, #tpu.memory_space<hbm>>
      tpu.enqueue_dma source(%dma_start3A_466 : memref<1x64xf32, #tpu.memory_space<hbm>>) target(%dma_start3A_464 : memref<1x64xf32, #tpu.memory_space<vmem>>) target_semaphore(%arg9 : memref<!tpu.dma_semaphore, #tpu.memory_space<semaphore_mem>>)
      %slice3A_467 = vector.extract_strided_slice %get3A_430 {offsets = [11], sizes = [1], strides = [1]} : vector<16xi32> to vector<1xi32>
      %squeeze3A_468 = vector.extract %slice3A_467[0] : i32 from vector<1xi32>
      %dma_start3A_469 = arith.constant 195 : i32
      %dma_start3A_470 = arith.constant 0 : i32
      %dma_start3A_471 = tpu.memref_slice %arg7[%dma_start3A_469, %dma_start3A_470] : memref<200x64xf32, #tpu.memory_space<vmem>> -> memref<1x64xf32, #tpu.memory_space<vmem>>
      %dma_start3A_472 = arith.constant 0 : i32
      %dma_start3A_473 = tpu.memref_slice %arg2[%squeeze3A_468, %dma_start3A_472] : memref<1000000x64xf32, #tpu.memory_space<hbm>> -> memref<1x64xf32, #tpu.memory_space<hbm>>
      %dma_start3A_474 = arith.constant 195 : i32
      %dma_start3A_475 = arith.constant 0 : i32
      %dma_start3A_476 = tpu.memref_slice %arg7[%dma_start3A_474, %dma_start3A_475] : memref<200x64xf32, #tpu.memory_space<vmem>> -> memref<1x64xf32, #tpu.memory_space<vmem>>
      %dma_start3A_477 = arith.constant 0 : i32
      %dma_start3A_478 = tpu.memref_slice %arg2[%squeeze3A_468, %dma_start3A_477] : memref<1000000x64xf32, #tpu.memory_space<hbm>> -> memref<1x64xf32, #tpu.memory_space<hbm>>
      tpu.enqueue_dma source(%dma_start3A_478 : memref<1x64xf32, #tpu.memory_space<hbm>>) target(%dma_start3A_476 : memref<1x64xf32, #tpu.memory_space<vmem>>) target_semaphore(%arg9 : memref<!tpu.dma_semaphore, #tpu.memory_space<semaphore_mem>>)
      %slice3A_479 = vector.extract_strided_slice %get3A_430 {offsets = [12], sizes = [1], strides = [1]} : vector<16xi32> to vector<1xi32>
      %squeeze3A_480 = vector.extract %slice3A_479[0] : i32 from vector<1xi32>
      %dma_start3A_481 = arith.constant 196 : i32
      %dma_start3A_482 = arith.constant 0 : i32
      %dma_start3A_483 = tpu.memref_slice %arg7[%dma_start3A_481, %dma_start3A_482] : memref<200x64xf32, #tpu.memory_space<vmem>> -> memref<1x64xf32, #tpu.memory_space<vmem>>
      %dma_start3A_484 = arith.constant 0 : i32
      %dma_start3A_485 = tpu.memref_slice %arg2[%squeeze3A_480, %dma_start3A_484] : memref<1000000x64xf32, #tpu.memory_space<hbm>> -> memref<1x64xf32, #tpu.memory_space<hbm>>
      %dma_start3A_486 = arith.constant 196 : i32
      %dma_start3A_487 = arith.constant 0 : i32
      %dma_start3A_488 = tpu.memref_slice %arg7[%dma_start3A_486, %dma_start3A_487] : memref<200x64xf32, #tpu.memory_space<vmem>> -> memref<1x64xf32, #tpu.memory_space<vmem>>
      %dma_start3A_489 = arith.constant 0 : i32
      %dma_start3A_490 = tpu.memref_slice %arg2[%squeeze3A_480, %dma_start3A_489] : memref<1000000x64xf32, #tpu.memory_space<hbm>> -> memref<1x64xf32, #tpu.memory_space<hbm>>
      tpu.enqueue_dma source(%dma_start3A_490 : memref<1x64xf32, #tpu.memory_space<hbm>>) target(%dma_start3A_488 : memref<1x64xf32, #tpu.memory_space<vmem>>) target_semaphore(%arg9 : memref<!tpu.dma_semaphore, #tpu.memory_space<semaphore_mem>>)
      %slice3A_491 = vector.extract_strided_slice %get3A_430 {offsets = [13], sizes = [1], strides = [1]} : vector<16xi32> to vector<1xi32>
      %squeeze3A_492 = vector.extract %slice3A_491[0] : i32 from vector<1xi32>
      %dma_start3A_493 = arith.constant 197 : i32
      %dma_start3A_494 = arith.constant 0 : i32
      %dma_start3A_495 = tpu.memref_slice %arg7[%dma_start3A_493, %dma_start3A_494] : memref<200x64xf32, #tpu.memory_space<vmem>> -> memref<1x64xf32, #tpu.memory_space<vmem>>
      %dma_start3A_496 = arith.constant 0 : i32
      %dma_start3A_497 = tpu.memref_slice %arg2[%squeeze3A_492, %dma_start3A_496] : memref<1000000x64xf32, #tpu.memory_space<hbm>> -> memref<1x64xf32, #tpu.memory_space<hbm>>
      %dma_start3A_498 = arith.constant 197 : i32
      %dma_start3A_499 = arith.constant 0 : i32
      %dma_start3A_500 = tpu.memref_slice %arg7[%dma_start3A_498, %dma_start3A_499] : memref<200x64xf32, #tpu.memory_space<vmem>> -> memref<1x64xf32, #tpu.memory_space<vmem>>
      %dma_start3A_501 = arith.constant 0 : i32
      %dma_start3A_502 = tpu.memref_slice %arg2[%squeeze3A_492, %dma_start3A_501] : memref<1000000x64xf32, #tpu.memory_space<hbm>> -> memref<1x64xf32, #tpu.memory_space<hbm>>
      tpu.enqueue_dma source(%dma_start3A_502 : memref<1x64xf32, #tpu.memory_space<hbm>>) target(%dma_start3A_500 : memref<1x64xf32, #tpu.memory_space<vmem>>) target_semaphore(%arg9 : memref<!tpu.dma_semaphore, #tpu.memory_space<semaphore_mem>>)
      %slice3A_503 = vector.extract_strided_slice %get3A_430 {offsets = [14], sizes = [1], strides = [1]} : vector<16xi32> to vector<1xi32>
      %squeeze3A_504 = vector.extract %slice3A_503[0] : i32 from vector<1xi32>
      %dma_start3A_505 = arith.constant 198 : i32
      %dma_start3A_506 = arith.constant 0 : i32
      %dma_start3A_507 = tpu.memref_slice %arg7[%dma_start3A_505, %dma_start3A_506] : memref<200x64xf32, #tpu.memory_space<vmem>> -> memref<1x64xf32, #tpu.memory_space<vmem>>
      %dma_start3A_508 = arith.constant 0 : i32
      %dma_start3A_509 = tpu.memref_slice %arg2[%squeeze3A_504, %dma_start3A_508] : memref<1000000x64xf32, #tpu.memory_space<hbm>> -> memref<1x64xf32, #tpu.memory_space<hbm>>
      %dma_start3A_510 = arith.constant 198 : i32
      %dma_start3A_511 = arith.constant 0 : i32
      %dma_start3A_512 = tpu.memref_slice %arg7[%dma_start3A_510, %dma_start3A_511] : memref<200x64xf32, #tpu.memory_space<vmem>> -> memref<1x64xf32, #tpu.memory_space<vmem>>
      %dma_start3A_513 = arith.constant 0 : i32
      %dma_start3A_514 = tpu.memref_slice %arg2[%squeeze3A_504, %dma_start3A_513] : memref<1000000x64xf32, #tpu.memory_space<hbm>> -> memref<1x64xf32, #tpu.memory_space<hbm>>
      tpu.enqueue_dma source(%dma_start3A_514 : memref<1x64xf32, #tpu.memory_space<hbm>>) target(%dma_start3A_512 : memref<1x64xf32, #tpu.memory_space<vmem>>) target_semaphore(%arg9 : memref<!tpu.dma_semaphore, #tpu.memory_space<semaphore_mem>>)
      %slice3A_515 = vector.extract_strided_slice %get3A_430 {offsets = [15], sizes = [1], strides = [1]} : vector<16xi32> to vector<1xi32>
      %squeeze3A_516 = vector.extract %slice3A_515[0] : i32 from vector<1xi32>
      %dma_start3A_517 = arith.constant 199 : i32
      %dma_start3A_518 = arith.constant 0 : i32
      %dma_start3A_519 = tpu.memref_slice %arg7[%dma_start3A_517, %dma_start3A_518] : memref<200x64xf32, #tpu.memory_space<vmem>> -> memref<1x64xf32, #tpu.memory_space<vmem>>
      %dma_start3A_520 = arith.constant 0 : i32
      %dma_start3A_521 = tpu.memref_slice %arg2[%squeeze3A_516, %dma_start3A_520] : memref<1000000x64xf32, #tpu.memory_space<hbm>> -> memref<1x64xf32, #tpu.memory_space<hbm>>
      %dma_start3A_522 = arith.constant 199 : i32
      %dma_start3A_523 = arith.constant 0 : i32
      %dma_start3A_524 = tpu.memref_slice %arg7[%dma_start3A_522, %dma_start3A_523] : memref<200x64xf32, #tpu.memory_space<vmem>> -> memref<1x64xf32, #tpu.memory_space<vmem>>
      %dma_start3A_525 = arith.constant 0 : i32
      %dma_start3A_526 = tpu.memref_slice %arg2[%squeeze3A_516, %dma_start3A_525] : memref<1000000x64xf32, #tpu.memory_space<hbm>> -> memref<1x64xf32, #tpu.memory_space<hbm>>
      tpu.enqueue_dma source(%dma_start3A_526 : memref<1x64xf32, #tpu.memory_space<hbm>>) target(%dma_start3A_524 : memref<1x64xf32, #tpu.memory_space<vmem>>) target_semaphore(%arg9 : memref<!tpu.dma_semaphore, #tpu.memory_space<semaphore_mem>>)
      %dma_wait3A_527 = arith.constant 0 : i32
      %dma_wait3A_528 = arith.constant 0 : i32
      %dma_wait3A_529 = tpu.memref_slice %arg2[%dma_wait3A_527, %dma_wait3A_528] : memref<1000000x64xf32, #tpu.memory_space<hbm>> -> memref<200x64xf32, #tpu.memory_space<hbm>>
      %dma_wait3A_530 = arith.constant 0 : i32
      %dma_wait3A_531 = arith.constant 0 : i32
      %dma_wait3A_532 = tpu.memref_slice %arg2[%dma_wait3A_530, %dma_wait3A_531] : memref<1000000x64xf32, #tpu.memory_space<hbm>> -> memref<200x64xf32, #tpu.memory_space<hbm>>
      tpu.wait_dma2 semaphore(%arg9 : memref<!tpu.dma_semaphore, #tpu.memory_space<semaphore_mem>>) src(%dma_wait3A_532 : memref<200x64xf32, #tpu.memory_space<hbm>>) dst(%arg7 : memref<200x64xf32, #tpu.memory_space<vmem>>)
      %scan3A_533 = arith.constant 0 : i32
      %scan3A_534 = arith.constant 200 : i32
      %scan3A_535 = arith.addi %scan3A_533, %scan3A_534 : i32
      %scan3A_536 = arith.constant 4 : i32
      scf.for %scan3A_549 = %scan3A_533 to %scan3A_535 step %scan3A_536  : i32 {
        %mul3A_550 = arith.constant 1 : i32
        %mul3A_551 = arith.muli %scan3A_549, %mul3A_550 : i32
        %add3A_552 = arith.constant 0 : i32
        %add3A_553 = arith.addi %add3A_552, %mul3A_551 : i32
        %get3A_554 = arith.index_cast %add3A_553 : i32 to index
        %get3A_555 = arith.constant 0 : index
        %get3A_556 = tpu.vector_load %arg7[%get3A_554, %get3A_555] {strides = array<i32>} : memref<200x64xf32, #tpu.memory_space<vmem>>, vector<1x16xf32>,
        %get3A_557 = vector.shape_cast %get3A_556 : vector<1x16xf32> to vector<16xf32>
        %mul3A_558 = arith.constant 8.000000e+00 : f32
        %mul3A_559 = vector.broadcast %mul3A_558 : f32 to vector<16xf32>
        %mul3A_560 = arith.mulf %get3A_557, %mul3A_559 : vector<16xf32>
        %swap3A = arith.index_cast %add3A_553 : i32 to index
        %swap3A_561 = arith.constant 0 : index
        %swap3A_562 = tpu.vector_load %arg7[%swap3A, %swap3A_561] {strides = array<i32>} : memref<200x64xf32, #tpu.memory_space<vmem>>, vector<1x16xf32>,
        %swap3A_563 = vector.shape_cast %swap3A_562 : vector<1x16xf32> to vector<16xf32>
        %swap3A_564 = vector.shape_cast %mul3A_560 : vector<16xf32> to vector<1x16xf32>
        tpu.vector_store %arg7[%swap3A, %swap3A_561], %swap3A_564 {strides = array<i32>} : memref<200x64xf32, #tpu.memory_space<vmem>>, vector<1x16xf32>,
        %get3A_565 = arith.index_cast %add3A_553 : i32 to index
        %get3A_566 = arith.constant 16 : index
        %get3A_567 = tpu.vector_load %arg7[%get3A_565, %get3A_566] {strides = array<i32>} : memref<200x64xf32, #tpu.memory_space<vmem>>, vector<1x16xf32>,
        %get3A_568 = vector.shape_cast %get3A_567 : vector<1x16xf32> to vector<16xf32>
        %mul3A_569 = arith.constant 8.000000e+00 : f32
        %mul3A_570 = vector.broadcast %mul3A_569 : f32 to vector<16xf32>
        %mul3A_571 = arith.mulf %get3A_568, %mul3A_570 : vector<16xf32>
        %swap3A_572 = arith.index_cast %add3A_553 : i32 to index
        %swap3A_573 = arith.constant 16 : index
        %swap3A_574 = tpu.vector_load %arg7[%swap3A_572, %swap3A_573] {strides = array<i32>} : memref<200x64xf32, #tpu.memory_space<vmem>>, vector<1x16xf32>,
        %swap3A_575 = vector.shape_cast %swap3A_574 : vector<1x16xf32> to vector<16xf32>
        %swap3A_576 = vector.shape_cast %mul3A_571 : vector<16xf32> to vector<1x16xf32>
        tpu.vector_store %arg7[%swap3A_572, %swap3A_573], %swap3A_576 {strides = array<i32>} : memref<200x64xf32, #tpu.memory_space<vmem>>, vector<1x16xf32>,
        %get3A_577 = arith.index_cast %add3A_553 : i32 to index
        %get3A_578 = arith.constant 32 : index
        %get3A_579 = tpu.vector_load %arg7[%get3A_577, %get3A_578] {strides = array<i32>} : memref<200x64xf32, #tpu.memory_space<vmem>>, vector<1x16xf32>,
        %get3A_580 = vector.shape_cast %get3A_579 : vector<1x16xf32> to vector<16xf32>
        %mul3A_581 = arith.constant 8.000000e+00 : f32
        %mul3A_582 = vector.broadcast %mul3A_581 : f32 to vector<16xf32>
        %mul3A_583 = arith.mulf %get3A_580, %mul3A_582 : vector<16xf32>
        %swap3A_584 = arith.index_cast %add3A_553 : i32 to index
        %swap3A_585 = arith.constant 32 : index
        %swap3A_586 = tpu.vector_load %arg7[%swap3A_584, %swap3A_585] {strides = array<i32>} : memref<200x64xf32, #tpu.memory_space<vmem>>, vector<1x16xf32>,
        %swap3A_587 = vector.shape_cast %swap3A_586 : vector<1x16xf32> to vector<16xf32>
        %swap3A_588 = vector.shape_cast %mul3A_583 : vector<16xf32> to vector<1x16xf32>
        tpu.vector_store %arg7[%swap3A_584, %swap3A_585], %swap3A_588 {strides = array<i32>} : memref<200x64xf32, #tpu.memory_space<vmem>>, vector<1x16xf32>,
        %get3A_589 = arith.index_cast %add3A_553 : i32 to index
        %get3A_590 = arith.constant 48 : index
        %get3A_591 = tpu.vector_load %arg7[%get3A_589, %get3A_590] {strides = array<i32>} : memref<200x64xf32, #tpu.memory_space<vmem>>, vector<1x16xf32>,
        %get3A_592 = vector.shape_cast %get3A_591 : vector<1x16xf32> to vector<16xf32>
        %mul3A_593 = arith.constant 8.000000e+00 : f32
        %mul3A_594 = vector.broadcast %mul3A_593 : f32 to vector<16xf32>
        %mul3A_595 = arith.mulf %get3A_592, %mul3A_594 : vector<16xf32>
        %swap3A_596 = arith.index_cast %add3A_553 : i32 to index
        %swap3A_597 = arith.constant 48 : index
        %swap3A_598 = tpu.vector_load %arg7[%swap3A_596, %swap3A_597] {strides = array<i32>} : memref<200x64xf32, #tpu.memory_space<vmem>>, vector<1x16xf32>,
        %swap3A_599 = vector.shape_cast %swap3A_598 : vector<1x16xf32> to vector<16xf32>
        %swap3A_600 = vector.shape_cast %mul3A_595 : vector<16xf32> to vector<1x16xf32>
        tpu.vector_store %arg7[%swap3A_596, %swap3A_597], %swap3A_600 {strides = array<i32>} : memref<200x64xf32, #tpu.memory_space<vmem>>, vector<1x16xf32>,
        %scan3A_601 = arith.constant 1 : i32
        %scan3A_602 = arith.addi %scan3A_549, %scan3A_601 : i32
        %mul3A_603 = arith.constant 1 : i32
        %mul3A_604 = arith.muli %scan3A_602, %mul3A_603 : i32
        %add3A_605 = arith.constant 0 : i32
        %add3A_606 = arith.addi %add3A_605, %mul3A_604 : i32
        %get3A_607 = arith.index_cast %add3A_606 : i32 to index
        %get3A_608 = arith.constant 0 : index
        %get3A_609 = tpu.vector_load %arg7[%get3A_607, %get3A_608] {strides = array<i32>} : memref<200x64xf32, #tpu.memory_space<vmem>>, vector<1x16xf32>,
        %get3A_610 = vector.shape_cast %get3A_609 : vector<1x16xf32> to vector<16xf32>
        %mul3A_611 = arith.constant 8.000000e+00 : f32
        %mul3A_612 = vector.broadcast %mul3A_611 : f32 to vector<16xf32>
        %mul3A_613 = arith.mulf %get3A_610, %mul3A_612 : vector<16xf32>
        %swap3A_614 = arith.index_cast %add3A_606 : i32 to index
        %swap3A_615 = arith.constant 0 : index
        %swap3A_616 = tpu.vector_load %arg7[%swap3A_614, %swap3A_615] {strides = array<i32>} : memref<200x64xf32, #tpu.memory_space<vmem>>, vector<1x16xf32>,
        %swap3A_617 = vector.shape_cast %swap3A_616 : vector<1x16xf32> to vector<16xf32>
        %swap3A_618 = vector.shape_cast %mul3A_613 : vector<16xf32> to vector<1x16xf32>
        tpu.vector_store %arg7[%swap3A_614, %swap3A_615], %swap3A_618 {strides = array<i32>} : memref<200x64xf32, #tpu.memory_space<vmem>>, vector<1x16xf32>,
        %get3A_619 = arith.index_cast %add3A_606 : i32 to index
        %get3A_620 = arith.constant 16 : index
        %get3A_621 = tpu.vector_load %arg7[%get3A_619, %get3A_620] {strides = array<i32>} : memref<200x64xf32, #tpu.memory_space<vmem>>, vector<1x16xf32>,
        %get3A_622 = vector.shape_cast %get3A_621 : vector<1x16xf32> to vector<16xf32>
        %mul3A_623 = arith.constant 8.000000e+00 : f32
        %mul3A_624 = vector.broadcast %mul3A_623 : f32 to vector<16xf32>
        %mul3A_625 = arith.mulf %get3A_622, %mul3A_624 : vector<16xf32>
        %swap3A_626 = arith.index_cast %add3A_606 : i32 to index
        %swap3A_627 = arith.constant 16 : index
        %swap3A_628 = tpu.vector_load %arg7[%swap3A_626, %swap3A_627] {strides = array<i32>} : memref<200x64xf32, #tpu.memory_space<vmem>>, vector<1x16xf32>,
        %swap3A_629 = vector.shape_cast %swap3A_628 : vector<1x16xf32> to vector<16xf32>
        %swap3A_630 = vector.shape_cast %mul3A_625 : vector<16xf32> to vector<1x16xf32>
        tpu.vector_store %arg7[%swap3A_626, %swap3A_627], %swap3A_630 {strides = array<i32>} : memref<200x64xf32, #tpu.memory_space<vmem>>, vector<1x16xf32>,
        %get3A_631 = arith.index_cast %add3A_606 : i32 to index
        %get3A_632 = arith.constant 32 : index
        %get3A_633 = tpu.vector_load %arg7[%get3A_631, %get3A_632] {strides = array<i32>} : memref<200x64xf32, #tpu.memory_space<vmem>>, vector<1x16xf32>,
        %get3A_634 = vector.shape_cast %get3A_633 : vector<1x16xf32> to vector<16xf32>
        %mul3A_635 = arith.constant 8.000000e+00 : f32
        %mul3A_636 = vector.broadcast %mul3A_635 : f32 to vector<16xf32>
        %mul3A_637 = arith.mulf %get3A_634, %mul3A_636 : vector<16xf32>
        %swap3A_638 = arith.index_cast %add3A_606 : i32 to index
        %swap3A_639 = arith.constant 32 : index
        %swap3A_640 = tpu.vector_load %arg7[%swap3A_638, %swap3A_639] {strides = array<i32>} : memref<200x64xf32, #tpu.memory_space<vmem>>, vector<1x16xf32>,
        %swap3A_641 = vector.shape_cast %swap3A_640 : vector<1x16xf32> to vector<16xf32>
        %swap3A_642 = vector.shape_cast %mul3A_637 : vector<16xf32> to vector<1x16xf32>
        tpu.vector_store %arg7[%swap3A_638, %swap3A_639], %swap3A_642 {strides = array<i32>} : memref<200x64xf32, #tpu.memory_space<vmem>>, vector<1x16xf32>,
        %get3A_643 = arith.index_cast %add3A_606 : i32 to index
        %get3A_644 = arith.constant 48 : index
        %get3A_645 = tpu.vector_load %arg7[%get3A_643, %get3A_644] {strides = array<i32>} : memref<200x64xf32, #tpu.memory_space<vmem>>, vector<1x16xf32>,
        %get3A_646 = vector.shape_cast %get3A_645 : vector<1x16xf32> to vector<16xf32>
        %mul3A_647 = arith.constant 8.000000e+00 : f32
        %mul3A_648 = vector.broadcast %mul3A_647 : f32 to vector<16xf32>
        %mul3A_649 = arith.mulf %get3A_646, %mul3A_648 : vector<16xf32>
        %swap3A_650 = arith.index_cast %add3A_606 : i32 to index
        %swap3A_651 = arith.constant 48 : index
        %swap3A_652 = tpu.vector_load %arg7[%swap3A_650, %swap3A_651] {strides = array<i32>} : memref<200x64xf32, #tpu.memory_space<vmem>>, vector<1x16xf32>,
        %swap3A_653 = vector.shape_cast %swap3A_652 : vector<1x16xf32> to vector<16xf32>
        %swap3A_654 = vector.shape_cast %mul3A_649 : vector<16xf32> to vector<1x16xf32>
        tpu.vector_store %arg7[%swap3A_650, %swap3A_651], %swap3A_654 {strides = array<i32>} : memref<200x64xf32, #tpu.memory_space<vmem>>, vector<1x16xf32>,
        %scan3A_655 = arith.constant 2 : i32
        %scan3A_656 = arith.addi %scan3A_549, %scan3A_655 : i32
        %mul3A_657 = arith.constant 1 : i32
        %mul3A_658 = arith.muli %scan3A_656, %mul3A_657 : i32
        %add3A_659 = arith.constant 0 : i32
        %add3A_660 = arith.addi %add3A_659, %mul3A_658 : i32
        %get3A_661 = arith.index_cast %add3A_660 : i32 to index
        %get3A_662 = arith.constant 0 : index
        %get3A_663 = tpu.vector_load %arg7[%get3A_661, %get3A_662] {strides = array<i32>} : memref<200x64xf32, #tpu.memory_space<vmem>>, vector<1x16xf32>,
        %get3A_664 = vector.shape_cast %get3A_663 : vector<1x16xf32> to vector<16xf32>
        %mul3A_665 = arith.constant 8.000000e+00 : f32
        %mul3A_666 = vector.broadcast %mul3A_665 : f32 to vector<16xf32>
        %mul3A_667 = arith.mulf %get3A_664, %mul3A_666 : vector<16xf32>
        %swap3A_668 = arith.index_cast %add3A_660 : i32 to index
        %swap3A_669 = arith.constant 0 : index
        %swap3A_670 = tpu.vector_load %arg7[%swap3A_668, %swap3A_669] {strides = array<i32>} : memref<200x64xf32, #tpu.memory_space<vmem>>, vector<1x16xf32>,
        %swap3A_671 = vector.shape_cast %swap3A_670 : vector<1x16xf32> to vector<16xf32>
        %swap3A_672 = vector.shape_cast %mul3A_667 : vector<16xf32> to vector<1x16xf32>
        tpu.vector_store %arg7[%swap3A_668, %swap3A_669], %swap3A_672 {strides = array<i32>} : memref<200x64xf32, #tpu.memory_space<vmem>>, vector<1x16xf32>,
        %get3A_673 = arith.index_cast %add3A_660 : i32 to index
        %get3A_674 = arith.constant 16 : index
        %get3A_675 = tpu.vector_load %arg7[%get3A_673, %get3A_674] {strides = array<i32>} : memref<200x64xf32, #tpu.memory_space<vmem>>, vector<1x16xf32>,
        %get3A_676 = vector.shape_cast %get3A_675 : vector<1x16xf32> to vector<16xf32>
        %mul3A_677 = arith.constant 8.000000e+00 : f32
        %mul3A_678 = vector.broadcast %mul3A_677 : f32 to vector<16xf32>
        %mul3A_679 = arith.mulf %get3A_676, %mul3A_678 : vector<16xf32>
        %swap3A_680 = arith.index_cast %add3A_660 : i32 to index
        %swap3A_681 = arith.constant 16 : index
        %swap3A_682 = tpu.vector_load %arg7[%swap3A_680, %swap3A_681] {strides = array<i32>} : memref<200x64xf32, #tpu.memory_space<vmem>>, vector<1x16xf32>,
        %swap3A_683 = vector.shape_cast %swap3A_682 : vector<1x16xf32> to vector<16xf32>
        %swap3A_684 = vector.shape_cast %mul3A_679 : vector<16xf32> to vector<1x16xf32>
        tpu.vector_store %arg7[%swap3A_680, %swap3A_681], %swap3A_684 {strides = array<i32>} : memref<200x64xf32, #tpu.memory_space<vmem>>, vector<1x16xf32>,
        %get3A_685 = arith.index_cast %add3A_660 : i32 to index
        %get3A_686 = arith.constant 32 : index
        %get3A_687 = tpu.vector_load %arg7[%get3A_685, %get3A_686] {strides = array<i32>} : memref<200x64xf32, #tpu.memory_space<vmem>>, vector<1x16xf32>,
        %get3A_688 = vector.shape_cast %get3A_687 : vector<1x16xf32> to vector<16xf32>
        %mul3A_689 = arith.constant 8.000000e+00 : f32
        %mul3A_690 = vector.broadcast %mul3A_689 : f32 to vector<16xf32>
        %mul3A_691 = arith.mulf %get3A_688, %mul3A_690 : vector<16xf32>
        %swap3A_692 = arith.index_cast %add3A_660 : i32 to index
        %swap3A_693 = arith.constant 32 : index
        %swap3A_694 = tpu.vector_load %arg7[%swap3A_692, %swap3A_693] {strides = array<i32>} : memref<200x64xf32, #tpu.memory_space<vmem>>, vector<1x16xf32>,
        %swap3A_695 = vector.shape_cast %swap3A_694 : vector<1x16xf32> to vector<16xf32>
        %swap3A_696 = vector.shape_cast %mul3A_691 : vector<16xf32> to vector<1x16xf32>
        tpu.vector_store %arg7[%swap3A_692, %swap3A_693], %swap3A_696 {strides = array<i32>} : memref<200x64xf32, #tpu.memory_space<vmem>>, vector<1x16xf32>,
        %get3A_697 = arith.index_cast %add3A_660 : i32 to index
        %get3A_698 = arith.constant 48 : index
        %get3A_699 = tpu.vector_load %arg7[%get3A_697, %get3A_698] {strides = array<i32>} : memref<200x64xf32, #tpu.memory_space<vmem>>, vector<1x16xf32>,
        %get3A_700 = vector.shape_cast %get3A_699 : vector<1x16xf32> to vector<16xf32>
        %mul3A_701 = arith.constant 8.000000e+00 : f32
        %mul3A_702 = vector.broadcast %mul3A_701 : f32 to vector<16xf32>
        %mul3A_703 = arith.mulf %get3A_700, %mul3A_702 : vector<16xf32>
        %swap3A_704 = arith.index_cast %add3A_660 : i32 to index
        %swap3A_705 = arith.constant 48 : index
        %swap3A_706 = tpu.vector_load %arg7[%swap3A_704, %swap3A_705] {strides = array<i32>} : memref<200x64xf32, #tpu.memory_space<vmem>>, vector<1x16xf32>,
        %swap3A_707 = vector.shape_cast %swap3A_706 : vector<1x16xf32> to vector<16xf32>
        %swap3A_708 = vector.shape_cast %mul3A_703 : vector<16xf32> to vector<1x16xf32>
        tpu.vector_store %arg7[%swap3A_704, %swap3A_705], %swap3A_708 {strides = array<i32>} : memref<200x64xf32, #tpu.memory_space<vmem>>, vector<1x16xf32>,
        %scan3A_709 = arith.constant 3 : i32
        %scan3A_710 = arith.addi %scan3A_549, %scan3A_709 : i32
        %mul3A_711 = arith.constant 1 : i32
        %mul3A_712 = arith.muli %scan3A_710, %mul3A_711 : i32
        %add3A_713 = arith.constant 0 : i32
        %add3A_714 = arith.addi %add3A_713, %mul3A_712 : i32
        %get3A_715 = arith.index_cast %add3A_714 : i32 to index
        %get3A_716 = arith.constant 0 : index
        %get3A_717 = tpu.vector_load %arg7[%get3A_715, %get3A_716] {strides = array<i32>} : memref<200x64xf32, #tpu.memory_space<vmem>>, vector<1x16xf32>,
        %get3A_718 = vector.shape_cast %get3A_717 : vector<1x16xf32> to vector<16xf32>
        %mul3A_719 = arith.constant 8.000000e+00 : f32
        %mul3A_720 = vector.broadcast %mul3A_719 : f32 to vector<16xf32>
        %mul3A_721 = arith.mulf %get3A_718, %mul3A_720 : vector<16xf32>
        %swap3A_722 = arith.index_cast %add3A_714 : i32 to index
        %swap3A_723 = arith.constant 0 : index
        %swap3A_724 = tpu.vector_load %arg7[%swap3A_722, %swap3A_723] {strides = array<i32>} : memref<200x64xf32, #tpu.memory_space<vmem>>, vector<1x16xf32>,
        %swap3A_725 = vector.shape_cast %swap3A_724 : vector<1x16xf32> to vector<16xf32>
        %swap3A_726 = vector.shape_cast %mul3A_721 : vector<16xf32> to vector<1x16xf32>
        tpu.vector_store %arg7[%swap3A_722, %swap3A_723], %swap3A_726 {strides = array<i32>} : memref<200x64xf32, #tpu.memory_space<vmem>>, vector<1x16xf32>,
        %get3A_727 = arith.index_cast %add3A_714 : i32 to index
        %get3A_728 = arith.constant 16 : index
        %get3A_729 = tpu.vector_load %arg7[%get3A_727, %get3A_728] {strides = array<i32>} : memref<200x64xf32, #tpu.memory_space<vmem>>, vector<1x16xf32>,
        %get3A_730 = vector.shape_cast %get3A_729 : vector<1x16xf32> to vector<16xf32>
        %mul3A_731 = arith.constant 8.000000e+00 : f32
        %mul3A_732 = vector.broadcast %mul3A_731 : f32 to vector<16xf32>
        %mul3A_733 = arith.mulf %get3A_730, %mul3A_732 : vector<16xf32>
        %swap3A_734 = arith.index_cast %add3A_714 : i32 to index
        %swap3A_735 = arith.constant 16 : index
        %swap3A_736 = tpu.vector_load %arg7[%swap3A_734, %swap3A_735] {strides = array<i32>} : memref<200x64xf32, #tpu.memory_space<vmem>>, vector<1x16xf32>,
        %swap3A_737 = vector.shape_cast %swap3A_736 : vector<1x16xf32> to vector<16xf32>
        %swap3A_738 = vector.shape_cast %mul3A_733 : vector<16xf32> to vector<1x16xf32>
        tpu.vector_store %arg7[%swap3A_734, %swap3A_735], %swap3A_738 {strides = array<i32>} : memref<200x64xf32, #tpu.memory_space<vmem>>, vector<1x16xf32>,
        %get3A_739 = arith.index_cast %add3A_714 : i32 to index
        %get3A_740 = arith.constant 32 : index
        %get3A_741 = tpu.vector_load %arg7[%get3A_739, %get3A_740] {strides = array<i32>} : memref<200x64xf32, #tpu.memory_space<vmem>>, vector<1x16xf32>,
        %get3A_742 = vector.shape_cast %get3A_741 : vector<1x16xf32> to vector<16xf32>
        %mul3A_743 = arith.constant 8.000000e+00 : f32
        %mul3A_744 = vector.broadcast %mul3A_743 : f32 to vector<16xf32>
        %mul3A_745 = arith.mulf %get3A_742, %mul3A_744 : vector<16xf32>
        %swap3A_746 = arith.index_cast %add3A_714 : i32 to index
        %swap3A_747 = arith.constant 32 : index
        %swap3A_748 = tpu.vector_load %arg7[%swap3A_746, %swap3A_747] {strides = array<i32>} : memref<200x64xf32, #tpu.memory_space<vmem>>, vector<1x16xf32>,
        %swap3A_749 = vector.shape_cast %swap3A_748 : vector<1x16xf32> to vector<16xf32>
        %swap3A_750 = vector.shape_cast %mul3A_745 : vector<16xf32> to vector<1x16xf32>
        tpu.vector_store %arg7[%swap3A_746, %swap3A_747], %swap3A_750 {strides = array<i32>} : memref<200x64xf32, #tpu.memory_space<vmem>>, vector<1x16xf32>,
        %get3A_751 = arith.index_cast %add3A_714 : i32 to index
        %get3A_752 = arith.constant 48 : index
        %get3A_753 = tpu.vector_load %arg7[%get3A_751, %get3A_752] {strides = array<i32>} : memref<200x64xf32, #tpu.memory_space<vmem>>, vector<1x16xf32>,
        %get3A_754 = vector.shape_cast %get3A_753 : vector<1x16xf32> to vector<16xf32>
        %mul3A_755 = arith.constant 8.000000e+00 : f32
        %mul3A_756 = vector.broadcast %mul3A_755 : f32 to vector<16xf32>
        %mul3A_757 = arith.mulf %get3A_754, %mul3A_756 : vector<16xf32>
        %swap3A_758 = arith.index_cast %add3A_714 : i32 to index
        %swap3A_759 = arith.constant 48 : index
        %swap3A_760 = tpu.vector_load %arg7[%swap3A_758, %swap3A_759] {strides = array<i32>} : memref<200x64xf32, #tpu.memory_space<vmem>>, vector<1x16xf32>,
        %swap3A_761 = vector.shape_cast %swap3A_760 : vector<1x16xf32> to vector<16xf32>
        %swap3A_762 = vector.shape_cast %mul3A_757 : vector<16xf32> to vector<1x16xf32>
        tpu.vector_store %arg7[%swap3A_758, %swap3A_759], %swap3A_762 {strides = array<i32>} : memref<200x64xf32, #tpu.memory_space<vmem>>, vector<1x16xf32>,
      }
      %scan3A_537 = arith.constant 200 : i32
      %add3A_538 = arith.constant 1 : i32
      %add3A_539 = arith.addi %mul3A_278, %add3A_538 : i32
      %add3A_540 = arith.addi %mul3A_2, %add3A_539 : i32
      %dma_start3A_541 = arith.constant 0 : i32
      %dma_start3A_542 = arith.constant 0 : i32
      %dma_start3A_543 = tpu.memref_slice %arg4[%add3A_540, %dma_start3A_541, %dma_start3A_542] : memref<1024x200x64xf32, #tpu.memory_space<hbm>> -> memref<1x200x64xf32, #tpu.memory_space<hbm>>
      %dma_start3A_544 = tpu.memref_squeeze %dma_start3A_543 : memref<1x200x64xf32, #tpu.memory_space<hbm>> -> memref<200x64xf32, #tpu.memory_space<hbm>>
      %dma_start3A_545 = arith.constant 0 : i32
      %dma_start3A_546 = arith.constant 0 : i32
      %dma_start3A_547 = tpu.memref_slice %arg4[%add3A_540, %dma_start3A_545, %dma_start3A_546] : memref<1024x200x64xf32, #tpu.memory_space<hbm>> -> memref<1x200x64xf32, #tpu.memory_space<hbm>>
      %dma_start3A_548 = tpu.memref_squeeze %dma_start3A_547 : memref<1x200x64xf32, #tpu.memory_space<hbm>> -> memref<200x64xf32, #tpu.memory_space<hbm>>
      tpu.enqueue_dma source(%arg7 : memref<200x64xf32, #tpu.memory_space<vmem>>) target(%dma_start3A_548 : memref<200x64xf32, #tpu.memory_space<hbm>>) target_semaphore(%arg11 : memref<!tpu.dma_semaphore, #tpu.memory_space<semaphore_mem>>)
    }
    %scan3A_255 = arith.constant 15 : i32
    %dma_wait3A_256 = arith.constant 0 : i32
    %dma_wait3A_257 = arith.constant 0 : i32
    %dma_wait3A_258 = tpu.memref_slice %arg4[%mul3A_2, %dma_wait3A_256, %dma_wait3A_257] : memref<1024x200x64xf32, #tpu.memory_space<hbm>> -> memref<1x200x64xf32, #tpu.memory_space<hbm>>
    %dma_wait3A_259 = tpu.memref_squeeze %dma_wait3A_258 : memref<1x200x64xf32, #tpu.memory_space<hbm>> -> memref<200x64xf32, #tpu.memory_space<hbm>>
    %dma_wait3A_260 = arith.constant 0 : i32
    %dma_wait3A_261 = arith.constant 0 : i32
    %dma_wait3A_262 = tpu.memref_slice %arg4[%mul3A_2, %dma_wait3A_260, %dma_wait3A_261] : memref<1024x200x64xf32, #tpu.memory_space<hbm>> -> memref<1x200x64xf32, #tpu.memory_space<hbm>>
    %dma_wait3A_263 = tpu.memref_squeeze %dma_wait3A_262 : memref<1x200x64xf32, #tpu.memory_space<hbm>> -> memref<200x64xf32, #tpu.memory_space<hbm>>
    tpu.wait_dma2 semaphore(%arg10 : memref<!tpu.dma_semaphore, #tpu.memory_space<semaphore_mem>>) src(%arg6 : memref<200x64xf32, #tpu.memory_space<vmem>>) dst(%dma_wait3A_263 : memref<200x64xf32, #tpu.memory_space<hbm>>)
    %dma_wait3A_264 = arith.constant 0 : i32
    %dma_wait3A_265 = arith.constant 0 : i32
    %dma_wait3A_266 = tpu.memref_slice %arg4[%mul3A_2, %dma_wait3A_264, %dma_wait3A_265] : memref<1024x200x64xf32, #tpu.memory_space<hbm>> -> memref<1x200x64xf32, #tpu.memory_space<hbm>>
    %dma_wait3A_267 = tpu.memref_squeeze %dma_wait3A_266 : memref<1x200x64xf32, #tpu.memory_space<hbm>> -> memref<200x64xf32, #tpu.memory_space<hbm>>
    %dma_wait3A_268 = arith.constant 0 : i32
    %dma_wait3A_269 = arith.constant 0 : i32
    %dma_wait3A_270 = tpu.memref_slice %arg4[%mul3A_2, %dma_wait3A_268, %dma_wait3A_269] : memref<1024x200x64xf32, #tpu.memory_space<hbm>> -> memref<1x200x64xf32, #tpu.memory_space<hbm>>
    %dma_wait3A_271 = tpu.memref_squeeze %dma_wait3A_270 : memref<1x200x64xf32, #tpu.memory_space<hbm>> -> memref<200x64xf32, #tpu.memory_space<hbm>>
    tpu.wait_dma2 semaphore(%arg11 : memref<!tpu.dma_semaphore, #tpu.memory_space<semaphore_mem>>) src(%arg7 : memref<200x64xf32, #tpu.memory_space<vmem>>) dst(%dma_wait3A_271 : memref<200x64xf32, #tpu.memory_space<hbm>>)
    return
  }
}

</mosaic_0001>

<sc_bundles>
// kernel: kernel.3.cloned.1.call-start
scs
__scs_entry_jumppad:
0x0: {  	(pc) =	sbr.rel $0x88, $3  }
0x1: {  	(tag) =	ssettag $0x0;
	lr =	simm.s32 $0x1  }
0x2: {  	[smem:$0x3F9F] =	sst lr;
	_ =	strace $0xD0000000  }
0x3: {  	_ = 	snop  }
0x4: {  	_ = 	snop  }
0x5: {  	_ = 	snop  }
0x6: {  	_ = 	snop  }
0x7: {  	_ = 	snop  }
__scs_overlays_trampoline_lowered:
0x8: {  	[smem:$0x3FAE] =	sst s0  }
0x9: {  	[smem:$0x3FAF] =	sst s1  }
0xa: {  	[smem:$0x3FB0] =	sst s2  }
0xb: {  	[smem:$0x3FB1] =	sst s3  }
0xc: {  	[smem:$0x3FB2] =	sst s4  }
0xd: {  	[smem:$0x3FB3] =	sst s5  }
0xe: {  	[smem:$0x3FB4] =	sst s6  }
0xf: {  	[smem:$0x3FB5] =	sst s7  }
0x10: {  	[smem:$0x3FB6] =	sst s8  }
0x11: {  	[smem:$0x3FB7] =	sst s9;
	s0 =	simm.s32 @!p0 $0x0  }
0x12: {  	s1 =	sld [smem:$0x3F9D];
	s0 =	simm.s32 @p0 $0x1  }
0x13: {  	[smem:$0x3FB8] =	sst s0;
	s0 =	simm.s32 @!p1 $0x0  }
0x14: {  	s2 =	sld [smem:$0x3F9C];
	s0 =	simm.s32 @p1 $0x1  }
0x15: {  	[smem:$0x3FB9] =	sst s0;
	s0 =	simm.s32 @!p2 $0x0  }
0x16: {  	s3 =	sld [smem:$0x3FDB];
	s0 =	simm.s32 @p2 $0x1  }
0x17: {  	s4 =	simm.s32 $0x1BF5;
	[smem:$0x3FBB] =	sst s0  }
0x18: {  	s0 =	sld [smem:$0x3F9E];
	_ =	swait.ge [sflag:s4], $0x0  }
0x19: {  	s7 =	sld [smem:$0x3F9F]  }
0x1a: {  	s8 =	sadd.s32 $0xFFFFE003, lr  }
0x1b: {  	s9 =	sadd.s32 $0xFFFFFEF7, lr;
	s5 =	simm.s32 $0xFFFFFFFF;
	p2 =	slt.u32 s8, $0xFFFFF086  }
0x1c: {  	p1 =	slt.u32 s9, $0xF7A;
	s5 =	simm.s32 @!p2 $0x0  }
0x1d: {  	s5 =	simm.s32 @p1 $0x1;
	p0 =	seq.s32 s7, s2  }
0x1e: {  	s7 =	smul.u32 @!p0 $0xF7A, s2;
	p2 =	seq.s32 @!p0 s5, $0x0  }
0x1f: {  	s9 =	smul.u32 $0xF7A, s1;
	s8 =	simm.s32 @!p0 $0x1BF5;
	p2 =	por !p2, p0  }
0x20: {  	[sflag:s8] =	ssyncset.s32 @!p0 $0xFFFFF086;
	s6 =	sadd.s32 @!p0 s3, s7;
	s7 =	simm.s32 @!p0 $0x108  }
0x21: {  	s3 =	sadd.s32 s3, s9;
	s6 =	sadd.s32 @!p0 $0x88, s6;
	s7 =	simm.s32 @p2 $0x1082  }
0x22: {  	[simem:s7], [sflag:s8] =	dma.local @!p0 [hbm:s6], $0xF7A  }
0x23: {  	s9 =	sor.u32 $0xD0000000, s2;
	s6 =	simm.s32 $0x108;
	_ =	swait.ge @!p0 [sflag:s8], $0x0  }
0x24: {  	s3 =	sadd.s32 $0x88, s3;
	s6 =	simm.s32 @!p1 $0x1082;
	[sflag:s4] =	ssyncset.s32 $0xFFFFF086  }
0x25: {  	[simem:s6], [sflag:s4] =	dma.local [hbm:s3], $0xF7A  }
0x26: {  	[smem:$0x3F9F] =	sst s1;
	(tag) =	ssettag s2;
	_ =	strace s9  }
0x27: {  	s1 =	sld [smem:$0x3FAF]  }
0x28: {  	s2 =	sld [smem:$0x3FB0]  }
0x29: {  	s4 =	sld [smem:$0x3FB2]  }
0x2a: {  	p0 =	seq.s32 s5, $0x0;
	s5 =	sld [smem:$0x3FB3]  }
0x2b: {  	s6 =	sld [smem:$0x3FB4]  }
0x2c: {  	s7 =	sld [smem:$0x3FB5]  }
0x2d: {  	s3 =	simm.s32 $0x108;
	s8 =	sld [smem:$0x3FB6]  }
0x2e: {  	s3 =	simm.s32 @!p0 $0x1082;
	s9 =	sld [smem:$0x3FB7]  }
0x2f: {  	lr =	sadd.s32 s0, s3;
	s0 =	sld [smem:$0x3FAE]  }
0x30: {  	s3 =	sld [smem:$0x3FB1]  }
0x31: {  	[smem:$0x3FBA] =	sst s10  }
0x32: {  	s10 =	sld [smem:$0x3FB8];
	_ =	sdelay $0x3  }
0x33: {  	p0 =	seq.s32 s10, $0x1;
	s10 =	sld [smem:$0x3FBA];
	_ =	sdelay $0x3  }
0x34: {  	[smem:$0x3FBA] =	sst s10  }
0x35: {  	s10 =	sld [smem:$0x3FB9];
	_ =	sdelay $0x3  }
0x36: {  	p1 =	seq.s32 s10, $0x1;
	s10 =	sld [smem:$0x3FBA];
	_ =	sdelay $0x3  }
0x37: {  	[smem:$0x3FBA] =	sst s10  }
0x38: {  	s10 =	sld [smem:$0x3FBB]  }
0x39: {  	_ = 	snop;
	(pc) =	sbr.ind lr, $3  }
0x3a: {  	_ = 	snop  }
0x3b: {  	_ = 	snop  }
0x3c: {  	p2 =	seq.s32 s10, $0x1;
	s10 =	sld [smem:$0x3FBA]  }
0x3d: {  	_ =	shalt  }
0x3e: {  	_ =	shalt  }
0x3f: {  	_ =	shalt  }
0x40: {  	_ =	shalt  }
0x41: {  	_ =	shalt  }
0x42: {  	_ =	shalt  }
0x43: {  	_ =	shalt  }
0x44: {  	_ =	shalt  }
0x45: {  	_ =	shalt  }
0x46: {  	_ =	shalt  }
0x47: {  	_ =	shalt  }
0x48: {  	_ =	shalt  }
0x49: {  	_ =	shalt  }
0x4a: {  	_ =	shalt  }
0x4b: {  	_ =	shalt  }
0x4c: {  	_ =	shalt  }
0x4d: {  	_ =	shalt  }
0x4e: {  	_ =	shalt  }
0x4f: {  	_ =	shalt  }
0x50: {  	_ =	shalt  }
0x51: {  	_ =	shalt  }
0x52: {  	_ =	shalt  }
0x53: {  	_ =	shalt  }
0x54: {  	_ =	shalt  }
0x55: {  	_ =	shalt  }
0x56: {  	_ =	shalt  }
0x57: {  	_ =	shalt  }
0x58: {  	_ =	shalt  }
0x59: {  	_ =	shalt  }
0x5a: {  	_ =	shalt  }
0x5b: {  	_ =	shalt  }
0x5c: {  	_ =	shalt  }
0x5d: {  	_ =	shalt  }
0x5e: {  	_ =	shalt  }
0x5f: {  	_ =	shalt  }
0x60: {  	_ =	shalt  }
0x61: {  	_ =	shalt  }
0x62: {  	_ =	shalt  }
0x63: {  	_ =	shalt  }
0x64: {  	_ =	shalt  }
0x65: {  	_ =	shalt  }
0x66: {  	_ =	shalt  }
0x67: {  	_ =	shalt  }
0x68: {  	_ =	shalt  }
0x69: {  	_ =	shalt  }
0x6a: {  	_ =	shalt  }
0x6b: {  	_ =	shalt  }
0x6c: {  	_ =	shalt  }
0x6d: {  	_ =	shalt  }
0x6e: {  	_ =	shalt  }
0x6f: {  	_ =	shalt  }
0x70: {  	_ =	shalt  }
0x71: {  	_ =	shalt  }
0x72: {  	_ =	shalt  }
0x73: {  	_ =	shalt  }
0x74: {  	_ =	shalt  }
0x75: {  	_ =	shalt  }
0x76: {  	_ =	shalt  }
0x77: {  	_ =	shalt  }
0x78: {  	_ =	shalt  }
0x79: {  	_ =	shalt  }
0x7a: {  	_ =	shalt  }
0x7b: {  	_ =	shalt  }
0x7c: {  	_ =	shalt  }
0x7d: {  	_ =	shalt  }
0x7e: {  	_ =	shalt  }
0x7f: {  	_ =	shalt  }
0x80: {  	_ =	shalt  }
0x81: {  	_ =	shalt  }
0x82: {  	_ =	shalt  }
0x83: {  	_ =	shalt  }
0x84: {  	_ =	shalt  }
0x85: {  	_ =	shalt  }
0x86: {  	_ =	shalt  }
0x87: {  	_ =	shalt  }
.Lfunc_end0:
.L_simem_size_0:
called_computation_lowered:
.L_overlay_start_0:
0x88: {  	s2 =	sld [smem:$0x3FD9]  }
0x89: {  	s3 =	sld [smem:$0x3FFE];
	_ =	sdelay $0x1  }
0x8a: {  	s1 =	srdreg.scid  }
0x8b: {  	s0 =	sand.u32 $0x1, s1  }
0x8c: {  	s17 =	sshll.u32 s0, $0xA;
	s2 =	sadd.s32 s3, s2  }
0x8d: {  	s2 =	sadd.s32 s2, s17  }
0x8e: {  	[smem:$0x3FC6] =	sst s2  }
0x8f: {  	_ = 	snop  }
0x90: {  	s2 =	sld [smem:$0x3FD0];
	(tm) =	ssettm $0x1  }
0x91: {  	s18 =	sld [smem:$0x3FFB];
	_ =	sdelay $0x3  }
0x92: {  	_ =	strace s18  }
0x93: {  	s3 =	sld [smem:$0x3FFC];
	_ =	sdelay $0x3  }
0x94: {  	_ =	strace s3  }
0x95: {  	s3 =	sld [smem:$0x3FFD];
	_ =	sdelay $0x3  }
0x96: {  	_ =	strace s3  }
0x97: {  	_ =	strace $0x8FFFFFFF  }
0x98: {  	s19 =	sld [smem:$0x3FDB];
	_ =	sdelay $0x1  }
0x99: {  	s4 =	simm.s32 $_scs_section_size  }
0x9a: {  	s5 =	simm.s32 $_size__tile_overlayer_lowered;
	s6 =	simm.s32 $_tile_overlayer_lowered  }
0x9b: {  	s22 =	simm.s32 $0x1BFF;
	s21 =	sshll.u32 s6, $0x1;
	s3 =	sadd.s32 s4, s19  }
0x9c: {  	s7 =	simm.s32 $0x0;
	s20 =	sshll.u32 s5, $0x1;
	s5 =	sadd.s32 s21, s3  }
0x9d: {  	[timem:s7], [sflag:s22] =	dma.local [hbm:s5], s20  }
0x9e: {  	_ =	swait.ge [sflag:s22], s20  }
0x9f: {  	s4 =	ssub.s32 $0x0, s20;
	[sflag:s22] =	ssyncset.done $0x0  }
0xa0: {  	[sflag:s22] =	ssyncadd.s32 s4;
	_ =	sdelay $0x1  }
0xa1: {  	s23 =	simm.s32 $0x1B8B  }
0xa2: {  	_ =	swait.ge [sflag:s23], $0x1  }
0xa3: {  	[sflag:s23] =	ssyncset.done $0x0  }
0xa4: {  	s25 =	simm.s32 $0x1B8E;
	s24 =	sld [smem:$0x3FFE];
	[sflag:s23] =	ssyncadd.s32 $0xFFFFFFFF  }
0xa5: {  	s26 =	simm.s32 $execute0_lowered;
	[smem:$0x3FD2] =	sst s25  }
0xa6: {  	s5 =	sshll.u32 s26, $0x1;
	_ =	strace $0x80000046;
	[dreg:$0x1] =	wrdreg $0xFFFFFFFF  }
0xa7: {  	s28 =	simm.s32 $_size_execute0_lowered;
	s3 =	sadd.s32 s3, s5;
	[dreg:$0x0] =	wrdreg $0x0  }
0xa8: {  	s5 =	sshll.u32 s28, $0x1;
	[dreg:$0x2] =	wrdreg s3  }
0xa9: {  	[dreg:$0x3] =	wrdreg s5  }
0xaa: {  	[dreg:$0x4] =	wrdreg $0xC0  }
0xab: {  	_ =	task [dreg:s7], $0x5FFFF  }
0xac: {  	[dreg:$0x1] =	wrdreg $0xFFFFFFFF  }
0xad: {  	[dreg:$0x0] =	wrdreg $0x60  }
0xae: {  	[dreg:$0x2] =	wrdreg s24  }
0xaf: {  	[dreg:$0x3] =	wrdreg s2  }
0xb0: {  	[dreg:$0x4] =	wrdreg $0x9  }
0xb1: {  	_ =	task.clear_ibuf [dreg:s7], $0x5FFFF;
	_ =	strace $0x90000046  }
0xb2: {  	s29 =	simm.s32 $0x9;
	_ =	strace $0x80000048  }
0xb3: {  	_ =	swait.ge [sflag:s29], $0x1  }
0xb4: {  	[sflag:s29] =	ssyncadd.s32 $0xFFFFFFFF  }
0xb5: {  	_ =	strace $0x90000048  }
0xb6: {  	_ =	sfence  }
0xb7: {  	s30 =	sld [smem:$0x0];
	_ =	sdelay $0x2  }
0xb8: {  	s31 =	sshll.u32 s1, $0xD;
	s1 =	sshrl.u32 s1, $0x2  }
0xb9: {  	s3 =	sand.u32 $0x4000, s31;
	s1 =	sadd.s32 s1, s30  }
0xba: {  	s0 =	sor.u32 s3, s0;
	s1 =	sshll.u32 s1, $0x11  }
0xbb: {  	s0 =	sor.u32 s1, s0  }
0xbc: {  	s0 =	sadd.s32 $0x8F2B, s0  }
0xbd: {  	[sflag:s0] =	ssyncadd.remote.s32 $0x1  }
0xbe: {  	_ =	sfence.sel $0xFFFF  }
0xbf: {  	[dreg:$0x0] =	wrdreg $0xFFFFFFFF;
	(pc) =	sbr.abs _section_cstart, $3  }
0xc0: {  	[dreg:$0x1] =	wrdreg $0xFFFFFFFF  }
0xc1: {  	_ =	task.clear_ibuf [dreg:s7], $0x2FFFF;
	_ =	strace $0x9FFFFFFF  }
0xc2: {  	(tm) =	ssettm $0x7FFFFFFF  }
0xc3: {  	_ =	shalt  }
tec
execute0_lowered:
.L_overlay_start_1:
0x0: {  	(tag) =	ssettag $0x1  }
0x1: {  	s0 =	rddreg [dreg:$0x0]  }
0x2: {  	s1 =	rddreg [dreg:$0x1];
	s2 =	srdreg.scid  }
0x3: {  	s3 =	stileid.u32;
	s4 =	sand.u32 $0x1, s2;
	s2 =	simm.s32 $0x0  }
0x4: {  	s3 =	sshll.u32 s3, $0x6;
	s26 =	sadd.s32 $0xF42800, s0;
	s5 =	sshll.u32 s4, $0x5  }
0x5: {  	[smem:$0x7FF] =	sst s2;
	s6 =	ssub.s32 $0x2, s4;
	s4 =	sadd.s32 $0x400, s0  }
0x6: {  	s3 =	sor.u32 s5, s3;
	_ =	strace $0x80000047;
	s28 =	sshrl.u32 s6, $0x1  }
0x7: {  	[dreg:$0x4] =	wrdreg s26;
	s7 =	smul.u32 $0xC80, s3;
	s29 =	sshll.u32 s3, $0x5  }
0x8: {  	s0 =	ssub.s32 s6, s28;
	[dreg:$0x3] =	wrdreg s3;
	s1 =	sadd.s32 s1, s29  }
0x9: {  	s0 =	smax.u32 s0, $0x1;
	[dreg:$0x6] =	wrdreg s1  }
0xa: {  	s30 =	sadd.s32 s26, s7;
	[dreg:$0x8] =	wrdreg s0  }
0xb: {  	[dreg:$0x5] =	wrdreg s30;
	s31 =	sadd.s32 $0xC80, s30  }
0xc: {  	s3 =	simm.s32 $0x0;
	[dreg:$0x7] =	wrdreg s31  }
.LBB2_1:
0xd: {  	s0 =	rddreg [dreg:$0x6];
	s28 =	simm.s32 $0x5  }
0xe: {  	[tilespmem:s2], [sflag:$0x5] =	stream.linear.gather [hbm4b:s0+s2], $0x2000, $0x38;
	[tilespmem:$0xE800] =	vst v63  }
0xf: {  	_ =	swait.ge [sflag:s28], $0x2000  }
0x10: {  	s6 =	sand.u32 $0x70, s2;
	s7 =	sand.u32 $0x400, s2;
	[sflag:s28] =	ssyncset.done $0x0  }
0x11: {  	s6 =	sor.u32 s6, s7;
	[sflag:s28] =	ssyncadd.s32 $0xFFFFE000  }
0x12: {  	v0 =	vld [tilespmem:s6+$0x0];
	_ =	sdelay $0x4  }
0x13: {  	v0 =	vshll.u32 v0, $0x4  }
0x14: {  	(v2sf) =	vpush v0, $0x0  }
0x15: {  	(v2sf) =	vpush v0, $0x1  }
0x16: {  	(v2sf) =	vpush v0, $0x2  }
0x17: {  	(v2sf) =	vpush v0, $0x3  }
0x18: {  	(v2sf) =	vpush v0, $0x4;
	_ =	sdelay $0x6  }
0x19: {  	(v2sf) =	vpush v0, $0x5  }
0x1a: {  	s8 =	simm.s32 $0x80  }
0x1b: {  	s10 =	simm.s32 $0x4000;
	s11 =	simm.s32 $0x20;
	s9 =	simm.s32 $0x0  }
0x1c: {  	s12 =	simm.s32 $0x100;
	s16 =	simm.s32 $0x2080;
	s13 =	simm.s32 $0x2680  }
0x1d: {  	s19 =	simm.s32 $0x2000;
	s15 =	simm.s32 $0x2580;
	(v2sf) =	vpush v0, $0x6;
	s20 =	spop (v2sf)  }
0x1e: {  	s14 =	simm.s32 $0x2600;
	s18 =	simm.s32 $0x2400;
	s22 =	spop (v2sf)  }
0x1f: {  	s17 =	simm.s32 $0x2480;
	s21 =	simm.s32 $0x2100;
	(v2sf) =	vpush v0, $0x7;
	s31 =	spop (v2sf)  }
0x20: {  	s29 =	simm.s32 $0x2180;
	s26 =	simm.s32 $0x2200;
	s23 =	spop (v2sf)  }
0x21: {  	s7 =	simm.s32 $0x10;
	s20 =	sand.u32 $0x1FFFFFF0, s20;
	s5 =	spop (v2sf);
	(v2sf) =	vpush v0, $0x8  }
0x22: {  	s6 =	simm.s32 $0x2000;
	s20 =	sadd.s32 s4, s20;
	s30 =	sand.u32 $0x1FFFFFF0, s22  }
0x23: {  	[tilespmem:s19], [sflag:$0x1] =	stream.linear.gather [hbm4b:s20+s2], $0x80, $0x38;
	(v2sf) =	vpush v0, $0x9;
	[tilespmem:$0xE800] =	vst v63  }
0x24: {  	s20 =	sadd.s32 s4, s30;
	s22 =	sand.u32 $0x1FFFFFF0, s31;
	s19 =	simm.s32 $0x2500  }
0x25: {  	[tilespmem:s16], [sflag:$0x1] =	stream.linear.gather [hbm4b:s20+s2], $0x80, $0x38;
	(v2sf) =	vpush v0, $0xA;
	[tilespmem:$0xE800] =	vst v63  }
0x26: {  	s30 =	simm.s32 $0x2280;
	s0 =	sadd.s32 s4, s22;
	s1 =	sand.u32 $0x1FFFFFF0, s23  }
0x27: {  	[tilespmem:s21], [sflag:$0x1] =	stream.linear.gather [hbm4b:s0+s2], $0x80, $0x38;
	(v2sf) =	vpush v0, $0xB;
	[tilespmem:$0xE800] =	vst v63  }
0x28: {  	s23 =	sadd.s32 s4, s1;
	s24 =	sand.u32 $0x1FFFFFF0, s5;
	s25 =	spop (v2sf)  }
0x29: {  	(v2sf) =	vpush v0, $0xC;
	[tilespmem:s29], [sflag:$0x1] =	stream.linear.gather [hbm4b:s23+s2], $0x80, $0x38;
	[tilespmem:$0xE800] =	vst v63  }
0x2a: {  	s16 =	simm.s32 $0x2780;
	s28 =	sadd.s32 s4, s24;
	s29 =	sand.u32 $0x1FFFFFF0, s25  }
0x2b: {  	(v2sf) =	vpush v0, $0xD;
	[tilespmem:s26], [sflag:$0x1] =	stream.linear.gather [hbm4b:s28+s2], $0x80, $0x38;
	[tilespmem:$0xE800] =	vst v63  }
0x2c: {  	s31 =	spop (v2sf);
	s21 =	simm.s32 $0x2300;
	s20 =	sadd.s32 s4, s29  }
0x2d: {  	(v2sf) =	vpush v0, $0xE;
	[tilespmem:s30], [sflag:$0x1] =	stream.linear.gather [hbm4b:s20+s2], $0x80, $0x38;
	[tilespmem:$0xE800] =	vst v63  }
0x2e: {  	s24 =	spop (v2sf);
	s23 =	sand.u32 $0x1FFFFFF0, s31;
	(v2sf) =	vpush v0, $0xF;
	s20 =	simm.s32 $0x2380  }
.LBB2_2:
0x2f: {  	s23 =	sadd.s32 s4, s23  }
0x30: {  	s24 =	sand.u32 $0x1FFFFFF0, s24;
	s25 =	spop (v2sf);
	s22 =	smov.u32 s10  }
0x31: {  	[tilespmem:s21], [sflag:$0x1] =	stream.linear.gather [hbm4b:s23+s2], $0x80, $0x38;
	[tilespmem:$0xE800] =	vst v63  }
0x32: {  	s21 =	sadd.s32 s4, s24;
	s23 =	sand.u32 $0x1FFFFFF0, s25;
	s24 =	spop (v2sf)  }
0x33: {  	[tilespmem:s20], [sflag:$0x1] =	stream.linear.gather [hbm4b:s21+s2], $0x80, $0x38;
	[tilespmem:$0xE800] =	vst v63  }
0x34: {  	s20 =	sadd.s32 s4, s23;
	s21 =	sand.u32 $0x1FFFFFF0, s24;
	s23 =	spop (v2sf)  }
0x35: {  	[tilespmem:s18], [sflag:$0x1] =	stream.linear.gather [hbm4b:s20+s2], $0x80, $0x38;
	[tilespmem:$0xE800] =	vst v63  }
0x36: {  	s18 =	sadd.s32 s4, s21;
	s20 =	sand.u32 $0x1FFFFFF0, s23;
	s21 =	spop (v2sf)  }
0x37: {  	[tilespmem:s17], [sflag:$0x1] =	stream.linear.gather [hbm4b:s18+s2], $0x80, $0x38;
	[tilespmem:$0xE800] =	vst v63  }
0x38: {  	s17 =	sadd.s32 s4, s20;
	s18 =	sand.u32 $0x1FFFFFF0, s21;
	s20 =	spop (v2sf)  }
0x39: {  	[tilespmem:s19], [sflag:$0x1] =	stream.linear.gather [hbm4b:s17+s2], $0x80, $0x38;
	[tilespmem:$0xE800] =	vst v63  }
0x3a: {  	s17 =	sadd.s32 s4, s18;
	s18 =	sand.u32 $0x1FFFFFF0, s20;
	s19 =	spop (v2sf)  }
0x3b: {  	[tilespmem:s15], [sflag:$0x1] =	stream.linear.gather [hbm4b:s17+s2], $0x80, $0x38;
	[tilespmem:$0xE800] =	vst v63  }
0x3c: {  	s15 =	sadd.s32 s4, s18;
	s17 =	sand.u32 $0x1FFFFFF0, s19;
	s18 =	spop (v2sf)  }
0x3d: {  	[tilespmem:s14], [sflag:$0x1] =	stream.linear.gather [hbm4b:s15+s2], $0x80, $0x38;
	[tilespmem:$0xE800] =	vst v63  }
0x3e: {  	s14 =	sadd.s32 s4, s17;
	s15 =	sand.u32 $0x1FFFFFF0, s18;
	s17 =	spop (v2sf)  }
0x3f: {  	[tilespmem:s13], [sflag:$0x1] =	stream.linear.gather [hbm4b:s14+s2], $0x80, $0x38;
	[tilespmem:$0xE800] =	vst v63  }
0x40: {  	s9 =	sadd.s32 $0x2700, s9;
	s13 =	sadd.s32 s4, s15;
	s14 =	sand.u32 $0x1FFFFFF0, s17  }
0x41: {  	[tilespmem:s9], [sflag:$0x1] =	stream.linear.gather [hbm4b:s13+s2], $0x80, $0x38;
	[tilespmem:$0xE800] =	vst v63  }
0x42: {  	s7 =	sand.u32 $0x70, s7;
	s8 =	sand.u32 $0x400, s8;
	s9 =	sadd.s32 s4, s14  }
0x43: {  	[tilespmem:s16], [sflag:$0x1] =	stream.linear.gather [hbm4b:s9+s2], $0x80, $0x38;
	[tilespmem:$0xE800] =	vst v63  }
0x44: {  	p0 =	sne.s32 s10, $0x16000;
	s10 =	sadd.s32 $0x2000, s10;
	s7 =	sor.u32 s7, s8  }
0x45: {  	s8 =	smov.u32 s12;
	v0 =	vld [tilespmem:s7+$0x0];
	s7 =	smov.u32 s11;
	_ =	sdelay $0x4  }
0x46: {  	s9 =	sshra.s32 s6, $0x2;
	s6 =	smov.u32 s22;
	s11 =	sadd.s32 $0x10, s11;
	v0 =	vshll.u32 v0, $0x4  }
0x47: {  	s12 =	sadd.s32 $0x80, s12;
	s23 =	sadd.s32 $0x2080, s9;
	s13 =	sadd.s32 $0x2680, s9;
	(v2sf) =	vpush v0, $0x0  }
0x48: {  	s24 =	sadd.s32 $0x2000, s9;
	s15 =	sadd.s32 $0x2580, s9;
	s14 =	sadd.s32 $0x2600, s9;
	(v2sf) =	vpush v0, $0x1  }
0x49: {  	s18 =	sadd.s32 $0x2400, s9;
	s17 =	sadd.s32 $0x2480, s9;
	s19 =	sadd.s32 $0x2500, s9;
	(v2sf) =	vpush v0, $0x2  }
0x4a: {  	s21 =	sadd.s32 $0x2300, s9;
	s20 =	sadd.s32 $0x2380, s9  }
0x4b: {  	s22 =	sadd.s32 $0x2280, s9;
	(v2sf) =	vpush v0, $0x3  }
0x4c: {  	s25 =	sadd.s32 $0x2200, s9  }
0x4d: {  	(v2sf) =	vpush v0, $0x4  }
0x4e: {  	s16 =	sadd.s32 $0x2780, s9  }
0x4f: {  	(v2sf) =	vpush v0, $0x5;
	_ =	sdelay $0x1  }
0x50: {  	s26 =	sadd.s32 $0x2100, s9;
	(v2sf) =	vpush v0, $0x6;
	_ =	sdelay $0x1  }
0x51: {  	s29 =	sadd.s32 $0x2180, s9;
	(v2sf) =	vpush v0, $0x7;
	_ =	sdelay $0x1  }
0x52: {  	(v2sf) =	vpush v0, $0x8  }
0x53: {  	s31 =	spop (v2sf)  }
0x54: {  	s31 =	sand.u32 $0x1FFFFFF0, s31;
	s28 =	spop (v2sf);
	(v2sf) =	vpush v0, $0x9  }
0x55: {  	s31 =	sadd.s32 s4, s31;
	s28 =	sand.u32 $0x1FFFFFF0, s28;
	s30 =	spop (v2sf)  }
0x56: {  	[tilespmem:s24], [sflag:$0x1] =	stream.linear.gather [hbm4b:s31+s2], $0x80, $0x38;
	(v2sf) =	vpush v0, $0xA;
	[tilespmem:$0xE800] =	vst v63  }
0x57: {  	s24 =	sadd.s32 s4, s28;
	s28 =	sand.u32 $0x1FFFFFF0, s30;
	s30 =	spop (v2sf)  }
0x58: {  	[tilespmem:s23], [sflag:$0x1] =	stream.linear.gather [hbm4b:s24+s2], $0x80, $0x38;
	(v2sf) =	vpush v0, $0xB;
	[tilespmem:$0xE800] =	vst v63  }
0x59: {  	s23 =	sadd.s32 s4, s28;
	s24 =	sand.u32 $0x1FFFFFF0, s30;
	s28 =	spop (v2sf)  }
0x5a: {  	[tilespmem:s26], [sflag:$0x1] =	stream.linear.gather [hbm4b:s23+s2], $0x80, $0x38;
	(v2sf) =	vpush v0, $0xC;
	[tilespmem:$0xE800] =	vst v63  }
0x5b: {  	s23 =	sadd.s32 s4, s24;
	s24 =	sand.u32 $0x1FFFFFF0, s28;
	s26 =	spop (v2sf)  }
0x5c: {  	[tilespmem:s29], [sflag:$0x1] =	stream.linear.gather [hbm4b:s23+s2], $0x80, $0x38;
	[tilespmem:$0xE800] =	vst v63  }
.Ltmp0:
0x5d: {  	(v2sf) =	vpush v0, $0xD;
	(pc) =	sbr.rel @p0 .LBB2_2-.Ltmp0, $4  }
0x5e: {  	s23 =	sadd.s32 s4, s24;
	s24 =	sand.u32 $0x1FFFFFF0, s26;
	s26 =	spop (v2sf)  }
0x5f: {  	[tilespmem:s25], [sflag:$0x1] =	stream.linear.gather [hbm4b:s23+s2], $0x80, $0x38;
	(v2sf) =	vpush v0, $0xE;
	[tilespmem:$0xE800] =	vst v63  }
0x60: {  	s25 =	sadd.s32 s4, s24;
	s23 =	sand.u32 $0x1FFFFFF0, s26;
	s24 =	spop (v2sf)  }
0x61: {  	[tilespmem:s22], [sflag:$0x1] =	stream.linear.gather [hbm4b:s25+s2], $0x80, $0x38;
	(v2sf) =	vpush v0, $0xF;
	[tilespmem:$0xE800] =	vst v63  }
0x62: {  	s10 =	sadd.s32 s4, s23;
	s11 =	sand.u32 $0x1FFFFFF0, s24  }
0x63: {  	s12 =	spop (v2sf);
	s9 =	sadd.s32 $0x2700, s9;
	s7 =	sand.u32 $0x70, s7  }
0x64: {  	[tilespmem:s21], [sflag:$0x1] =	stream.linear.gather [hbm4b:s10+s2], $0x80, $0x38;
	[tilespmem:$0xE800] =	vst v63  }
0x65: {  	s22 =	sadd.s32 s4, s11;
	s23 =	sand.u32 $0x1FFFFFF0, s12;
	s24 =	spop (v2sf)  }
0x66: {  	[tilespmem:s20], [sflag:$0x1] =	stream.linear.gather [hbm4b:s22+s2], $0x80, $0x38;
	[tilespmem:$0xE800] =	vst v63  }
0x67: {  	s25 =	sadd.s32 s4, s23;
	s26 =	sand.u32 $0x1FFFFFF0, s24;
	s28 =	spop (v2sf)  }
0x68: {  	[tilespmem:s18], [sflag:$0x1] =	stream.linear.gather [hbm4b:s25+s2], $0x80, $0x38;
	[tilespmem:$0xE800] =	vst v63  }
0x69: {  	s29 =	sadd.s32 s4, s26;
	s30 =	sand.u32 $0x1FFFFFF0, s28;
	s31 =	spop (v2sf)  }
0x6a: {  	[tilespmem:s17], [sflag:$0x1] =	stream.linear.gather [hbm4b:s29+s2], $0x80, $0x38;
	[tilespmem:$0xE800] =	vst v63  }
0x6b: {  	s0 =	sadd.s32 s4, s30;
	s1 =	sand.u32 $0x1FFFFFF0, s31;
	s5 =	spop (v2sf)  }
0x6c: {  	[tilespmem:s19], [sflag:$0x1] =	stream.linear.gather [hbm4b:s0+s2], $0x80, $0x38;
	[tilespmem:$0xE800] =	vst v63  }
0x6d: {  	s11 =	sadd.s32 s4, s1;
	s17 =	sand.u32 $0x1FFFFFF0, s5;
	s18 =	spop (v2sf)  }
0x6e: {  	[tilespmem:s15], [sflag:$0x1] =	stream.linear.gather [hbm4b:s11+s2], $0x80, $0x38;
	[tilespmem:$0xE800] =	vst v63  }
0x6f: {  	s19 =	sadd.s32 s4, s17;
	s20 =	sand.u32 $0x1FFFFFF0, s18;
	s21 =	spop (v2sf)  }
0x70: {  	[tilespmem:s14], [sflag:$0x1] =	stream.linear.gather [hbm4b:s19+s2], $0x80, $0x38;
	[tilespmem:$0xE800] =	vst v63  }
0x71: {  	s22 =	sadd.s32 s4, s20;
	s23 =	sand.u32 $0x1FFFFFF0, s21;
	s24 =	spop (v2sf)  }
0x72: {  	[tilespmem:s13], [sflag:$0x1] =	stream.linear.gather [hbm4b:s22+s2], $0x80, $0x38;
	[tilespmem:$0xE800] =	vst v63  }
0x73: {  	s8 =	sand.u32 $0x400, s8;
	s25 =	sadd.s32 s4, s23;
	s26 =	sand.u32 $0x1FFFFFF0, s24  }
0x74: {  	[tilespmem:s9], [sflag:$0x1] =	stream.linear.gather [hbm4b:s25+s2], $0x80, $0x38;
	[tilespmem:$0xE800] =	vst v63  }
0x75: {  	s7 =	sor.u32 s7, s8;
	s28 =	sadd.s32 s4, s26  }
0x76: {  	[tilespmem:s16], [sflag:$0x1] =	stream.linear.gather [hbm4b:s28+s2], $0x80, $0x38;
	[tilespmem:$0xE800] =	vst v63  }
0x77: {  	v0 =	vld [tilespmem:s7+$0x0];
	_ =	sdelay $0x4  }
0x78: {  	v0 =	vshll.u32 v0, $0x4  }
0x79: {  	(v2sf) =	vpush v0, $0x0  }
0x7a: {  	(v2sf) =	vpush v0, $0x1  }
0x7b: {  	(v2sf) =	vpush v0, $0x2;
	_ =	sdelay $0x1  }
0x7c: {  	(v2sf) =	vpush v0, $0x3;
	_ =	sdelay $0x1  }
0x7d: {  	(v2sf) =	vpush v0, $0x4;
	_ =	sdelay $0x1  }
0x7e: {  	(v2sf) =	vpush v0, $0x5;
	_ =	sdelay $0x1  }
0x7f: {  	s6 =	sshra.s32 s6, $0x2;
	(v2sf) =	vpush v0, $0x6  }
0x80: {  	s8 =	sadd.s32 $0x2600, s6;
	s12 =	sadd.s32 $0x2400, s6  }
0x81: {  	s30 =	sadd.s32 $0x2000, s6;
	s31 =	sadd.s32 $0x2100, s6;
	s29 =	sadd.s32 $0x2080, s6;
	(v2sf) =	vpush v0, $0x7  }
0x82: {  	s1 =	sadd.s32 $0x2180, s6;
	s17 =	sadd.s32 $0x2280, s6;
	s15 =	sadd.s32 $0x2300, s6  }
0x83: {  	s18 =	sadd.s32 $0x2200, s6;
	s14 =	sadd.s32 $0x2500, s6;
	s13 =	sadd.s32 $0x2480, s6;
	(v2sf) =	vpush v0, $0x8  }
0x84: {  	s9 =	sadd.s32 $0x2580, s6;
	s16 =	sadd.s32 $0x2380, s6;
	s0 =	spop (v2sf)  }
0x85: {  	s7 =	sadd.s32 $0x2680, s6;
	s20 =	sand.u32 $0x1FFFFFF0, s0;
	s22 =	spop (v2sf);
	(v2sf) =	vpush v0, $0x9  }
0x86: {  	s20 =	sadd.s32 s4, s20;
	s22 =	sand.u32 $0x1FFFFFF0, s22;
	s5 =	spop (v2sf)  }
0x87: {  	(v2sf) =	vpush v0, $0xA;
	[tilespmem:s30], [sflag:$0x1] =	stream.linear.gather [hbm4b:s20+s2], $0x80, $0x38;
	[tilespmem:$0xE800] =	vst v63  }
0x88: {  	s22 =	sadd.s32 s4, s22;
	s23 =	sand.u32 $0x1FFFFFF0, s5;
	s24 =	spop (v2sf)  }
0x89: {  	(v2sf) =	vpush v0, $0xB;
	[tilespmem:s29], [sflag:$0x1] =	stream.linear.gather [hbm4b:s22+s2], $0x80, $0x38;
	[tilespmem:$0xE800] =	vst v63  }
0x8a: {  	s25 =	sadd.s32 s4, s23;
	s26 =	sand.u32 $0x1FFFFFF0, s24;
	s28 =	spop (v2sf)  }
0x8b: {  	(v2sf) =	vpush v0, $0xC;
	[tilespmem:s31], [sflag:$0x1] =	stream.linear.gather [hbm4b:s25+s2], $0x80, $0x38;
	[tilespmem:$0xE800] =	vst v63  }
0x8c: {  	s29 =	sadd.s32 s4, s26;
	s30 =	sand.u32 $0x1FFFFFF0, s28;
	s31 =	spop (v2sf)  }
0x8d: {  	(v2sf) =	vpush v0, $0xD;
	[tilespmem:s1], [sflag:$0x1] =	stream.linear.gather [hbm4b:s29+s2], $0x80, $0x38;
	[tilespmem:$0xE800] =	vst v63  }
0x8e: {  	s0 =	sadd.s32 s4, s30;
	s5 =	spop (v2sf);
	s1 =	sand.u32 $0x1FFFFFF0, s31  }
0x8f: {  	(v2sf) =	vpush v0, $0xE;
	[tilespmem:s18], [sflag:$0x1] =	stream.linear.gather [hbm4b:s0+s2], $0x80, $0x38;
	[tilespmem:$0xE800] =	vst v63  }
0x90: {  	s20 =	sand.u32 $0x1FFFFFF0, s5;
	s21 =	spop (v2sf);
	s18 =	sadd.s32 s4, s1  }
0x91: {  	(v2sf) =	vpush v0, $0xF;
	[tilespmem:s17], [sflag:$0x1] =	stream.linear.gather [hbm4b:s18+s2], $0x80, $0x38;
	[tilespmem:$0xE800] =	vst v63  }
0x92: {  	s22 =	sadd.s32 s4, s20;
	s23 =	sand.u32 $0x1FFFFFF0, s21;
	s24 =	spop (v2sf)  }
0x93: {  	[tilespmem:s15], [sflag:$0x1] =	stream.linear.gather [hbm4b:s22+s2], $0x80, $0x38;
	[tilespmem:$0xE800] =	vst v63  }
0x94: {  	s25 =	sadd.s32 s4, s23;
	s26 =	sand.u32 $0x1FFFFFF0, s24;
	s28 =	spop (v2sf)  }
0x95: {  	[tilespmem:s16], [sflag:$0x1] =	stream.linear.gather [hbm4b:s25+s2], $0x80, $0x38;
	[tilespmem:$0xE800] =	vst v63  }
0x96: {  	s29 =	sadd.s32 s4, s26;
	s30 =	sand.u32 $0x1FFFFFF0, s28;
	s31 =	spop (v2sf)  }
0x97: {  	[tilespmem:s12], [sflag:$0x1] =	stream.linear.gather [hbm4b:s29+s2], $0x80, $0x38;
	[tilespmem:$0xE800] =	vst v63  }
0x98: {  	s0 =	sadd.s32 s4, s30;
	s1 =	sand.u32 $0x1FFFFFF0, s31;
	s5 =	spop (v2sf)  }
0x99: {  	[tilespmem:s13], [sflag:$0x1] =	stream.linear.gather [hbm4b:s0+s2], $0x80, $0x38;
	[tilespmem:$0xE800] =	vst v63  }
0x9a: {  	s11 =	sadd.s32 s4, s1;
	s15 =	spop (v2sf);
	s13 =	sand.u32 $0x1FFFFFF0, s5  }
0x9b: {  	[tilespmem:s14], [sflag:$0x1] =	stream.linear.gather [hbm4b:s11+s2], $0x80, $0x38;
	[tilespmem:$0xE800] =	vst v63  }
0x9c: {  	s17 =	sand.u32 $0x1FFFFFF0, s15;
	s16 =	sadd.s32 s4, s13;
	s18 =	spop (v2sf)  }
0x9d: {  	[tilespmem:s9], [sflag:$0x1] =	stream.linear.gather [hbm4b:s16+s2], $0x80, $0x38;
	[tilespmem:$0xE800] =	vst v63  }
0x9e: {  	s19 =	sadd.s32 s4, s17;
	s20 =	sand.u32 $0x1FFFFFF0, s18;
	s21 =	spop (v2sf)  }
0x9f: {  	[tilespmem:s8], [sflag:$0x1] =	stream.linear.gather [hbm4b:s19+s2], $0x80, $0x38;
	[tilespmem:$0xE800] =	vst v63  }
0xa0: {  	s22 =	sadd.s32 s4, s20;
	s23 =	sand.u32 $0x1FFFFFF0, s21;
	s24 =	spop (v2sf)  }
0xa1: {  	[tilespmem:s7], [sflag:$0x1] =	stream.linear.gather [hbm4b:s22+s2], $0x80, $0x38;
	[tilespmem:$0xE800] =	vst v63  }
0xa2: {  	s25 =	sadd.s32 $0x2700, s6;
	s26 =	sadd.s32 s4, s23;
	s28 =	sand.u32 $0x1FFFFFF0, s24  }
0xa3: {  	[tilespmem:s25], [sflag:$0x1] =	stream.linear.gather [hbm4b:s26+s2], $0x80, $0x38;
	[tilespmem:$0xE800] =	vst v63  }
0xa4: {  	s6 =	sadd.s32 $0x2780, s6;
	s29 =	sadd.s32 s4, s28  }
0xa5: {  	[tilespmem:s6], [sflag:$0x1] =	stream.linear.gather [hbm4b:s29+s2], $0x80, $0x38;
	[tilespmem:$0xE800] =	vst v63  }
0xa6: {  	v62 =	vld.msk [tilespmem:$0x440], $0xff;
	_ =	sdelay $0x4  }
0xa7: {  	v0 =	vshll.u32 v62, $0x4  }
0xa8: {  	(v2sf) =	vpush v0, $0x0  }
0xa9: {  	(v2sf) =	vpush v0, $0x1  }
0xaa: {  	(v2sf) =	vpush v0, $0x2;
	_ =	sdelay $0x2  }
0xab: {  	(v2sf) =	vpush v0, $0x3;
	_ =	sdelay $0x5  }
0xac: {  	(v2sf) =	vpush v0, $0x4;
	_ =	sdelay $0x3  }
0xad: {  	s30 =	spop (v2sf)  }
0xae: {  	s31 =	simm.s32 $0x0;
	s6 =	sand.u32 $0x1FFFFFF0, s30;
	s1 =	spop (v2sf);
	(v2sf) =	vpush v0, $0x5  }
0xaf: {  	s0 =	simm.s32 $0x8000;
	s6 =	sadd.s32 s4, s6;
	s8 =	spop (v2sf)  }
0xb0: {  	(v2sf) =	vpush v0, $0x6;
	[tilespmem:s0], [sflag:$0x1] =	stream.linear.gather [hbm4b:s6+s31], $0x80, $0x38;
	[tilespmem:$0xE800] =	vst v63  }
0xb1: {  	s6 =	sand.u32 $0x1FFFFFF0, s1  }
0xb2: {  	s5 =	simm.s32 $0x8080;
	s10 =	spop (v2sf);
	s6 =	sadd.s32 s4, s6  }
0xb3: {  	(v2sf) =	vpush v0, $0x7;
	[tilespmem:s5], [sflag:$0x1] =	stream.linear.gather [hbm4b:s6+s31], $0x80, $0x38;
	[tilespmem:$0xE800] =	vst v63  }
0xb4: {  	s6 =	sand.u32 $0x1FFFFFF0, s8  }
0xb5: {  	s9 =	simm.s32 $0x8100;
	s6 =	sadd.s32 s4, s6  }
0xb6: {  	[tilespmem:s9], [sflag:$0x1] =	stream.linear.gather [hbm4b:s6+s31], $0x80, $0x38;
	[tilespmem:$0xE800] =	vst v63  }
0xb7: {  	s6 =	sand.u32 $0x1FFFFFF0, s10  }
0xb8: {  	s11 =	simm.s32 $0x8180;
	s12 =	spop (v2sf);
	s6 =	sadd.s32 s4, s6  }
0xb9: {  	[tilespmem:s11], [sflag:$0x1] =	stream.linear.gather [hbm4b:s6+s31], $0x80, $0x38;
	[tilespmem:$0xE800] =	vst v63  }
0xba: {  	s6 =	sand.u32 $0x1FFFFFF0, s12  }
0xbb: {  	s13 =	simm.s32 $0x8200;
	s6 =	sadd.s32 s4, s6  }
0xbc: {  	[tilespmem:s13], [sflag:$0x1] =	stream.linear.gather [hbm4b:s6+s31], $0x80, $0x38;
	[tilespmem:$0xE800] =	vst v63  }
0xbd: {  	s14 =	spop (v2sf)  }
0xbe: {  	s6 =	sand.u32 $0x1FFFFFF0, s14  }
0xbf: {  	s15 =	simm.s32 $0x8280;
	s16 =	spop (v2sf);
	s6 =	sadd.s32 s4, s6  }
0xc0: {  	[tilespmem:s15], [sflag:$0x1] =	stream.linear.gather [hbm4b:s6+s31], $0x80, $0x38;
	[tilespmem:$0xE800] =	vst v63  }
0xc1: {  	s6 =	sand.u32 $0x1FFFFFF0, s16  }
0xc2: {  	s17 =	simm.s32 $0x8300;
	s18 =	spop (v2sf);
	s6 =	sadd.s32 s4, s6  }
0xc3: {  	[tilespmem:s17], [sflag:$0x1] =	stream.linear.gather [hbm4b:s6+s31], $0x80, $0x38;
	[tilespmem:$0xE800] =	vst v63  }
0xc4: {  	s20 =	sand.u32 $0x70, s31;
	s6 =	sand.u32 $0x1FFFFFF0, s18  }
0xc5: {  	s19 =	simm.s32 $0x8380;
	s7 =	sand.u32 $0x400, s31;
	s6 =	sadd.s32 s4, s6  }
0xc6: {  	[tilespmem:s19], [sflag:$0x1] =	stream.linear.gather [hbm4b:s6+s31], $0x80, $0x38;
	[tilespmem:$0xE800] =	vst v63  }
0xc7: {  	s6 =	sor.u32 s20, s7  }
0xc8: {  	v63 =	vld [tilespmem:s6+$0x80];
	_ =	sdelay $0x4  }
0xc9: {  	v0 =	vshll.u32 v63, $0x4  }
0xca: {  	(v2sf) =	vpush v0, $0x0  }
0xcb: {  	(v2sf) =	vpush v0, $0x1  }
0xcc: {  	(v2sf) =	vpush v0, $0x2  }
0xcd: {  	(v2sf) =	vpush v0, $0x3  }
0xce: {  	(v2sf) =	vpush v0, $0x4;
	_ =	sdelay $0x6  }
0xcf: {  	(v2sf) =	vpush v0, $0x5  }
0xd0: {  	s21 =	simm.s32 $0x8480  }
0xd1: {  	s23 =	simm.s32 $0x8400;
	s28 =	simm.s32 $0x8580;
	s25 =	simm.s32 $0x8500  }
0xd2: {  	s8 =	simm.s32 $0x80;
	s10 =	simm.s32 $0x4000;
	s9 =	simm.s32 $0x0  }
0xd3: {  	s11 =	simm.s32 $0x20;
	s12 =	simm.s32 $0x100;
	(v2sf) =	vpush v0, $0x6;
	s24 =	spop (v2sf)  }
0xd4: {  	s13 =	simm.s32 $0x8A80;
	s14 =	simm.s32 $0x8A00;
	s26 =	spop (v2sf)  }
0xd5: {  	s15 =	simm.s32 $0x8980;
	s16 =	simm.s32 $0x8B80;
	(v2sf) =	vpush v0, $0x7;
	s30 =	spop (v2sf)  }
0xd6: {  	s18 =	simm.s32 $0x8800;
	s17 =	simm.s32 $0x8880;
	s31 =	spop (v2sf)  }
0xd7: {  	s7 =	simm.s32 $0x10;
	s20 =	sand.u32 $0x1FFFFFF0, s24;
	s5 =	spop (v2sf);
	(v2sf) =	vpush v0, $0x8  }
0xd8: {  	s19 =	simm.s32 $0x8900;
	s20 =	sadd.s32 s4, s20;
	s29 =	sand.u32 $0x1FFFFFF0, s26  }
0xd9: {  	[tilespmem:s23], [sflag:$0x2] =	stream.linear.gather [hbm4b:s20+s2], $0x80, $0x38;
	(v2sf) =	vpush v0, $0x9;
	[tilespmem:$0xE800] =	vst v63  }
0xda: {  	s6 =	simm.s32 $0x2000;
	s20 =	sadd.s32 s4, s29;
	s22 =	sand.u32 $0x1FFFFFF0, s30  }
0xdb: {  	[tilespmem:s21], [sflag:$0x2] =	stream.linear.gather [hbm4b:s20+s2], $0x80, $0x38;
	(v2sf) =	vpush v0, $0xA;
	[tilespmem:$0xE800] =	vst v63  }
0xdc: {  	s26 =	simm.s32 $0x8600;
	s0 =	sadd.s32 s4, s22;
	s1 =	sand.u32 $0x1FFFFFF0, s31  }
0xdd: {  	[tilespmem:s25], [sflag:$0x2] =	stream.linear.gather [hbm4b:s0+s2], $0x80, $0x38;
	(v2sf) =	vpush v0, $0xB;
	[tilespmem:$0xE800] =	vst v63  }
0xde: {  	s23 =	sadd.s32 s4, s1;
	s24 =	sand.u32 $0x1FFFFFF0, s5;
	s25 =	spop (v2sf)  }
0xdf: {  	(v2sf) =	vpush v0, $0xC;
	[tilespmem:s28], [sflag:$0x2] =	stream.linear.gather [hbm4b:s23+s2], $0x80, $0x38;
	[tilespmem:$0xE800] =	vst v63  }
0xe0: {  	s30 =	simm.s32 $0x8680;
	s29 =	sand.u32 $0x1FFFFFF0, s25;
	s28 =	sadd.s32 s4, s24  }
0xe1: {  	(v2sf) =	vpush v0, $0xD;
	[tilespmem:s26], [sflag:$0x2] =	stream.linear.gather [hbm4b:s28+s2], $0x80, $0x38;
	[tilespmem:$0xE800] =	vst v63  }
0xe2: {  	s21 =	simm.s32 $0x8700;
	s31 =	spop (v2sf);
	s20 =	sadd.s32 s4, s29  }
0xe3: {  	(v2sf) =	vpush v0, $0xE;
	[tilespmem:s30], [sflag:$0x2] =	stream.linear.gather [hbm4b:s20+s2], $0x80, $0x38;
	[tilespmem:$0xE800] =	vst v63  }
0xe4: {  	s24 =	sand.u32 $0x1FFFFFF0, s31;
	s20 =	simm.s32 $0x8780;
	s23 =	spop (v2sf);
	(v2sf) =	vpush v0, $0xF  }
.LBB2_4:
0xe5: {  	s24 =	sadd.s32 s4, s24  }
0xe6: {  	s23 =	sand.u32 $0x1FFFFFF0, s23;
	s25 =	spop (v2sf);
	s22 =	smov.u32 s10  }
0xe7: {  	[tilespmem:s21], [sflag:$0x2] =	stream.linear.gather [hbm4b:s24+s2], $0x80, $0x38;
	[tilespmem:$0xE800] =	vst v63  }
0xe8: {  	s21 =	sadd.s32 s4, s23;
	s23 =	sand.u32 $0x1FFFFFF0, s25;
	s24 =	spop (v2sf)  }
0xe9: {  	[tilespmem:s20], [sflag:$0x2] =	stream.linear.gather [hbm4b:s21+s2], $0x80, $0x38;
	[tilespmem:$0xE800] =	vst v63  }
0xea: {  	s20 =	sadd.s32 s4, s23;
	s21 =	sand.u32 $0x1FFFFFF0, s24;
	s23 =	spop (v2sf)  }
0xeb: {  	[tilespmem:s18], [sflag:$0x2] =	stream.linear.gather [hbm4b:s20+s2], $0x80, $0x38;
	[tilespmem:$0xE800] =	vst v63  }
0xec: {  	s18 =	sadd.s32 s4, s21;
	s20 =	sand.u32 $0x1FFFFFF0, s23;
	s21 =	spop (v2sf)  }
0xed: {  	[tilespmem:s17], [sflag:$0x2] =	stream.linear.gather [hbm4b:s18+s2], $0x80, $0x38;
	[tilespmem:$0xE800] =	vst v63  }
0xee: {  	s17 =	sadd.s32 s4, s20;
	s18 =	sand.u32 $0x1FFFFFF0, s21;
	s20 =	spop (v2sf)  }
0xef: {  	[tilespmem:s19], [sflag:$0x2] =	stream.linear.gather [hbm4b:s17+s2], $0x80, $0x38;
	[tilespmem:$0xE800] =	vst v63  }
0xf0: {  	s17 =	sadd.s32 s4, s18;
	s18 =	sand.u32 $0x1FFFFFF0, s20;
	s19 =	spop (v2sf)  }
0xf1: {  	[tilespmem:s15], [sflag:$0x2] =	stream.linear.gather [hbm4b:s17+s2], $0x80, $0x38;
	[tilespmem:$0xE800] =	vst v63  }
0xf2: {  	s15 =	sadd.s32 s4, s18;
	s17 =	sand.u32 $0x1FFFFFF0, s19;
	s18 =	spop (v2sf)  }
0xf3: {  	[tilespmem:s14], [sflag:$0x2] =	stream.linear.gather [hbm4b:s15+s2], $0x80, $0x38;
	[tilespmem:$0xE800] =	vst v63  }
0xf4: {  	s14 =	sadd.s32 s4, s17;
	s15 =	sand.u32 $0x1FFFFFF0, s18;
	s17 =	spop (v2sf)  }
0xf5: {  	[tilespmem:s13], [sflag:$0x2] =	stream.linear.gather [hbm4b:s14+s2], $0x80, $0x38;
	[tilespmem:$0xE800] =	vst v63  }
0xf6: {  	s9 =	sadd.s32 $0x8B00, s9;
	s13 =	sadd.s32 s4, s15;
	s14 =	sand.u32 $0x1FFFFFF0, s17  }
0xf7: {  	[tilespmem:s9], [sflag:$0x2] =	stream.linear.gather [hbm4b:s13+s2], $0x80, $0x38;
	[tilespmem:$0xE800] =	vst v63  }
0xf8: {  	s7 =	sand.u32 $0x70, s7;
	s8 =	sand.u32 $0x400, s8;
	s9 =	sadd.s32 s4, s14  }
0xf9: {  	[tilespmem:s16], [sflag:$0x2] =	stream.linear.gather [hbm4b:s9+s2], $0x80, $0x38;
	[tilespmem:$0xE800] =	vst v63  }
0xfa: {  	p0 =	sne.s32 s10, $0x16000;
	s10 =	sadd.s32 $0x2000, s10;
	s7 =	sor.u32 s7, s8  }
0xfb: {  	s8 =	smov.u32 s12;
	v0 =	vld [tilespmem:s7+$0x80];
	s7 =	smov.u32 s11;
	_ =	sdelay $0x4  }
0xfc: {  	s9 =	sshra.s32 s6, $0x2;
	s6 =	smov.u32 s22;
	s11 =	sadd.s32 $0x10, s11;
	v0 =	vshll.u32 v0, $0x4  }
0xfd: {  	s12 =	sadd.s32 $0x80, s12;
	s23 =	sadd.s32 $0x8480, s9;
	s13 =	sadd.s32 $0x8A80, s9;
	(v2sf) =	vpush v0, $0x0  }
0xfe: {  	s24 =	sadd.s32 $0x8400, s9;
	s15 =	sadd.s32 $0x8980, s9;
	s14 =	sadd.s32 $0x8A00, s9;
	(v2sf) =	vpush v0, $0x1  }
0xff: {  	s18 =	sadd.s32 $0x8800, s9;
	s17 =	sadd.s32 $0x8880, s9;
	s19 =	sadd.s32 $0x8900, s9;
	(v2sf) =	vpush v0, $0x2  }
0x100: {  	s21 =	sadd.s32 $0x8700, s9;
	s20 =	sadd.s32 $0x8780, s9  }
0x101: {  	s22 =	sadd.s32 $0x8680, s9;
	(v2sf) =	vpush v0, $0x3  }
0x102: {  	s25 =	sadd.s32 $0x8600, s9  }
0x103: {  	(v2sf) =	vpush v0, $0x4  }
0x104: {  	s16 =	sadd.s32 $0x8B80, s9  }
0x105: {  	(v2sf) =	vpush v0, $0x5;
	_ =	sdelay $0x1  }
0x106: {  	s26 =	sadd.s32 $0x8500, s9;
	(v2sf) =	vpush v0, $0x6;
	_ =	sdelay $0x1  }
0x107: {  	s28 =	sadd.s32 $0x8580, s9;
	(v2sf) =	vpush v0, $0x7;
	_ =	sdelay $0x1  }
0x108: {  	(v2sf) =	vpush v0, $0x8  }
0x109: {  	s29 =	spop (v2sf)  }
0x10a: {  	s29 =	sand.u32 $0x1FFFFFF0, s29;
	s30 =	spop (v2sf);
	(v2sf) =	vpush v0, $0x9  }
0x10b: {  	s29 =	sadd.s32 s4, s29;
	s30 =	sand.u32 $0x1FFFFFF0, s30;
	s31 =	spop (v2sf)  }
0x10c: {  	[tilespmem:s24], [sflag:$0x2] =	stream.linear.gather [hbm4b:s29+s2], $0x80, $0x38;
	(v2sf) =	vpush v0, $0xA;
	[tilespmem:$0xE800] =	vst v63  }
0x10d: {  	s24 =	sadd.s32 s4, s30;
	s29 =	sand.u32 $0x1FFFFFF0, s31;
	s30 =	spop (v2sf)  }
0x10e: {  	[tilespmem:s23], [sflag:$0x2] =	stream.linear.gather [hbm4b:s24+s2], $0x80, $0x38;
	(v2sf) =	vpush v0, $0xB;
	[tilespmem:$0xE800] =	vst v63  }
0x10f: {  	s23 =	sadd.s32 s4, s29;
	s24 =	sand.u32 $0x1FFFFFF0, s30;
	s29 =	spop (v2sf)  }
0x110: {  	[tilespmem:s26], [sflag:$0x2] =	stream.linear.gather [hbm4b:s23+s2], $0x80, $0x38;
	(v2sf) =	vpush v0, $0xC;
	[tilespmem:$0xE800] =	vst v63  }
0x111: {  	s23 =	sadd.s32 s4, s24;
	s24 =	sand.u32 $0x1FFFFFF0, s29;
	s26 =	spop (v2sf)  }
0x112: {  	[tilespmem:s28], [sflag:$0x2] =	stream.linear.gather [hbm4b:s23+s2], $0x80, $0x38;
	[tilespmem:$0xE800] =	vst v63  }
.Ltmp1:
0x113: {  	(v2sf) =	vpush v0, $0xD;
	(pc) =	sbr.rel @p0 .LBB2_4-.Ltmp1, $4  }
0x114: {  	s23 =	sadd.s32 s4, s24;
	s24 =	sand.u32 $0x1FFFFFF0, s26;
	s26 =	spop (v2sf)  }
0x115: {  	[tilespmem:s25], [sflag:$0x2] =	stream.linear.gather [hbm4b:s23+s2], $0x80, $0x38;
	(v2sf) =	vpush v0, $0xE;
	[tilespmem:$0xE800] =	vst v63  }
0x116: {  	s25 =	sadd.s32 s4, s24;
	s24 =	sand.u32 $0x1FFFFFF0, s26;
	s23 =	spop (v2sf)  }
0x117: {  	[tilespmem:s22], [sflag:$0x2] =	stream.linear.gather [hbm4b:s25+s2], $0x80, $0x38;
	(v2sf) =	vpush v0, $0xF;
	[tilespmem:$0xE800] =	vst v63  }
0x118: {  	s10 =	sadd.s32 s4, s24;
	s25 =	sand.u32 $0x1FFFFFF0, s23  }
0x119: {  	[tilespmem:s21], [sflag:$0x2] =	stream.linear.gather [hbm4b:s10+s2], $0x80, $0x38;
	[tilespmem:$0xE800] =	vst v63  }
0x11a: {  	s26 =	spop (v2sf);
	s10 =	sadd.s32 s4, s25  }
0x11b: {  	[tilespmem:s20], [sflag:$0x2] =	stream.linear.gather [hbm4b:s10+s2], $0x80, $0x38;
	[tilespmem:$0xE800] =	vst v63  }
0x11c: {  	s10 =	sand.u32 $0x1FFFFFF0, s26  }
0x11d: {  	s28 =	spop (v2sf);
	s10 =	sadd.s32 s4, s10  }
0x11e: {  	[tilespmem:s18], [sflag:$0x2] =	stream.linear.gather [hbm4b:s10+s2], $0x80, $0x38;
	[tilespmem:$0xE800] =	vst v63  }
0x11f: {  	s10 =	sand.u32 $0x1FFFFFF0, s28  }
0x120: {  	s29 =	spop (v2sf);
	s10 =	sadd.s32 s4, s10  }
0x121: {  	[tilespmem:s17], [sflag:$0x2] =	stream.linear.gather [hbm4b:s10+s2], $0x80, $0x38;
	[tilespmem:$0xE800] =	vst v63  }
0x122: {  	s10 =	sand.u32 $0x1FFFFFF0, s29  }
0x123: {  	s30 =	spop (v2sf);
	s10 =	sadd.s32 s4, s10  }
0x124: {  	[tilespmem:s19], [sflag:$0x2] =	stream.linear.gather [hbm4b:s10+s2], $0x80, $0x38;
	[tilespmem:$0xE800] =	vst v63  }
0x125: {  	s10 =	sand.u32 $0x1FFFFFF0, s30  }
0x126: {  	s31 =	spop (v2sf);
	s10 =	sadd.s32 s4, s10  }
0x127: {  	[tilespmem:s15], [sflag:$0x2] =	stream.linear.gather [hbm4b:s10+s2], $0x80, $0x38;
	[tilespmem:$0xE800] =	vst v63  }
0x128: {  	s10 =	sand.u32 $0x1FFFFFF0, s31  }
0x129: {  	s0 =	spop (v2sf);
	s10 =	sadd.s32 s4, s10  }
0x12a: {  	[tilespmem:s14], [sflag:$0x2] =	stream.linear.gather [hbm4b:s10+s2], $0x80, $0x38;
	[tilespmem:$0xE800] =	vst v63  }
0x12b: {  	s10 =	sand.u32 $0x1FFFFFF0, s0  }
0x12c: {  	s1 =	spop (v2sf);
	s10 =	sadd.s32 s4, s10  }
0x12d: {  	[tilespmem:s13], [sflag:$0x2] =	stream.linear.gather [hbm4b:s10+s2], $0x80, $0x38;
	[tilespmem:$0xE800] =	vst v63  }
0x12e: {  	s10 =	sand.u32 $0x1FFFFFF0, s1  }
0x12f: {  	s9 =	sadd.s32 $0x8B00, s9;
	s5 =	spop (v2sf);
	s10 =	sadd.s32 s4, s10  }
0x130: {  	[tilespmem:s9], [sflag:$0x2] =	stream.linear.gather [hbm4b:s10+s2], $0x80, $0x38;
	[tilespmem:$0xE800] =	vst v63  }
0x131: {  	s7 =	sand.u32 $0x70, s7;
	s8 =	sand.u32 $0x400, s8;
	s9 =	sand.u32 $0x1FFFFFF0, s5  }
0x132: {  	s7 =	sor.u32 s7, s8;
	s9 =	sadd.s32 s4, s9  }
0x133: {  	[tilespmem:s16], [sflag:$0x2] =	stream.linear.gather [hbm4b:s9+s2], $0x80, $0x38;
	[tilespmem:$0xE800] =	vst v63  }
0x134: {  	v0 =	vld [tilespmem:s7+$0x80];
	_ =	sdelay $0x4  }
0x135: {  	v0 =	vshll.u32 v0, $0x4  }
0x136: {  	(v2sf) =	vpush v0, $0x0;
	_ =	sdelay $0x1  }
0x137: {  	(v2sf) =	vpush v0, $0x1;
	_ =	sdelay $0x1  }
0x138: {  	(v2sf) =	vpush v0, $0x2;
	_ =	sdelay $0x2  }
0x139: {  	(v2sf) =	vpush v0, $0x3;
	_ =	sdelay $0x7  }
0x13a: {  	s10 =	spop (v2sf);
	(v2sf) =	vpush v0, $0x4;
	_ =	sdelay $0x1  }
0x13b: {  	s12 =	spop (v2sf);
	(v2sf) =	vpush v0, $0x5;
	_ =	sdelay $0x1  }
0x13c: {  	s14 =	spop (v2sf);
	(v2sf) =	vpush v0, $0x6;
	_ =	sdelay $0x1  }
0x13d: {  	s6 =	sshra.s32 s6, $0x2;
	s7 =	sand.u32 $0x1FFFFFF0, s10  }
0x13e: {  	s11 =	sadd.s32 $0x8400, s6;
	s7 =	sadd.s32 s4, s7;
	s16 =	spop (v2sf);
	(v2sf) =	vpush v0, $0x7  }
0x13f: {  	[tilespmem:s11], [sflag:$0x2] =	stream.linear.gather [hbm4b:s7+s2], $0x80, $0x38;
	[tilespmem:$0xE800] =	vst v63  }
0x140: {  	s7 =	sand.u32 $0x1FFFFFF0, s12  }
0x141: {  	s13 =	sadd.s32 $0x8480, s6;
	s7 =	sadd.s32 s4, s7  }
0x142: {  	[tilespmem:s13], [sflag:$0x2] =	stream.linear.gather [hbm4b:s7+s2], $0x80, $0x38;
	[tilespmem:$0xE800] =	vst v63  }
0x143: {  	s7 =	sand.u32 $0x1FFFFFF0, s14  }
0x144: {  	s15 =	sadd.s32 $0x8500, s6;
	s7 =	sadd.s32 s4, s7  }
0x145: {  	[tilespmem:s15], [sflag:$0x2] =	stream.linear.gather [hbm4b:s7+s2], $0x80, $0x38;
	[tilespmem:$0xE800] =	vst v63  }
0x146: {  	s18 =	spop (v2sf);
	(v2sf) =	vpush v0, $0x8  }
0x147: {  	s7 =	sand.u32 $0x1FFFFFF0, s16  }
0x148: {  	s17 =	sadd.s32 $0x8580, s6;
	s7 =	sadd.s32 s4, s7;
	s20 =	spop (v2sf);
	(v2sf) =	vpush v0, $0x9  }
0x149: {  	[tilespmem:s17], [sflag:$0x2] =	stream.linear.gather [hbm4b:s7+s2], $0x80, $0x38;
	[tilespmem:$0xE800] =	vst v63  }
0x14a: {  	s7 =	sand.u32 $0x1FFFFFF0, s18;
	s22 =	spop (v2sf);
	(v2sf) =	vpush v0, $0xA  }
0x14b: {  	s19 =	sadd.s32 $0x8600, s6;
	s7 =	sadd.s32 s4, s7  }
0x14c: {  	[tilespmem:s19], [sflag:$0x2] =	stream.linear.gather [hbm4b:s7+s2], $0x80, $0x38;
	[tilespmem:$0xE800] =	vst v63  }
0x14d: {  	s24 =	spop (v2sf);
	(v2sf) =	vpush v0, $0xB  }
0x14e: {  	s7 =	sand.u32 $0x1FFFFFF0, s20  }
0x14f: {  	s21 =	sadd.s32 $0x8680, s6;
	s7 =	sadd.s32 s4, s7  }
0x150: {  	[tilespmem:s21], [sflag:$0x2] =	stream.linear.gather [hbm4b:s7+s2], $0x80, $0x38;
	[tilespmem:$0xE800] =	vst v63  }
0x151: {  	s7 =	sand.u32 $0x1FFFFFF0, s22  }
0x152: {  	s23 =	sadd.s32 $0x8700, s6;
	s7 =	sadd.s32 s4, s7  }
0x153: {  	[tilespmem:s23], [sflag:$0x2] =	stream.linear.gather [hbm4b:s7+s2], $0x80, $0x38;
	[tilespmem:$0xE800] =	vst v63  }
0x154: {  	s7 =	sand.u32 $0x1FFFFFF0, s24  }
0x155: {  	s25 =	sadd.s32 $0x8780, s6;
	s7 =	sadd.s32 s4, s7;
	s26 =	spop (v2sf);
	(v2sf) =	vpush v0, $0xC  }
0x156: {  	[tilespmem:s25], [sflag:$0x2] =	stream.linear.gather [hbm4b:s7+s2], $0x80, $0x38;
	[tilespmem:$0xE800] =	vst v63  }
0x157: {  	s29 =	spop (v2sf);
	(v2sf) =	vpush v0, $0xD  }
0x158: {  	s7 =	sand.u32 $0x1FFFFFF0, s26  }
0x159: {  	s28 =	sadd.s32 $0x8800, s6;
	s7 =	sadd.s32 s4, s7;
	s31 =	spop (v2sf)  }
0x15a: {  	(v2sf) =	vpush v0, $0xE;
	[tilespmem:s28], [sflag:$0x2] =	stream.linear.gather [hbm4b:s7+s2], $0x80, $0x38;
	[tilespmem:$0xE800] =	vst v63  }
0x15b: {  	s7 =	sand.u32 $0x1FFFFFF0, s29  }
0x15c: {  	s30 =	sadd.s32 $0x8880, s6;
	s1 =	spop (v2sf);
	s7 =	sadd.s32 s4, s7  }
0x15d: {  	(v2sf) =	vpush v0, $0xF;
	[tilespmem:s30], [sflag:$0x2] =	stream.linear.gather [hbm4b:s7+s2], $0x80, $0x38;
	[tilespmem:$0xE800] =	vst v63  }
0x15e: {  	s7 =	sand.u32 $0x1FFFFFF0, s31  }
0x15f: {  	s0 =	sadd.s32 $0x8900, s6;
	s7 =	sadd.s32 s4, s7  }
0x160: {  	[tilespmem:s0], [sflag:$0x2] =	stream.linear.gather [hbm4b:s7+s2], $0x80, $0x38;
	[tilespmem:$0xE800] =	vst v63  }
0x161: {  	s7 =	sand.u32 $0x1FFFFFF0, s1  }
0x162: {  	s5 =	sadd.s32 $0x8980, s6;
	s7 =	sadd.s32 s4, s7  }
0x163: {  	[tilespmem:s5], [sflag:$0x2] =	stream.linear.gather [hbm4b:s7+s2], $0x80, $0x38;
	[tilespmem:$0xE800] =	vst v63  }
0x164: {  	s8 =	spop (v2sf)  }
0x165: {  	s7 =	sand.u32 $0x1FFFFFF0, s8  }
0x166: {  	s9 =	sadd.s32 $0x8A00, s6;
	s10 =	spop (v2sf);
	s7 =	sadd.s32 s4, s7  }
0x167: {  	[tilespmem:s9], [sflag:$0x2] =	stream.linear.gather [hbm4b:s7+s2], $0x80, $0x38;
	[tilespmem:$0xE800] =	vst v63  }
0x168: {  	s7 =	sand.u32 $0x1FFFFFF0, s10  }
0x169: {  	s11 =	sadd.s32 $0x8A80, s6;
	s12 =	spop (v2sf);
	s7 =	sadd.s32 s4, s7  }
0x16a: {  	[tilespmem:s11], [sflag:$0x2] =	stream.linear.gather [hbm4b:s7+s2], $0x80, $0x38;
	[tilespmem:$0xE800] =	vst v63  }
0x16b: {  	s7 =	sand.u32 $0x1FFFFFF0, s12  }
0x16c: {  	s13 =	sadd.s32 $0x8B00, s6;
	s14 =	spop (v2sf);
	s7 =	sadd.s32 s4, s7  }
0x16d: {  	[tilespmem:s13], [sflag:$0x2] =	stream.linear.gather [hbm4b:s7+s2], $0x80, $0x38;
	[tilespmem:$0xE800] =	vst v63  }
0x16e: {  	s7 =	sand.u32 $0x1FFFFFF0, s14  }
0x16f: {  	s6 =	sadd.s32 $0x8B80, s6;
	s7 =	sadd.s32 s4, s7  }
0x170: {  	[tilespmem:s6], [sflag:$0x2] =	stream.linear.gather [hbm4b:s7+s2], $0x80, $0x38;
	[tilespmem:$0xE800] =	vst v63  }
0x171: {  	v0 =	vld.msk [tilespmem:$0x4C0], $0xff;
	_ =	sdelay $0x4  }
0x172: {  	v0 =	vshll.u32 v0, $0x4  }
0x173: {  	(v2sf) =	vpush v0, $0x0;
	_ =	sdelay $0x1  }
0x174: {  	(v2sf) =	vpush v0, $0x1;
	_ =	sdelay $0x1  }
0x175: {  	(v2sf) =	vpush v0, $0x2;
	_ =	sdelay $0x2  }
0x176: {  	(v2sf) =	vpush v0, $0x3;
	_ =	sdelay $0x7  }
0x177: {  	s15 =	spop (v2sf);
	(v2sf) =	vpush v0, $0x4;
	_ =	sdelay $0x1  }
0x178: {  	s16 =	spop (v2sf);
	(v2sf) =	vpush v0, $0x5  }
0x179: {  	s6 =	sand.u32 $0x1FFFFFF0, s15  }
0x17a: {  	s0 =	simm.s32 $0xE400;
	s6 =	sadd.s32 s4, s6;
	s18 =	spop (v2sf)  }
0x17b: {  	(v2sf) =	vpush v0, $0x6;
	[tilespmem:s0], [sflag:$0x2] =	stream.linear.gather [hbm4b:s6+s2], $0x80, $0x38;
	[tilespmem:$0xE800] =	vst v63  }
0x17c: {  	s6 =	sand.u32 $0x1FFFFFF0, s16  }
0x17d: {  	s17 =	simm.s32 $0xE480;
	s20 =	spop (v2sf);
	s6 =	sadd.s32 s4, s6  }
0x17e: {  	(v2sf) =	vpush v0, $0x7;
	[tilespmem:s17], [sflag:$0x2] =	stream.linear.gather [hbm4b:s6+s2], $0x80, $0x38;
	[tilespmem:$0xE800] =	vst v63  }
0x17f: {  	s6 =	sand.u32 $0x1FFFFFF0, s18  }
0x180: {  	s19 =	simm.s32 $0xE500;
	s6 =	sadd.s32 s4, s6  }
0x181: {  	[tilespmem:s19], [sflag:$0x2] =	stream.linear.gather [hbm4b:s6+s2], $0x80, $0x38;
	[tilespmem:$0xE800] =	vst v63  }
0x182: {  	s6 =	sand.u32 $0x1FFFFFF0, s20  }
0x183: {  	s21 =	simm.s32 $0xE580;
	s6 =	sadd.s32 s4, s6  }
0x184: {  	[tilespmem:s21], [sflag:$0x2] =	stream.linear.gather [hbm4b:s6+s2], $0x80, $0x38;
	[tilespmem:$0xE800] =	vst v63  }
0x185: {  	s22 =	spop (v2sf)  }
0x186: {  	s6 =	sand.u32 $0x1FFFFFF0, s22  }
0x187: {  	s23 =	simm.s32 $0xE600;
	s24 =	spop (v2sf);
	s6 =	sadd.s32 s4, s6  }
0x188: {  	[tilespmem:s23], [sflag:$0x2] =	stream.linear.gather [hbm4b:s6+s2], $0x80, $0x38;
	[tilespmem:$0xE800] =	vst v63  }
0x189: {  	s6 =	sand.u32 $0x1FFFFFF0, s24  }
0x18a: {  	s25 =	simm.s32 $0xE680;
	s26 =	spop (v2sf);
	s6 =	sadd.s32 s4, s6  }
0x18b: {  	[tilespmem:s25], [sflag:$0x2] =	stream.linear.gather [hbm4b:s6+s2], $0x80, $0x38;
	[tilespmem:$0xE800] =	vst v63  }
0x18c: {  	s6 =	sand.u32 $0x1FFFFFF0, s26  }
0x18d: {  	s28 =	simm.s32 $0xE700;
	s29 =	spop (v2sf);
	s6 =	sadd.s32 s4, s6  }
0x18e: {  	[tilespmem:s28], [sflag:$0x2] =	stream.linear.gather [hbm4b:s6+s2], $0x80, $0x38;
	[tilespmem:$0xE800] =	vst v63  }
0x18f: {  	s6 =	sand.u32 $0x1FFFFFF0, s29  }
0x190: {  	s30 =	simm.s32 $0xE780;
	s31 =	simm.s32 $0x1;
	s6 =	sadd.s32 s4, s6  }
0x191: {  	[tilespmem:s30], [sflag:$0x2] =	stream.linear.gather [hbm4b:s6+s2], $0x80, $0x38;
	[tilespmem:$0xE800] =	vst v63  }
0x192: {  	_ =	swait.ge [sflag:s31], $0x6400  }
0x193: {  	[sflag:s31] =	ssyncset.done $0x0  }
0x194: {  	s6 =	simm.s32 $0x2100;
	[sflag:s31] =	ssyncadd.s32 $0xFFFF9C00  }
0x195: {  	v1 =	vld [tilespmem:s6+$0x20]  }
0x196: {  	v2 =	vld [tilespmem:s6+$0xFFFFFF80]  }
0x197: {  	v3 =	vld [tilespmem:s6+$0xA0]  }
0x198: {  	v4 =	vld [tilespmem:s6+$0x90]  }
0x199: {  	v5 =	vld [tilespmem:s6+$0xFFFFFF20]  }
0x19a: {  	v0 =	vld [tilespmem:s6+$0x10]  }
0x19b: {  	v7 =	vld [tilespmem:s6+$0xFFFFFF10]  }
0x19c: {  	v8 =	vld [tilespmem:s6+$0x80]  }
0x19d: {  	v9 =	vld [tilespmem:s6+$0xFFFFFF00];
	v4 =	vmul.f32 $8.000000000e+00, v4  }
0x19e: {  	v10 =	vld [tilespmem:s6+$0x30];
	v1 =	vmul.f32 $8.000000000e+00, v1  }
0x19f: {  	v11 =	vld [tilespmem:s6+$0xFFFFFF90];
	v2 =	vmul.f32 $8.000000000e+00, v2;
	[tilespmem:s6+$0x90] =	vst v4  }
0x1a0: {  	v6 =	vld [tilespmem:s6+$0xB0];
	v4 =	vmul.f32 $8.000000000e+00, v3;
	[tilespmem:s6+$0x20] =	vst v1  }
0x1a1: {  	v12 =	vmul.f32 $8.000000000e+00, v5;
	v3 =	vld [tilespmem:s6+$0x0];
	[tilespmem:s6+$0xFFFFFF80] =	vst v2  }
0x1a2: {  	v2 =	vmul.f32 $8.000000000e+00, v8;
	[tilespmem:s6+$0xA0] =	vst v4;
	v4 =	vld [tilespmem:s6+$0xFFFFFFB0]  }
0x1a3: {  	v5 =	vld [tilespmem:s6+$0xFFFFFFA0];
	v8 =	vmul.f32 $8.000000000e+00, v9;
	v1 =	vmul.f32 $8.000000000e+00, v7;
	[tilespmem:s6+$0xFFFFFF20] =	vst v12  }
0x1a4: {  	s8 =	simm.s32 $0x2300;
	s7 =	simm.s32 $0x0;
	v7 =	vld [tilespmem:s6+$0xFFFFFF30];
	v9 =	vmul.f32 $8.000000000e+00, v11;
	[tilespmem:s6+$0x80] =	vst v2;
	v2 =	vmul.f32 $8.000000000e+00, v10  }
.LBB2_6:
0x1a5: {  	v10 =	vld [tilespmem:s8+$0x20];
	s7 =	sadd.s32 $0x4, s7;
	[tilespmem:s6+$0xFFFFFF00] =	vst v8;
	v0 =	vmul.f32 $8.000000000e+00, v0;
	v6 =	vmul.f32 $8.000000000e+00, v6  }
0x1a6: {  	v8 =	vld [tilespmem:s8+$0xFFFFFF80];
	p0 =	slt.u32 s7, $0xC4;
	[tilespmem:s6+$0xFFFFFF90] =	vst v9;
	v3 =	vmul.f32 $8.000000000e+00, v3  }
0x1a7: {  	v9 =	vld [tilespmem:s8+$0xA0];
	v4 =	vmul.f32 $8.000000000e+00, v4;
	[tilespmem:s6+$0xB0] =	vst v6  }
0x1a8: {  	v11 =	vld [tilespmem:s8+$0xFFFFFF20];
	v5 =	vmul.f32 $8.000000000e+00, v5;
	[tilespmem:s6+$0x0] =	vst v3  }
0x1a9: {  	v3 =	vld [tilespmem:s8+$0x90];
	v6 =	vmul.f32 $8.000000000e+00, v7;
	[tilespmem:s6+$0x10] =	vst v0  }
0x1aa: {  	v0 =	vld [tilespmem:s8+$0x10];
	v7 =	vmul.f32 $8.000000000e+00, v10;
	[tilespmem:s6+$0xFFFFFF10] =	vst v1  }
0x1ab: {  	v1 =	vld [tilespmem:s8+$0xFFFFFF10];
	[tilespmem:s6+$0xFFFFFF30] =	vst v6  }
0x1ac: {  	v10 =	vld [tilespmem:s8+$0x80];
	v9 =	vmul.f32 $8.000000000e+00, v9;
	[tilespmem:s6+$0x30] =	vst v2  }
0x1ad: {  	v2 =	vld [tilespmem:s8+$0xFFFFFF00];
	[tilespmem:s6+$0xFFFFFFB0] =	vst v4  }
0x1ae: {  	v12 =	vld [tilespmem:s8+$0x30];
	v3 =	vmul.f32 $8.000000000e+00, v3;
	[tilespmem:s6+$0xFFFFFFA0] =	vst v5;
	s6 =	smov.u32 s8  }
0x1af: {  	v13 =	vld [tilespmem:s8+$0xFFFFFF90];
	[tilespmem:s8+$0x20] =	vst v7  }
.Ltmp2:
0x1b0: {  	v4 =	vmul.f32 $8.000000000e+00, v8;
	[tilespmem:s8+$0x90] =	vst v3;
	v6 =	vld [tilespmem:s8+$0xB0];
	(pc) =	sbr.rel @p0 .LBB2_6-.Ltmp2, $4  }
0x1b1: {  	v3 =	vld [tilespmem:s8+$0x0];
	v7 =	vmul.f32 $8.000000000e+00, v10;
	[tilespmem:s8+$0xA0] =	vst v9  }
0x1b2: {  	v9 =	vmul.f32 $8.000000000e+00, v11;
	[tilespmem:s8+$0xFFFFFF80] =	vst v4;
	v4 =	vld [tilespmem:s8+$0xFFFFFFB0]  }
0x1b3: {  	v1 =	vmul.f32 $8.000000000e+00, v1;
	v8 =	vmul.f32 $8.000000000e+00, v2;
	v5 =	vld [tilespmem:s8+$0xFFFFFFA0];
	[tilespmem:s8+$0x80] =	vst v7  }
0x1b4: {  	v2 =	vmul.f32 $8.000000000e+00, v12;
	s8 =	sadd.s32 $0x200, s8;
	[tilespmem:s6+$0xFFFFFF20] =	vst v9;
	v7 =	vld [tilespmem:s6+$0xFFFFFF30];
	v9 =	vmul.f32 $8.000000000e+00, v13  }
0x1b5: {  	[tilespmem:s6+$0xFFFFFF00] =	vst v8  }
0x1b6: {  	[tilespmem:s6+$0xFFFFFF10] =	vst v1  }
0x1b7: {  	v6 =	vmul.f32 $8.000000000e+00, v6;
	[tilespmem:s6+$0xFFFFFF90] =	vst v9  }
0x1b8: {  	v0 =	vmul.f32 $8.000000000e+00, v0;
	[tilespmem:s6+$0x30] =	vst v2  }
0x1b9: {  	v3 =	vmul.f32 $8.000000000e+00, v3;
	[tilespmem:s6+$0xB0] =	vst v6  }
0x1ba: {  	[tilespmem:s6+$0x10] =	vst v0;
	v0 =	vmul.f32 $8.000000000e+00, v4  }
0x1bb: {  	[tilespmem:s6+$0x0] =	vst v3;
	v1 =	vmul.f32 $8.000000000e+00, v5  }
0x1bc: {  	v3 =	vmul.f32 $8.000000000e+00, v7;
	[tilespmem:s6+$0xFFFFFFB0] =	vst v0  }
0x1bd: {  	[dreg:$0x9] =	wrdreg s3;
	[tilespmem:s6+$0xFFFFFFA0] =	vst v1  }
0x1be: {  	s0 =	rddreg [dreg:$0x5];
	s1 =	simm.s32 $0x2000;
	s31 =	simm.s32 $0x2;
	[tilespmem:s6+$0xFFFFFF30] =	vst v3  }
0x1bf: {  	[hbm4b:s0+s2] =	stream.linear.scatter [tilespmem:s1], [sflag:$0x3], $0x6400, $0x38;
	[tilespmem:$0xE800] =	vst v63  }
0x1c0: {  	_ =	swait.ge [sflag:s31], $0x6400  }
0x1c1: {  	[sflag:s31] =	ssyncset.done $0x0  }
0x1c2: {  	s6 =	simm.s32 $0x8500;
	[sflag:s31] =	ssyncadd.s32 $0xFFFF9C00  }
0x1c3: {  	v1 =	vld [tilespmem:s6+$0x20]  }
0x1c4: {  	v2 =	vld [tilespmem:s6+$0xFFFFFF80]  }
0x1c5: {  	v3 =	vld [tilespmem:s6+$0xA0]  }
0x1c6: {  	v4 =	vld [tilespmem:s6+$0x90]  }
0x1c7: {  	v5 =	vld [tilespmem:s6+$0xFFFFFF20]  }
0x1c8: {  	v0 =	vld [tilespmem:s6+$0x10]  }
0x1c9: {  	v7 =	vld [tilespmem:s6+$0xFFFFFF10]  }
0x1ca: {  	v8 =	vld [tilespmem:s6+$0x80]  }
0x1cb: {  	v9 =	vld [tilespmem:s6+$0xFFFFFF00];
	v4 =	vmul.f32 $8.000000000e+00, v4  }
0x1cc: {  	v10 =	vld [tilespmem:s6+$0x30];
	v1 =	vmul.f32 $8.000000000e+00, v1  }
0x1cd: {  	v11 =	vld [tilespmem:s6+$0xFFFFFF90];
	v2 =	vmul.f32 $8.000000000e+00, v2;
	[tilespmem:s6+$0x90] =	vst v4  }
0x1ce: {  	v6 =	vld [tilespmem:s6+$0xB0];
	v4 =	vmul.f32 $8.000000000e+00, v3;
	[tilespmem:s6+$0x20] =	vst v1  }
0x1cf: {  	v12 =	vmul.f32 $8.000000000e+00, v5;
	v3 =	vld [tilespmem:s6+$0x0];
	[tilespmem:s6+$0xFFFFFF80] =	vst v2  }
0x1d0: {  	v2 =	vmul.f32 $8.000000000e+00, v8;
	[tilespmem:s6+$0xA0] =	vst v4;
	v4 =	vld [tilespmem:s6+$0xFFFFFFB0]  }
0x1d1: {  	v5 =	vld [tilespmem:s6+$0xFFFFFFA0];
	v8 =	vmul.f32 $8.000000000e+00, v9;
	v1 =	vmul.f32 $8.000000000e+00, v7;
	[tilespmem:s6+$0xFFFFFF20] =	vst v12  }
0x1d2: {  	s7 =	simm.s32 $0x0;
	s8 =	simm.s32 $0x8700;
	v7 =	vld [tilespmem:s6+$0xFFFFFF30];
	v9 =	vmul.f32 $8.000000000e+00, v11;
	[tilespmem:s6+$0x80] =	vst v2;
	v2 =	vmul.f32 $8.000000000e+00, v10  }
.LBB2_8:
0x1d3: {  	v10 =	vld [tilespmem:s8+$0x20];
	s7 =	sadd.s32 $0x4, s7;
	[tilespmem:s6+$0xFFFFFF00] =	vst v8;
	v0 =	vmul.f32 $8.000000000e+00, v0;
	v6 =	vmul.f32 $8.000000000e+00, v6  }
0x1d4: {  	v8 =	vld [tilespmem:s8+$0xFFFFFF80];
	p0 =	slt.u32 s7, $0xC4;
	[tilespmem:s6+$0xFFFFFF90] =	vst v9;
	v3 =	vmul.f32 $8.000000000e+00, v3  }
0x1d5: {  	v9 =	vld [tilespmem:s8+$0xA0];
	v4 =	vmul.f32 $8.000000000e+00, v4;
	[tilespmem:s6+$0xB0] =	vst v6  }
0x1d6: {  	v11 =	vld [tilespmem:s8+$0xFFFFFF20];
	v5 =	vmul.f32 $8.000000000e+00, v5;
	[tilespmem:s6+$0x0] =	vst v3  }
0x1d7: {  	v3 =	vld [tilespmem:s8+$0x90];
	v6 =	vmul.f32 $8.000000000e+00, v7;
	[tilespmem:s6+$0x10] =	vst v0  }
0x1d8: {  	v0 =	vld [tilespmem:s8+$0x10];
	v7 =	vmul.f32 $8.000000000e+00, v10;
	[tilespmem:s6+$0xFFFFFF10] =	vst v1  }
0x1d9: {  	v1 =	vld [tilespmem:s8+$0xFFFFFF10];
	[tilespmem:s6+$0xFFFFFF30] =	vst v6  }
0x1da: {  	v10 =	vld [tilespmem:s8+$0x80];
	v9 =	vmul.f32 $8.000000000e+00, v9;
	[tilespmem:s6+$0x30] =	vst v2  }
0x1db: {  	v2 =	vld [tilespmem:s8+$0xFFFFFF00];
	[tilespmem:s6+$0xFFFFFFB0] =	vst v4  }
0x1dc: {  	v12 =	vld [tilespmem:s8+$0x30];
	v3 =	vmul.f32 $8.000000000e+00, v3;
	[tilespmem:s6+$0xFFFFFFA0] =	vst v5;
	s6 =	smov.u32 s8  }
0x1dd: {  	v13 =	vld [tilespmem:s8+$0xFFFFFF90];
	[tilespmem:s8+$0x20] =	vst v7  }
.Ltmp3:
0x1de: {  	v4 =	vmul.f32 $8.000000000e+00, v8;
	[tilespmem:s8+$0x90] =	vst v3;
	v6 =	vld [tilespmem:s8+$0xB0];
	(pc) =	sbr.rel @p0 .LBB2_8-.Ltmp3, $4  }
0x1df: {  	v3 =	vld [tilespmem:s8+$0x0];
	v7 =	vmul.f32 $8.000000000e+00, v10;
	[tilespmem:s8+$0xA0] =	vst v9  }
0x1e0: {  	v9 =	vmul.f32 $8.000000000e+00, v11;
	[tilespmem:s8+$0xFFFFFF80] =	vst v4;
	v4 =	vld [tilespmem:s8+$0xFFFFFFB0]  }
0x1e1: {  	v1 =	vmul.f32 $8.000000000e+00, v1;
	v8 =	vmul.f32 $8.000000000e+00, v2;
	v5 =	vld [tilespmem:s8+$0xFFFFFFA0];
	[tilespmem:s8+$0x80] =	vst v7  }
0x1e2: {  	v2 =	vmul.f32 $8.000000000e+00, v12;
	s8 =	sadd.s32 $0x200, s8;
	[tilespmem:s6+$0xFFFFFF20] =	vst v9;
	v7 =	vld [tilespmem:s6+$0xFFFFFF30];
	v9 =	vmul.f32 $8.000000000e+00, v13  }
0x1e3: {  	[tilespmem:s6+$0xFFFFFF00] =	vst v8  }
0x1e4: {  	[tilespmem:s6+$0xFFFFFF10] =	vst v1  }
0x1e5: {  	v6 =	vmul.f32 $8.000000000e+00, v6;
	[tilespmem:s6+$0xFFFFFF90] =	vst v9  }
0x1e6: {  	v0 =	vmul.f32 $8.000000000e+00, v0;
	[tilespmem:s6+$0x30] =	vst v2  }
0x1e7: {  	v3 =	vmul.f32 $8.000000000e+00, v3;
	[tilespmem:s6+$0xB0] =	vst v6  }
0x1e8: {  	[tilespmem:s6+$0x10] =	vst v0;
	v62 =	vmul.f32 $8.000000000e+00, v4  }
0x1e9: {  	[tilespmem:s6+$0x0] =	vst v3;
	v63 =	vmul.f32 $8.000000000e+00, v5  }
0x1ea: {  	v61 =	vmul.f32 $8.000000000e+00, v7;
	[tilespmem:s6+$0xFFFFFFB0] =	vst v62  }
0x1eb: {  	s8 =	simm.s32 $0x0;
	[tilespmem:s6+$0xFFFFFFA0] =	vst v63  }
0x1ec: {  	s0 =	rddreg [dreg:$0x7];
	s1 =	simm.s32 $0x8400;
	s9 =	simm.s32 $0x0;
	[tilespmem:s6+$0xFFFFFF30] =	vst v61  }
0x1ed: {  	[hbm4b:s0+s8] =	stream.linear.scatter [tilespmem:s1], [sflag:$0x4], $0x6400, $0x38;
	[tilespmem:$0xE800] =	vst v63  }
.LBB2_10:
0x1ee: {  	s9 =	sadd.s32 $0x1, s9  }
0x1ef: {  	s6 =	sshll.u32 s9, $0x9;
	s7 =	sshll.u32 s9, $0x8  }
0x1f0: {  	s0 =	simm.s32 $0x3;
	s6 =	sand.u32 $0x3800, s6;
	s7 =	sand.u32 $0x300, s7  }
0x1f1: {  	s23 =	sand.u32 $0x400, s8;
	_ =	swait.ge [sflag:s0], $0x6400;
	s10 =	sor.u32 s7, s6  }
0x1f2: {  	s11 =	sand.u32 $0x70, s8;
	[sflag:s0] =	ssyncset.done $0x0;
	s7 =	sadd.s32 s23, s10  }
0x1f3: {  	[sflag:s0] =	ssyncadd.s32 $0xFFFF9C00;
	s7 =	sadd.s32 s11, s7  }
0x1f4: {  	v0 =	vld [tilespmem:s7+$0x0];
	_ =	sdelay $0x4  }
0x1f5: {  	v0 =	vshll.u32 v0, $0x4  }
0x1f6: {  	(v2sf) =	vpush v0, $0x0;
	_ =	sdelay $0x1  }
0x1f7: {  	(v2sf) =	vpush v0, $0x1  }
0x1f8: {  	(v2sf) =	vpush v0, $0x2;
	_ =	sdelay $0x1  }
0x1f9: {  	(v2sf) =	vpush v0, $0x3;
	_ =	sdelay $0x1  }
0x1fa: {  	(v2sf) =	vpush v0, $0x4;
	_ =	sdelay $0x1  }
0x1fb: {  	(v2sf) =	vpush v0, $0x5;
	_ =	sdelay $0x1  }
0x1fc: {  	(v2sf) =	vpush v0, $0x6;
	_ =	sdelay $0x1  }
0x1fd: {  	s12 =	simm.s32 $0x80;
	s13 =	simm.s32 $0x0;
	s15 =	simm.s32 $0x2080  }
0x1fe: {  	s19 =	simm.s32 $0x2300;
	s20 =	simm.s32 $0x2380;
	s17 =	simm.s32 $0x2000  }
0x1ff: {  	s21 =	simm.s32 $0x2200;
	s25 =	simm.s32 $0x2100;
	s16 =	spop (v2sf);
	(v2sf) =	vpush v0, $0x7  }
0x200: {  	s28 =	simm.s32 $0x2180;
	s30 =	simm.s32 $0x2280;
	s5 =	simm.s32 $0x2400  }
0x201: {  	s14 =	sand.u32 $0x400, s12;
	s16 =	sand.u32 $0x1FFFFFF0, s16;
	s18 =	spop (v2sf);
	(v2sf) =	vpush v0, $0x8  }
0x202: {  	s18 =	sand.u32 $0x1FFFFFF0, s18;
	s16 =	sadd.s32 s4, s16;
	(v2sf) =	vpush v0, $0x9;
	s24 =	spop (v2sf)  }
0x203: {  	[tilespmem:s17], [sflag:$0x1] =	stream.linear.gather [hbm4b:s16+s2], $0x80, $0x38;
	(v2sf) =	vpush v0, $0xA;
	[tilespmem:$0xE800] =	vst v63  }
0x204: {  	s18 =	sadd.s32 s4, s18;
	s16 =	sand.u32 $0x1FFFFFF0, s24;
	s26 =	spop (v2sf)  }
0x205: {  	[tilespmem:s15], [sflag:$0x1] =	stream.linear.gather [hbm4b:s18+s2], $0x80, $0x38;
	[tilespmem:$0xE800] =	vst v63  }
0x206: {  	s22 =	spop (v2sf);
	s16 =	sadd.s32 s4, s16;
	s18 =	sand.u32 $0x1FFFFFF0, s26  }
0x207: {  	[tilespmem:s25], [sflag:$0x1] =	stream.linear.gather [hbm4b:s16+s2], $0x80, $0x38;
	[tilespmem:$0xE800] =	vst v63  }
0x208: {  	(v2sf) =	vpush v0, $0xB;
	s29 =	sand.u32 $0x1FFFFFF0, s22;
	s31 =	spop (v2sf);
	s18 =	sadd.s32 s4, s18  }
0x209: {  	[tilespmem:s28], [sflag:$0x1] =	stream.linear.gather [hbm4b:s18+s2], $0x80, $0x38;
	[tilespmem:$0xE800] =	vst v63  }
0x20a: {  	s0 =	sand.u32 $0x1FFFFFF0, s31;
	s1 =	spop (v2sf);
	s16 =	sadd.s32 s4, s29  }
0x20b: {  	[tilespmem:s21], [sflag:$0x1] =	stream.linear.gather [hbm4b:s16+s2], $0x80, $0x38;
	[tilespmem:$0xE800] =	vst v63  }
0x20c: {  	s11 =	simm.s32 $0x4000;
	(v2sf) =	vpush v0, $0xC;
	s21 =	sand.u32 $0x1FFFFFF0, s1;
	s16 =	sadd.s32 s4, s0  }
0x20d: {  	[tilespmem:s30], [sflag:$0x1] =	stream.linear.gather [hbm4b:s16+s2], $0x80, $0x38;
	[tilespmem:$0xE800] =	vst v63  }
0x20e: {  	s7 =	simm.s32 $0x2000;
	s21 =	sadd.s32 s4, s21;
	s3 =	spop (v2sf);
	(v2sf) =	vpush v0, $0xD  }
0x20f: {  	[tilespmem:s19], [sflag:$0x1] =	stream.linear.gather [hbm4b:s21+s2], $0x80, $0x38;
	[tilespmem:$0xE800] =	vst v63  }
0x210: {  	s17 =	simm.s32 $0x2500;
	s15 =	simm.s32 $0x2780;
	s24 =	spop (v2sf);
	(v2sf) =	vpush v0, $0xE  }
0x211: {  	s29 =	simm.s32 $0x2480;
	s18 =	simm.s32 $0x2580;
	s23 =	spop (v2sf)  }
0x212: {  	s16 =	sadd.s32 s14, s10;
	s14 =	sand.u32 $0x1FFFFFF0, s3;
	s30 =	spop (v2sf);
	(v2sf) =	vpush v0, $0xF  }
0x213: {  	s19 =	simm.s32 $0x2600;
	s25 =	sand.u32 $0x1FFFFFF0, s24;
	s14 =	sadd.s32 s4, s14  }
0x214: {  	[tilespmem:s20], [sflag:$0x1] =	stream.linear.gather [hbm4b:s14+s2], $0x80, $0x38;
	[tilespmem:$0xE800] =	vst v63  }
0x215: {  	s26 =	sand.u32 $0x1FFFFFF0, s23;
	s28 =	sadd.s32 s4, s25;
	s20 =	simm.s32 $0x2680  }
0x216: {  	[tilespmem:s5], [sflag:$0x1] =	stream.linear.gather [hbm4b:s28+s2], $0x80, $0x38;
	[tilespmem:$0xE800] =	vst v63  }
0x217: {  	s14 =	sadd.s32 s4, s26;
	s21 =	sand.u32 $0x1FFFFFF0, s30;
	s31 =	spop (v2sf)  }
0x218: {  	[tilespmem:s29], [sflag:$0x1] =	stream.linear.gather [hbm4b:s14+s2], $0x80, $0x38;
	[tilespmem:$0xE800] =	vst v63  }
0x219: {  	s22 =	sadd.s32 s4, s21;
	s21 =	sand.u32 $0x1FFFFFF0, s31;
	s14 =	simm.s32 $0x10  }
.LBB2_11:
0x21a: {  	p0 =	sne.s32 s11, $0x16000  }
0x21b: {  	s23 =	sand.u32 $0x70, s14;
	s24 =	spop (v2sf);
	s25 =	smov.u32 s11  }
0x21c: {  	[tilespmem:s17], [sflag:$0x1] =	stream.linear.gather [hbm4b:s22+s2], $0x80, $0x38;
	[tilespmem:$0xE800] =	vst v63  }
0x21d: {  	s17 =	sadd.s32 s4, s21;
	s21 =	sand.u32 $0x1FFFFFF0, s24;
	s22 =	spop (v2sf)  }
0x21e: {  	[tilespmem:s18], [sflag:$0x1] =	stream.linear.gather [hbm4b:s17+s2], $0x80, $0x38;
	[tilespmem:$0xE800] =	vst v63  }
0x21f: {  	s17 =	sadd.s32 s4, s21;
	s18 =	sand.u32 $0x1FFFFFF0, s22;
	s21 =	spop (v2sf)  }
0x220: {  	[tilespmem:s19], [sflag:$0x1] =	stream.linear.gather [hbm4b:s17+s2], $0x80, $0x38;
	[tilespmem:$0xE800] =	vst v63  }
0x221: {  	s17 =	sadd.s32 s4, s18;
	s18 =	sand.u32 $0x1FFFFFF0, s21;
	s19 =	spop (v2sf)  }
0x222: {  	[tilespmem:s20], [sflag:$0x1] =	stream.linear.gather [hbm4b:s17+s2], $0x80, $0x38;
	[tilespmem:$0xE800] =	vst v63  }
0x223: {  	s13 =	sadd.s32 $0x2700, s13;
	s17 =	sadd.s32 s4, s18;
	s18 =	sand.u32 $0x1FFFFFF0, s19  }
0x224: {  	[tilespmem:s13], [sflag:$0x1] =	stream.linear.gather [hbm4b:s17+s2], $0x80, $0x38;
	[tilespmem:$0xE800] =	vst v63  }
0x225: {  	s11 =	sadd.s32 $0x2000, s11;
	s13 =	sadd.s32 s23, s16;
	s16 =	sadd.s32 s4, s18  }
0x226: {  	[tilespmem:s15], [sflag:$0x1] =	stream.linear.gather [hbm4b:s16+s2], $0x80, $0x38;
	[tilespmem:$0xE800] =	vst v63  }
0x227: {  	v0 =	vld [tilespmem:s13+$0x0];
	_ =	sdelay $0x4  }
0x228: {  	v0 =	vshll.u32 v0, $0x4  }
0x229: {  	(v2sf) =	vpush v0, $0x0  }
0x22a: {  	(v2sf) =	vpush v0, $0x1  }
0x22b: {  	(v2sf) =	vpush v0, $0x2  }
0x22c: {  	(v2sf) =	vpush v0, $0x3;
	_ =	sdelay $0x1  }
0x22d: {  	(v2sf) =	vpush v0, $0x4;
	_ =	sdelay $0x1  }
0x22e: {  	s12 =	sadd.s32 $0x80, s12;
	(v2sf) =	vpush v0, $0x5  }
0x22f: {  	s16 =	sand.u32 $0x400, s12;
	s13 =	sshra.s32 s7, $0x2;
	s7 =	smov.u32 s25  }
0x230: {  	s26 =	sadd.s32 $0x2080, s13;
	s22 =	sadd.s32 $0x2300, s13;
	s21 =	sadd.s32 $0x2380, s13;
	(v2sf) =	vpush v0, $0x6  }
0x231: {  	s28 =	sadd.s32 $0x2000, s13;
	s29 =	sadd.s32 $0x2200, s13;
	s17 =	sadd.s32 $0x2500, s13  }
0x232: {  	s25 =	sadd.s32 $0x2280, s13;
	s18 =	sadd.s32 $0x2580, s13;
	s15 =	sadd.s32 $0x2780, s13;
	(v2sf) =	vpush v0, $0x7  }
0x233: {  	s16 =	sadd.s32 s16, s10;
	s23 =	sadd.s32 $0x2400, s13;
	s19 =	sadd.s32 $0x2600, s13  }
0x234: {  	s20 =	sadd.s32 $0x2680, s13;
	(v2sf) =	vpush v0, $0x8  }
0x235: {  	s24 =	sadd.s32 $0x2480, s13  }
0x236: {  	s30 =	sadd.s32 $0x2180, s13;
	s31 =	spop (v2sf);
	(v2sf) =	vpush v0, $0x9  }
0x237: {  	s14 =	sadd.s32 $0x10, s14;
	s31 =	sand.u32 $0x1FFFFFF0, s31;
	s0 =	spop (v2sf)  }
0x238: {  	s1 =	sadd.s32 $0x2100, s13;
	s0 =	sand.u32 $0x1FFFFFF0, s0;
	s3 =	spop (v2sf);
	(v2sf) =	vpush v0, $0xA  }
0x239: {  	s31 =	sadd.s32 s4, s31;
	s3 =	sand.u32 $0x1FFFFFF0, s3;
	s5 =	spop (v2sf)  }
0x23a: {  	[tilespmem:s28], [sflag:$0x1] =	stream.linear.gather [hbm4b:s31+s2], $0x80, $0x38;
	(v2sf) =	vpush v0, $0xB;
	[tilespmem:$0xE800] =	vst v63  }
0x23b: {  	s0 =	sadd.s32 s4, s0;
	s5 =	sand.u32 $0x1FFFFFF0, s5;
	s28 =	spop (v2sf)  }
0x23c: {  	[tilespmem:s26], [sflag:$0x1] =	stream.linear.gather [hbm4b:s0+s2], $0x80, $0x38;
	[tilespmem:$0xE800] =	vst v63  }
0x23d: {  	s0 =	sadd.s32 s4, s3;
	s3 =	sand.u32 $0x1FFFFFF0, s28;
	s26 =	spop (v2sf)  }
0x23e: {  	[tilespmem:s1], [sflag:$0x1] =	stream.linear.gather [hbm4b:s0+s2], $0x80, $0x38;
	(v2sf) =	vpush v0, $0xC;
	[tilespmem:$0xE800] =	vst v63  }
0x23f: {  	s0 =	sadd.s32 s4, s5;
	s1 =	sand.u32 $0x1FFFFFF0, s26;
	s5 =	spop (v2sf)  }
0x240: {  	[tilespmem:s30], [sflag:$0x1] =	stream.linear.gather [hbm4b:s0+s2], $0x80, $0x38;
	(v2sf) =	vpush v0, $0xD;
	[tilespmem:$0xE800] =	vst v63  }
0x241: {  	s0 =	sadd.s32 s4, s3;
	s3 =	sand.u32 $0x1FFFFFF0, s5;
	s5 =	spop (v2sf)  }
0x242: {  	[tilespmem:s29], [sflag:$0x1] =	stream.linear.gather [hbm4b:s0+s2], $0x80, $0x38;
	(v2sf) =	vpush v0, $0xE;
	[tilespmem:$0xE800] =	vst v63  }
0x243: {  	s0 =	sadd.s32 s4, s1;
	s1 =	sand.u32 $0x1FFFFFF0, s5;
	s5 =	spop (v2sf)  }
0x244: {  	[tilespmem:s25], [sflag:$0x1] =	stream.linear.gather [hbm4b:s0+s2], $0x80, $0x38;
	(v2sf) =	vpush v0, $0xF;
	[tilespmem:$0xE800] =	vst v63  }
0x245: {  	s0 =	sadd.s32 s4, s3;
	s3 =	sand.u32 $0x1FFFFFF0, s5;
	s5 =	spop (v2sf)  }
0x246: {  	[tilespmem:s22], [sflag:$0x1] =	stream.linear.gather [hbm4b:s0+s2], $0x80, $0x38;
	[tilespmem:$0xE800] =	vst v63  }
0x247: {  	s0 =	sadd.s32 s4, s1;
	s1 =	sand.u32 $0x1FFFFFF0, s5;
	s5 =	spop (v2sf)  }
0x248: {  	[tilespmem:s21], [sflag:$0x1] =	stream.linear.gather [hbm4b:s0+s2], $0x80, $0x38;
	[tilespmem:$0xE800] =	vst v63  }
.Ltmp4:
0x249: {  	_ = 	snop;
	(pc) =	sbr.rel @p0 .LBB2_11-.Ltmp4, $4  }
0x24a: {  	s0 =	sadd.s32 s4, s3;
	s3 =	sand.u32 $0x1FFFFFF0, s5;
	s5 =	spop (v2sf)  }
0x24b: {  	[tilespmem:s23], [sflag:$0x1] =	stream.linear.gather [hbm4b:s0+s2], $0x80, $0x38;
	[tilespmem:$0xE800] =	vst v63  }
0x24c: {  	s22 =	sadd.s32 s4, s3;
	s0 =	sadd.s32 s4, s1;
	s21 =	sand.u32 $0x1FFFFFF0, s5  }
0x24d: {  	[tilespmem:s24], [sflag:$0x1] =	stream.linear.gather [hbm4b:s0+s2], $0x80, $0x38;
	[tilespmem:$0xE800] =	vst v63  }
0x24e: {  	[tilespmem:s17], [sflag:$0x1] =	stream.linear.gather [hbm4b:s22+s2], $0x80, $0x38;
	[tilespmem:$0xE800] =	vst v63  }
0x24f: {  	s0 =	sadd.s32 s4, s21;
	s22 =	spop (v2sf)  }
0x250: {  	[tilespmem:s18], [sflag:$0x1] =	stream.linear.gather [hbm4b:s0+s2], $0x80, $0x38;
	[tilespmem:$0xE800] =	vst v63  }
0x251: {  	s0 =	sand.u32 $0x1FFFFFF0, s22  }
0x252: {  	s23 =	spop (v2sf);
	s0 =	sadd.s32 s4, s0  }
0x253: {  	[tilespmem:s19], [sflag:$0x1] =	stream.linear.gather [hbm4b:s0+s2], $0x80, $0x38;
	[tilespmem:$0xE800] =	vst v63  }
0x254: {  	s0 =	sand.u32 $0x1FFFFFF0, s23  }
0x255: {  	s24 =	spop (v2sf);
	s0 =	sadd.s32 s4, s0  }
0x256: {  	[tilespmem:s20], [sflag:$0x1] =	stream.linear.gather [hbm4b:s0+s2], $0x80, $0x38;
	[tilespmem:$0xE800] =	vst v63  }
0x257: {  	s0 =	sand.u32 $0x1FFFFFF0, s24  }
0x258: {  	s1 =	sadd.s32 $0x2700, s13;
	s25 =	spop (v2sf);
	s0 =	sadd.s32 s4, s0  }
0x259: {  	[tilespmem:s1], [sflag:$0x1] =	stream.linear.gather [hbm4b:s0+s2], $0x80, $0x38;
	[tilespmem:$0xE800] =	vst v63  }
0x25a: {  	s0 =	sand.u32 $0x1FFFFFF0, s25  }
0x25b: {  	s26 =	sand.u32 $0x70, s14;
	s0 =	sadd.s32 s4, s0  }
0x25c: {  	[tilespmem:s15], [sflag:$0x1] =	stream.linear.gather [hbm4b:s0+s2], $0x80, $0x38;
	[tilespmem:$0xE800] =	vst v63  }
0x25d: {  	s0 =	sadd.s32 s26, s16  }
0x25e: {  	v0 =	vld [tilespmem:s0+$0x0];
	_ =	sdelay $0x4  }
0x25f: {  	v0 =	vshll.u32 v0, $0x4  }
0x260: {  	(v2sf) =	vpush v0, $0x0;
	_ =	sdelay $0x1  }
0x261: {  	(v2sf) =	vpush v0, $0x1;
	_ =	sdelay $0x1  }
0x262: {  	(v2sf) =	vpush v0, $0x2;
	_ =	sdelay $0x2  }
0x263: {  	(v2sf) =	vpush v0, $0x3;
	_ =	sdelay $0x7  }
0x264: {  	s28 =	spop (v2sf);
	(v2sf) =	vpush v0, $0x4;
	_ =	sdelay $0x1  }
0x265: {  	s30 =	spop (v2sf);
	(v2sf) =	vpush v0, $0x5;
	_ =	sdelay $0x1  }
0x266: {  	s3 =	spop (v2sf);
	(v2sf) =	vpush v0, $0x6;
	_ =	sdelay $0x1  }
0x267: {  	s7 =	sshra.s32 s7, $0x2;
	s0 =	sand.u32 $0x1FFFFFF0, s28  }
0x268: {  	s29 =	sadd.s32 $0x2000, s7;
	s0 =	sadd.s32 s4, s0;
	s11 =	spop (v2sf);
	(v2sf) =	vpush v0, $0x7  }
0x269: {  	[tilespmem:s29], [sflag:$0x1] =	stream.linear.gather [hbm4b:s0+s2], $0x80, $0x38;
	[tilespmem:$0xE800] =	vst v63  }
0x26a: {  	s0 =	sand.u32 $0x1FFFFFF0, s30  }
0x26b: {  	s31 =	sadd.s32 $0x2080, s7;
	s0 =	sadd.s32 s4, s0  }
0x26c: {  	[tilespmem:s31], [sflag:$0x1] =	stream.linear.gather [hbm4b:s0+s2], $0x80, $0x38;
	[tilespmem:$0xE800] =	vst v63  }
0x26d: {  	s0 =	sand.u32 $0x1FFFFFF0, s3  }
0x26e: {  	s5 =	sadd.s32 $0x2100, s7;
	s0 =	sadd.s32 s4, s0  }
0x26f: {  	[tilespmem:s5], [sflag:$0x1] =	stream.linear.gather [hbm4b:s0+s2], $0x80, $0x38;
	[tilespmem:$0xE800] =	vst v63  }
0x270: {  	s13 =	spop (v2sf);
	(v2sf) =	vpush v0, $0x8  }
0x271: {  	s0 =	sand.u32 $0x1FFFFFF0, s11  }
0x272: {  	s12 =	sadd.s32 $0x2180, s7;
	s0 =	sadd.s32 s4, s0;
	s15 =	spop (v2sf);
	(v2sf) =	vpush v0, $0x9  }
0x273: {  	[tilespmem:s12], [sflag:$0x1] =	stream.linear.gather [hbm4b:s0+s2], $0x80, $0x38;
	[tilespmem:$0xE800] =	vst v63  }
0x274: {  	s0 =	sand.u32 $0x1FFFFFF0, s13;
	s17 =	spop (v2sf);
	(v2sf) =	vpush v0, $0xA  }
0x275: {  	s14 =	sadd.s32 $0x2200, s7;
	s0 =	sadd.s32 s4, s0  }
0x276: {  	[tilespmem:s14], [sflag:$0x1] =	stream.linear.gather [hbm4b:s0+s2], $0x80, $0x38;
	[tilespmem:$0xE800] =	vst v63  }
0x277: {  	s19 =	spop (v2sf);
	(v2sf) =	vpush v0, $0xB  }
0x278: {  	s0 =	sand.u32 $0x1FFFFFF0, s15  }
0x279: {  	s16 =	sadd.s32 $0x2280, s7;
	s0 =	sadd.s32 s4, s0  }
0x27a: {  	[tilespmem:s16], [sflag:$0x1] =	stream.linear.gather [hbm4b:s0+s2], $0x80, $0x38;
	[tilespmem:$0xE800] =	vst v63  }
0x27b: {  	s0 =	sand.u32 $0x1FFFFFF0, s17  }
0x27c: {  	s18 =	sadd.s32 $0x2300, s7;
	s0 =	sadd.s32 s4, s0  }
0x27d: {  	[tilespmem:s18], [sflag:$0x1] =	stream.linear.gather [hbm4b:s0+s2], $0x80, $0x38;
	[tilespmem:$0xE800] =	vst v63  }
0x27e: {  	s0 =	sand.u32 $0x1FFFFFF0, s19  }
0x27f: {  	s20 =	sadd.s32 $0x2380, s7;
	s0 =	sadd.s32 s4, s0;
	s21 =	spop (v2sf);
	(v2sf) =	vpush v0, $0xC  }
0x280: {  	[tilespmem:s20], [sflag:$0x1] =	stream.linear.gather [hbm4b:s0+s2], $0x80, $0x38;
	[tilespmem:$0xE800] =	vst v63  }
0x281: {  	s23 =	spop (v2sf);
	(v2sf) =	vpush v0, $0xD  }
0x282: {  	s0 =	sand.u32 $0x1FFFFFF0, s21  }
0x283: {  	s22 =	sadd.s32 $0x2400, s7;
	s0 =	sadd.s32 s4, s0;
	s25 =	spop (v2sf)  }
0x284: {  	(v2sf) =	vpush v0, $0xE;
	[tilespmem:s22], [sflag:$0x1] =	stream.linear.gather [hbm4b:s0+s2], $0x80, $0x38;
	[tilespmem:$0xE800] =	vst v63  }
0x285: {  	s0 =	sand.u32 $0x1FFFFFF0, s23  }
0x286: {  	s24 =	sadd.s32 $0x2480, s7;
	s28 =	spop (v2sf);
	s0 =	sadd.s32 s4, s0  }
0x287: {  	(v2sf) =	vpush v0, $0xF;
	[tilespmem:s24], [sflag:$0x1] =	stream.linear.gather [hbm4b:s0+s2], $0x80, $0x38;
	[tilespmem:$0xE800] =	vst v63  }
0x288: {  	s0 =	sand.u32 $0x1FFFFFF0, s25  }
0x289: {  	s26 =	sadd.s32 $0x2500, s7;
	s0 =	sadd.s32 s4, s0  }
0x28a: {  	[tilespmem:s26], [sflag:$0x1] =	stream.linear.gather [hbm4b:s0+s2], $0x80, $0x38;
	[tilespmem:$0xE800] =	vst v63  }
0x28b: {  	s0 =	sand.u32 $0x1FFFFFF0, s28  }
0x28c: {  	s29 =	sadd.s32 $0x2580, s7;
	s0 =	sadd.s32 s4, s0  }
0x28d: {  	[tilespmem:s29], [sflag:$0x1] =	stream.linear.gather [hbm4b:s0+s2], $0x80, $0x38;
	[tilespmem:$0xE800] =	vst v63  }
0x28e: {  	s30 =	spop (v2sf)  }
0x28f: {  	s0 =	sand.u32 $0x1FFFFFF0, s30  }
0x290: {  	s31 =	sadd.s32 $0x2600, s7;
	s1 =	spop (v2sf);
	s0 =	sadd.s32 s4, s0  }
0x291: {  	[tilespmem:s31], [sflag:$0x1] =	stream.linear.gather [hbm4b:s0+s2], $0x80, $0x38;
	[tilespmem:$0xE800] =	vst v63  }
0x292: {  	s0 =	sand.u32 $0x1FFFFFF0, s1  }
0x293: {  	s3 =	sadd.s32 $0x2680, s7;
	s5 =	spop (v2sf);
	s0 =	sadd.s32 s4, s0  }
0x294: {  	[tilespmem:s3], [sflag:$0x1] =	stream.linear.gather [hbm4b:s0+s2], $0x80, $0x38;
	[tilespmem:$0xE800] =	vst v63  }
0x295: {  	s0 =	sand.u32 $0x1FFFFFF0, s5  }
0x296: {  	s11 =	sadd.s32 $0x2700, s7;
	s12 =	spop (v2sf);
	s0 =	sadd.s32 s4, s0  }
0x297: {  	[tilespmem:s11], [sflag:$0x1] =	stream.linear.gather [hbm4b:s0+s2], $0x80, $0x38;
	[tilespmem:$0xE800] =	vst v63  }
0x298: {  	s0 =	sand.u32 $0x1FFFFFF0, s12  }
0x299: {  	s13 =	sadd.s32 $0x2780, s7;
	s0 =	sadd.s32 s4, s0  }
0x29a: {  	[tilespmem:s13], [sflag:$0x1] =	stream.linear.gather [hbm4b:s0+s2], $0x80, $0x38;
	[tilespmem:$0xE800] =	vst v63  }
0x29b: {  	v0 =	vld.msk [tilespmem:s10+$0x440], $0xff;
	_ =	sdelay $0x4  }
0x29c: {  	v0 =	vshll.u32 v0, $0x4  }
0x29d: {  	(v2sf) =	vpush v0, $0x0;
	_ =	sdelay $0x1  }
0x29e: {  	(v2sf) =	vpush v0, $0x1;
	_ =	sdelay $0x1  }
0x29f: {  	(v2sf) =	vpush v0, $0x2;
	_ =	sdelay $0x2  }
0x2a0: {  	(v2sf) =	vpush v0, $0x3;
	_ =	sdelay $0x7  }
0x2a1: {  	s14 =	spop (v2sf);
	(v2sf) =	vpush v0, $0x4;
	_ =	sdelay $0x1  }
0x2a2: {  	s16 =	spop (v2sf);
	(v2sf) =	vpush v0, $0x5  }
0x2a3: {  	s0 =	sand.u32 $0x1FFFFFF0, s14  }
0x2a4: {  	s15 =	simm.s32 $0x8000;
	s0 =	sadd.s32 s4, s0;
	s18 =	spop (v2sf)  }
0x2a5: {  	(v2sf) =	vpush v0, $0x6;
	[tilespmem:s15], [sflag:$0x1] =	stream.linear.gather [hbm4b:s0+s2], $0x80, $0x38;
	[tilespmem:$0xE800] =	vst v63  }
0x2a6: {  	s0 =	sand.u32 $0x1FFFFFF0, s16  }
0x2a7: {  	s17 =	simm.s32 $0x8080;
	s20 =	spop (v2sf);
	s0 =	sadd.s32 s4, s0  }
0x2a8: {  	(v2sf) =	vpush v0, $0x7;
	[tilespmem:s17], [sflag:$0x1] =	stream.linear.gather [hbm4b:s0+s2], $0x80, $0x38;
	[tilespmem:$0xE800] =	vst v63  }
0x2a9: {  	s0 =	sand.u32 $0x1FFFFFF0, s18  }
0x2aa: {  	s19 =	simm.s32 $0x8100;
	s0 =	sadd.s32 s4, s0  }
0x2ab: {  	[tilespmem:s19], [sflag:$0x1] =	stream.linear.gather [hbm4b:s0+s2], $0x80, $0x38;
	[tilespmem:$0xE800] =	vst v63  }
0x2ac: {  	s0 =	sand.u32 $0x1FFFFFF0, s20  }
0x2ad: {  	s21 =	simm.s32 $0x8180;
	s0 =	sadd.s32 s4, s0  }
0x2ae: {  	[tilespmem:s21], [sflag:$0x1] =	stream.linear.gather [hbm4b:s0+s2], $0x80, $0x38;
	[tilespmem:$0xE800] =	vst v63  }
0x2af: {  	s22 =	spop (v2sf)  }
0x2b0: {  	s0 =	sand.u32 $0x1FFFFFF0, s22  }
0x2b1: {  	s23 =	simm.s32 $0x8200;
	s24 =	spop (v2sf);
	s0 =	sadd.s32 s4, s0  }
0x2b2: {  	[tilespmem:s23], [sflag:$0x1] =	stream.linear.gather [hbm4b:s0+s2], $0x80, $0x38;
	[tilespmem:$0xE800] =	vst v63  }
0x2b3: {  	s0 =	sand.u32 $0x1FFFFFF0, s24  }
0x2b4: {  	s25 =	simm.s32 $0x8280;
	s26 =	spop (v2sf);
	s0 =	sadd.s32 s4, s0  }
0x2b5: {  	[tilespmem:s25], [sflag:$0x1] =	stream.linear.gather [hbm4b:s0+s2], $0x80, $0x38;
	[tilespmem:$0xE800] =	vst v63  }
0x2b6: {  	s0 =	sand.u32 $0x1FFFFFF0, s26  }
0x2b7: {  	s28 =	simm.s32 $0x8300;
	s29 =	spop (v2sf);
	s0 =	sadd.s32 s4, s0  }
0x2b8: {  	[tilespmem:s28], [sflag:$0x1] =	stream.linear.gather [hbm4b:s0+s2], $0x80, $0x38;
	[tilespmem:$0xE800] =	vst v63  }
0x2b9: {  	s0 =	sand.u32 $0x1FFFFFF0, s29  }
0x2ba: {  	s30 =	simm.s32 $0x8380;
	s31 =	simm.s32 $0x1;
	s0 =	sadd.s32 s4, s0  }
0x2bb: {  	[tilespmem:s30], [sflag:$0x1] =	stream.linear.gather [hbm4b:s0+s2], $0x80, $0x38;
	[tilespmem:$0xE800] =	vst v63  }
0x2bc: {  	_ =	swait.ge [sflag:s31], $0x6400  }
0x2bd: {  	[sflag:s31] =	ssyncset.done $0x0  }
0x2be: {  	s7 =	simm.s32 $0x2100;
	[sflag:s31] =	ssyncadd.s32 $0xFFFF9C00  }
0x2bf: {  	v1 =	vld [tilespmem:s7+$0x20]  }
0x2c0: {  	v2 =	vld [tilespmem:s7+$0xFFFFFF80]  }
0x2c1: {  	v3 =	vld [tilespmem:s7+$0xA0]  }
0x2c2: {  	v4 =	vld [tilespmem:s7+$0x90]  }
0x2c3: {  	v5 =	vld [tilespmem:s7+$0xFFFFFF20]  }
0x2c4: {  	v0 =	vld [tilespmem:s7+$0x10]  }
0x2c5: {  	v7 =	vld [tilespmem:s7+$0xFFFFFF10]  }
0x2c6: {  	v8 =	vld [tilespmem:s7+$0x80]  }
0x2c7: {  	v9 =	vld [tilespmem:s7+$0xFFFFFF00];
	v4 =	vmul.f32 $8.000000000e+00, v4  }
0x2c8: {  	v10 =	vld [tilespmem:s7+$0x30];
	v1 =	vmul.f32 $8.000000000e+00, v1  }
0x2c9: {  	v11 =	vld [tilespmem:s7+$0xFFFFFF90];
	v2 =	vmul.f32 $8.000000000e+00, v2;
	[tilespmem:s7+$0x90] =	vst v4  }
0x2ca: {  	v6 =	vld [tilespmem:s7+$0xB0];
	v4 =	vmul.f32 $8.000000000e+00, v3;
	[tilespmem:s7+$0x20] =	vst v1  }
0x2cb: {  	v12 =	vmul.f32 $8.000000000e+00, v5;
	v3 =	vld [tilespmem:s7+$0x0];
	[tilespmem:s7+$0xFFFFFF80] =	vst v2  }
0x2cc: {  	v2 =	vmul.f32 $8.000000000e+00, v8;
	[tilespmem:s7+$0xA0] =	vst v4;
	v4 =	vld [tilespmem:s7+$0xFFFFFFB0]  }
0x2cd: {  	v5 =	vld [tilespmem:s7+$0xFFFFFFA0];
	v8 =	vmul.f32 $8.000000000e+00, v9;
	v1 =	vmul.f32 $8.000000000e+00, v7;
	[tilespmem:s7+$0xFFFFFF20] =	vst v12  }
0x2ce: {  	s11 =	simm.s32 $0x2300;
	s10 =	simm.s32 $0x0;
	v7 =	vld [tilespmem:s7+$0xFFFFFF30];
	v9 =	vmul.f32 $8.000000000e+00, v11;
	[tilespmem:s7+$0x80] =	vst v2;
	v2 =	vmul.f32 $8.000000000e+00, v10  }
.LBB2_13:
0x2cf: {  	v10 =	vld [tilespmem:s11+$0x20];
	s10 =	sadd.s32 $0x4, s10;
	[tilespmem:s7+$0xFFFFFF00] =	vst v8;
	v0 =	vmul.f32 $8.000000000e+00, v0;
	v6 =	vmul.f32 $8.000000000e+00, v6  }
0x2d0: {  	v8 =	vld [tilespmem:s11+$0xFFFFFF80];
	p0 =	slt.u32 s10, $0xC4;
	[tilespmem:s7+$0xFFFFFF90] =	vst v9;
	v3 =	vmul.f32 $8.000000000e+00, v3  }
0x2d1: {  	v9 =	vld [tilespmem:s11+$0xA0];
	v4 =	vmul.f32 $8.000000000e+00, v4;
	[tilespmem:s7+$0xB0] =	vst v6  }
0x2d2: {  	v11 =	vld [tilespmem:s11+$0xFFFFFF20];
	v5 =	vmul.f32 $8.000000000e+00, v5;
	[tilespmem:s7+$0x0] =	vst v3  }
0x2d3: {  	v3 =	vld [tilespmem:s11+$0x90];
	v6 =	vmul.f32 $8.000000000e+00, v7;
	[tilespmem:s7+$0x10] =	vst v0  }
0x2d4: {  	v0 =	vld [tilespmem:s11+$0x10];
	v7 =	vmul.f32 $8.000000000e+00, v10;
	[tilespmem:s7+$0xFFFFFF10] =	vst v1  }
0x2d5: {  	v1 =	vld [tilespmem:s11+$0xFFFFFF10];
	[tilespmem:s7+$0xFFFFFF30] =	vst v6  }
0x2d6: {  	v10 =	vld [tilespmem:s11+$0x80];
	v9 =	vmul.f32 $8.000000000e+00, v9;
	[tilespmem:s7+$0x30] =	vst v2  }
0x2d7: {  	v2 =	vld [tilespmem:s11+$0xFFFFFF00];
	[tilespmem:s7+$0xFFFFFFB0] =	vst v4  }
0x2d8: {  	v12 =	vld [tilespmem:s11+$0x30];
	v3 =	vmul.f32 $8.000000000e+00, v3;
	[tilespmem:s7+$0xFFFFFFA0] =	vst v5;
	s7 =	smov.u32 s11  }
0x2d9: {  	v13 =	vld [tilespmem:s11+$0xFFFFFF90];
	[tilespmem:s11+$0x20] =	vst v7  }
.Ltmp5:
0x2da: {  	v4 =	vmul.f32 $8.000000000e+00, v8;
	[tilespmem:s11+$0x90] =	vst v3;
	v6 =	vld [tilespmem:s11+$0xB0];
	(pc) =	sbr.rel @p0 .LBB2_13-.Ltmp5, $4  }
0x2db: {  	v3 =	vld [tilespmem:s11+$0x0];
	v7 =	vmul.f32 $8.000000000e+00, v10;
	[tilespmem:s11+$0xA0] =	vst v9  }
0x2dc: {  	v9 =	vmul.f32 $8.000000000e+00, v11;
	[tilespmem:s11+$0xFFFFFF80] =	vst v4;
	v4 =	vld [tilespmem:s11+$0xFFFFFFB0]  }
0x2dd: {  	v1 =	vmul.f32 $8.000000000e+00, v1;
	v8 =	vmul.f32 $8.000000000e+00, v2;
	v5 =	vld [tilespmem:s11+$0xFFFFFFA0];
	[tilespmem:s11+$0x80] =	vst v7  }
0x2de: {  	v2 =	vmul.f32 $8.000000000e+00, v12;
	s11 =	sadd.s32 $0x200, s11;
	[tilespmem:s7+$0xFFFFFF20] =	vst v9;
	v7 =	vld [tilespmem:s7+$0xFFFFFF30];
	v9 =	vmul.f32 $8.000000000e+00, v13  }
0x2df: {  	[tilespmem:s7+$0xFFFFFF00] =	vst v8  }
0x2e0: {  	[tilespmem:s7+$0xFFFFFF10] =	vst v1  }
0x2e1: {  	v6 =	vmul.f32 $8.000000000e+00, v6;
	[tilespmem:s7+$0xFFFFFF90] =	vst v9  }
0x2e2: {  	v0 =	vmul.f32 $8.000000000e+00, v0;
	[tilespmem:s7+$0x30] =	vst v2  }
0x2e3: {  	v3 =	vmul.f32 $8.000000000e+00, v3;
	[tilespmem:s7+$0xB0] =	vst v6  }
0x2e4: {  	s0 =	sshll.u32 s9, $0x1;
	s1 =	rddreg [dreg:$0x3];
	[tilespmem:s7+$0x10] =	vst v0;
	v61 =	vmul.f32 $8.000000000e+00, v4  }
0x2e5: {  	s0 =	sadd.s32 s1, s0;
	[tilespmem:s7+$0x0] =	vst v3;
	v62 =	vmul.f32 $8.000000000e+00, v5  }
0x2e6: {  	s0 =	smul.u32 $0xC80, s0;
	v60 =	vmul.f32 $8.000000000e+00, v7;
	[tilespmem:s7+$0xFFFFFFB0] =	vst v61  }
0x2e7: {  	s15 =	rddreg [dreg:$0x4];
	s16 =	simm.s32 $0x0;
	s10 =	sshllo.u32 s9, $0x1;
	[tilespmem:s7+$0xFFFFFFA0] =	vst v62  }
0x2e8: {  	s3 =	simm.s32 $0x2000;
	s17 =	sshll.u32 s10, $0x7;
	s0 =	sadd.s32 s15, s0;
	[tilespmem:s7+$0xFFFFFF30] =	vst v60  }
0x2e9: {  	[hbm4b:s0+s16] =	stream.linear.scatter [tilespmem:s3], [sflag:$0x3], $0x6400, $0x38;
	[tilespmem:$0xE800] =	vst v63  }
0x2ea: {  	s18 =	simm.s32 $0x4;
	s0 =	sand.u32 $0x380, s17  }
0x2eb: {  	s19 =	sand.u32 $0x400, s16;
	_ =	swait.ge [sflag:s18], $0x6400;
	s6 =	sadd.s32 s0, s6  }
0x2ec: {  	s1 =	sand.u32 $0x70, s16;
	[sflag:s18] =	ssyncset.done $0x0;
	s0 =	sadd.s32 s19, s6  }
0x2ed: {  	[sflag:s18] =	ssyncadd.s32 $0xFFFF9C00;
	s0 =	sadd.s32 s1, s0  }
0x2ee: {  	v63 =	vld [tilespmem:s0+$0x0];
	_ =	sdelay $0x4  }
0x2ef: {  	v0 =	vshll.u32 v63, $0x4  }
0x2f0: {  	(v2sf) =	vpush v0, $0x0;
	_ =	sdelay $0x1  }
0x2f1: {  	(v2sf) =	vpush v0, $0x1  }
0x2f2: {  	(v2sf) =	vpush v0, $0x2;
	_ =	sdelay $0x1  }
0x2f3: {  	(v2sf) =	vpush v0, $0x3;
	_ =	sdelay $0x1  }
0x2f4: {  	(v2sf) =	vpush v0, $0x4;
	_ =	sdelay $0x1  }
0x2f5: {  	(v2sf) =	vpush v0, $0x5;
	_ =	sdelay $0x1  }
0x2f6: {  	(v2sf) =	vpush v0, $0x6;
	_ =	sdelay $0x1  }
0x2f7: {  	s11 =	simm.s32 $0x4000;
	s12 =	simm.s32 $0x80;
	s13 =	simm.s32 $0x0  }
0x2f8: {  	s20 =	simm.s32 $0x8480;
	s5 =	simm.s32 $0x8780;
	s23 =	simm.s32 $0x8500  }
0x2f9: {  	s26 =	simm.s32 $0x8580;
	s29 =	simm.s32 $0x8680;
	s14 =	spop (v2sf);
	(v2sf) =	vpush v0, $0x7  }
0x2fa: {  	s15 =	simm.s32 $0x8400;
	s7 =	simm.s32 $0x2000;
	s3 =	simm.s32 $0x8700  }
0x2fb: {  	s18 =	simm.s32 $0x8600;
	s14 =	sand.u32 $0x1FFFFFF0, s14;
	s16 =	spop (v2sf);
	(v2sf) =	vpush v0, $0x8  }
0x2fc: {  	s16 =	sand.u32 $0x1FFFFFF0, s16;
	s14 =	sadd.s32 s4, s14;
	(v2sf) =	vpush v0, $0x9;
	s21 =	spop (v2sf)  }
0x2fd: {  	[tilespmem:s15], [sflag:$0x2] =	stream.linear.gather [hbm4b:s14+s2], $0x80, $0x38;
	(v2sf) =	vpush v0, $0xA;
	[tilespmem:$0xE800] =	vst v63  }
0x2fe: {  	s22 =	sadd.s32 s4, s16;
	s14 =	sand.u32 $0x1FFFFFF0, s21;
	s24 =	spop (v2sf)  }
0x2ff: {  	[tilespmem:s20], [sflag:$0x2] =	stream.linear.gather [hbm4b:s22+s2], $0x80, $0x38;
	[tilespmem:$0xE800] =	vst v63  }
0x300: {  	s15 =	sand.u32 $0x1FFFFFF0, s24;
	s25 =	spop (v2sf);
	s14 =	sadd.s32 s4, s14  }
0x301: {  	(v2sf) =	vpush v0, $0xB;
	[tilespmem:s23], [sflag:$0x2] =	stream.linear.gather [hbm4b:s14+s2], $0x80, $0x38;
	[tilespmem:$0xE800] =	vst v63  }
0x302: {  	s28 =	sand.u32 $0x1FFFFFF0, s25;
	s15 =	sadd.s32 s4, s15;
	s30 =	spop (v2sf)  }
0x303: {  	[tilespmem:s26], [sflag:$0x2] =	stream.linear.gather [hbm4b:s15+s2], $0x80, $0x38;
	[tilespmem:$0xE800] =	vst v63  }
0x304: {  	s31 =	sand.u32 $0x1FFFFFF0, s30;
	s20 =	spop (v2sf);
	s14 =	sadd.s32 s4, s28  }
0x305: {  	[tilespmem:s18], [sflag:$0x2] =	stream.linear.gather [hbm4b:s14+s2], $0x80, $0x38;
	[tilespmem:$0xE800] =	vst v63  }
0x306: {  	s17 =	simm.s32 $0x8900;
	(v2sf) =	vpush v0, $0xC;
	s19 =	sand.u32 $0x1FFFFFF0, s20;
	s14 =	sadd.s32 s4, s31  }
0x307: {  	[tilespmem:s29], [sflag:$0x2] =	stream.linear.gather [hbm4b:s14+s2], $0x80, $0x38;
	[tilespmem:$0xE800] =	vst v63  }
0x308: {  	s0 =	sand.u32 $0x400, s12;
	s22 =	sadd.s32 s4, s19;
	s21 =	spop (v2sf);
	(v2sf) =	vpush v0, $0xD  }
0x309: {  	[tilespmem:s3], [sflag:$0x2] =	stream.linear.gather [hbm4b:s22+s2], $0x80, $0x38;
	[tilespmem:$0xE800] =	vst v63  }
0x30a: {  	s16 =	sadd.s32 s0, s6;
	s23 =	simm.s32 $0x8800;
	s24 =	spop (v2sf);
	(v2sf) =	vpush v0, $0xE  }
0x30b: {  	s28 =	simm.s32 $0x8880;
	s20 =	simm.s32 $0x8A80;
	s25 =	spop (v2sf)  }
0x30c: {  	s19 =	simm.s32 $0x8A00;
	s0 =	sand.u32 $0x1FFFFFF0, s21;
	s29 =	spop (v2sf);
	(v2sf) =	vpush v0, $0xF  }
0x30d: {  	s15 =	simm.s32 $0x8B80;
	s18 =	simm.s32 $0x8980;
	s0 =	sadd.s32 s4, s0  }
0x30e: {  	[tilespmem:s5], [sflag:$0x2] =	stream.linear.gather [hbm4b:s0+s2], $0x80, $0x38;
	[tilespmem:$0xE800] =	vst v63  }
0x30f: {  	s14 =	simm.s32 $0x10;
	s3 =	sand.u32 $0x1FFFFFF0, s24;
	s26 =	sand.u32 $0x1FFFFFF0, s25  }
0x310: {  	s3 =	sadd.s32 s4, s3;
	s30 =	sand.u32 $0x1FFFFFF0, s29;
	s31 =	spop (v2sf)  }
0x311: {  	[tilespmem:s23], [sflag:$0x2] =	stream.linear.gather [hbm4b:s3+s2], $0x80, $0x38;
	[tilespmem:$0xE800] =	vst v63  }
0x312: {  	s0 =	sadd.s32 s4, s26;
	s22 =	sadd.s32 s4, s30;
	s21 =	sand.u32 $0x1FFFFFF0, s31  }
0x313: {  	[tilespmem:s28], [sflag:$0x2] =	stream.linear.gather [hbm4b:s0+s2], $0x80, $0x38;
	[tilespmem:$0xE800] =	vst v63  }
.LBB2_15:
0x314: {  	p0 =	sne.s32 s11, $0x16000  }
0x315: {  	s0 =	sand.u32 $0x70, s14;
	s1 =	spop (v2sf);
	s3 =	smov.u32 s11  }
0x316: {  	[tilespmem:s17], [sflag:$0x2] =	stream.linear.gather [hbm4b:s22+s2], $0x80, $0x38;
	[tilespmem:$0xE800] =	vst v63  }
0x317: {  	s5 =	sadd.s32 s4, s21;
	s1 =	sand.u32 $0x1FFFFFF0, s1;
	s17 =	spop (v2sf)  }
0x318: {  	[tilespmem:s18], [sflag:$0x2] =	stream.linear.gather [hbm4b:s5+s2], $0x80, $0x38;
	[tilespmem:$0xE800] =	vst v63  }
0x319: {  	s1 =	sadd.s32 s4, s1;
	s5 =	sand.u32 $0x1FFFFFF0, s17;
	s17 =	spop (v2sf)  }
0x31a: {  	[tilespmem:s19], [sflag:$0x2] =	stream.linear.gather [hbm4b:s1+s2], $0x80, $0x38;
	[tilespmem:$0xE800] =	vst v63  }
0x31b: {  	s1 =	sadd.s32 s4, s5;
	s5 =	sand.u32 $0x1FFFFFF0, s17;
	s17 =	spop (v2sf)  }
0x31c: {  	[tilespmem:s20], [sflag:$0x2] =	stream.linear.gather [hbm4b:s1+s2], $0x80, $0x38;
	[tilespmem:$0xE800] =	vst v63  }
0x31d: {  	s5 =	sadd.s32 s4, s5;
	s1 =	sadd.s32 $0x8B00, s13;
	s13 =	sand.u32 $0x1FFFFFF0, s17  }
0x31e: {  	[tilespmem:s1], [sflag:$0x2] =	stream.linear.gather [hbm4b:s5+s2], $0x80, $0x38;
	[tilespmem:$0xE800] =	vst v63  }
0x31f: {  	s11 =	sadd.s32 $0x2000, s11;
	s0 =	sadd.s32 s0, s16;
	s1 =	sadd.s32 s4, s13  }
0x320: {  	[tilespmem:s15], [sflag:$0x2] =	stream.linear.gather [hbm4b:s1+s2], $0x80, $0x38;
	[tilespmem:$0xE800] =	vst v63  }
0x321: {  	v0 =	vld [tilespmem:s0+$0x0];
	_ =	sdelay $0x4  }
0x322: {  	v0 =	vshll.u32 v0, $0x4  }
0x323: {  	(v2sf) =	vpush v0, $0x0  }
0x324: {  	(v2sf) =	vpush v0, $0x1  }
0x325: {  	(v2sf) =	vpush v0, $0x2  }
0x326: {  	(v2sf) =	vpush v0, $0x3;
	_ =	sdelay $0x1  }
0x327: {  	(v2sf) =	vpush v0, $0x4;
	_ =	sdelay $0x1  }
0x328: {  	s12 =	sadd.s32 $0x80, s12;
	(v2sf) =	vpush v0, $0x5  }
0x329: {  	s13 =	sshra.s32 s7, $0x2;
	s7 =	smov.u32 s3;
	s0 =	sand.u32 $0x400, s12  }
0x32a: {  	s22 =	sadd.s32 $0x8700, s13;
	s21 =	sadd.s32 $0x8780, s13;
	s1 =	sadd.s32 $0x8480, s13;
	(v2sf) =	vpush v0, $0x6  }
0x32b: {  	s3 =	sadd.s32 $0x8400, s13;
	s5 =	sadd.s32 $0x8600, s13;
	s17 =	sadd.s32 $0x8900, s13  }
0x32c: {  	s25 =	sadd.s32 $0x8680, s13;
	s18 =	sadd.s32 $0x8980, s13;
	s15 =	sadd.s32 $0x8B80, s13;
	(v2sf) =	vpush v0, $0x7  }
0x32d: {  	s23 =	sadd.s32 $0x8800, s13;
	s19 =	sadd.s32 $0x8A00, s13;
	s16 =	sadd.s32 s0, s6  }
0x32e: {  	s20 =	sadd.s32 $0x8A80, s13;
	(v2sf) =	vpush v0, $0x8  }
0x32f: {  	s24 =	sadd.s32 $0x8880, s13  }
0x330: {  	s0 =	sadd.s32 $0x8580, s13;
	s26 =	spop (v2sf);
	(v2sf) =	vpush v0, $0x9  }
0x331: {  	s14 =	sadd.s32 $0x10, s14;
	s26 =	sand.u32 $0x1FFFFFF0, s26;
	s28 =	spop (v2sf)  }
0x332: {  	s29 =	sadd.s32 $0x8500, s13;
	s28 =	sand.u32 $0x1FFFFFF0, s28;
	s30 =	spop (v2sf);
	(v2sf) =	vpush v0, $0xA  }
0x333: {  	s26 =	sadd.s32 s4, s26;
	s30 =	sand.u32 $0x1FFFFFF0, s30;
	s31 =	spop (v2sf)  }
0x334: {  	[tilespmem:s3], [sflag:$0x2] =	stream.linear.gather [hbm4b:s26+s2], $0x80, $0x38;
	(v2sf) =	vpush v0, $0xB;
	[tilespmem:$0xE800] =	vst v63  }
0x335: {  	s3 =	sadd.s32 s4, s28;
	s26 =	sand.u32 $0x1FFFFFF0, s31;
	s28 =	spop (v2sf)  }
0x336: {  	[tilespmem:s1], [sflag:$0x2] =	stream.linear.gather [hbm4b:s3+s2], $0x80, $0x38;
	[tilespmem:$0xE800] =	vst v63  }
0x337: {  	s1 =	sadd.s32 s4, s30;
	s3 =	sand.u32 $0x1FFFFFF0, s28;
	s28 =	spop (v2sf)  }
0x338: {  	[tilespmem:s29], [sflag:$0x2] =	stream.linear.gather [hbm4b:s1+s2], $0x80, $0x38;
	(v2sf) =	vpush v0, $0xC;
	[tilespmem:$0xE800] =	vst v63  }
0x339: {  	s1 =	sadd.s32 s4, s26;
	s26 =	sand.u32 $0x1FFFFFF0, s28;
	s28 =	spop (v2sf)  }
0x33a: {  	[tilespmem:s0], [sflag:$0x2] =	stream.linear.gather [hbm4b:s1+s2], $0x80, $0x38;
	(v2sf) =	vpush v0, $0xD;
	[tilespmem:$0xE800] =	vst v63  }
0x33b: {  	s0 =	sadd.s32 s4, s3;
	s1 =	sand.u32 $0x1FFFFFF0, s28;
	s3 =	spop (v2sf)  }
0x33c: {  	[tilespmem:s5], [sflag:$0x2] =	stream.linear.gather [hbm4b:s0+s2], $0x80, $0x38;
	(v2sf) =	vpush v0, $0xE;
	[tilespmem:$0xE800] =	vst v63  }
0x33d: {  	s0 =	sadd.s32 s4, s26;
	s3 =	sand.u32 $0x1FFFFFF0, s3;
	s5 =	spop (v2sf)  }
0x33e: {  	[tilespmem:s25], [sflag:$0x2] =	stream.linear.gather [hbm4b:s0+s2], $0x80, $0x38;
	(v2sf) =	vpush v0, $0xF;
	[tilespmem:$0xE800] =	vst v63  }
0x33f: {  	s0 =	sadd.s32 s4, s1;
	s1 =	sand.u32 $0x1FFFFFF0, s5;
	s5 =	spop (v2sf)  }
0x340: {  	[tilespmem:s22], [sflag:$0x2] =	stream.linear.gather [hbm4b:s0+s2], $0x80, $0x38;
	[tilespmem:$0xE800] =	vst v63  }
0x341: {  	s0 =	sadd.s32 s4, s3;
	s3 =	sand.u32 $0x1FFFFFF0, s5;
	s5 =	spop (v2sf)  }
0x342: {  	[tilespmem:s21], [sflag:$0x2] =	stream.linear.gather [hbm4b:s0+s2], $0x80, $0x38;
	[tilespmem:$0xE800] =	vst v63  }
.Ltmp6:
0x343: {  	_ = 	snop;
	(pc) =	sbr.rel @p0 .LBB2_15-.Ltmp6, $4  }
0x344: {  	s0 =	sadd.s32 s4, s1;
	s1 =	sand.u32 $0x1FFFFFF0, s5;
	s5 =	spop (v2sf)  }
0x345: {  	[tilespmem:s23], [sflag:$0x2] =	stream.linear.gather [hbm4b:s0+s2], $0x80, $0x38;
	[tilespmem:$0xE800] =	vst v63  }
0x346: {  	s22 =	sadd.s32 s4, s1;
	s0 =	sadd.s32 s4, s3;
	s21 =	sand.u32 $0x1FFFFFF0, s5  }
0x347: {  	[tilespmem:s24], [sflag:$0x2] =	stream.linear.gather [hbm4b:s0+s2], $0x80, $0x38;
	[tilespmem:$0xE800] =	vst v63  }
0x348: {  	[tilespmem:s17], [sflag:$0x2] =	stream.linear.gather [hbm4b:s22+s2], $0x80, $0x38;
	[tilespmem:$0xE800] =	vst v63  }
0x349: {  	s0 =	sadd.s32 s4, s21;
	s22 =	spop (v2sf)  }
0x34a: {  	[tilespmem:s18], [sflag:$0x2] =	stream.linear.gather [hbm4b:s0+s2], $0x80, $0x38;
	[tilespmem:$0xE800] =	vst v63  }
0x34b: {  	s0 =	sand.u32 $0x1FFFFFF0, s22  }
0x34c: {  	s23 =	spop (v2sf);
	s0 =	sadd.s32 s4, s0  }
0x34d: {  	[tilespmem:s19], [sflag:$0x2] =	stream.linear.gather [hbm4b:s0+s2], $0x80, $0x38;
	[tilespmem:$0xE800] =	vst v63  }
0x34e: {  	s0 =	sand.u32 $0x1FFFFFF0, s23  }
0x34f: {  	s24 =	spop (v2sf);
	s0 =	sadd.s32 s4, s0  }
0x350: {  	[tilespmem:s20], [sflag:$0x2] =	stream.linear.gather [hbm4b:s0+s2], $0x80, $0x38;
	[tilespmem:$0xE800] =	vst v63  }
0x351: {  	s0 =	sand.u32 $0x1FFFFFF0, s24  }
0x352: {  	s1 =	sadd.s32 $0x8B00, s13;
	s25 =	spop (v2sf);
	s0 =	sadd.s32 s4, s0  }
0x353: {  	[tilespmem:s1], [sflag:$0x2] =	stream.linear.gather [hbm4b:s0+s2], $0x80, $0x38;
	[tilespmem:$0xE800] =	vst v63  }
0x354: {  	s0 =	sand.u32 $0x1FFFFFF0, s25  }
0x355: {  	s26 =	sand.u32 $0x70, s14;
	s0 =	sadd.s32 s4, s0  }
0x356: {  	[tilespmem:s15], [sflag:$0x2] =	stream.linear.gather [hbm4b:s0+s2], $0x80, $0x38;
	[tilespmem:$0xE800] =	vst v63  }
0x357: {  	s0 =	sadd.s32 s26, s16  }
0x358: {  	v0 =	vld [tilespmem:s0+$0x0];
	_ =	sdelay $0x4  }
0x359: {  	v0 =	vshll.u32 v0, $0x4  }
0x35a: {  	(v2sf) =	vpush v0, $0x0;
	_ =	sdelay $0x1  }
0x35b: {  	(v2sf) =	vpush v0, $0x1;
	_ =	sdelay $0x1  }
0x35c: {  	(v2sf) =	vpush v0, $0x2;
	_ =	sdelay $0x2  }
0x35d: {  	(v2sf) =	vpush v0, $0x3;
	_ =	sdelay $0x7  }
0x35e: {  	s28 =	spop (v2sf);
	(v2sf) =	vpush v0, $0x4;
	_ =	sdelay $0x1  }
0x35f: {  	s30 =	spop (v2sf);
	(v2sf) =	vpush v0, $0x5;
	_ =	sdelay $0x1  }
0x360: {  	s3 =	spop (v2sf);
	(v2sf) =	vpush v0, $0x6;
	_ =	sdelay $0x1  }
0x361: {  	s7 =	sshra.s32 s7, $0x2;
	s0 =	sand.u32 $0x1FFFFFF0, s28  }
0x362: {  	s29 =	sadd.s32 $0x8400, s7;
	s0 =	sadd.s32 s4, s0;
	s11 =	spop (v2sf);
	(v2sf) =	vpush v0, $0x7  }
0x363: {  	[tilespmem:s29], [sflag:$0x2] =	stream.linear.gather [hbm4b:s0+s2], $0x80, $0x38;
	[tilespmem:$0xE800] =	vst v63  }
0x364: {  	s0 =	sand.u32 $0x1FFFFFF0, s30  }
0x365: {  	s31 =	sadd.s32 $0x8480, s7;
	s0 =	sadd.s32 s4, s0  }
0x366: {  	[tilespmem:s31], [sflag:$0x2] =	stream.linear.gather [hbm4b:s0+s2], $0x80, $0x38;
	[tilespmem:$0xE800] =	vst v63  }
0x367: {  	s0 =	sand.u32 $0x1FFFFFF0, s3  }
0x368: {  	s5 =	sadd.s32 $0x8500, s7;
	s0 =	sadd.s32 s4, s0  }
0x369: {  	[tilespmem:s5], [sflag:$0x2] =	stream.linear.gather [hbm4b:s0+s2], $0x80, $0x38;
	[tilespmem:$0xE800] =	vst v63  }
0x36a: {  	s13 =	spop (v2sf);
	(v2sf) =	vpush v0, $0x8  }
0x36b: {  	s0 =	sand.u32 $0x1FFFFFF0, s11  }
0x36c: {  	s12 =	sadd.s32 $0x8580, s7;
	s0 =	sadd.s32 s4, s0;
	s15 =	spop (v2sf);
	(v2sf) =	vpush v0, $0x9  }
0x36d: {  	[tilespmem:s12], [sflag:$0x2] =	stream.linear.gather [hbm4b:s0+s2], $0x80, $0x38;
	[tilespmem:$0xE800] =	vst v63  }
0x36e: {  	s0 =	sand.u32 $0x1FFFFFF0, s13;
	s17 =	spop (v2sf);
	(v2sf) =	vpush v0, $0xA  }
0x36f: {  	s14 =	sadd.s32 $0x8600, s7;
	s0 =	sadd.s32 s4, s0  }
0x370: {  	[tilespmem:s14], [sflag:$0x2] =	stream.linear.gather [hbm4b:s0+s2], $0x80, $0x38;
	[tilespmem:$0xE800] =	vst v63  }
0x371: {  	s19 =	spop (v2sf);
	(v2sf) =	vpush v0, $0xB  }
0x372: {  	s0 =	sand.u32 $0x1FFFFFF0, s15  }
0x373: {  	s16 =	sadd.s32 $0x8680, s7;
	s0 =	sadd.s32 s4, s0  }
0x374: {  	[tilespmem:s16], [sflag:$0x2] =	stream.linear.gather [hbm4b:s0+s2], $0x80, $0x38;
	[tilespmem:$0xE800] =	vst v63  }
0x375: {  	s0 =	sand.u32 $0x1FFFFFF0, s17  }
0x376: {  	s18 =	sadd.s32 $0x8700, s7;
	s0 =	sadd.s32 s4, s0  }
0x377: {  	[tilespmem:s18], [sflag:$0x2] =	stream.linear.gather [hbm4b:s0+s2], $0x80, $0x38;
	[tilespmem:$0xE800] =	vst v63  }
0x378: {  	s0 =	sand.u32 $0x1FFFFFF0, s19  }
0x379: {  	s20 =	sadd.s32 $0x8780, s7;
	s0 =	sadd.s32 s4, s0;
	s21 =	spop (v2sf);
	(v2sf) =	vpush v0, $0xC  }
0x37a: {  	[tilespmem:s20], [sflag:$0x2] =	stream.linear.gather [hbm4b:s0+s2], $0x80, $0x38;
	[tilespmem:$0xE800] =	vst v63  }
0x37b: {  	s23 =	spop (v2sf);
	(v2sf) =	vpush v0, $0xD  }
0x37c: {  	s0 =	sand.u32 $0x1FFFFFF0, s21  }
0x37d: {  	s22 =	sadd.s32 $0x8800, s7;
	s0 =	sadd.s32 s4, s0;
	s25 =	spop (v2sf)  }
0x37e: {  	(v2sf) =	vpush v0, $0xE;
	[tilespmem:s22], [sflag:$0x2] =	stream.linear.gather [hbm4b:s0+s2], $0x80, $0x38;
	[tilespmem:$0xE800] =	vst v63  }
0x37f: {  	s0 =	sand.u32 $0x1FFFFFF0, s23  }
0x380: {  	s24 =	sadd.s32 $0x8880, s7;
	s28 =	spop (v2sf);
	s0 =	sadd.s32 s4, s0  }
0x381: {  	(v2sf) =	vpush v0, $0xF;
	[tilespmem:s24], [sflag:$0x2] =	stream.linear.gather [hbm4b:s0+s2], $0x80, $0x38;
	[tilespmem:$0xE800] =	vst v63  }
0x382: {  	s0 =	sand.u32 $0x1FFFFFF0, s25  }
0x383: {  	s26 =	sadd.s32 $0x8900, s7;
	s0 =	sadd.s32 s4, s0  }
0x384: {  	[tilespmem:s26], [sflag:$0x2] =	stream.linear.gather [hbm4b:s0+s2], $0x80, $0x38;
	[tilespmem:$0xE800] =	vst v63  }
0x385: {  	s0 =	sand.u32 $0x1FFFFFF0, s28  }
0x386: {  	s29 =	sadd.s32 $0x8980, s7;
	s0 =	sadd.s32 s4, s0  }
0x387: {  	[tilespmem:s29], [sflag:$0x2] =	stream.linear.gather [hbm4b:s0+s2], $0x80, $0x38;
	[tilespmem:$0xE800] =	vst v63  }
0x388: {  	s30 =	spop (v2sf)  }
0x389: {  	s0 =	sand.u32 $0x1FFFFFF0, s30  }
0x38a: {  	s31 =	sadd.s32 $0x8A00, s7;
	s1 =	spop (v2sf);
	s0 =	sadd.s32 s4, s0  }
0x38b: {  	[tilespmem:s31], [sflag:$0x2] =	stream.linear.gather [hbm4b:s0+s2], $0x80, $0x38;
	[tilespmem:$0xE800] =	vst v63  }
0x38c: {  	s0 =	sand.u32 $0x1FFFFFF0, s1  }
0x38d: {  	s3 =	sadd.s32 $0x8A80, s7;
	s5 =	spop (v2sf);
	s0 =	sadd.s32 s4, s0  }
0x38e: {  	[tilespmem:s3], [sflag:$0x2] =	stream.linear.gather [hbm4b:s0+s2], $0x80, $0x38;
	[tilespmem:$0xE800] =	vst v63  }
0x38f: {  	s0 =	sand.u32 $0x1FFFFFF0, s5  }
0x390: {  	s11 =	sadd.s32 $0x8B00, s7;
	s12 =	spop (v2sf);
	s0 =	sadd.s32 s4, s0  }
0x391: {  	[tilespmem:s11], [sflag:$0x2] =	stream.linear.gather [hbm4b:s0+s2], $0x80, $0x38;
	[tilespmem:$0xE800] =	vst v63  }
0x392: {  	s0 =	sand.u32 $0x1FFFFFF0, s12  }
0x393: {  	s13 =	sadd.s32 $0x8B80, s7;
	s0 =	sadd.s32 s4, s0  }
0x394: {  	[tilespmem:s13], [sflag:$0x2] =	stream.linear.gather [hbm4b:s0+s2], $0x80, $0x38;
	[tilespmem:$0xE800] =	vst v63  }
0x395: {  	v0 =	vld.msk [tilespmem:s6+$0x440], $0xff;
	_ =	sdelay $0x4  }
0x396: {  	v0 =	vshll.u32 v0, $0x4  }
0x397: {  	(v2sf) =	vpush v0, $0x0;
	_ =	sdelay $0x1  }
0x398: {  	(v2sf) =	vpush v0, $0x1;
	_ =	sdelay $0x1  }
0x399: {  	(v2sf) =	vpush v0, $0x2;
	_ =	sdelay $0x2  }
0x39a: {  	(v2sf) =	vpush v0, $0x3;
	_ =	sdelay $0x7  }
0x39b: {  	s14 =	spop (v2sf);
	(v2sf) =	vpush v0, $0x4;
	_ =	sdelay $0x1  }
0x39c: {  	s16 =	spop (v2sf);
	(v2sf) =	vpush v0, $0x5  }
0x39d: {  	s0 =	sand.u32 $0x1FFFFFF0, s14  }
0x39e: {  	s15 =	simm.s32 $0xE400;
	s0 =	sadd.s32 s4, s0;
	s18 =	spop (v2sf)  }
0x39f: {  	(v2sf) =	vpush v0, $0x6;
	[tilespmem:s15], [sflag:$0x2] =	stream.linear.gather [hbm4b:s0+s2], $0x80, $0x38;
	[tilespmem:$0xE800] =	vst v63  }
0x3a0: {  	s0 =	sand.u32 $0x1FFFFFF0, s16  }
0x3a1: {  	s17 =	simm.s32 $0xE480;
	s20 =	spop (v2sf);
	s0 =	sadd.s32 s4, s0  }
0x3a2: {  	(v2sf) =	vpush v0, $0x7;
	[tilespmem:s17], [sflag:$0x2] =	stream.linear.gather [hbm4b:s0+s2], $0x80, $0x38;
	[tilespmem:$0xE800] =	vst v63  }
0x3a3: {  	s0 =	sand.u32 $0x1FFFFFF0, s18  }
0x3a4: {  	s19 =	simm.s32 $0xE500;
	s0 =	sadd.s32 s4, s0  }
0x3a5: {  	[tilespmem:s19], [sflag:$0x2] =	stream.linear.gather [hbm4b:s0+s2], $0x80, $0x38;
	[tilespmem:$0xE800] =	vst v63  }
0x3a6: {  	s0 =	sand.u32 $0x1FFFFFF0, s20  }
0x3a7: {  	s21 =	simm.s32 $0xE580;
	s0 =	sadd.s32 s4, s0  }
0x3a8: {  	[tilespmem:s21], [sflag:$0x2] =	stream.linear.gather [hbm4b:s0+s2], $0x80, $0x38;
	[tilespmem:$0xE800] =	vst v63  }
0x3a9: {  	s22 =	spop (v2sf)  }
0x3aa: {  	s0 =	sand.u32 $0x1FFFFFF0, s22  }
0x3ab: {  	s23 =	simm.s32 $0xE600;
	s24 =	spop (v2sf);
	s0 =	sadd.s32 s4, s0  }
0x3ac: {  	[tilespmem:s23], [sflag:$0x2] =	stream.linear.gather [hbm4b:s0+s2], $0x80, $0x38;
	[tilespmem:$0xE800] =	vst v63  }
0x3ad: {  	s0 =	sand.u32 $0x1FFFFFF0, s24  }
0x3ae: {  	s25 =	simm.s32 $0xE680;
	s26 =	spop (v2sf);
	s0 =	sadd.s32 s4, s0  }
0x3af: {  	[tilespmem:s25], [sflag:$0x2] =	stream.linear.gather [hbm4b:s0+s2], $0x80, $0x38;
	[tilespmem:$0xE800] =	vst v63  }
0x3b0: {  	s0 =	sand.u32 $0x1FFFFFF0, s26  }
0x3b1: {  	s28 =	simm.s32 $0xE700;
	s29 =	spop (v2sf);
	s0 =	sadd.s32 s4, s0  }
0x3b2: {  	[tilespmem:s28], [sflag:$0x2] =	stream.linear.gather [hbm4b:s0+s2], $0x80, $0x38;
	[tilespmem:$0xE800] =	vst v63  }
0x3b3: {  	s0 =	sand.u32 $0x1FFFFFF0, s29  }
0x3b4: {  	s30 =	simm.s32 $0xE780;
	s31 =	simm.s32 $0x2;
	s0 =	sadd.s32 s4, s0  }
0x3b5: {  	[tilespmem:s30], [sflag:$0x2] =	stream.linear.gather [hbm4b:s0+s2], $0x80, $0x38;
	[tilespmem:$0xE800] =	vst v63  }
0x3b6: {  	_ =	swait.ge [sflag:s31], $0x6400  }
0x3b7: {  	[sflag:s31] =	ssyncset.done $0x0  }
0x3b8: {  	s6 =	simm.s32 $0x8500;
	[sflag:s31] =	ssyncadd.s32 $0xFFFF9C00  }
0x3b9: {  	v1 =	vld [tilespmem:s6+$0x20]  }
0x3ba: {  	v2 =	vld [tilespmem:s6+$0xFFFFFF80]  }
0x3bb: {  	v3 =	vld [tilespmem:s6+$0xA0]  }
0x3bc: {  	v4 =	vld [tilespmem:s6+$0x90]  }
0x3bd: {  	v5 =	vld [tilespmem:s6+$0xFFFFFF20]  }
0x3be: {  	v0 =	vld [tilespmem:s6+$0x10]  }
0x3bf: {  	v7 =	vld [tilespmem:s6+$0xFFFFFF10]  }
0x3c0: {  	v8 =	vld [tilespmem:s6+$0x80]  }
0x3c1: {  	v9 =	vld [tilespmem:s6+$0xFFFFFF00];
	v4 =	vmul.f32 $8.000000000e+00, v4  }
0x3c2: {  	v10 =	vld [tilespmem:s6+$0x30];
	v1 =	vmul.f32 $8.000000000e+00, v1  }
0x3c3: {  	v11 =	vld [tilespmem:s6+$0xFFFFFF90];
	v2 =	vmul.f32 $8.000000000e+00, v2;
	[tilespmem:s6+$0x90] =	vst v4  }
0x3c4: {  	v6 =	vld [tilespmem:s6+$0xB0];
	v4 =	vmul.f32 $8.000000000e+00, v3;
	[tilespmem:s6+$0x20] =	vst v1  }
0x3c5: {  	v12 =	vmul.f32 $8.000000000e+00, v5;
	v3 =	vld [tilespmem:s6+$0x0];
	[tilespmem:s6+$0xFFFFFF80] =	vst v2  }
0x3c6: {  	v2 =	vmul.f32 $8.000000000e+00, v8;
	[tilespmem:s6+$0xA0] =	vst v4;
	v4 =	vld [tilespmem:s6+$0xFFFFFFB0]  }
0x3c7: {  	v5 =	vld [tilespmem:s6+$0xFFFFFFA0];
	v8 =	vmul.f32 $8.000000000e+00, v9;
	v1 =	vmul.f32 $8.000000000e+00, v7;
	[tilespmem:s6+$0xFFFFFF20] =	vst v12  }
0x3c8: {  	s7 =	simm.s32 $0x0;
	s11 =	simm.s32 $0x8700;
	v7 =	vld [tilespmem:s6+$0xFFFFFF30];
	v9 =	vmul.f32 $8.000000000e+00, v11;
	[tilespmem:s6+$0x80] =	vst v2;
	v2 =	vmul.f32 $8.000000000e+00, v10  }
.LBB2_17:
0x3c9: {  	v10 =	vld [tilespmem:s11+$0x20];
	s7 =	sadd.s32 $0x4, s7;
	[tilespmem:s6+$0xFFFFFF00] =	vst v8;
	v0 =	vmul.f32 $8.000000000e+00, v0;
	v6 =	vmul.f32 $8.000000000e+00, v6  }
0x3ca: {  	v8 =	vld [tilespmem:s11+$0xFFFFFF80];
	p0 =	slt.u32 s7, $0xC4;
	[tilespmem:s6+$0xFFFFFF90] =	vst v9;
	v3 =	vmul.f32 $8.000000000e+00, v3  }
0x3cb: {  	v9 =	vld [tilespmem:s11+$0xA0];
	v4 =	vmul.f32 $8.000000000e+00, v4;
	[tilespmem:s6+$0xB0] =	vst v6  }
0x3cc: {  	v11 =	vld [tilespmem:s11+$0xFFFFFF20];
	v5 =	vmul.f32 $8.000000000e+00, v5;
	[tilespmem:s6+$0x0] =	vst v3  }
0x3cd: {  	v3 =	vld [tilespmem:s11+$0x90];
	v6 =	vmul.f32 $8.000000000e+00, v7;
	[tilespmem:s6+$0x10] =	vst v0  }
0x3ce: {  	v0 =	vld [tilespmem:s11+$0x10];
	v7 =	vmul.f32 $8.000000000e+00, v10;
	[tilespmem:s6+$0xFFFFFF10] =	vst v1  }
0x3cf: {  	v1 =	vld [tilespmem:s11+$0xFFFFFF10];
	[tilespmem:s6+$0xFFFFFF30] =	vst v6  }
0x3d0: {  	v10 =	vld [tilespmem:s11+$0x80];
	v9 =	vmul.f32 $8.000000000e+00, v9;
	[tilespmem:s6+$0x30] =	vst v2  }
0x3d1: {  	v2 =	vld [tilespmem:s11+$0xFFFFFF00];
	[tilespmem:s6+$0xFFFFFFB0] =	vst v4  }
0x3d2: {  	v12 =	vld [tilespmem:s11+$0x30];
	v3 =	vmul.f32 $8.000000000e+00, v3;
	[tilespmem:s6+$0xFFFFFFA0] =	vst v5;
	s6 =	smov.u32 s11  }
0x3d3: {  	v13 =	vld [tilespmem:s11+$0xFFFFFF90];
	[tilespmem:s11+$0x20] =	vst v7  }
.Ltmp7:
0x3d4: {  	v4 =	vmul.f32 $8.000000000e+00, v8;
	[tilespmem:s11+$0x90] =	vst v3;
	v6 =	vld [tilespmem:s11+$0xB0];
	(pc) =	sbr.rel @p0 .LBB2_17-.Ltmp7, $4  }
0x3d5: {  	v3 =	vld [tilespmem:s11+$0x0];
	v7 =	vmul.f32 $8.000000000e+00, v10;
	[tilespmem:s11+$0xA0] =	vst v9  }
0x3d6: {  	v9 =	vmul.f32 $8.000000000e+00, v11;
	[tilespmem:s11+$0xFFFFFF80] =	vst v4;
	v4 =	vld [tilespmem:s11+$0xFFFFFFB0]  }
0x3d7: {  	v1 =	vmul.f32 $8.000000000e+00, v1;
	v8 =	vmul.f32 $8.000000000e+00, v2;
	v5 =	vld [tilespmem:s11+$0xFFFFFFA0];
	[tilespmem:s11+$0x80] =	vst v7  }
0x3d8: {  	v2 =	vmul.f32 $8.000000000e+00, v12;
	s11 =	sadd.s32 $0x200, s11;
	[tilespmem:s6+$0xFFFFFF20] =	vst v9;
	v7 =	vld [tilespmem:s6+$0xFFFFFF30];
	v9 =	vmul.f32 $8.000000000e+00, v13  }
0x3d9: {  	[tilespmem:s6+$0xFFFFFF00] =	vst v8  }
0x3da: {  	[tilespmem:s6+$0xFFFFFF10] =	vst v1  }
0x3db: {  	v6 =	vmul.f32 $8.000000000e+00, v6;
	[tilespmem:s6+$0xFFFFFF90] =	vst v9  }
0x3dc: {  	v0 =	vmul.f32 $8.000000000e+00, v0;
	[tilespmem:s6+$0x30] =	vst v2  }
0x3dd: {  	v3 =	vmul.f32 $8.000000000e+00, v3;
	[tilespmem:s6+$0xB0] =	vst v6  }
0x3de: {  	s0 =	rddreg [dreg:$0x3];
	p0 =	sne.s32 s9, $0xF;
	[tilespmem:s6+$0x10] =	vst v0;
	v62 =	vmul.f32 $8.000000000e+00, v4  }
.Ltmp8:
0x3df: {  	s0 =	sadd.s32 s0, s10;
	[tilespmem:s6+$0x0] =	vst v3;
	v63 =	vmul.f32 $8.000000000e+00, v5;
	(pc) =	sbr.rel @p0 .LBB2_10-.Ltmp8, $4  }
0x3e0: {  	s0 =	smul.u32 $0xC80, s0;
	v61 =	vmul.f32 $8.000000000e+00, v7;
	[tilespmem:s6+$0xFFFFFFB0] =	vst v62  }
0x3e1: {  	s1 =	rddreg [dreg:$0x4];
	[tilespmem:s6+$0xFFFFFFA0] =	vst v63  }
0x3e2: {  	s31 =	simm.s32 $0x8400;
	s0 =	sadd.s32 s1, s0;
	[tilespmem:s6+$0xFFFFFF30] =	vst v61  }
0x3e3: {  	[hbm4b:s0+s2] =	stream.linear.scatter [tilespmem:s31], [sflag:$0x4], $0x6400, $0x38;
	[tilespmem:$0xE800] =	vst v63  }
0x3e4: {  	s0 =	simm.s32 $0x3  }
0x3e5: {  	_ =	swait.ge [sflag:s0], $0x6400  }
0x3e6: {  	[sflag:s0] =	ssyncset.done $0x0  }
0x3e7: {  	s1 =	simm.s32 $0x4;
	[sflag:s0] =	ssyncadd.s32 $0xFFFF9C00  }
0x3e8: {  	_ =	swait.ge [sflag:s1], $0x6400  }
0x3e9: {  	s3 =	rddreg [dreg:$0x9]  }
0x3ea: {  	s31 =	rddreg [dreg:$0x8];
	s3 =	sadd.s32 $0x1, s3  }
0x3eb: {  	p0 =	sne.s32 s3, s31  }
.Ltmp9:
0x3ec: {  	_ = 	snop;
	(pc) =	sbr.rel @p0 .LBB2_1-.Ltmp9, $3  }
0x3ed: {  	_ =	sdelay $0x1  }
0x3ee: {  	[sflag:s1] =	ssyncset.done $0x0  }
0x3ef: {  	[sflag:s1] =	ssyncadd.s32 $0xFFFF9C00  }
0x3f0: {  	_ =	sfence.sel $0x180000  }
0x3f1: {  	[bflag:$0x0] =	sbarrier.arrive $0xFFFF  }
0x3f2: {  	_ =	strace $0x90000047  }
0x3f3: {  	s0 =	stileid.u32;
	[bflag:$0x2] =	sbarrier.arrive $0xFFFF  }
0x3f4: {  	p0 =	sne.s32 s0, $0x0;
	s0 =	rddreg [dreg:$0x2]  }
0x3f5: {  	s0 =	sadd.s32 @!p0 $0x100000, s0  }
0x3f6: {  	[sflag:s0] =	ssyncadd.tile.s32 @!p0 $0x1;
	_ =	shalt  }
.Lfunc_end2:
_tile_overlayer_lowered:
.L_overlay_start_2:
0x3f7: {  	(tag) =	ssettag $0x2  }
0x3f8: {  	s0 =	rddreg [dreg:$0x0];
	s2 =	stileid.u32  }
0x3f9: {  	s1 =	rddreg [dreg:$0x1];
	p0 =	sne.s32 s2, $0x0  }
0x3fa: {  	s3 =	rddreg [dreg:$0x2];
	[bflag:$0x3] =	sbarrier.arrive $0xFFFF;
	s2 =	simm.s32 @!p0 $0x1C05  }
0x3fb: {  	[timem:s3], [sflag:s2] =	dma.local @!p0 [hbm:s0], s1  }
0x3fc: {  	s0 =	simm.s32 @!p0 $0x5  }
0x3fd: {  	_ =	swait.ge @!p0 [sflag:s0], s1  }
0x3fe: {  	s1 =	ssub.s32 @!p0 $0x0, s1;
	[sflag:s0] =	ssyncset.done @!p0 $0x0  }
0x3ff: {  	[sflag:s0] =	ssyncadd.s32 @!p0 s1  }
0x400: {  	[bflag:$0x3] =	sbarrier.arrive $0xFFFF  }
0x401: {  	_ =	shalt  }

</sc_bundles>
